<compile_context>
chip_gen: v7x
topology: tpu7x:2x2x1
jax: 0.10.2.dev20260603
libtpu: 0.0.44.dev20260713+nightly
codegen_flags: <defaults>
</compile_context>

<pallas_src>
import functools

import jax
import jax.numpy as jnp
from jax import lax
from jax.experimental import pallas as pl
from jax.experimental.pallas import tpu as pltpu
from jax.experimental.pallas import tpu_sc as plsc

N_NODES = 10000
N_EDGES = 160000
N_PAD = 10240
BLK = 1024
EPT = N_EDGES // 16
HEADS = 4
L = 16
AW = 128
PW = 128

OWN = 320
NP = 5
PR = OWN // NP
HALF = 16 * OWN
EB = 2000
K = 16
CAP = 2048


def _full16(v):
    return jnp.full((L,), v, jnp.int32)


def _bcast_lane(w, h):
    dn = lax.GatherDimensionNumbers(offset_dims=(), collapsed_slice_dims=(0,),
                                    start_index_map=(0,))
    return lax.gather(w, _full16(h).reshape(L, 1), dn, (1,),
                      mode=lax.GatherScatterMode.PROMISE_IN_BOUNDS)



def _t1_body(x_ref, w_ref, b_ref, o_ref):
    acc = jnp.dot(x_ref[...], w_ref[...], preferred_element_type=jnp.float32)
    o_ref[...] = jnp.maximum(acc + b_ref[...], 0.0)


def _t1(x, W, b):
    K, N = W.shape
    return pl.pallas_call(
        _t1_body,
        grid=(N_PAD // BLK,),
        in_specs=[pl.BlockSpec((BLK, K), lambda i: (i, 0)),
                  pl.BlockSpec((K, N), lambda i: (0, 0)),
                  pl.BlockSpec((1, N), lambda i: (0, 0))],
        out_specs=pl.BlockSpec((BLK, N), lambda i: (i, 0)),
        out_shape=jax.ShapeDtypeStruct((N_PAD, N), jnp.float32),
    )(x, W, b.reshape(1, N))


def _t2_body(h_ref, w_ref, ps_ref, pd_ref, hw_ref, as_ref, ad_ref):
    hw = jnp.dot(h_ref[...], w_ref[...], preferred_element_type=jnp.float32)
    hw_ref[...] = hw
    as_ref[...] = jnp.dot(hw, ps_ref[...], preferred_element_type=jnp.float32)
    ad_ref[...] = jnp.dot(hw, pd_ref[...], preferred_element_type=jnp.float32)


def _t2(h, W, Ps, Pd):
    K, HC = W.shape
    return pl.pallas_call(
        _t2_body,
        grid=(N_PAD // BLK,),
        in_specs=[pl.BlockSpec((BLK, K), lambda i: (i, 0)),
                  pl.BlockSpec((K, HC), lambda i: (0, 0)),
                  pl.BlockSpec((HC, AW), lambda i: (0, 0)),
                  pl.BlockSpec((HC, AW), lambda i: (0, 0))],
        out_specs=[pl.BlockSpec((BLK, HC), lambda i: (i, 0)),
                   pl.BlockSpec((BLK, AW), lambda i: (i, 0)),
                   pl.BlockSpec((BLK, AW), lambda i: (i, 0))],
        out_shape=[jax.ShapeDtypeStruct((N_PAD, HC), jnp.float32),
                   jax.ShapeDtypeStruct((N_PAD, AW), jnp.float32),
                   jax.ShapeDtypeStruct((N_PAD, AW), jnp.float32)],
    )(h, W, Ps, Pd)


def _t3_body(acc_ref, e4_ref, b_ref, w_ref, ps_ref, pd_ref,
             hw_ref, as_ref, ad_ref, *, HC):
    den = acc_ref[:, HC:HC + HEADS]
    recip = 1.0 / (den + 1e-16)
    scale = jnp.dot(recip, e4_ref[...], preferred_element_type=jnp.float32)
    h = acc_ref[:, :HC] * scale + b_ref[...]
    hw = jnp.dot(h, w_ref[...], preferred_element_type=jnp.float32)
    hw_ref[...] = hw
    as_ref[...] = jnp.dot(hw, ps_ref[...], preferred_element_type=jnp.float32)
    ad_ref[...] = jnp.dot(hw, pd_ref[...], preferred_element_type=jnp.float32)


def _t3(acc, E4, bias, W, Ps, Pd):
    HC, HC2 = W.shape
    return pl.pallas_call(
        functools.partial(_t3_body, HC=HC),
        grid=(N_PAD // BLK,),
        in_specs=[pl.BlockSpec((BLK, HC + PW), lambda i: (i, 0)),
                  pl.BlockSpec((HEADS, HC), lambda i: (0, 0)),
                  pl.BlockSpec((1, HC), lambda i: (0, 0)),
                  pl.BlockSpec((HC, HC2), lambda i: (0, 0)),
                  pl.BlockSpec((HC2, AW), lambda i: (0, 0)),
                  pl.BlockSpec((HC2, AW), lambda i: (0, 0))],
        out_specs=[pl.BlockSpec((BLK, HC2), lambda i: (i, 0)),
                   pl.BlockSpec((BLK, AW), lambda i: (i, 0)),
                   pl.BlockSpec((BLK, AW), lambda i: (i, 0))],
        out_shape=[jax.ShapeDtypeStruct((N_PAD, HC2), jnp.float32),
                   jax.ShapeDtypeStruct((N_PAD, AW), jnp.float32),
                   jax.ShapeDtypeStruct((N_PAD, AW), jnp.float32)],
    )(acc, E4, bias.reshape(1, HC), W, Ps, Pd)


def _t4_body(acc_ref, e4_ref, b_ref, w_ref, b2_ref, o_ref, *, HC):
    den = acc_ref[:, HC:HC + HEADS]
    recip = 1.0 / (den + 1e-16)
    scale = jnp.dot(recip, e4_ref[...], preferred_element_type=jnp.float32)
    h = acc_ref[:, :HC] * scale + b_ref[...]
    o_ref[...] = jnp.dot(h, w_ref[...],
                         preferred_element_type=jnp.float32) + b2_ref[...]


def _t4(acc, E4, bias, Wp, b2p):
    HC, NO = Wp.shape
    return pl.pallas_call(
        functools.partial(_t4_body, HC=HC),
        grid=(N_PAD // BLK,),
        in_specs=[pl.BlockSpec((BLK, HC + PW), lambda i: (i, 0)),
                  pl.BlockSpec((HEADS, HC), lambda i: (0, 0)),
                  pl.BlockSpec((1, HC), lambda i: (0, 0)),
                  pl.BlockSpec((HC, NO), lambda i: (0, 0)),
                  pl.BlockSpec((1, NO), lambda i: (0, 0))],
        out_specs=pl.BlockSpec((BLK, NO), lambda i: (i, 0)),
        out_shape=jax.ShapeDtypeStruct((N_PAD, NO), jnp.float32),
    )(acc, E4, bias.reshape(1, HC), Wp, b2p.reshape(1, NO))



def _edge_phase(hw, asrc, adst, src, dst, *, HC):
    W = HC + PW
    CW = HC // HEADS // L

    mesh = plsc.VectorSubcoreMesh(core_axis_name="c", subcore_axis_name="s")

    @functools.partial(
        pl.kernel, mesh=mesh,
        compiler_params=pltpu.CompilerParams(needs_layout_passes=False),
        out_type=jax.ShapeDtypeStruct((N_PAD, W), jnp.float32),
        scratch_types=[
            pltpu.VMEM((PR + 8, W), jnp.float32),
            pltpu.VMEM((EB,), jnp.int32),
            pltpu.VMEM((EB,), jnp.int32),
            pltpu.VMEM((CAP,), jnp.int32),
            pltpu.VMEM((CAP,), jnp.int32),
            pltpu.VMEM((1, K), jnp.int32),
            pltpu.VMEM((1, K), jnp.int32),
            pltpu.VMEM((K, HC), jnp.float32),
            pltpu.VMEM((K, AW), jnp.float32),
            pltpu.VMEM((K, AW), jnp.float32),
            pltpu.SemaphoreType.DMA,
            pltpu.SemaphoreType.DMA,
            pltpu.SemaphoreType.DMA,
        ],
    )
    def ekernel(hw_hbm, asrc_hbm, adst_hbm, src_hbm, dst_hbm, out_hbm,
                acc, src_bl, dst_bl, src_c, dst_c,
                srcK, dstKg, hwrows, asr, adr,
                sem0, sem1, sem2):
        core = lax.axis_index("c")
        tid = lax.axis_index("s")
        own = core * HALF + tid * OWN

        def scale_rows(nrows, rows_ref, a1_ref, a2_ref, out_ref, ro):
            def row(i, _):
                s = a1_ref[i, pl.ds(0, L)] + a2_ref[i, pl.ds(0, L)]
                w = jnp.exp(jnp.maximum(s, 0.2 * s))
                out_ref[ro + i, HC:HC + L] = w
                for h in range(HEADS):
                    wv = _bcast_lane(w, h)
                    for c in range(CW):
                        off = (h * CW + c) * L
                        out_ref[ro + i, pl.ds(off, L)] = (
                            rows_ref[i, pl.ds(off, L)] * wv)
                return 0
            lax.fori_loop(0, nrows, row, 0)

        def passloop(p, _):
            wbase = own + p * PR

            def initb(k, _2):
                r0 = k * 8
                g0 = wbase + r0

                @pl.when(g0 < N_NODES)
                def _selfinit():
                    pltpu.sync_copy(hw_hbm.at[pl.ds(g0, 8)],
                                    hwrows.at[pl.ds(0, 8)])
                    pltpu.sync_copy(asrc_hbm.at[pl.ds(g0, 8)],
                                    asr.at[pl.ds(0, 8)])
                    pltpu.sync_copy(adst_hbm.at[pl.ds(g0, 8)],
                                    adr.at[pl.ds(0, 8)])
                    scale_rows(8, hwrows, asr, adr, acc, r0)
                return 0
            lax.fori_loop(0, PR // 8, initb, 0)

            def prefill(i, _2):
                src_c[pl.ds(i * L, L)] = jnp.zeros((L,), jnp.int32)
                dst_c[pl.ds(i * L, L)] = _full16(0) + (wbase + PR)
                return 0
            lax.fori_loop(0, CAP // L, prefill, 0)

            def cblock(j, np_):
                pltpu.sync_copy(src_hbm.at[pl.ds(j * EB, EB)], src_bl)
                pltpu.sync_copy(dst_hbm.at[pl.ds(j * EB, EB)], dst_bl)

                def cbody(i, np_):
                    s16 = src_bl[pl.ds(i * L, L)]
                    d16 = dst_bl[pl.ds(i * L, L)]
                    m = (d16 >= wbase) & (d16 < wbase + PR)

                    @pl.when(np_ <= CAP - L)
                    def _store():
                        plsc.store_compressed(src_c.at[pl.ds(np_, L)], s16,
                                              mask=m)
                        plsc.store_compressed(dst_c.at[pl.ds(np_, L)], d16,
                                              mask=m)
                    return np_ + jnp.sum(jnp.where(m, 1, 0).astype(jnp.int32))
                return lax.fori_loop(0, EB // L, cbody, np_)
            ne = lax.fori_loop(0, N_EDGES // EB, cblock, 0)
            ne = jnp.minimum(ne, CAP)

            iota = lax.iota(jnp.int32, L)

            def bbody(b, _2):
                off = b * K
                srcK[0, pl.ds(0, L)] = src_c[pl.ds(off, L)]
                dg = dst_c[pl.ds(off, L)]
                dl16 = dg - wbase
                dstKg[0, pl.ds(0, L)] = jnp.minimum(dg, N_PAD - 1)
                c1 = pltpu.async_copy(hw_hbm.at[srcK.at[0]], hwrows, sem0)
                c2 = pltpu.async_copy(asrc_hbm.at[srcK.at[0]], asr, sem1)
                c3 = pltpu.async_copy(adst_hbm.at[dstKg.at[0]], adr, sem2)
                c1.wait()
                c2.wait()
                c3.wait()

                def row(i, _3):
                    s = asr[i, pl.ds(0, L)] + adr[i, pl.ds(0, L)]
                    w = jnp.exp(jnp.maximum(s, 0.2 * s))
                    dlv = _bcast_lane(dl16, i)
                    plsc.addupdate_scatter(acc, [dlv, iota + HC], w)
                    for h in range(HEADS):
                        wv = _bcast_lane(w, h)
                        for c in range(CW):
                            o2 = (h * CW + c) * L
                            plsc.addupdate_scatter(
                                acc, [dlv, iota + o2],
                                hwrows[i, pl.ds(o2, L)] * wv)
                    return 0
                lax.fori_loop(0, K, row, 0)
                return 0
            lax.fori_loop(0, (ne + K - 1) // K, bbody, 0)

            pltpu.sync_copy(acc.at[pl.ds(0, PR)],
                            out_hbm.at[pl.ds(wbase, PR)])
            return 0
        lax.fori_loop(0, NP, passloop, 0)

    return ekernel(hw, asrc, adst, src, dst)



def _proj_mats(att_src, att_dst, HC):
    C = HC // HEADS
    head_of_col = jnp.arange(HC, dtype=jnp.int32) // C
    lanes = jnp.arange(AW, dtype=jnp.int32)
    onehot = head_of_col[:, None] == lanes[None, :]
    Ps = jnp.where(onehot, att_src.reshape(HC, 1), 0.0)
    Pd = jnp.where(onehot, att_dst.reshape(HC, 1), 0.0)
    E4 = (head_of_col[None, :] == jnp.arange(HEADS)[:, None]).astype(jnp.float32)
    return Ps, Pd, E4


def kernel(x, edge_index, fc1_W, fc1_b, g1_W, g1_as, g1_ad, g1_b,
           g2_W, g2_as, g2_ad, g2_b, fc2_W, fc2_b):
    xp = jnp.pad(x, ((0, N_PAD - N_NODES), (0, 0)))
    src = edge_index[0]
    dst = edge_index[1]

    Ps1, Pd1, E41 = _proj_mats(g1_as, g1_ad, 1024)
    Ps2, Pd2, E42 = _proj_mats(g2_as, g2_ad, 512)

    h0 = _t1(xp, fc1_W, fc1_b)
    hw1, as1, ad1 = _t2(h0, g1_W, Ps1, Pd1)
    acc1 = _edge_phase(hw1, as1, ad1, src, dst, HC=1024)
    hw2, as2, ad2 = _t3(acc1, E41, g1_b, g2_W, Ps2, Pd2)
    acc2 = _edge_phase(hw2, as2, ad2, src, dst, HC=512)
    Wp = jnp.pad(fc2_W, ((0, 0), (0, 128 - fc2_W.shape[1])))
    bp = jnp.pad(fc2_b, (0, 128 - fc2_b.shape[0]))
    out = _t4(acc2, E42, g2_b, Wp, bp)
    return out[:N_NODES, :fc2_W.shape[1]]

# --- scband reference (transcript-rebuilt; emitter-appended) ---
"""Pipeline reference for scband-hybrid-cnngat-1047972021022 (READ-ONLY COPY).

The authoritative reference and input builder live on the scoring server;
editing this copy changes nothing except your own understanding.
"""

import jax, jax.numpy as jnp
import numpy as np

N_NODES = 10000
N_EDGES = 160000


def _init_linear(key, fan_in, fan_out):
    k1, k2 = jax.random.split(key)
    bound = 1.0 / np.sqrt(fan_in)
    W = jax.random.uniform(k1, (fan_in, fan_out), jnp.float32, -bound, bound)
    b = jax.random.uniform(k2, (fan_out,), jnp.float32, -bound, bound)
    return W, b


def setup_inputs(seed: int = 0):
    key = jax.random.key(seed)
    ks = [jax.random.fold_in(key, i) for i in range(20)]
    x = jax.random.normal(ks[0], (N_NODES, 1792), jnp.float32)
    edge_index = jax.random.randint(ks[1], (2, N_EDGES), 0, N_NODES, jnp.int32)
    fc1_W, fc1_b = _init_linear(ks[2], 1792, 512)
    # GAT1: in=512, out=256, heads=4, concat -> out dim 1024
    g1_W = jax.random.normal(ks[3], (512, 4 * 256), jnp.float32) * (1.0 / np.sqrt(512))
    g1_as = jax.random.normal(ks[4], (4, 256), jnp.float32) * (1.0 / np.sqrt(256))
    g1_ad = jax.random.normal(ks[5], (4, 256), jnp.float32) * (1.0 / np.sqrt(256))
    g1_b = jnp.zeros((4 * 256,), jnp.float32)
    # GAT2: in=1024, out=128, heads=4, concat -> out dim 512
    g2_W = jax.random.normal(ks[6], (1024, 4 * 128), jnp.float32) * (1.0 / np.sqrt(1024))
    g2_as = jax.random.normal(ks[7], (4, 128), jnp.float32) * (1.0 / np.sqrt(128))
    g2_ad = jax.random.normal(ks[8], (4, 128), jnp.float32) * (1.0 / np.sqrt(128))
    g2_b = jnp.zeros((4 * 128,), jnp.float32)
    fc2_W, fc2_b = _init_linear(ks[9], 512, 3)
    return {"x": x, "edge_index": edge_index, "fc1_W": fc1_W, "fc1_b": fc1_b,
            "g1_W": g1_W, "g1_as": g1_as, "g1_ad": g1_ad, "g1_b": g1_b,
            "g2_W": g2_W, "g2_as": g2_as, "g2_ad": g2_ad, "g2_b": g2_b,
            "fc2_W": fc2_W, "fc2_b": fc2_b}


def _gat_conv(x, edge_index, W, att_src, att_dst, bias):
    # PyG GATConv (concat=True, negative_slope=0.2, add_self_loops=True, eval-mode dropout)
    N = x.shape[0]
    H, C = att_src.shape
    loop = jnp.arange(N, dtype=edge_index.dtype)
    src = jnp.concatenate([edge_index[0], loop])
    dst = jnp.concatenate([edge_index[1], loop])
    h = (x @ W).reshape(N, H, C)
    a_src = (h * att_src[None, :, :]).sum(-1)  # [N, H]
    a_dst = (h * att_dst[None, :, :]).sum(-1)  # [N, H]
    e = jax.nn.leaky_relu(a_src[src] + a_dst[dst], 0.2)  # [E', H]
    e_max = jax.ops.segment_max(e, dst, num_segments=N)
    e_exp = jnp.exp(e - e_max[dst])
    denom = jax.ops.segment_sum(e_exp, dst, num_segments=N)
    alpha = e_exp / (denom[dst] + 1e-16)
    msg = h[src] * alpha[..., None]  # [E', H, C]
    out = jax.ops.segment_sum(msg, dst, num_segments=N)
    return out.reshape(N, H * C) + bias


def reference(x, edge_index, fc1_W, fc1_b, g1_W, g1_as, g1_ad, g1_b,
              g2_W, g2_as, g2_ad, g2_b, fc2_W, fc2_b):
    # cnn.classifier = Identity -> x is the 1792-d EfficientNet-B4 feature per node
    h = jax.nn.relu(x @ fc1_W + fc1_b)
    h = _gat_conv(h, edge_index, g1_W, g1_as, g1_ad, g1_b)
    h = _gat_conv(h, edge_index, g2_W, g2_as, g2_ad, g2_b)
    return h @ fc2_W + fc2_b

if __name__ == "__main__":
    import jax
    _d = setup_inputs()
    print(jax.jit(kernel)(*tuple(_d.values())))

</pallas_src>

<mosaic_0001>
#map = affine_map<(d0, d1) -> (0, 0)>
#map1 = affine_map<(d0, d1) -> (0)>
module attributes {stable_mosaic.version = 14 : i64} {
  func.func @ekernel(%arg0: i32, %arg1: i32, %arg2: memref<10240x1024xf32, #tpu.memory_space<hbm>>, %arg3: memref<10240x128xf32, #tpu.memory_space<hbm>>, %arg4: memref<10240x128xf32, #tpu.memory_space<hbm>>, %arg5: memref<160000xi32, #tpu.memory_space<hbm>>, %arg6: memref<160000xi32, #tpu.memory_space<hbm>>, %arg7: memref<10240x1152xf32, #tpu.memory_space<hbm>>, %arg8: memref<72x1152xf32, #tpu.memory_space<vmem>>, %arg9: memref<2000xi32, #tpu.memory_space<vmem>>, %arg10: memref<2000xi32, #tpu.memory_space<vmem>>, %arg11: memref<2048xi32, #tpu.memory_space<vmem>>, %arg12: memref<2048xi32, #tpu.memory_space<vmem>>, %arg13: memref<1x16xi32, #tpu.memory_space<vmem>>, %arg14: memref<1x16xi32, #tpu.memory_space<vmem>>, %arg15: memref<16x1024xf32, #tpu.memory_space<vmem>>, %arg16: memref<16x128xf32, #tpu.memory_space<vmem>>, %arg17: memref<16x128xf32, #tpu.memory_space<vmem>>, %arg18: memref<!tpu.dma_semaphore, #tpu.memory_space<semaphore_mem>>, %arg19: memref<!tpu.dma_semaphore, #tpu.memory_space<semaphore_mem>>, %arg20: memref<!tpu.dma_semaphore, #tpu.memory_space<semaphore_mem>>) attributes {dimension_semantics = [#tpu.dimension_semantics<core_parallel>, #tpu.dimension_semantics<subcore_parallel>], iteration_bounds = array<i64: 2, 16>, scalar_prefetch = 0 : i64, scratch_operands = 13 : i64, tpu.core_type = #tpu.core_type<sc_vector_subcore>, window_params = [{transform_indices = #map}, {transform_indices = #map}, {transform_indices = #map}, {transform_indices = #map1}, {transform_indices = #map1}, {transform_indices = #map}]} {
    %mul3A = arith.constant 5120 : i32
    %mul3A_0 = arith.muli %arg0, %mul3A : i32
    %mul3A_1 = arith.constant 320 : i32
    %mul3A_2 = arith.muli %arg1, %mul3A_1 : i32
    %add3A = arith.addi %mul3A_0, %mul3A_2 : i32
    %scan3A = arith.constant 0 : i32
    %scan3A_3 = arith.constant 0 : i32
    %scan3A_4 = arith.constant 5 : i32
    %scan3A_5 = arith.addi %scan3A_3, %scan3A_4 : i32
    %scan3A_6 = arith.constant 1 : i32
    %scan3A_7 = scf.for %scan3A_9 = %scan3A_3 to %scan3A_5 step %scan3A_6 iter_args(%scan3A_10 = %scan3A) -> (i32)  : i32 {
      %mul3A_11 = arith.constant 64 : i32
      %mul3A_12 = arith.muli %scan3A_9, %mul3A_11 : i32
      %add3A_13 = arith.addi %add3A, %mul3A_12 : i32
      %scan3A_14 = arith.constant 0 : i32
      %scan3A_15 = arith.constant 0 : i32
      %scan3A_16 = arith.constant 8 : i32
      %scan3A_17 = arith.addi %scan3A_15, %scan3A_16 : i32
      %scan3A_18 = arith.constant 1 : i32
      %scan3A_19 = scf.for %scan3A_68 = %scan3A_15 to %scan3A_17 step %scan3A_18 iter_args(%scan3A_69 = %scan3A_14) -> (i32)  : i32 {
        %mul3A_70 = arith.constant 8 : i32
        %mul3A_71 = arith.muli %scan3A_68, %mul3A_70 : i32
        %add3A_72 = arith.addi %add3A_13, %mul3A_71 : i32
        %lt3A = arith.constant 10000 : i32
        %lt3A_73 = arith.cmpi slt, %add3A_72, %lt3A : i32
        %convert_element_type3A = arith.extui %lt3A_73 : i1 to i32
        %cond3A = arith.constant 0 : i32
        %cond3A_74 = arith.cmpi ne, %convert_element_type3A, %cond3A : i32
        scf.if %cond3A_74 {
          "tpu.region"() ({
            %run_scoped3A = tpu.sem_alloc : memref<!tpu.dma_semaphore, #tpu.memory_space<semaphore_mem>>
            %dma_start3A = arith.constant 0 : i32
            %dma_start3A_83 = arith.constant 0 : i32
            %dma_start3A_84 = tpu.memref_slice %arg15[%dma_start3A, %dma_start3A_83] : memref<16x1024xf32, #tpu.memory_space<vmem>> -> memref<8x1024xf32, #tpu.memory_space<vmem>>
            %dma_start3A_85 = arith.constant 0 : i32
            %dma_start3A_86 = tpu.memref_slice %arg2[%add3A_72, %dma_start3A_85] : memref<10240x1024xf32, #tpu.memory_space<hbm>> -> memref<8x1024xf32, #tpu.memory_space<hbm>>
            %dma_start3A_87 = arith.constant 0 : i32
            %dma_start3A_88 = arith.constant 0 : i32
            %dma_start3A_89 = tpu.memref_slice %arg15[%dma_start3A_87, %dma_start3A_88] : memref<16x1024xf32, #tpu.memory_space<vmem>> -> memref<8x1024xf32, #tpu.memory_space<vmem>>
            %dma_start3A_90 = arith.constant 0 : i32
            %dma_start3A_91 = tpu.memref_slice %arg2[%add3A_72, %dma_start3A_90] : memref<10240x1024xf32, #tpu.memory_space<hbm>> -> memref<8x1024xf32, #tpu.memory_space<hbm>>
            tpu.enqueue_dma source(%dma_start3A_91 : memref<8x1024xf32, #tpu.memory_space<hbm>>) target(%dma_start3A_89 : memref<8x1024xf32, #tpu.memory_space<vmem>>) target_semaphore(%run_scoped3A : memref<!tpu.dma_semaphore, #tpu.memory_space<semaphore_mem>>)
            %dma_wait3A = arith.constant 0 : i32
            %dma_wait3A_92 = arith.constant 0 : i32
            %dma_wait3A_93 = tpu.memref_slice %arg15[%dma_wait3A, %dma_wait3A_92] : memref<16x1024xf32, #tpu.memory_space<vmem>> -> memref<8x1024xf32, #tpu.memory_space<vmem>>
            %dma_wait3A_94 = arith.constant 0 : i32
            %dma_wait3A_95 = tpu.memref_slice %arg2[%add3A_72, %dma_wait3A_94] : memref<10240x1024xf32, #tpu.memory_space<hbm>> -> memref<8x1024xf32, #tpu.memory_space<hbm>>
            %dma_wait3A_96 = arith.constant 0 : i32
            %dma_wait3A_97 = arith.constant 0 : i32
            %dma_wait3A_98 = tpu.memref_slice %arg15[%dma_wait3A_96, %dma_wait3A_97] : memref<16x1024xf32, #tpu.memory_space<vmem>> -> memref<8x1024xf32, #tpu.memory_space<vmem>>
            %dma_wait3A_99 = arith.constant 0 : i32
            %dma_wait3A_100 = tpu.memref_slice %arg2[%add3A_72, %dma_wait3A_99] : memref<10240x1024xf32, #tpu.memory_space<hbm>> -> memref<8x1024xf32, #tpu.memory_space<hbm>>
            tpu.wait_dma2 semaphore(%run_scoped3A : memref<!tpu.dma_semaphore, #tpu.memory_space<semaphore_mem>>) src(%dma_wait3A_100 : memref<8x1024xf32, #tpu.memory_space<hbm>>) dst(%dma_wait3A_98 : memref<8x1024xf32, #tpu.memory_space<vmem>>)
            tpu.yield
          }) : () -> ()
          "tpu.region"() ({
            %run_scoped3A = tpu.sem_alloc : memref<!tpu.dma_semaphore, #tpu.memory_space<semaphore_mem>>
            %dma_start3A = arith.constant 0 : i32
            %dma_start3A_83 = arith.constant 0 : i32
            %dma_start3A_84 = tpu.memref_slice %arg16[%dma_start3A, %dma_start3A_83] : memref<16x128xf32, #tpu.memory_space<vmem>> -> memref<8x128xf32, #tpu.memory_space<vmem>>
            %dma_start3A_85 = arith.constant 0 : i32
            %dma_start3A_86 = tpu.memref_slice %arg3[%add3A_72, %dma_start3A_85] : memref<10240x128xf32, #tpu.memory_space<hbm>> -> memref<8x128xf32, #tpu.memory_space<hbm>>
            %dma_start3A_87 = arith.constant 0 : i32
            %dma_start3A_88 = arith.constant 0 : i32
            %dma_start3A_89 = tpu.memref_slice %arg16[%dma_start3A_87, %dma_start3A_88] : memref<16x128xf32, #tpu.memory_space<vmem>> -> memref<8x128xf32, #tpu.memory_space<vmem>>
            %dma_start3A_90 = arith.constant 0 : i32
            %dma_start3A_91 = tpu.memref_slice %arg3[%add3A_72, %dma_start3A_90] : memref<10240x128xf32, #tpu.memory_space<hbm>> -> memref<8x128xf32, #tpu.memory_space<hbm>>
            tpu.enqueue_dma source(%dma_start3A_91 : memref<8x128xf32, #tpu.memory_space<hbm>>) target(%dma_start3A_89 : memref<8x128xf32, #tpu.memory_space<vmem>>) target_semaphore(%run_scoped3A : memref<!tpu.dma_semaphore, #tpu.memory_space<semaphore_mem>>)
            %dma_wait3A = arith.constant 0 : i32
            %dma_wait3A_92 = arith.constant 0 : i32
            %dma_wait3A_93 = tpu.memref_slice %arg16[%dma_wait3A, %dma_wait3A_92] : memref<16x128xf32, #tpu.memory_space<vmem>> -> memref<8x128xf32, #tpu.memory_space<vmem>>
            %dma_wait3A_94 = arith.constant 0 : i32
            %dma_wait3A_95 = tpu.memref_slice %arg3[%add3A_72, %dma_wait3A_94] : memref<10240x128xf32, #tpu.memory_space<hbm>> -> memref<8x128xf32, #tpu.memory_space<hbm>>
            %dma_wait3A_96 = arith.constant 0 : i32
            %dma_wait3A_97 = arith.constant 0 : i32
            %dma_wait3A_98 = tpu.memref_slice %arg16[%dma_wait3A_96, %dma_wait3A_97] : memref<16x128xf32, #tpu.memory_space<vmem>> -> memref<8x128xf32, #tpu.memory_space<vmem>>
            %dma_wait3A_99 = arith.constant 0 : i32
            %dma_wait3A_100 = tpu.memref_slice %arg3[%add3A_72, %dma_wait3A_99] : memref<10240x128xf32, #tpu.memory_space<hbm>> -> memref<8x128xf32, #tpu.memory_space<hbm>>
            tpu.wait_dma2 semaphore(%run_scoped3A : memref<!tpu.dma_semaphore, #tpu.memory_space<semaphore_mem>>) src(%dma_wait3A_100 : memref<8x128xf32, #tpu.memory_space<hbm>>) dst(%dma_wait3A_98 : memref<8x128xf32, #tpu.memory_space<vmem>>)
            tpu.yield
          }) : () -> ()
          "tpu.region"() ({
            %run_scoped3A = tpu.sem_alloc : memref<!tpu.dma_semaphore, #tpu.memory_space<semaphore_mem>>
            %dma_start3A = arith.constant 0 : i32
            %dma_start3A_83 = arith.constant 0 : i32
            %dma_start3A_84 = tpu.memref_slice %arg17[%dma_start3A, %dma_start3A_83] : memref<16x128xf32, #tpu.memory_space<vmem>> -> memref<8x128xf32, #tpu.memory_space<vmem>>
            %dma_start3A_85 = arith.constant 0 : i32
            %dma_start3A_86 = tpu.memref_slice %arg4[%add3A_72, %dma_start3A_85] : memref<10240x128xf32, #tpu.memory_space<hbm>> -> memref<8x128xf32, #tpu.memory_space<hbm>>
            %dma_start3A_87 = arith.constant 0 : i32
            %dma_start3A_88 = arith.constant 0 : i32
            %dma_start3A_89 = tpu.memref_slice %arg17[%dma_start3A_87, %dma_start3A_88] : memref<16x128xf32, #tpu.memory_space<vmem>> -> memref<8x128xf32, #tpu.memory_space<vmem>>
            %dma_start3A_90 = arith.constant 0 : i32
            %dma_start3A_91 = tpu.memref_slice %arg4[%add3A_72, %dma_start3A_90] : memref<10240x128xf32, #tpu.memory_space<hbm>> -> memref<8x128xf32, #tpu.memory_space<hbm>>
            tpu.enqueue_dma source(%dma_start3A_91 : memref<8x128xf32, #tpu.memory_space<hbm>>) target(%dma_start3A_89 : memref<8x128xf32, #tpu.memory_space<vmem>>) target_semaphore(%run_scoped3A : memref<!tpu.dma_semaphore, #tpu.memory_space<semaphore_mem>>)
            %dma_wait3A = arith.constant 0 : i32
            %dma_wait3A_92 = arith.constant 0 : i32
            %dma_wait3A_93 = tpu.memref_slice %arg17[%dma_wait3A, %dma_wait3A_92] : memref<16x128xf32, #tpu.memory_space<vmem>> -> memref<8x128xf32, #tpu.memory_space<vmem>>
            %dma_wait3A_94 = arith.constant 0 : i32
            %dma_wait3A_95 = tpu.memref_slice %arg4[%add3A_72, %dma_wait3A_94] : memref<10240x128xf32, #tpu.memory_space<hbm>> -> memref<8x128xf32, #tpu.memory_space<hbm>>
            %dma_wait3A_96 = arith.constant 0 : i32
            %dma_wait3A_97 = arith.constant 0 : i32
            %dma_wait3A_98 = tpu.memref_slice %arg17[%dma_wait3A_96, %dma_wait3A_97] : memref<16x128xf32, #tpu.memory_space<vmem>> -> memref<8x128xf32, #tpu.memory_space<vmem>>
            %dma_wait3A_99 = arith.constant 0 : i32
            %dma_wait3A_100 = tpu.memref_slice %arg4[%add3A_72, %dma_wait3A_99] : memref<10240x128xf32, #tpu.memory_space<hbm>> -> memref<8x128xf32, #tpu.memory_space<hbm>>
            tpu.wait_dma2 semaphore(%run_scoped3A : memref<!tpu.dma_semaphore, #tpu.memory_space<semaphore_mem>>) src(%dma_wait3A_100 : memref<8x128xf32, #tpu.memory_space<hbm>>) dst(%dma_wait3A_98 : memref<8x128xf32, #tpu.memory_space<vmem>>)
            tpu.yield
          }) : () -> ()
          %scan3A_76 = arith.constant 0 : i32
          %scan3A_77 = arith.constant 0 : i32
          %scan3A_78 = arith.constant 8 : i32
          %scan3A_79 = arith.addi %scan3A_77, %scan3A_78 : i32
          %scan3A_80 = arith.constant 1 : i32
          %scan3A_81 = scf.for %scan3A_83 = %scan3A_77 to %scan3A_79 step %scan3A_80 iter_args(%scan3A_84 = %scan3A_76) -> (i32)  : i32 {
            %get3A = arith.index_cast %scan3A_83 : i32 to index
            %get3A_85 = arith.constant 0 : index
            %get3A_86 = tpu.vector_load %arg16[%get3A, %get3A_85] {strides = array<i32>} : memref<16x128xf32, #tpu.memory_space<vmem>>, vector<16xf32>,
            %get3A_87 = arith.index_cast %scan3A_83 : i32 to index
            %get3A_88 = arith.constant 0 : index
            %get3A_89 = tpu.vector_load %arg17[%get3A_87, %get3A_88] {strides = array<i32>} : memref<16x128xf32, #tpu.memory_space<vmem>>, vector<16xf32>,
            %add3A_90 = arith.addf %get3A_86, %get3A_89 : vector<16xf32>
            %mul3A_91 = arith.constant 2.000000e-01 : f32
            %mul3A_92 = vector.broadcast %mul3A_91 : f32 to vector<16xf32>
            %mul3A_93 = arith.mulf %mul3A_92, %add3A_90 : vector<16xf32>
            %max3A = arith.maximumf %add3A_90, %mul3A_93 : vector<16xf32>
            %exp3A = math.exp %max3A : vector<16xf32>
            %add3A_94 = arith.addi %mul3A_71, %scan3A_83 : i32
            %swap3A = arith.index_cast %add3A_94 : i32 to index
            %swap3A_95 = arith.constant 1024 : index
            %swap3A_96 = tpu.vector_load %arg8[%swap3A, %swap3A_95] {strides = array<i32>} : memref<72x1152xf32, #tpu.memory_space<vmem>>, vector<16xf32>,
            tpu.vector_store %arg8[%swap3A, %swap3A_95], %exp3A {strides = array<i32>} : memref<72x1152xf32, #tpu.memory_space<vmem>>, vector<16xf32>,
            %broadcast_in_dim3A = arith.constant 0 : i32
            %broadcast_in_dim3A_97 = vector.broadcast %broadcast_in_dim3A : i32 to vector<16xi32>
            %reshape3A = vector.shape_cast %broadcast_in_dim3A_97 : vector<16xi32> to vector<16x1xi32>
            %gather3A = vector.shape_cast %reshape3A : vector<16x1xi32> to vector<16xi32>
            %gather3A_98 = tpu.dynamic_gather %exp3A[%gather3A] in [0] : vector<16xf32>, vector<16xi32> -> vector<16xf32>
            %get3A_99 = arith.index_cast %scan3A_83 : i32 to index
            %get3A_100 = arith.constant 0 : index
            %get3A_101 = tpu.vector_load %arg15[%get3A_99, %get3A_100] {strides = array<i32>} : memref<16x1024xf32, #tpu.memory_space<vmem>>, vector<16xf32>,
            %mul3A_102 = arith.mulf %get3A_101, %gather3A_98 : vector<16xf32>
            %add3A_103 = arith.addi %mul3A_71, %scan3A_83 : i32
            %swap3A_104 = arith.index_cast %add3A_103 : i32 to index
            %swap3A_105 = arith.constant 0 : index
            %swap3A_106 = tpu.vector_load %arg8[%swap3A_104, %swap3A_105] {strides = array<i32>} : memref<72x1152xf32, #tpu.memory_space<vmem>>, vector<16xf32>,
            tpu.vector_store %arg8[%swap3A_104, %swap3A_105], %mul3A_102 {strides = array<i32>} : memref<72x1152xf32, #tpu.memory_space<vmem>>, vector<16xf32>,
            %get3A_107 = arith.index_cast %scan3A_83 : i32 to index
            %get3A_108 = arith.constant 16 : index
            %get3A_109 = tpu.vector_load %arg15[%get3A_107, %get3A_108] {strides = array<i32>} : memref<16x1024xf32, #tpu.memory_space<vmem>>, vector<16xf32>,
            %mul3A_110 = arith.mulf %get3A_109, %gather3A_98 : vector<16xf32>
            %add3A_111 = arith.addi %mul3A_71, %scan3A_83 : i32
            %swap3A_112 = arith.index_cast %add3A_111 : i32 to index
            %swap3A_113 = arith.constant 16 : index
            %swap3A_114 = tpu.vector_load %arg8[%swap3A_112, %swap3A_113] {strides = array<i32>} : memref<72x1152xf32, #tpu.memory_space<vmem>>, vector<16xf32>,
            tpu.vector_store %arg8[%swap3A_112, %swap3A_113], %mul3A_110 {strides = array<i32>} : memref<72x1152xf32, #tpu.memory_space<vmem>>, vector<16xf32>,
            %get3A_115 = arith.index_cast %scan3A_83 : i32 to index
            %get3A_116 = arith.constant 32 : index
            %get3A_117 = tpu.vector_load %arg15[%get3A_115, %get3A_116] {strides = array<i32>} : memref<16x1024xf32, #tpu.memory_space<vmem>>, vector<16xf32>,
            %mul3A_118 = arith.mulf %get3A_117, %gather3A_98 : vector<16xf32>
            %add3A_119 = arith.addi %mul3A_71, %scan3A_83 : i32
            %swap3A_120 = arith.index_cast %add3A_119 : i32 to index
            %swap3A_121 = arith.constant 32 : index
            %swap3A_122 = tpu.vector_load %arg8[%swap3A_120, %swap3A_121] {strides = array<i32>} : memref<72x1152xf32, #tpu.memory_space<vmem>>, vector<16xf32>,
            tpu.vector_store %arg8[%swap3A_120, %swap3A_121], %mul3A_118 {strides = array<i32>} : memref<72x1152xf32, #tpu.memory_space<vmem>>, vector<16xf32>,
            %get3A_123 = arith.index_cast %scan3A_83 : i32 to index
            %get3A_124 = arith.constant 48 : index
            %get3A_125 = tpu.vector_load %arg15[%get3A_123, %get3A_124] {strides = array<i32>} : memref<16x1024xf32, #tpu.memory_space<vmem>>, vector<16xf32>,
            %mul3A_126 = arith.mulf %get3A_125, %gather3A_98 : vector<16xf32>
            %add3A_127 = arith.addi %mul3A_71, %scan3A_83 : i32
            %swap3A_128 = arith.index_cast %add3A_127 : i32 to index
            %swap3A_129 = arith.constant 48 : index
            %swap3A_130 = tpu.vector_load %arg8[%swap3A_128, %swap3A_129] {strides = array<i32>} : memref<72x1152xf32, #tpu.memory_space<vmem>>, vector<16xf32>,
            tpu.vector_store %arg8[%swap3A_128, %swap3A_129], %mul3A_126 {strides = array<i32>} : memref<72x1152xf32, #tpu.memory_space<vmem>>, vector<16xf32>,
            %get3A_131 = arith.index_cast %scan3A_83 : i32 to index
            %get3A_132 = arith.constant 64 : index
            %get3A_133 = tpu.vector_load %arg15[%get3A_131, %get3A_132] {strides = array<i32>} : memref<16x1024xf32, #tpu.memory_space<vmem>>, vector<16xf32>,
            %mul3A_134 = arith.mulf %get3A_133, %gather3A_98 : vector<16xf32>
            %add3A_135 = arith.addi %mul3A_71, %scan3A_83 : i32
            %swap3A_136 = arith.index_cast %add3A_135 : i32 to index
            %swap3A_137 = arith.constant 64 : index
            %swap3A_138 = tpu.vector_load %arg8[%swap3A_136, %swap3A_137] {strides = array<i32>} : memref<72x1152xf32, #tpu.memory_space<vmem>>, vector<16xf32>,
            tpu.vector_store %arg8[%swap3A_136, %swap3A_137], %mul3A_134 {strides = array<i32>} : memref<72x1152xf32, #tpu.memory_space<vmem>>, vector<16xf32>,
            %get3A_139 = arith.index_cast %scan3A_83 : i32 to index
            %get3A_140 = arith.constant 80 : index
            %get3A_141 = tpu.vector_load %arg15[%get3A_139, %get3A_140] {strides = array<i32>} : memref<16x1024xf32, #tpu.memory_space<vmem>>, vector<16xf32>,
            %mul3A_142 = arith.mulf %get3A_141, %gather3A_98 : vector<16xf32>
            %add3A_143 = arith.addi %mul3A_71, %scan3A_83 : i32
            %swap3A_144 = arith.index_cast %add3A_143 : i32 to index
            %swap3A_145 = arith.constant 80 : index
            %swap3A_146 = tpu.vector_load %arg8[%swap3A_144, %swap3A_145] {strides = array<i32>} : memref<72x1152xf32, #tpu.memory_space<vmem>>, vector<16xf32>,
            tpu.vector_store %arg8[%swap3A_144, %swap3A_145], %mul3A_142 {strides = array<i32>} : memref<72x1152xf32, #tpu.memory_space<vmem>>, vector<16xf32>,
            %get3A_147 = arith.index_cast %scan3A_83 : i32 to index
            %get3A_148 = arith.constant 96 : index
            %get3A_149 = tpu.vector_load %arg15[%get3A_147, %get3A_148] {strides = array<i32>} : memref<16x1024xf32, #tpu.memory_space<vmem>>, vector<16xf32>,
            %mul3A_150 = arith.mulf %get3A_149, %gather3A_98 : vector<16xf32>
            %add3A_151 = arith.addi %mul3A_71, %scan3A_83 : i32
            %swap3A_152 = arith.index_cast %add3A_151 : i32 to index
            %swap3A_153 = arith.constant 96 : index
            %swap3A_154 = tpu.vector_load %arg8[%swap3A_152, %swap3A_153] {strides = array<i32>} : memref<72x1152xf32, #tpu.memory_space<vmem>>, vector<16xf32>,
            tpu.vector_store %arg8[%swap3A_152, %swap3A_153], %mul3A_150 {strides = array<i32>} : memref<72x1152xf32, #tpu.memory_space<vmem>>, vector<16xf32>,
            %get3A_155 = arith.index_cast %scan3A_83 : i32 to index
            %get3A_156 = arith.constant 112 : index
            %get3A_157 = tpu.vector_load %arg15[%get3A_155, %get3A_156] {strides = array<i32>} : memref<16x1024xf32, #tpu.memory_space<vmem>>, vector<16xf32>,
            %mul3A_158 = arith.mulf %get3A_157, %gather3A_98 : vector<16xf32>
            %add3A_159 = arith.addi %mul3A_71, %scan3A_83 : i32
            %swap3A_160 = arith.index_cast %add3A_159 : i32 to index
            %swap3A_161 = arith.constant 112 : index
            %swap3A_162 = tpu.vector_load %arg8[%swap3A_160, %swap3A_161] {strides = array<i32>} : memref<72x1152xf32, #tpu.memory_space<vmem>>, vector<16xf32>,
            tpu.vector_store %arg8[%swap3A_160, %swap3A_161], %mul3A_158 {strides = array<i32>} : memref<72x1152xf32, #tpu.memory_space<vmem>>, vector<16xf32>,
            %get3A_163 = arith.index_cast %scan3A_83 : i32 to index
            %get3A_164 = arith.constant 128 : index
            %get3A_165 = tpu.vector_load %arg15[%get3A_163, %get3A_164] {strides = array<i32>} : memref<16x1024xf32, #tpu.memory_space<vmem>>, vector<16xf32>,
            %mul3A_166 = arith.mulf %get3A_165, %gather3A_98 : vector<16xf32>
            %add3A_167 = arith.addi %mul3A_71, %scan3A_83 : i32
            %swap3A_168 = arith.index_cast %add3A_167 : i32 to index
            %swap3A_169 = arith.constant 128 : index
            %swap3A_170 = tpu.vector_load %arg8[%swap3A_168, %swap3A_169] {strides = array<i32>} : memref<72x1152xf32, #tpu.memory_space<vmem>>, vector<16xf32>,
            tpu.vector_store %arg8[%swap3A_168, %swap3A_169], %mul3A_166 {strides = array<i32>} : memref<72x1152xf32, #tpu.memory_space<vmem>>, vector<16xf32>,
            %get3A_171 = arith.index_cast %scan3A_83 : i32 to index
            %get3A_172 = arith.constant 144 : index
            %get3A_173 = tpu.vector_load %arg15[%get3A_171, %get3A_172] {strides = array<i32>} : memref<16x1024xf32, #tpu.memory_space<vmem>>, vector<16xf32>,
            %mul3A_174 = arith.mulf %get3A_173, %gather3A_98 : vector<16xf32>
            %add3A_175 = arith.addi %mul3A_71, %scan3A_83 : i32
            %swap3A_176 = arith.index_cast %add3A_175 : i32 to index
            %swap3A_177 = arith.constant 144 : index
            %swap3A_178 = tpu.vector_load %arg8[%swap3A_176, %swap3A_177] {strides = array<i32>} : memref<72x1152xf32, #tpu.memory_space<vmem>>, vector<16xf32>,
            tpu.vector_store %arg8[%swap3A_176, %swap3A_177], %mul3A_174 {strides = array<i32>} : memref<72x1152xf32, #tpu.memory_space<vmem>>, vector<16xf32>,
            %get3A_179 = arith.index_cast %scan3A_83 : i32 to index
            %get3A_180 = arith.constant 160 : index
            %get3A_181 = tpu.vector_load %arg15[%get3A_179, %get3A_180] {strides = array<i32>} : memref<16x1024xf32, #tpu.memory_space<vmem>>, vector<16xf32>,
            %mul3A_182 = arith.mulf %get3A_181, %gather3A_98 : vector<16xf32>
            %add3A_183 = arith.addi %mul3A_71, %scan3A_83 : i32
            %swap3A_184 = arith.index_cast %add3A_183 : i32 to index
            %swap3A_185 = arith.constant 160 : index
            %swap3A_186 = tpu.vector_load %arg8[%swap3A_184, %swap3A_185] {strides = array<i32>} : memref<72x1152xf32, #tpu.memory_space<vmem>>, vector<16xf32>,
            tpu.vector_store %arg8[%swap3A_184, %swap3A_185], %mul3A_182 {strides = array<i32>} : memref<72x1152xf32, #tpu.memory_space<vmem>>, vector<16xf32>,
            %get3A_187 = arith.index_cast %scan3A_83 : i32 to index
            %get3A_188 = arith.constant 176 : index
            %get3A_189 = tpu.vector_load %arg15[%get3A_187, %get3A_188] {strides = array<i32>} : memref<16x1024xf32, #tpu.memory_space<vmem>>, vector<16xf32>,
            %mul3A_190 = arith.mulf %get3A_189, %gather3A_98 : vector<16xf32>
            %add3A_191 = arith.addi %mul3A_71, %scan3A_83 : i32
            %swap3A_192 = arith.index_cast %add3A_191 : i32 to index
            %swap3A_193 = arith.constant 176 : index
            %swap3A_194 = tpu.vector_load %arg8[%swap3A_192, %swap3A_193] {strides = array<i32>} : memref<72x1152xf32, #tpu.memory_space<vmem>>, vector<16xf32>,
            tpu.vector_store %arg8[%swap3A_192, %swap3A_193], %mul3A_190 {strides = array<i32>} : memref<72x1152xf32, #tpu.memory_space<vmem>>, vector<16xf32>,
            %get3A_195 = arith.index_cast %scan3A_83 : i32 to index
            %get3A_196 = arith.constant 192 : index
            %get3A_197 = tpu.vector_load %arg15[%get3A_195, %get3A_196] {strides = array<i32>} : memref<16x1024xf32, #tpu.memory_space<vmem>>, vector<16xf32>,
            %mul3A_198 = arith.mulf %get3A_197, %gather3A_98 : vector<16xf32>
            %add3A_199 = arith.addi %mul3A_71, %scan3A_83 : i32
            %swap3A_200 = arith.index_cast %add3A_199 : i32 to index
            %swap3A_201 = arith.constant 192 : index
            %swap3A_202 = tpu.vector_load %arg8[%swap3A_200, %swap3A_201] {strides = array<i32>} : memref<72x1152xf32, #tpu.memory_space<vmem>>, vector<16xf32>,
            tpu.vector_store %arg8[%swap3A_200, %swap3A_201], %mul3A_198 {strides = array<i32>} : memref<72x1152xf32, #tpu.memory_space<vmem>>, vector<16xf32>,
            %get3A_203 = arith.index_cast %scan3A_83 : i32 to index
            %get3A_204 = arith.constant 208 : index
            %get3A_205 = tpu.vector_load %arg15[%get3A_203, %get3A_204] {strides = array<i32>} : memref<16x1024xf32, #tpu.memory_space<vmem>>, vector<16xf32>,
            %mul3A_206 = arith.mulf %get3A_205, %gather3A_98 : vector<16xf32>
            %add3A_207 = arith.addi %mul3A_71, %scan3A_83 : i32
            %swap3A_208 = arith.index_cast %add3A_207 : i32 to index
            %swap3A_209 = arith.constant 208 : index
            %swap3A_210 = tpu.vector_load %arg8[%swap3A_208, %swap3A_209] {strides = array<i32>} : memref<72x1152xf32, #tpu.memory_space<vmem>>, vector<16xf32>,
            tpu.vector_store %arg8[%swap3A_208, %swap3A_209], %mul3A_206 {strides = array<i32>} : memref<72x1152xf32, #tpu.memory_space<vmem>>, vector<16xf32>,
            %get3A_211 = arith.index_cast %scan3A_83 : i32 to index
            %get3A_212 = arith.constant 224 : index
            %get3A_213 = tpu.vector_load %arg15[%get3A_211, %get3A_212] {strides = array<i32>} : memref<16x1024xf32, #tpu.memory_space<vmem>>, vector<16xf32>,
            %mul3A_214 = arith.mulf %get3A_213, %gather3A_98 : vector<16xf32>
            %add3A_215 = arith.addi %mul3A_71, %scan3A_83 : i32
            %swap3A_216 = arith.index_cast %add3A_215 : i32 to index
            %swap3A_217 = arith.constant 224 : index
            %swap3A_218 = tpu.vector_load %arg8[%swap3A_216, %swap3A_217] {strides = array<i32>} : memref<72x1152xf32, #tpu.memory_space<vmem>>, vector<16xf32>,
            tpu.vector_store %arg8[%swap3A_216, %swap3A_217], %mul3A_214 {strides = array<i32>} : memref<72x1152xf32, #tpu.memory_space<vmem>>, vector<16xf32>,
            %get3A_219 = arith.index_cast %scan3A_83 : i32 to index
            %get3A_220 = arith.constant 240 : index
            %get3A_221 = tpu.vector_load %arg15[%get3A_219, %get3A_220] {strides = array<i32>} : memref<16x1024xf32, #tpu.memory_space<vmem>>, vector<16xf32>,
            %mul3A_222 = arith.mulf %get3A_221, %gather3A_98 : vector<16xf32>
            %add3A_223 = arith.addi %mul3A_71, %scan3A_83 : i32
            %swap3A_224 = arith.index_cast %add3A_223 : i32 to index
            %swap3A_225 = arith.constant 240 : index
            %swap3A_226 = tpu.vector_load %arg8[%swap3A_224, %swap3A_225] {strides = array<i32>} : memref<72x1152xf32, #tpu.memory_space<vmem>>, vector<16xf32>,
            tpu.vector_store %arg8[%swap3A_224, %swap3A_225], %mul3A_222 {strides = array<i32>} : memref<72x1152xf32, #tpu.memory_space<vmem>>, vector<16xf32>,
            %broadcast_in_dim3A_227 = arith.constant 1 : i32
            %broadcast_in_dim3A_228 = vector.broadcast %broadcast_in_dim3A_227 : i32 to vector<16xi32>
            %reshape3A_229 = vector.shape_cast %broadcast_in_dim3A_228 : vector<16xi32> to vector<16x1xi32>
            %gather3A_230 = vector.shape_cast %reshape3A_229 : vector<16x1xi32> to vector<16xi32>
            %gather3A_231 = tpu.dynamic_gather %exp3A[%gather3A_230] in [0] : vector<16xf32>, vector<16xi32> -> vector<16xf32>
            %get3A_232 = arith.index_cast %scan3A_83 : i32 to index
            %get3A_233 = arith.constant 256 : index
            %get3A_234 = tpu.vector_load %arg15[%get3A_232, %get3A_233] {strides = array<i32>} : memref<16x1024xf32, #tpu.memory_space<vmem>>, vector<16xf32>,
            %mul3A_235 = arith.mulf %get3A_234, %gather3A_231 : vector<16xf32>
            %add3A_236 = arith.addi %mul3A_71, %scan3A_83 : i32
            %swap3A_237 = arith.index_cast %add3A_236 : i32 to index
            %swap3A_238 = arith.constant 256 : index
            %swap3A_239 = tpu.vector_load %arg8[%swap3A_237, %swap3A_238] {strides = array<i32>} : memref<72x1152xf32, #tpu.memory_space<vmem>>, vector<16xf32>,
            tpu.vector_store %arg8[%swap3A_237, %swap3A_238], %mul3A_235 {strides = array<i32>} : memref<72x1152xf32, #tpu.memory_space<vmem>>, vector<16xf32>,
            %get3A_240 = arith.index_cast %scan3A_83 : i32 to index
            %get3A_241 = arith.constant 272 : index
            %get3A_242 = tpu.vector_load %arg15[%get3A_240, %get3A_241] {strides = array<i32>} : memref<16x1024xf32, #tpu.memory_space<vmem>>, vector<16xf32>,
            %mul3A_243 = arith.mulf %get3A_242, %gather3A_231 : vector<16xf32>
            %add3A_244 = arith.addi %mul3A_71, %scan3A_83 : i32
            %swap3A_245 = arith.index_cast %add3A_244 : i32 to index
            %swap3A_246 = arith.constant 272 : index
            %swap3A_247 = tpu.vector_load %arg8[%swap3A_245, %swap3A_246] {strides = array<i32>} : memref<72x1152xf32, #tpu.memory_space<vmem>>, vector<16xf32>,
            tpu.vector_store %arg8[%swap3A_245, %swap3A_246], %mul3A_243 {strides = array<i32>} : memref<72x1152xf32, #tpu.memory_space<vmem>>, vector<16xf32>,
            %get3A_248 = arith.index_cast %scan3A_83 : i32 to index
            %get3A_249 = arith.constant 288 : index
            %get3A_250 = tpu.vector_load %arg15[%get3A_248, %get3A_249] {strides = array<i32>} : memref<16x1024xf32, #tpu.memory_space<vmem>>, vector<16xf32>,
            %mul3A_251 = arith.mulf %get3A_250, %gather3A_231 : vector<16xf32>
            %add3A_252 = arith.addi %mul3A_71, %scan3A_83 : i32
            %swap3A_253 = arith.index_cast %add3A_252 : i32 to index
            %swap3A_254 = arith.constant 288 : index
            %swap3A_255 = tpu.vector_load %arg8[%swap3A_253, %swap3A_254] {strides = array<i32>} : memref<72x1152xf32, #tpu.memory_space<vmem>>, vector<16xf32>,
            tpu.vector_store %arg8[%swap3A_253, %swap3A_254], %mul3A_251 {strides = array<i32>} : memref<72x1152xf32, #tpu.memory_space<vmem>>, vector<16xf32>,
            %get3A_256 = arith.index_cast %scan3A_83 : i32 to index
            %get3A_257 = arith.constant 304 : index
            %get3A_258 = tpu.vector_load %arg15[%get3A_256, %get3A_257] {strides = array<i32>} : memref<16x1024xf32, #tpu.memory_space<vmem>>, vector<16xf32>,
            %mul3A_259 = arith.mulf %get3A_258, %gather3A_231 : vector<16xf32>
            %add3A_260 = arith.addi %mul3A_71, %scan3A_83 : i32
            %swap3A_261 = arith.index_cast %add3A_260 : i32 to index
            %swap3A_262 = arith.constant 304 : index
            %swap3A_263 = tpu.vector_load %arg8[%swap3A_261, %swap3A_262] {strides = array<i32>} : memref<72x1152xf32, #tpu.memory_space<vmem>>, vector<16xf32>,
            tpu.vector_store %arg8[%swap3A_261, %swap3A_262], %mul3A_259 {strides = array<i32>} : memref<72x1152xf32, #tpu.memory_space<vmem>>, vector<16xf32>,
            %get3A_264 = arith.index_cast %scan3A_83 : i32 to index
            %get3A_265 = arith.constant 320 : index
            %get3A_266 = tpu.vector_load %arg15[%get3A_264, %get3A_265] {strides = array<i32>} : memref<16x1024xf32, #tpu.memory_space<vmem>>, vector<16xf32>,
            %mul3A_267 = arith.mulf %get3A_266, %gather3A_231 : vector<16xf32>
            %add3A_268 = arith.addi %mul3A_71, %scan3A_83 : i32
            %swap3A_269 = arith.index_cast %add3A_268 : i32 to index
            %swap3A_270 = arith.constant 320 : index
            %swap3A_271 = tpu.vector_load %arg8[%swap3A_269, %swap3A_270] {strides = array<i32>} : memref<72x1152xf32, #tpu.memory_space<vmem>>, vector<16xf32>,
            tpu.vector_store %arg8[%swap3A_269, %swap3A_270], %mul3A_267 {strides = array<i32>} : memref<72x1152xf32, #tpu.memory_space<vmem>>, vector<16xf32>,
            %get3A_272 = arith.index_cast %scan3A_83 : i32 to index
            %get3A_273 = arith.constant 336 : index
            %get3A_274 = tpu.vector_load %arg15[%get3A_272, %get3A_273] {strides = array<i32>} : memref<16x1024xf32, #tpu.memory_space<vmem>>, vector<16xf32>,
            %mul3A_275 = arith.mulf %get3A_274, %gather3A_231 : vector<16xf32>
            %add3A_276 = arith.addi %mul3A_71, %scan3A_83 : i32
            %swap3A_277 = arith.index_cast %add3A_276 : i32 to index
            %swap3A_278 = arith.constant 336 : index
            %swap3A_279 = tpu.vector_load %arg8[%swap3A_277, %swap3A_278] {strides = array<i32>} : memref<72x1152xf32, #tpu.memory_space<vmem>>, vector<16xf32>,
            tpu.vector_store %arg8[%swap3A_277, %swap3A_278], %mul3A_275 {strides = array<i32>} : memref<72x1152xf32, #tpu.memory_space<vmem>>, vector<16xf32>,
            %get3A_280 = arith.index_cast %scan3A_83 : i32 to index
            %get3A_281 = arith.constant 352 : index
            %get3A_282 = tpu.vector_load %arg15[%get3A_280, %get3A_281] {strides = array<i32>} : memref<16x1024xf32, #tpu.memory_space<vmem>>, vector<16xf32>,
            %mul3A_283 = arith.mulf %get3A_282, %gather3A_231 : vector<16xf32>
            %add3A_284 = arith.addi %mul3A_71, %scan3A_83 : i32
            %swap3A_285 = arith.index_cast %add3A_284 : i32 to index
            %swap3A_286 = arith.constant 352 : index
            %swap3A_287 = tpu.vector_load %arg8[%swap3A_285, %swap3A_286] {strides = array<i32>} : memref<72x1152xf32, #tpu.memory_space<vmem>>, vector<16xf32>,
            tpu.vector_store %arg8[%swap3A_285, %swap3A_286], %mul3A_283 {strides = array<i32>} : memref<72x1152xf32, #tpu.memory_space<vmem>>, vector<16xf32>,
            %get3A_288 = arith.index_cast %scan3A_83 : i32 to index
            %get3A_289 = arith.constant 368 : index
            %get3A_290 = tpu.vector_load %arg15[%get3A_288, %get3A_289] {strides = array<i32>} : memref<16x1024xf32, #tpu.memory_space<vmem>>, vector<16xf32>,
            %mul3A_291 = arith.mulf %get3A_290, %gather3A_231 : vector<16xf32>
            %add3A_292 = arith.addi %mul3A_71, %scan3A_83 : i32
            %swap3A_293 = arith.index_cast %add3A_292 : i32 to index
            %swap3A_294 = arith.constant 368 : index
            %swap3A_295 = tpu.vector_load %arg8[%swap3A_293, %swap3A_294] {strides = array<i32>} : memref<72x1152xf32, #tpu.memory_space<vmem>>, vector<16xf32>,
            tpu.vector_store %arg8[%swap3A_293, %swap3A_294], %mul3A_291 {strides = array<i32>} : memref<72x1152xf32, #tpu.memory_space<vmem>>, vector<16xf32>,
            %get3A_296 = arith.index_cast %scan3A_83 : i32 to index
            %get3A_297 = arith.constant 384 : index
            %get3A_298 = tpu.vector_load %arg15[%get3A_296, %get3A_297] {strides = array<i32>} : memref<16x1024xf32, #tpu.memory_space<vmem>>, vector<16xf32>,
            %mul3A_299 = arith.mulf %get3A_298, %gather3A_231 : vector<16xf32>
            %add3A_300 = arith.addi %mul3A_71, %scan3A_83 : i32
            %swap3A_301 = arith.index_cast %add3A_300 : i32 to index
            %swap3A_302 = arith.constant 384 : index
            %swap3A_303 = tpu.vector_load %arg8[%swap3A_301, %swap3A_302] {strides = array<i32>} : memref<72x1152xf32, #tpu.memory_space<vmem>>, vector<16xf32>,
            tpu.vector_store %arg8[%swap3A_301, %swap3A_302], %mul3A_299 {strides = array<i32>} : memref<72x1152xf32, #tpu.memory_space<vmem>>, vector<16xf32>,
            %get3A_304 = arith.index_cast %scan3A_83 : i32 to index
            %get3A_305 = arith.constant 400 : index
            %get3A_306 = tpu.vector_load %arg15[%get3A_304, %get3A_305] {strides = array<i32>} : memref<16x1024xf32, #tpu.memory_space<vmem>>, vector<16xf32>,
            %mul3A_307 = arith.mulf %get3A_306, %gather3A_231 : vector<16xf32>
            %add3A_308 = arith.addi %mul3A_71, %scan3A_83 : i32
            %swap3A_309 = arith.index_cast %add3A_308 : i32 to index
            %swap3A_310 = arith.constant 400 : index
            %swap3A_311 = tpu.vector_load %arg8[%swap3A_309, %swap3A_310] {strides = array<i32>} : memref<72x1152xf32, #tpu.memory_space<vmem>>, vector<16xf32>,
            tpu.vector_store %arg8[%swap3A_309, %swap3A_310], %mul3A_307 {strides = array<i32>} : memref<72x1152xf32, #tpu.memory_space<vmem>>, vector<16xf32>,
            %get3A_312 = arith.index_cast %scan3A_83 : i32 to index
            %get3A_313 = arith.constant 416 : index
            %get3A_314 = tpu.vector_load %arg15[%get3A_312, %get3A_313] {strides = array<i32>} : memref<16x1024xf32, #tpu.memory_space<vmem>>, vector<16xf32>,
            %mul3A_315 = arith.mulf %get3A_314, %gather3A_231 : vector<16xf32>
            %add3A_316 = arith.addi %mul3A_71, %scan3A_83 : i32
            %swap3A_317 = arith.index_cast %add3A_316 : i32 to index
            %swap3A_318 = arith.constant 416 : index
            %swap3A_319 = tpu.vector_load %arg8[%swap3A_317, %swap3A_318] {strides = array<i32>} : memref<72x1152xf32, #tpu.memory_space<vmem>>, vector<16xf32>,
            tpu.vector_store %arg8[%swap3A_317, %swap3A_318], %mul3A_315 {strides = array<i32>} : memref<72x1152xf32, #tpu.memory_space<vmem>>, vector<16xf32>,
            %get3A_320 = arith.index_cast %scan3A_83 : i32 to index
            %get3A_321 = arith.constant 432 : index
            %get3A_322 = tpu.vector_load %arg15[%get3A_320, %get3A_321] {strides = array<i32>} : memref<16x1024xf32, #tpu.memory_space<vmem>>, vector<16xf32>,
            %mul3A_323 = arith.mulf %get3A_322, %gather3A_231 : vector<16xf32>
            %add3A_324 = arith.addi %mul3A_71, %scan3A_83 : i32
            %swap3A_325 = arith.index_cast %add3A_324 : i32 to index
            %swap3A_326 = arith.constant 432 : index
            %swap3A_327 = tpu.vector_load %arg8[%swap3A_325, %swap3A_326] {strides = array<i32>} : memref<72x1152xf32, #tpu.memory_space<vmem>>, vector<16xf32>,
            tpu.vector_store %arg8[%swap3A_325, %swap3A_326], %mul3A_323 {strides = array<i32>} : memref<72x1152xf32, #tpu.memory_space<vmem>>, vector<16xf32>,
            %get3A_328 = arith.index_cast %scan3A_83 : i32 to index
            %get3A_329 = arith.constant 448 : index
            %get3A_330 = tpu.vector_load %arg15[%get3A_328, %get3A_329] {strides = array<i32>} : memref<16x1024xf32, #tpu.memory_space<vmem>>, vector<16xf32>,
            %mul3A_331 = arith.mulf %get3A_330, %gather3A_231 : vector<16xf32>
            %add3A_332 = arith.addi %mul3A_71, %scan3A_83 : i32
            %swap3A_333 = arith.index_cast %add3A_332 : i32 to index
            %swap3A_334 = arith.constant 448 : index
            %swap3A_335 = tpu.vector_load %arg8[%swap3A_333, %swap3A_334] {strides = array<i32>} : memref<72x1152xf32, #tpu.memory_space<vmem>>, vector<16xf32>,
            tpu.vector_store %arg8[%swap3A_333, %swap3A_334], %mul3A_331 {strides = array<i32>} : memref<72x1152xf32, #tpu.memory_space<vmem>>, vector<16xf32>,
            %get3A_336 = arith.index_cast %scan3A_83 : i32 to index
            %get3A_337 = arith.constant 464 : index
            %get3A_338 = tpu.vector_load %arg15[%get3A_336, %get3A_337] {strides = array<i32>} : memref<16x1024xf32, #tpu.memory_space<vmem>>, vector<16xf32>,
            %mul3A_339 = arith.mulf %get3A_338, %gather3A_231 : vector<16xf32>
            %add3A_340 = arith.addi %mul3A_71, %scan3A_83 : i32
            %swap3A_341 = arith.index_cast %add3A_340 : i32 to index
            %swap3A_342 = arith.constant 464 : index
            %swap3A_343 = tpu.vector_load %arg8[%swap3A_341, %swap3A_342] {strides = array<i32>} : memref<72x1152xf32, #tpu.memory_space<vmem>>, vector<16xf32>,
            tpu.vector_store %arg8[%swap3A_341, %swap3A_342], %mul3A_339 {strides = array<i32>} : memref<72x1152xf32, #tpu.memory_space<vmem>>, vector<16xf32>,
            %get3A_344 = arith.index_cast %scan3A_83 : i32 to index
            %get3A_345 = arith.constant 480 : index
            %get3A_346 = tpu.vector_load %arg15[%get3A_344, %get3A_345] {strides = array<i32>} : memref<16x1024xf32, #tpu.memory_space<vmem>>, vector<16xf32>,
            %mul3A_347 = arith.mulf %get3A_346, %gather3A_231 : vector<16xf32>
            %add3A_348 = arith.addi %mul3A_71, %scan3A_83 : i32
            %swap3A_349 = arith.index_cast %add3A_348 : i32 to index
            %swap3A_350 = arith.constant 480 : index
            %swap3A_351 = tpu.vector_load %arg8[%swap3A_349, %swap3A_350] {strides = array<i32>} : memref<72x1152xf32, #tpu.memory_space<vmem>>, vector<16xf32>,
            tpu.vector_store %arg8[%swap3A_349, %swap3A_350], %mul3A_347 {strides = array<i32>} : memref<72x1152xf32, #tpu.memory_space<vmem>>, vector<16xf32>,
            %get3A_352 = arith.index_cast %scan3A_83 : i32 to index
            %get3A_353 = arith.constant 496 : index
            %get3A_354 = tpu.vector_load %arg15[%get3A_352, %get3A_353] {strides = array<i32>} : memref<16x1024xf32, #tpu.memory_space<vmem>>, vector<16xf32>,
            %mul3A_355 = arith.mulf %get3A_354, %gather3A_231 : vector<16xf32>
            %add3A_356 = arith.addi %mul3A_71, %scan3A_83 : i32
            %swap3A_357 = arith.index_cast %add3A_356 : i32 to index
            %swap3A_358 = arith.constant 496 : index
            %swap3A_359 = tpu.vector_load %arg8[%swap3A_357, %swap3A_358] {strides = array<i32>} : memref<72x1152xf32, #tpu.memory_space<vmem>>, vector<16xf32>,
            tpu.vector_store %arg8[%swap3A_357, %swap3A_358], %mul3A_355 {strides = array<i32>} : memref<72x1152xf32, #tpu.memory_space<vmem>>, vector<16xf32>,
            %broadcast_in_dim3A_360 = arith.constant 2 : i32
            %broadcast_in_dim3A_361 = vector.broadcast %broadcast_in_dim3A_360 : i32 to vector<16xi32>
            %reshape3A_362 = vector.shape_cast %broadcast_in_dim3A_361 : vector<16xi32> to vector<16x1xi32>
            %gather3A_363 = vector.shape_cast %reshape3A_362 : vector<16x1xi32> to vector<16xi32>
            %gather3A_364 = tpu.dynamic_gather %exp3A[%gather3A_363] in [0] : vector<16xf32>, vector<16xi32> -> vector<16xf32>
            %get3A_365 = arith.index_cast %scan3A_83 : i32 to index
            %get3A_366 = arith.constant 512 : index
            %get3A_367 = tpu.vector_load %arg15[%get3A_365, %get3A_366] {strides = array<i32>} : memref<16x1024xf32, #tpu.memory_space<vmem>>, vector<16xf32>,
            %mul3A_368 = arith.mulf %get3A_367, %gather3A_364 : vector<16xf32>
            %add3A_369 = arith.addi %mul3A_71, %scan3A_83 : i32
            %swap3A_370 = arith.index_cast %add3A_369 : i32 to index
            %swap3A_371 = arith.constant 512 : index
            %swap3A_372 = tpu.vector_load %arg8[%swap3A_370, %swap3A_371] {strides = array<i32>} : memref<72x1152xf32, #tpu.memory_space<vmem>>, vector<16xf32>,
            tpu.vector_store %arg8[%swap3A_370, %swap3A_371], %mul3A_368 {strides = array<i32>} : memref<72x1152xf32, #tpu.memory_space<vmem>>, vector<16xf32>,
            %get3A_373 = arith.index_cast %scan3A_83 : i32 to index
            %get3A_374 = arith.constant 528 : index
            %get3A_375 = tpu.vector_load %arg15[%get3A_373, %get3A_374] {strides = array<i32>} : memref<16x1024xf32, #tpu.memory_space<vmem>>, vector<16xf32>,
            %mul3A_376 = arith.mulf %get3A_375, %gather3A_364 : vector<16xf32>
            %add3A_377 = arith.addi %mul3A_71, %scan3A_83 : i32
            %swap3A_378 = arith.index_cast %add3A_377 : i32 to index
            %swap3A_379 = arith.constant 528 : index
            %swap3A_380 = tpu.vector_load %arg8[%swap3A_378, %swap3A_379] {strides = array<i32>} : memref<72x1152xf32, #tpu.memory_space<vmem>>, vector<16xf32>,
            tpu.vector_store %arg8[%swap3A_378, %swap3A_379], %mul3A_376 {strides = array<i32>} : memref<72x1152xf32, #tpu.memory_space<vmem>>, vector<16xf32>,
            %get3A_381 = arith.index_cast %scan3A_83 : i32 to index
            %get3A_382 = arith.constant 544 : index
            %get3A_383 = tpu.vector_load %arg15[%get3A_381, %get3A_382] {strides = array<i32>} : memref<16x1024xf32, #tpu.memory_space<vmem>>, vector<16xf32>,
            %mul3A_384 = arith.mulf %get3A_383, %gather3A_364 : vector<16xf32>
            %add3A_385 = arith.addi %mul3A_71, %scan3A_83 : i32
            %swap3A_386 = arith.index_cast %add3A_385 : i32 to index
            %swap3A_387 = arith.constant 544 : index
            %swap3A_388 = tpu.vector_load %arg8[%swap3A_386, %swap3A_387] {strides = array<i32>} : memref<72x1152xf32, #tpu.memory_space<vmem>>, vector<16xf32>,
            tpu.vector_store %arg8[%swap3A_386, %swap3A_387], %mul3A_384 {strides = array<i32>} : memref<72x1152xf32, #tpu.memory_space<vmem>>, vector<16xf32>,
            %get3A_389 = arith.index_cast %scan3A_83 : i32 to index
            %get3A_390 = arith.constant 560 : index
            %get3A_391 = tpu.vector_load %arg15[%get3A_389, %get3A_390] {strides = array<i32>} : memref<16x1024xf32, #tpu.memory_space<vmem>>, vector<16xf32>,
            %mul3A_392 = arith.mulf %get3A_391, %gather3A_364 : vector<16xf32>
            %add3A_393 = arith.addi %mul3A_71, %scan3A_83 : i32
            %swap3A_394 = arith.index_cast %add3A_393 : i32 to index
            %swap3A_395 = arith.constant 560 : index
            %swap3A_396 = tpu.vector_load %arg8[%swap3A_394, %swap3A_395] {strides = array<i32>} : memref<72x1152xf32, #tpu.memory_space<vmem>>, vector<16xf32>,
            tpu.vector_store %arg8[%swap3A_394, %swap3A_395], %mul3A_392 {strides = array<i32>} : memref<72x1152xf32, #tpu.memory_space<vmem>>, vector<16xf32>,
            %get3A_397 = arith.index_cast %scan3A_83 : i32 to index
            %get3A_398 = arith.constant 576 : index
            %get3A_399 = tpu.vector_load %arg15[%get3A_397, %get3A_398] {strides = array<i32>} : memref<16x1024xf32, #tpu.memory_space<vmem>>, vector<16xf32>,
            %mul3A_400 = arith.mulf %get3A_399, %gather3A_364 : vector<16xf32>
            %add3A_401 = arith.addi %mul3A_71, %scan3A_83 : i32
            %swap3A_402 = arith.index_cast %add3A_401 : i32 to index
            %swap3A_403 = arith.constant 576 : index
            %swap3A_404 = tpu.vector_load %arg8[%swap3A_402, %swap3A_403] {strides = array<i32>} : memref<72x1152xf32, #tpu.memory_space<vmem>>, vector<16xf32>,
            tpu.vector_store %arg8[%swap3A_402, %swap3A_403], %mul3A_400 {strides = array<i32>} : memref<72x1152xf32, #tpu.memory_space<vmem>>, vector<16xf32>,
            %get3A_405 = arith.index_cast %scan3A_83 : i32 to index
            %get3A_406 = arith.constant 592 : index
            %get3A_407 = tpu.vector_load %arg15[%get3A_405, %get3A_406] {strides = array<i32>} : memref<16x1024xf32, #tpu.memory_space<vmem>>, vector<16xf32>,
            %mul3A_408 = arith.mulf %get3A_407, %gather3A_364 : vector<16xf32>
            %add3A_409 = arith.addi %mul3A_71, %scan3A_83 : i32
            %swap3A_410 = arith.index_cast %add3A_409 : i32 to index
            %swap3A_411 = arith.constant 592 : index
            %swap3A_412 = tpu.vector_load %arg8[%swap3A_410, %swap3A_411] {strides = array<i32>} : memref<72x1152xf32, #tpu.memory_space<vmem>>, vector<16xf32>,
            tpu.vector_store %arg8[%swap3A_410, %swap3A_411], %mul3A_408 {strides = array<i32>} : memref<72x1152xf32, #tpu.memory_space<vmem>>, vector<16xf32>,
            %get3A_413 = arith.index_cast %scan3A_83 : i32 to index
            %get3A_414 = arith.constant 608 : index
            %get3A_415 = tpu.vector_load %arg15[%get3A_413, %get3A_414] {strides = array<i32>} : memref<16x1024xf32, #tpu.memory_space<vmem>>, vector<16xf32>,
            %mul3A_416 = arith.mulf %get3A_415, %gather3A_364 : vector<16xf32>
            %add3A_417 = arith.addi %mul3A_71, %scan3A_83 : i32
            %swap3A_418 = arith.index_cast %add3A_417 : i32 to index
            %swap3A_419 = arith.constant 608 : index
            %swap3A_420 = tpu.vector_load %arg8[%swap3A_418, %swap3A_419] {strides = array<i32>} : memref<72x1152xf32, #tpu.memory_space<vmem>>, vector<16xf32>,
            tpu.vector_store %arg8[%swap3A_418, %swap3A_419], %mul3A_416 {strides = array<i32>} : memref<72x1152xf32, #tpu.memory_space<vmem>>, vector<16xf32>,
            %get3A_421 = arith.index_cast %scan3A_83 : i32 to index
            %get3A_422 = arith.constant 624 : index
            %get3A_423 = tpu.vector_load %arg15[%get3A_421, %get3A_422] {strides = array<i32>} : memref<16x1024xf32, #tpu.memory_space<vmem>>, vector<16xf32>,
            %mul3A_424 = arith.mulf %get3A_423, %gather3A_364 : vector<16xf32>
            %add3A_425 = arith.addi %mul3A_71, %scan3A_83 : i32
            %swap3A_426 = arith.index_cast %add3A_425 : i32 to index
            %swap3A_427 = arith.constant 624 : index
            %swap3A_428 = tpu.vector_load %arg8[%swap3A_426, %swap3A_427] {strides = array<i32>} : memref<72x1152xf32, #tpu.memory_space<vmem>>, vector<16xf32>,
            tpu.vector_store %arg8[%swap3A_426, %swap3A_427], %mul3A_424 {strides = array<i32>} : memref<72x1152xf32, #tpu.memory_space<vmem>>, vector<16xf32>,
            %get3A_429 = arith.index_cast %scan3A_83 : i32 to index
            %get3A_430 = arith.constant 640 : index
            %get3A_431 = tpu.vector_load %arg15[%get3A_429, %get3A_430] {strides = array<i32>} : memref<16x1024xf32, #tpu.memory_space<vmem>>, vector<16xf32>,
            %mul3A_432 = arith.mulf %get3A_431, %gather3A_364 : vector<16xf32>
            %add3A_433 = arith.addi %mul3A_71, %scan3A_83 : i32
            %swap3A_434 = arith.index_cast %add3A_433 : i32 to index
            %swap3A_435 = arith.constant 640 : index
            %swap3A_436 = tpu.vector_load %arg8[%swap3A_434, %swap3A_435] {strides = array<i32>} : memref<72x1152xf32, #tpu.memory_space<vmem>>, vector<16xf32>,
            tpu.vector_store %arg8[%swap3A_434, %swap3A_435], %mul3A_432 {strides = array<i32>} : memref<72x1152xf32, #tpu.memory_space<vmem>>, vector<16xf32>,
            %get3A_437 = arith.index_cast %scan3A_83 : i32 to index
            %get3A_438 = arith.constant 656 : index
            %get3A_439 = tpu.vector_load %arg15[%get3A_437, %get3A_438] {strides = array<i32>} : memref<16x1024xf32, #tpu.memory_space<vmem>>, vector<16xf32>,
            %mul3A_440 = arith.mulf %get3A_439, %gather3A_364 : vector<16xf32>
            %add3A_441 = arith.addi %mul3A_71, %scan3A_83 : i32
            %swap3A_442 = arith.index_cast %add3A_441 : i32 to index
            %swap3A_443 = arith.constant 656 : index
            %swap3A_444 = tpu.vector_load %arg8[%swap3A_442, %swap3A_443] {strides = array<i32>} : memref<72x1152xf32, #tpu.memory_space<vmem>>, vector<16xf32>,
            tpu.vector_store %arg8[%swap3A_442, %swap3A_443], %mul3A_440 {strides = array<i32>} : memref<72x1152xf32, #tpu.memory_space<vmem>>, vector<16xf32>,
            %get3A_445 = arith.index_cast %scan3A_83 : i32 to index
            %get3A_446 = arith.constant 672 : index
            %get3A_447 = tpu.vector_load %arg15[%get3A_445, %get3A_446] {strides = array<i32>} : memref<16x1024xf32, #tpu.memory_space<vmem>>, vector<16xf32>,
            %mul3A_448 = arith.mulf %get3A_447, %gather3A_364 : vector<16xf32>
            %add3A_449 = arith.addi %mul3A_71, %scan3A_83 : i32
            %swap3A_450 = arith.index_cast %add3A_449 : i32 to index
            %swap3A_451 = arith.constant 672 : index
            %swap3A_452 = tpu.vector_load %arg8[%swap3A_450, %swap3A_451] {strides = array<i32>} : memref<72x1152xf32, #tpu.memory_space<vmem>>, vector<16xf32>,
            tpu.vector_store %arg8[%swap3A_450, %swap3A_451], %mul3A_448 {strides = array<i32>} : memref<72x1152xf32, #tpu.memory_space<vmem>>, vector<16xf32>,
            %get3A_453 = arith.index_cast %scan3A_83 : i32 to index
            %get3A_454 = arith.constant 688 : index
            %get3A_455 = tpu.vector_load %arg15[%get3A_453, %get3A_454] {strides = array<i32>} : memref<16x1024xf32, #tpu.memory_space<vmem>>, vector<16xf32>,
            %mul3A_456 = arith.mulf %get3A_455, %gather3A_364 : vector<16xf32>
            %add3A_457 = arith.addi %mul3A_71, %scan3A_83 : i32
            %swap3A_458 = arith.index_cast %add3A_457 : i32 to index
            %swap3A_459 = arith.constant 688 : index
            %swap3A_460 = tpu.vector_load %arg8[%swap3A_458, %swap3A_459] {strides = array<i32>} : memref<72x1152xf32, #tpu.memory_space<vmem>>, vector<16xf32>,
            tpu.vector_store %arg8[%swap3A_458, %swap3A_459], %mul3A_456 {strides = array<i32>} : memref<72x1152xf32, #tpu.memory_space<vmem>>, vector<16xf32>,
            %get3A_461 = arith.index_cast %scan3A_83 : i32 to index
            %get3A_462 = arith.constant 704 : index
            %get3A_463 = tpu.vector_load %arg15[%get3A_461, %get3A_462] {strides = array<i32>} : memref<16x1024xf32, #tpu.memory_space<vmem>>, vector<16xf32>,
            %mul3A_464 = arith.mulf %get3A_463, %gather3A_364 : vector<16xf32>
            %add3A_465 = arith.addi %mul3A_71, %scan3A_83 : i32
            %swap3A_466 = arith.index_cast %add3A_465 : i32 to index
            %swap3A_467 = arith.constant 704 : index
            %swap3A_468 = tpu.vector_load %arg8[%swap3A_466, %swap3A_467] {strides = array<i32>} : memref<72x1152xf32, #tpu.memory_space<vmem>>, vector<16xf32>,
            tpu.vector_store %arg8[%swap3A_466, %swap3A_467], %mul3A_464 {strides = array<i32>} : memref<72x1152xf32, #tpu.memory_space<vmem>>, vector<16xf32>,
            %get3A_469 = arith.index_cast %scan3A_83 : i32 to index
            %get3A_470 = arith.constant 720 : index
            %get3A_471 = tpu.vector_load %arg15[%get3A_469, %get3A_470] {strides = array<i32>} : memref<16x1024xf32, #tpu.memory_space<vmem>>, vector<16xf32>,
            %mul3A_472 = arith.mulf %get3A_471, %gather3A_364 : vector<16xf32>
            %add3A_473 = arith.addi %mul3A_71, %scan3A_83 : i32
            %swap3A_474 = arith.index_cast %add3A_473 : i32 to index
            %swap3A_475 = arith.constant 720 : index
            %swap3A_476 = tpu.vector_load %arg8[%swap3A_474, %swap3A_475] {strides = array<i32>} : memref<72x1152xf32, #tpu.memory_space<vmem>>, vector<16xf32>,
            tpu.vector_store %arg8[%swap3A_474, %swap3A_475], %mul3A_472 {strides = array<i32>} : memref<72x1152xf32, #tpu.memory_space<vmem>>, vector<16xf32>,
            %get3A_477 = arith.index_cast %scan3A_83 : i32 to index
            %get3A_478 = arith.constant 736 : index
            %get3A_479 = tpu.vector_load %arg15[%get3A_477, %get3A_478] {strides = array<i32>} : memref<16x1024xf32, #tpu.memory_space<vmem>>, vector<16xf32>,
            %mul3A_480 = arith.mulf %get3A_479, %gather3A_364 : vector<16xf32>
            %add3A_481 = arith.addi %mul3A_71, %scan3A_83 : i32
            %swap3A_482 = arith.index_cast %add3A_481 : i32 to index
            %swap3A_483 = arith.constant 736 : index
            %swap3A_484 = tpu.vector_load %arg8[%swap3A_482, %swap3A_483] {strides = array<i32>} : memref<72x1152xf32, #tpu.memory_space<vmem>>, vector<16xf32>,
            tpu.vector_store %arg8[%swap3A_482, %swap3A_483], %mul3A_480 {strides = array<i32>} : memref<72x1152xf32, #tpu.memory_space<vmem>>, vector<16xf32>,
            %get3A_485 = arith.index_cast %scan3A_83 : i32 to index
            %get3A_486 = arith.constant 752 : index
            %get3A_487 = tpu.vector_load %arg15[%get3A_485, %get3A_486] {strides = array<i32>} : memref<16x1024xf32, #tpu.memory_space<vmem>>, vector<16xf32>,
            %mul3A_488 = arith.mulf %get3A_487, %gather3A_364 : vector<16xf32>
            %add3A_489 = arith.addi %mul3A_71, %scan3A_83 : i32
            %swap3A_490 = arith.index_cast %add3A_489 : i32 to index
            %swap3A_491 = arith.constant 752 : index
            %swap3A_492 = tpu.vector_load %arg8[%swap3A_490, %swap3A_491] {strides = array<i32>} : memref<72x1152xf32, #tpu.memory_space<vmem>>, vector<16xf32>,
            tpu.vector_store %arg8[%swap3A_490, %swap3A_491], %mul3A_488 {strides = array<i32>} : memref<72x1152xf32, #tpu.memory_space<vmem>>, vector<16xf32>,
            %broadcast_in_dim3A_493 = arith.constant 3 : i32
            %broadcast_in_dim3A_494 = vector.broadcast %broadcast_in_dim3A_493 : i32 to vector<16xi32>
            %reshape3A_495 = vector.shape_cast %broadcast_in_dim3A_494 : vector<16xi32> to vector<16x1xi32>
            %gather3A_496 = vector.shape_cast %reshape3A_495 : vector<16x1xi32> to vector<16xi32>
            %gather3A_497 = tpu.dynamic_gather %exp3A[%gather3A_496] in [0] : vector<16xf32>, vector<16xi32> -> vector<16xf32>
            %get3A_498 = arith.index_cast %scan3A_83 : i32 to index
            %get3A_499 = arith.constant 768 : index
            %get3A_500 = tpu.vector_load %arg15[%get3A_498, %get3A_499] {strides = array<i32>} : memref<16x1024xf32, #tpu.memory_space<vmem>>, vector<16xf32>,
            %mul3A_501 = arith.mulf %get3A_500, %gather3A_497 : vector<16xf32>
            %add3A_502 = arith.addi %mul3A_71, %scan3A_83 : i32
            %swap3A_503 = arith.index_cast %add3A_502 : i32 to index
            %swap3A_504 = arith.constant 768 : index
            %swap3A_505 = tpu.vector_load %arg8[%swap3A_503, %swap3A_504] {strides = array<i32>} : memref<72x1152xf32, #tpu.memory_space<vmem>>, vector<16xf32>,
            tpu.vector_store %arg8[%swap3A_503, %swap3A_504], %mul3A_501 {strides = array<i32>} : memref<72x1152xf32, #tpu.memory_space<vmem>>, vector<16xf32>,
            %get3A_506 = arith.index_cast %scan3A_83 : i32 to index
            %get3A_507 = arith.constant 784 : index
            %get3A_508 = tpu.vector_load %arg15[%get3A_506, %get3A_507] {strides = array<i32>} : memref<16x1024xf32, #tpu.memory_space<vmem>>, vector<16xf32>,
            %mul3A_509 = arith.mulf %get3A_508, %gather3A_497 : vector<16xf32>
            %add3A_510 = arith.addi %mul3A_71, %scan3A_83 : i32
            %swap3A_511 = arith.index_cast %add3A_510 : i32 to index
            %swap3A_512 = arith.constant 784 : index
            %swap3A_513 = tpu.vector_load %arg8[%swap3A_511, %swap3A_512] {strides = array<i32>} : memref<72x1152xf32, #tpu.memory_space<vmem>>, vector<16xf32>,
            tpu.vector_store %arg8[%swap3A_511, %swap3A_512], %mul3A_509 {strides = array<i32>} : memref<72x1152xf32, #tpu.memory_space<vmem>>, vector<16xf32>,
            %get3A_514 = arith.index_cast %scan3A_83 : i32 to index
            %get3A_515 = arith.constant 800 : index
            %get3A_516 = tpu.vector_load %arg15[%get3A_514, %get3A_515] {strides = array<i32>} : memref<16x1024xf32, #tpu.memory_space<vmem>>, vector<16xf32>,
            %mul3A_517 = arith.mulf %get3A_516, %gather3A_497 : vector<16xf32>
            %add3A_518 = arith.addi %mul3A_71, %scan3A_83 : i32
            %swap3A_519 = arith.index_cast %add3A_518 : i32 to index
            %swap3A_520 = arith.constant 800 : index
            %swap3A_521 = tpu.vector_load %arg8[%swap3A_519, %swap3A_520] {strides = array<i32>} : memref<72x1152xf32, #tpu.memory_space<vmem>>, vector<16xf32>,
            tpu.vector_store %arg8[%swap3A_519, %swap3A_520], %mul3A_517 {strides = array<i32>} : memref<72x1152xf32, #tpu.memory_space<vmem>>, vector<16xf32>,
            %get3A_522 = arith.index_cast %scan3A_83 : i32 to index
            %get3A_523 = arith.constant 816 : index
            %get3A_524 = tpu.vector_load %arg15[%get3A_522, %get3A_523] {strides = array<i32>} : memref<16x1024xf32, #tpu.memory_space<vmem>>, vector<16xf32>,
            %mul3A_525 = arith.mulf %get3A_524, %gather3A_497 : vector<16xf32>
            %add3A_526 = arith.addi %mul3A_71, %scan3A_83 : i32
            %swap3A_527 = arith.index_cast %add3A_526 : i32 to index
            %swap3A_528 = arith.constant 816 : index
            %swap3A_529 = tpu.vector_load %arg8[%swap3A_527, %swap3A_528] {strides = array<i32>} : memref<72x1152xf32, #tpu.memory_space<vmem>>, vector<16xf32>,
            tpu.vector_store %arg8[%swap3A_527, %swap3A_528], %mul3A_525 {strides = array<i32>} : memref<72x1152xf32, #tpu.memory_space<vmem>>, vector<16xf32>,
            %get3A_530 = arith.index_cast %scan3A_83 : i32 to index
            %get3A_531 = arith.constant 832 : index
            %get3A_532 = tpu.vector_load %arg15[%get3A_530, %get3A_531] {strides = array<i32>} : memref<16x1024xf32, #tpu.memory_space<vmem>>, vector<16xf32>,
            %mul3A_533 = arith.mulf %get3A_532, %gather3A_497 : vector<16xf32>
            %add3A_534 = arith.addi %mul3A_71, %scan3A_83 : i32
            %swap3A_535 = arith.index_cast %add3A_534 : i32 to index
            %swap3A_536 = arith.constant 832 : index
            %swap3A_537 = tpu.vector_load %arg8[%swap3A_535, %swap3A_536] {strides = array<i32>} : memref<72x1152xf32, #tpu.memory_space<vmem>>, vector<16xf32>,
            tpu.vector_store %arg8[%swap3A_535, %swap3A_536], %mul3A_533 {strides = array<i32>} : memref<72x1152xf32, #tpu.memory_space<vmem>>, vector<16xf32>,
            %get3A_538 = arith.index_cast %scan3A_83 : i32 to index
            %get3A_539 = arith.constant 848 : index
            %get3A_540 = tpu.vector_load %arg15[%get3A_538, %get3A_539] {strides = array<i32>} : memref<16x1024xf32, #tpu.memory_space<vmem>>, vector<16xf32>,
            %mul3A_541 = arith.mulf %get3A_540, %gather3A_497 : vector<16xf32>
            %add3A_542 = arith.addi %mul3A_71, %scan3A_83 : i32
            %swap3A_543 = arith.index_cast %add3A_542 : i32 to index
            %swap3A_544 = arith.constant 848 : index
            %swap3A_545 = tpu.vector_load %arg8[%swap3A_543, %swap3A_544] {strides = array<i32>} : memref<72x1152xf32, #tpu.memory_space<vmem>>, vector<16xf32>,
            tpu.vector_store %arg8[%swap3A_543, %swap3A_544], %mul3A_541 {strides = array<i32>} : memref<72x1152xf32, #tpu.memory_space<vmem>>, vector<16xf32>,
            %get3A_546 = arith.index_cast %scan3A_83 : i32 to index
            %get3A_547 = arith.constant 864 : index
            %get3A_548 = tpu.vector_load %arg15[%get3A_546, %get3A_547] {strides = array<i32>} : memref<16x1024xf32, #tpu.memory_space<vmem>>, vector<16xf32>,
            %mul3A_549 = arith.mulf %get3A_548, %gather3A_497 : vector<16xf32>
            %add3A_550 = arith.addi %mul3A_71, %scan3A_83 : i32
            %swap3A_551 = arith.index_cast %add3A_550 : i32 to index
            %swap3A_552 = arith.constant 864 : index
            %swap3A_553 = tpu.vector_load %arg8[%swap3A_551, %swap3A_552] {strides = array<i32>} : memref<72x1152xf32, #tpu.memory_space<vmem>>, vector<16xf32>,
            tpu.vector_store %arg8[%swap3A_551, %swap3A_552], %mul3A_549 {strides = array<i32>} : memref<72x1152xf32, #tpu.memory_space<vmem>>, vector<16xf32>,
            %get3A_554 = arith.index_cast %scan3A_83 : i32 to index
            %get3A_555 = arith.constant 880 : index
            %get3A_556 = tpu.vector_load %arg15[%get3A_554, %get3A_555] {strides = array<i32>} : memref<16x1024xf32, #tpu.memory_space<vmem>>, vector<16xf32>,
            %mul3A_557 = arith.mulf %get3A_556, %gather3A_497 : vector<16xf32>
            %add3A_558 = arith.addi %mul3A_71, %scan3A_83 : i32
            %swap3A_559 = arith.index_cast %add3A_558 : i32 to index
            %swap3A_560 = arith.constant 880 : index
            %swap3A_561 = tpu.vector_load %arg8[%swap3A_559, %swap3A_560] {strides = array<i32>} : memref<72x1152xf32, #tpu.memory_space<vmem>>, vector<16xf32>,
            tpu.vector_store %arg8[%swap3A_559, %swap3A_560], %mul3A_557 {strides = array<i32>} : memref<72x1152xf32, #tpu.memory_space<vmem>>, vector<16xf32>,
            %get3A_562 = arith.index_cast %scan3A_83 : i32 to index
            %get3A_563 = arith.constant 896 : index
            %get3A_564 = tpu.vector_load %arg15[%get3A_562, %get3A_563] {strides = array<i32>} : memref<16x1024xf32, #tpu.memory_space<vmem>>, vector<16xf32>,
            %mul3A_565 = arith.mulf %get3A_564, %gather3A_497 : vector<16xf32>
            %add3A_566 = arith.addi %mul3A_71, %scan3A_83 : i32
            %swap3A_567 = arith.index_cast %add3A_566 : i32 to index
            %swap3A_568 = arith.constant 896 : index
            %swap3A_569 = tpu.vector_load %arg8[%swap3A_567, %swap3A_568] {strides = array<i32>} : memref<72x1152xf32, #tpu.memory_space<vmem>>, vector<16xf32>,
            tpu.vector_store %arg8[%swap3A_567, %swap3A_568], %mul3A_565 {strides = array<i32>} : memref<72x1152xf32, #tpu.memory_space<vmem>>, vector<16xf32>,
            %get3A_570 = arith.index_cast %scan3A_83 : i32 to index
            %get3A_571 = arith.constant 912 : index
            %get3A_572 = tpu.vector_load %arg15[%get3A_570, %get3A_571] {strides = array<i32>} : memref<16x1024xf32, #tpu.memory_space<vmem>>, vector<16xf32>,
            %mul3A_573 = arith.mulf %get3A_572, %gather3A_497 : vector<16xf32>
            %add3A_574 = arith.addi %mul3A_71, %scan3A_83 : i32
            %swap3A_575 = arith.index_cast %add3A_574 : i32 to index
            %swap3A_576 = arith.constant 912 : index
            %swap3A_577 = tpu.vector_load %arg8[%swap3A_575, %swap3A_576] {strides = array<i32>} : memref<72x1152xf32, #tpu.memory_space<vmem>>, vector<16xf32>,
            tpu.vector_store %arg8[%swap3A_575, %swap3A_576], %mul3A_573 {strides = array<i32>} : memref<72x1152xf32, #tpu.memory_space<vmem>>, vector<16xf32>,
            %get3A_578 = arith.index_cast %scan3A_83 : i32 to index
            %get3A_579 = arith.constant 928 : index
            %get3A_580 = tpu.vector_load %arg15[%get3A_578, %get3A_579] {strides = array<i32>} : memref<16x1024xf32, #tpu.memory_space<vmem>>, vector<16xf32>,
            %mul3A_581 = arith.mulf %get3A_580, %gather3A_497 : vector<16xf32>
            %add3A_582 = arith.addi %mul3A_71, %scan3A_83 : i32
            %swap3A_583 = arith.index_cast %add3A_582 : i32 to index
            %swap3A_584 = arith.constant 928 : index
            %swap3A_585 = tpu.vector_load %arg8[%swap3A_583, %swap3A_584] {strides = array<i32>} : memref<72x1152xf32, #tpu.memory_space<vmem>>, vector<16xf32>,
            tpu.vector_store %arg8[%swap3A_583, %swap3A_584], %mul3A_581 {strides = array<i32>} : memref<72x1152xf32, #tpu.memory_space<vmem>>, vector<16xf32>,
            %get3A_586 = arith.index_cast %scan3A_83 : i32 to index
            %get3A_587 = arith.constant 944 : index
            %get3A_588 = tpu.vector_load %arg15[%get3A_586, %get3A_587] {strides = array<i32>} : memref<16x1024xf32, #tpu.memory_space<vmem>>, vector<16xf32>,
            %mul3A_589 = arith.mulf %get3A_588, %gather3A_497 : vector<16xf32>
            %add3A_590 = arith.addi %mul3A_71, %scan3A_83 : i32
            %swap3A_591 = arith.index_cast %add3A_590 : i32 to index
            %swap3A_592 = arith.constant 944 : index
            %swap3A_593 = tpu.vector_load %arg8[%swap3A_591, %swap3A_592] {strides = array<i32>} : memref<72x1152xf32, #tpu.memory_space<vmem>>, vector<16xf32>,
            tpu.vector_store %arg8[%swap3A_591, %swap3A_592], %mul3A_589 {strides = array<i32>} : memref<72x1152xf32, #tpu.memory_space<vmem>>, vector<16xf32>,
            %get3A_594 = arith.index_cast %scan3A_83 : i32 to index
            %get3A_595 = arith.constant 960 : index
            %get3A_596 = tpu.vector_load %arg15[%get3A_594, %get3A_595] {strides = array<i32>} : memref<16x1024xf32, #tpu.memory_space<vmem>>, vector<16xf32>,
            %mul3A_597 = arith.mulf %get3A_596, %gather3A_497 : vector<16xf32>
            %add3A_598 = arith.addi %mul3A_71, %scan3A_83 : i32
            %swap3A_599 = arith.index_cast %add3A_598 : i32 to index
            %swap3A_600 = arith.constant 960 : index
            %swap3A_601 = tpu.vector_load %arg8[%swap3A_599, %swap3A_600] {strides = array<i32>} : memref<72x1152xf32, #tpu.memory_space<vmem>>, vector<16xf32>,
            tpu.vector_store %arg8[%swap3A_599, %swap3A_600], %mul3A_597 {strides = array<i32>} : memref<72x1152xf32, #tpu.memory_space<vmem>>, vector<16xf32>,
            %get3A_602 = arith.index_cast %scan3A_83 : i32 to index
            %get3A_603 = arith.constant 976 : index
            %get3A_604 = tpu.vector_load %arg15[%get3A_602, %get3A_603] {strides = array<i32>} : memref<16x1024xf32, #tpu.memory_space<vmem>>, vector<16xf32>,
            %mul3A_605 = arith.mulf %get3A_604, %gather3A_497 : vector<16xf32>
            %add3A_606 = arith.addi %mul3A_71, %scan3A_83 : i32
            %swap3A_607 = arith.index_cast %add3A_606 : i32 to index
            %swap3A_608 = arith.constant 976 : index
            %swap3A_609 = tpu.vector_load %arg8[%swap3A_607, %swap3A_608] {strides = array<i32>} : memref<72x1152xf32, #tpu.memory_space<vmem>>, vector<16xf32>,
            tpu.vector_store %arg8[%swap3A_607, %swap3A_608], %mul3A_605 {strides = array<i32>} : memref<72x1152xf32, #tpu.memory_space<vmem>>, vector<16xf32>,
            %get3A_610 = arith.index_cast %scan3A_83 : i32 to index
            %get3A_611 = arith.constant 992 : index
            %get3A_612 = tpu.vector_load %arg15[%get3A_610, %get3A_611] {strides = array<i32>} : memref<16x1024xf32, #tpu.memory_space<vmem>>, vector<16xf32>,
            %mul3A_613 = arith.mulf %get3A_612, %gather3A_497 : vector<16xf32>
            %add3A_614 = arith.addi %mul3A_71, %scan3A_83 : i32
            %swap3A_615 = arith.index_cast %add3A_614 : i32 to index
            %swap3A_616 = arith.constant 992 : index
            %swap3A_617 = tpu.vector_load %arg8[%swap3A_615, %swap3A_616] {strides = array<i32>} : memref<72x1152xf32, #tpu.memory_space<vmem>>, vector<16xf32>,
            tpu.vector_store %arg8[%swap3A_615, %swap3A_616], %mul3A_613 {strides = array<i32>} : memref<72x1152xf32, #tpu.memory_space<vmem>>, vector<16xf32>,
            %get3A_618 = arith.index_cast %scan3A_83 : i32 to index
            %get3A_619 = arith.constant 1008 : index
            %get3A_620 = tpu.vector_load %arg15[%get3A_618, %get3A_619] {strides = array<i32>} : memref<16x1024xf32, #tpu.memory_space<vmem>>, vector<16xf32>,
            %mul3A_621 = arith.mulf %get3A_620, %gather3A_497 : vector<16xf32>
            %add3A_622 = arith.addi %mul3A_71, %scan3A_83 : i32
            %swap3A_623 = arith.index_cast %add3A_622 : i32 to index
            %swap3A_624 = arith.constant 1008 : index
            %swap3A_625 = tpu.vector_load %arg8[%swap3A_623, %swap3A_624] {strides = array<i32>} : memref<72x1152xf32, #tpu.memory_space<vmem>>, vector<16xf32>,
            tpu.vector_store %arg8[%swap3A_623, %swap3A_624], %mul3A_621 {strides = array<i32>} : memref<72x1152xf32, #tpu.memory_space<vmem>>, vector<16xf32>,
            %scan3A_626 = arith.constant 0 : i32
            scf.yield %scan3A_626 : i32
          }
          %scan3A_82 = arith.constant 8 : i32
        } else {
        }
        %scan3A_75 = arith.constant 0 : i32
        scf.yield %scan3A_75 : i32
      }
      %scan3A_20 = arith.constant 8 : i32
      %scan3A_21 = arith.constant 0 : i32
      %scan3A_22 = arith.constant 0 : i32
      %scan3A_23 = arith.constant 128 : i32
      %scan3A_24 = arith.addi %scan3A_22, %scan3A_23 : i32
      %scan3A_25 = arith.constant 1 : i32
      %scan3A_26 = scf.for %scan3A_68 = %scan3A_22 to %scan3A_24 step %scan3A_25 iter_args(%scan3A_69 = %scan3A_21) -> (i32)  : i32 {
        %broadcast_in_dim3A = arith.constant 0 : i32
        %broadcast_in_dim3A_70 = vector.broadcast %broadcast_in_dim3A : i32 to vector<16xi32>
        %mul3A_71 = arith.constant 16 : i32
        %mul3A_72 = arith.muli %scan3A_68, %mul3A_71 : i32
        %swap3A = arith.index_cast %mul3A_72 : i32 to index
        %swap3A_73 = tpu.vector_load %arg11[%swap3A] {strides = array<i32>} : memref<2048xi32, #tpu.memory_space<vmem>>, vector<16xi32>,
        tpu.vector_store %arg11[%swap3A], %broadcast_in_dim3A_70 {strides = array<i32>} : memref<2048xi32, #tpu.memory_space<vmem>>, vector<16xi32>,
        %broadcast_in_dim3A_74 = arith.constant 0 : i32
        %broadcast_in_dim3A_75 = vector.broadcast %broadcast_in_dim3A_74 : i32 to vector<16xi32>
        %add3A_76 = arith.constant 64 : i32
        %add3A_77 = arith.addi %add3A_13, %add3A_76 : i32
        %add3A_78 = vector.broadcast %add3A_77 : i32 to vector<16xi32>
        %add3A_79 = arith.addi %broadcast_in_dim3A_75, %add3A_78 : vector<16xi32>
        %mul3A_80 = arith.constant 16 : i32
        %mul3A_81 = arith.muli %scan3A_68, %mul3A_80 : i32
        %swap3A_82 = arith.index_cast %mul3A_81 : i32 to index
        %swap3A_83 = tpu.vector_load %arg12[%swap3A_82] {strides = array<i32>} : memref<2048xi32, #tpu.memory_space<vmem>>, vector<16xi32>,
        tpu.vector_store %arg12[%swap3A_82], %add3A_79 {strides = array<i32>} : memref<2048xi32, #tpu.memory_space<vmem>>, vector<16xi32>,
        %scan3A_84 = arith.constant 0 : i32
        scf.yield %scan3A_84 : i32
      }
      %scan3A_27 = arith.constant 128 : i32
      %scan3A_28 = arith.constant 0 : i32
      %scan3A_29 = arith.constant 0 : i32
      %scan3A_30 = arith.constant 80 : i32
      %scan3A_31 = arith.addi %scan3A_29, %scan3A_30 : i32
      %scan3A_32 = arith.constant 1 : i32
      %scan3A_33 = scf.for %scan3A_68 = %scan3A_29 to %scan3A_31 step %scan3A_32 iter_args(%scan3A_69 = %scan3A_28) -> (i32)  : i32 {
        %mul3A_70 = arith.constant 2000 : i32
        %mul3A_71 = arith.muli %scan3A_68, %mul3A_70 : i32
        "tpu.region"() ({
          %run_scoped3A = tpu.sem_alloc : memref<!tpu.dma_semaphore, #tpu.memory_space<semaphore_mem>>
          %dma_start3A = tpu.memref_slice %arg5[%mul3A_71] : memref<160000xi32, #tpu.memory_space<hbm>> -> memref<2000xi32, #tpu.memory_space<hbm>>
          %dma_start3A_80 = tpu.memref_slice %arg5[%mul3A_71] : memref<160000xi32, #tpu.memory_space<hbm>> -> memref<2000xi32, #tpu.memory_space<hbm>>
          tpu.enqueue_dma source(%dma_start3A_80 : memref<2000xi32, #tpu.memory_space<hbm>>) target(%arg9 : memref<2000xi32, #tpu.memory_space<vmem>>) target_semaphore(%run_scoped3A : memref<!tpu.dma_semaphore, #tpu.memory_space<semaphore_mem>>)
          %dma_wait3A = tpu.memref_slice %arg5[%mul3A_71] : memref<160000xi32, #tpu.memory_space<hbm>> -> memref<2000xi32, #tpu.memory_space<hbm>>
          %dma_wait3A_81 = tpu.memref_slice %arg5[%mul3A_71] : memref<160000xi32, #tpu.memory_space<hbm>> -> memref<2000xi32, #tpu.memory_space<hbm>>
          tpu.wait_dma2 semaphore(%run_scoped3A : memref<!tpu.dma_semaphore, #tpu.memory_space<semaphore_mem>>) src(%dma_wait3A_81 : memref<2000xi32, #tpu.memory_space<hbm>>) dst(%arg9 : memref<2000xi32, #tpu.memory_space<vmem>>)
          tpu.yield
        }) : () -> ()
        %mul3A_72 = arith.constant 2000 : i32
        %mul3A_73 = arith.muli %scan3A_68, %mul3A_72 : i32
        "tpu.region"() ({
          %run_scoped3A = tpu.sem_alloc : memref<!tpu.dma_semaphore, #tpu.memory_space<semaphore_mem>>
          %dma_start3A = tpu.memref_slice %arg6[%mul3A_73] : memref<160000xi32, #tpu.memory_space<hbm>> -> memref<2000xi32, #tpu.memory_space<hbm>>
          %dma_start3A_80 = tpu.memref_slice %arg6[%mul3A_73] : memref<160000xi32, #tpu.memory_space<hbm>> -> memref<2000xi32, #tpu.memory_space<hbm>>
          tpu.enqueue_dma source(%dma_start3A_80 : memref<2000xi32, #tpu.memory_space<hbm>>) target(%arg10 : memref<2000xi32, #tpu.memory_space<vmem>>) target_semaphore(%run_scoped3A : memref<!tpu.dma_semaphore, #tpu.memory_space<semaphore_mem>>)
          %dma_wait3A = tpu.memref_slice %arg6[%mul3A_73] : memref<160000xi32, #tpu.memory_space<hbm>> -> memref<2000xi32, #tpu.memory_space<hbm>>
          %dma_wait3A_81 = tpu.memref_slice %arg6[%mul3A_73] : memref<160000xi32, #tpu.memory_space<hbm>> -> memref<2000xi32, #tpu.memory_space<hbm>>
          tpu.wait_dma2 semaphore(%run_scoped3A : memref<!tpu.dma_semaphore, #tpu.memory_space<semaphore_mem>>) src(%dma_wait3A_81 : memref<2000xi32, #tpu.memory_space<hbm>>) dst(%arg10 : memref<2000xi32, #tpu.memory_space<vmem>>)
          tpu.yield
        }) : () -> ()
        %scan3A_74 = arith.constant 0 : i32
        %scan3A_75 = arith.constant 125 : i32
        %scan3A_76 = arith.addi %scan3A_74, %scan3A_75 : i32
        %scan3A_77 = arith.constant 1 : i32
        %scan3A_78 = scf.for %scan3A_80 = %scan3A_74 to %scan3A_76 step %scan3A_77 iter_args(%scan3A_81 = %scan3A_69) -> (i32)  : i32 {
          %mul3A_82 = arith.constant 16 : i32
          %mul3A_83 = arith.muli %scan3A_80, %mul3A_82 : i32
          %get3A = arith.index_cast %mul3A_83 : i32 to index
          %get3A_84 = tpu.vector_load %arg9[%get3A] {strides = array<i32>} : memref<2000xi32, #tpu.memory_space<vmem>>, vector<16xi32>,
          %mul3A_85 = arith.constant 16 : i32
          %mul3A_86 = arith.muli %scan3A_80, %mul3A_85 : i32
          %get3A_87 = arith.index_cast %mul3A_86 : i32 to index
          %get3A_88 = tpu.vector_load %arg10[%get3A_87] {strides = array<i32>} : memref<2000xi32, #tpu.memory_space<vmem>>, vector<16xi32>,
          %ge3A = vector.broadcast %add3A_13 : i32 to vector<16xi32>
          %ge3A_89 = arith.cmpi sge, %get3A_88, %ge3A : vector<16xi32>
          %add3A_90 = arith.constant 64 : i32
          %add3A_91 = arith.addi %add3A_13, %add3A_90 : i32
          %lt3A = vector.broadcast %add3A_91 : i32 to vector<16xi32>
          %lt3A_92 = arith.cmpi slt, %get3A_88, %lt3A : vector<16xi32>
          %and3A_93 = arith.andi %ge3A_89, %lt3A_92 : vector<16xi1>
          %le3A = arith.constant 2032 : i32
          %le3A_94 = arith.cmpi sle, %scan3A_81, %le3A : i32
          %convert_element_type3A = arith.extui %le3A_94 : i1 to i32
          %cond3A = arith.constant 0 : i32
          %cond3A_95 = arith.cmpi ne, %convert_element_type3A, %cond3A : i32
          scf.if %cond3A_95 {
            %swap3A = arith.index_cast %scan3A_81 : i32 to index
            %swap3A_104 = tpu.vector_load %arg11[%swap3A] masked %and3A_93 {strides = array<i32>} : memref<2048xi32, #tpu.memory_space<vmem>>, vector<16xi32>, vector<16xi1>
            tpu.vector_store %arg11[%swap3A], %get3A_84 masked %and3A_93 {strides = array<i32>} : memref<2048xi32, #tpu.memory_space<vmem>>, vector<16xi32>, vector<16xi1>
            %swap3A_105 = arith.index_cast %scan3A_81 : i32 to index
            %swap3A_106 = tpu.vector_load %arg12[%swap3A_105] masked %and3A_93 {strides = array<i32>} : memref<2048xi32, #tpu.memory_space<vmem>>, vector<16xi32>, vector<16xi1>
            tpu.vector_store %arg12[%swap3A_105], %get3A_88 masked %and3A_93 {strides = array<i32>} : memref<2048xi32, #tpu.memory_space<vmem>>, vector<16xi32>, vector<16xi1>
          } else {
          }
          %jit3A_96 = arith.constant 1 : i32
          %jit3A_97 = arith.constant 0 : i32
          %broadcast_in_dim3A = vector.broadcast %jit3A_96 : i32 to vector<16xi32>
          %broadcast_in_dim3A_98 = vector.broadcast %jit3A_97 : i32 to vector<16xi32>
          %select_n3A_99 = arith.select %and3A_93, %broadcast_in_dim3A, %broadcast_in_dim3A_98 : vector<16xi1>, vector<16xi32>
          %reduce_sum3A = arith.constant true
          %reduce_sum3A_100 = vector.broadcast %reduce_sum3A : i1 to vector<16xi1>
          %reduce_sum3A_101 = tpu.scan <sum>, %select_n3A_99 masked %reduce_sum3A_100 : vector<16xi32>, vector<16xi1> -> vector<16xi32>
          %reduce_sum3A_102 = vector.extract %reduce_sum3A_101[15] : i32 from vector<16xi32>
          %add3A_103 = arith.addi %scan3A_81, %reduce_sum3A_102 : i32
          scf.yield %add3A_103 : i32
        }
        %scan3A_79 = arith.constant 125 : i32
        scf.yield %scan3A_78 : i32
      }
      %scan3A_34 = arith.constant 80 : i32
      %min3A = arith.constant 2048 : i32
      %min3A_35 = arith.minsi %scan3A_33, %min3A : i32
      %iota3A = tpu.iota {dimensions = array<i32: 0>} : vector<16xi32>
      %add3A_36 = arith.constant 16 : i32
      %add3A_37 = arith.addi %min3A_35, %add3A_36 : i32
      %sub3A = arith.constant 1 : i32
      %sub3A_38 = arith.subi %add3A_37, %sub3A : i32
      %jit3A = arith.constant 16 : i32
      %div3A = arith.divsi %sub3A_38, %jit3A : i32
      %sign3A = arith.constant 0 : i32
      %sign3A_39 = arith.cmpi sgt, %sub3A_38, %sign3A : i32
      %sign3A_40 = arith.extui %sign3A_39 : i1 to i32
      %sign3A_41 = arith.constant 0 : i32
      %sign3A_42 = arith.cmpi slt, %sub3A_38, %sign3A_41 : i32
      %sign3A_43 = arith.extui %sign3A_42 : i1 to i32
      %sign3A_44 = arith.subi %sign3A_40, %sign3A_43 : i32
      %sign3A_45 = arith.constant 0 : i32
      %sign3A_46 = arith.cmpi sgt, %jit3A, %sign3A_45 : i32
      %sign3A_47 = arith.extui %sign3A_46 : i1 to i32
      %sign3A_48 = arith.constant 0 : i32
      %sign3A_49 = arith.cmpi slt, %jit3A, %sign3A_48 : i32
      %sign3A_50 = arith.extui %sign3A_49 : i1 to i32
      %sign3A_51 = arith.subi %sign3A_47, %sign3A_50 : i32
      %ne3A = arith.cmpi ne, %sign3A_44, %sign3A_51 : i32
      %rem3A = arith.remsi %sub3A_38, %jit3A : i32
      %ne3A_52 = arith.constant 0 : i32
      %ne3A_53 = arith.cmpi ne, %rem3A, %ne3A_52 : i32
      %and3A = arith.andi %ne3A, %ne3A_53 : i1
      %sub3A_54 = arith.constant 1 : i32
      %sub3A_55 = arith.subi %div3A, %sub3A_54 : i32
      %select_n3A = arith.select %and3A, %sub3A_55, %div3A : i32
      %while3A = arith.constant 0 : i32
      %while3A_56 = arith.constant 0 : i32
      %while3A_57 = arith.subi %select_n3A, %while3A : i32
      %while3A_58 = arith.addi %while3A, %while3A_57 : i32
      %while3A_59 = arith.constant 1 : i32
      %while3A_60 = arith.divsi %while3A_57, %while3A_59 : i32
      %while3A_61 = arith.muli %while3A_60, %while3A_59 : i32
      %while3A_62 = arith.addi %while3A, %while3A_61 : i32
      %while3A_63 = arith.constant 1 : i32
      %while3A_64 = scf.for %while3A_68 = %while3A to %while3A_62 step %while3A_63 iter_args(%while3A_69 = %while3A_56) -> (i32)  : i32 {
        %mul3A_70 = arith.constant 16 : i32
        %mul3A_71 = arith.muli %while3A_68, %mul3A_70 : i32
        %get3A = arith.index_cast %mul3A_71 : i32 to index
        %get3A_72 = tpu.vector_load %arg11[%get3A] {strides = array<i32>} : memref<2048xi32, #tpu.memory_space<vmem>>, vector<16xi32>,
        %swap3A = arith.constant 0 : i32
        %swap3A_73 = arith.index_cast %swap3A : i32 to index
        %swap3A_74 = arith.constant 0 : index
        %swap3A_75 = tpu.vector_load %arg13[%swap3A_73, %swap3A_74] {strides = array<i32>} : memref<1x16xi32, #tpu.memory_space<vmem>>, vector<16xi32>,
        tpu.vector_store %arg13[%swap3A_73, %swap3A_74], %get3A_72 {strides = array<i32>} : memref<1x16xi32, #tpu.memory_space<vmem>>, vector<16xi32>,
        %get3A_76 = arith.index_cast %mul3A_71 : i32 to index
        %get3A_77 = tpu.vector_load %arg12[%get3A_76] {strides = array<i32>} : memref<2048xi32, #tpu.memory_space<vmem>>, vector<16xi32>,
        %sub3A_78 = vector.broadcast %add3A_13 : i32 to vector<16xi32>
        %sub3A_79 = arith.subi %get3A_77, %sub3A_78 : vector<16xi32>
        %min3A_80 = arith.constant 10239 : i32
        %min3A_81 = vector.broadcast %min3A_80 : i32 to vector<16xi32>
        %min3A_82 = arith.minsi %get3A_77, %min3A_81 : vector<16xi32>
        %swap3A_83 = arith.constant 0 : i32
        %swap3A_84 = arith.index_cast %swap3A_83 : i32 to index
        %swap3A_85 = arith.constant 0 : index
        %swap3A_86 = tpu.vector_load %arg14[%swap3A_84, %swap3A_85] {strides = array<i32>} : memref<1x16xi32, #tpu.memory_space<vmem>>, vector<16xi32>,
        tpu.vector_store %arg14[%swap3A_84, %swap3A_85], %min3A_82 {strides = array<i32>} : memref<1x16xi32, #tpu.memory_space<vmem>>, vector<16xi32>,
        %dma_start3A = arith.constant 0 : i32
        %dma_start3A_87 = arith.constant 0 : i32
        %dma_start3A_88 = tpu.memref_slice %arg13[%dma_start3A, %dma_start3A_87] : memref<1x16xi32, #tpu.memory_space<vmem>> -> memref<1x16xi32, #tpu.memory_space<vmem>>
        %dma_start3A_89 = tpu.memref_squeeze %dma_start3A_88 : memref<1x16xi32, #tpu.memory_space<vmem>> -> memref<16xi32, #tpu.memory_space<vmem>>
        %dma_start3A_90 = arith.constant 0 : i32
        %dma_start3A_91 = arith.constant 0 : i32
        %dma_start3A_92 = tpu.memref_slice %arg2[%dma_start3A_90, %dma_start3A_91] : memref<10240x1024xf32, #tpu.memory_space<hbm>> -> memref<10240x1024xf32, #tpu.memory_space<hbm>>
        tpu.enqueue_indirect_dma source(%dma_start3A_92 : memref<10240x1024xf32, #tpu.memory_space<hbm>>) target(%arg15 : memref<16x1024xf32, #tpu.memory_space<vmem>>) offsets(%dma_start3A_89 : memref<16xi32, #tpu.memory_space<vmem>>) semaphore(%arg18 : memref<!tpu.dma_semaphore, #tpu.memory_space<semaphore_mem>>)
        %dma_start3A_93 = arith.constant 0 : i32
        %dma_start3A_94 = arith.constant 0 : i32
        %dma_start3A_95 = tpu.memref_slice %arg13[%dma_start3A_93, %dma_start3A_94] : memref<1x16xi32, #tpu.memory_space<vmem>> -> memref<1x16xi32, #tpu.memory_space<vmem>>
        %dma_start3A_96 = tpu.memref_squeeze %dma_start3A_95 : memref<1x16xi32, #tpu.memory_space<vmem>> -> memref<16xi32, #tpu.memory_space<vmem>>
        %dma_start3A_97 = arith.constant 0 : i32
        %dma_start3A_98 = arith.constant 0 : i32
        %dma_start3A_99 = tpu.memref_slice %arg3[%dma_start3A_97, %dma_start3A_98] : memref<10240x128xf32, #tpu.memory_space<hbm>> -> memref<10240x128xf32, #tpu.memory_space<hbm>>
        tpu.enqueue_indirect_dma source(%dma_start3A_99 : memref<10240x128xf32, #tpu.memory_space<hbm>>) target(%arg16 : memref<16x128xf32, #tpu.memory_space<vmem>>) offsets(%dma_start3A_96 : memref<16xi32, #tpu.memory_space<vmem>>) semaphore(%arg19 : memref<!tpu.dma_semaphore, #tpu.memory_space<semaphore_mem>>)
        %dma_start3A_100 = arith.constant 0 : i32
        %dma_start3A_101 = arith.constant 0 : i32
        %dma_start3A_102 = tpu.memref_slice %arg14[%dma_start3A_100, %dma_start3A_101] : memref<1x16xi32, #tpu.memory_space<vmem>> -> memref<1x16xi32, #tpu.memory_space<vmem>>
        %dma_start3A_103 = tpu.memref_squeeze %dma_start3A_102 : memref<1x16xi32, #tpu.memory_space<vmem>> -> memref<16xi32, #tpu.memory_space<vmem>>
        %dma_start3A_104 = arith.constant 0 : i32
        %dma_start3A_105 = arith.constant 0 : i32
        %dma_start3A_106 = tpu.memref_slice %arg4[%dma_start3A_104, %dma_start3A_105] : memref<10240x128xf32, #tpu.memory_space<hbm>> -> memref<10240x128xf32, #tpu.memory_space<hbm>>
        tpu.enqueue_indirect_dma source(%dma_start3A_106 : memref<10240x128xf32, #tpu.memory_space<hbm>>) target(%arg17 : memref<16x128xf32, #tpu.memory_space<vmem>>) offsets(%dma_start3A_103 : memref<16xi32, #tpu.memory_space<vmem>>) semaphore(%arg20 : memref<!tpu.dma_semaphore, #tpu.memory_space<semaphore_mem>>)
        %dma_wait3A = arith.constant 0 : i32
        %dma_wait3A_107 = arith.constant 0 : i32
        %dma_wait3A_108 = tpu.memref_slice %arg13[%dma_wait3A, %dma_wait3A_107] : memref<1x16xi32, #tpu.memory_space<vmem>> -> memref<1x16xi32, #tpu.memory_space<vmem>>
        %dma_wait3A_109 = tpu.memref_squeeze %dma_wait3A_108 : memref<1x16xi32, #tpu.memory_space<vmem>> -> memref<16xi32, #tpu.memory_space<vmem>>
        %dma_wait3A_110 = arith.constant 0 : i32
        %dma_wait3A_111 = arith.constant 0 : i32
        %dma_wait3A_112 = tpu.memref_slice %arg2[%dma_wait3A_110, %dma_wait3A_111] : memref<10240x1024xf32, #tpu.memory_space<hbm>> -> memref<10240x1024xf32, #tpu.memory_space<hbm>>
        tpu.wait_indirect_dma semaphore(%arg18 : memref<!tpu.dma_semaphore, #tpu.memory_space<semaphore_mem>>) src(%dma_wait3A_112 : memref<10240x1024xf32, #tpu.memory_space<hbm>>) dst(%arg15 : memref<16x1024xf32, #tpu.memory_space<vmem>>)
        %dma_wait3A_113 = arith.constant 0 : i32
        %dma_wait3A_114 = arith.constant 0 : i32
        %dma_wait3A_115 = tpu.memref_slice %arg13[%dma_wait3A_113, %dma_wait3A_114] : memref<1x16xi32, #tpu.memory_space<vmem>> -> memref<1x16xi32, #tpu.memory_space<vmem>>
        %dma_wait3A_116 = tpu.memref_squeeze %dma_wait3A_115 : memref<1x16xi32, #tpu.memory_space<vmem>> -> memref<16xi32, #tpu.memory_space<vmem>>
        %dma_wait3A_117 = arith.constant 0 : i32
        %dma_wait3A_118 = arith.constant 0 : i32
        %dma_wait3A_119 = tpu.memref_slice %arg3[%dma_wait3A_117, %dma_wait3A_118] : memref<10240x128xf32, #tpu.memory_space<hbm>> -> memref<10240x128xf32, #tpu.memory_space<hbm>>
        tpu.wait_indirect_dma semaphore(%arg19 : memref<!tpu.dma_semaphore, #tpu.memory_space<semaphore_mem>>) src(%dma_wait3A_119 : memref<10240x128xf32, #tpu.memory_space<hbm>>) dst(%arg16 : memref<16x128xf32, #tpu.memory_space<vmem>>)
        %dma_wait3A_120 = arith.constant 0 : i32
        %dma_wait3A_121 = arith.constant 0 : i32
        %dma_wait3A_122 = tpu.memref_slice %arg14[%dma_wait3A_120, %dma_wait3A_121] : memref<1x16xi32, #tpu.memory_space<vmem>> -> memref<1x16xi32, #tpu.memory_space<vmem>>
        %dma_wait3A_123 = tpu.memref_squeeze %dma_wait3A_122 : memref<1x16xi32, #tpu.memory_space<vmem>> -> memref<16xi32, #tpu.memory_space<vmem>>
        %dma_wait3A_124 = arith.constant 0 : i32
        %dma_wait3A_125 = arith.constant 0 : i32
        %dma_wait3A_126 = tpu.memref_slice %arg4[%dma_wait3A_124, %dma_wait3A_125] : memref<10240x128xf32, #tpu.memory_space<hbm>> -> memref<10240x128xf32, #tpu.memory_space<hbm>>
        tpu.wait_indirect_dma semaphore(%arg20 : memref<!tpu.dma_semaphore, #tpu.memory_space<semaphore_mem>>) src(%dma_wait3A_126 : memref<10240x128xf32, #tpu.memory_space<hbm>>) dst(%arg17 : memref<16x128xf32, #tpu.memory_space<vmem>>)
        %scan3A_127 = arith.constant 0 : i32
        %scan3A_128 = arith.constant 0 : i32
        %scan3A_129 = arith.constant 16 : i32
        %scan3A_130 = arith.addi %scan3A_128, %scan3A_129 : i32
        %scan3A_131 = arith.constant 1 : i32
        %scan3A_132 = scf.for %scan3A_135 = %scan3A_128 to %scan3A_130 step %scan3A_131 iter_args(%scan3A_136 = %scan3A_127) -> (i32)  : i32 {
          %get3A_137 = arith.index_cast %scan3A_135 : i32 to index
          %get3A_138 = arith.constant 0 : index
          %get3A_139 = tpu.vector_load %arg16[%get3A_137, %get3A_138] {strides = array<i32>} : memref<16x128xf32, #tpu.memory_space<vmem>>, vector<16xf32>,
          %get3A_140 = arith.index_cast %scan3A_135 : i32 to index
          %get3A_141 = arith.constant 0 : index
          %get3A_142 = tpu.vector_load %arg17[%get3A_140, %get3A_141] {strides = array<i32>} : memref<16x128xf32, #tpu.memory_space<vmem>>, vector<16xf32>,
          %add3A_143 = arith.addf %get3A_139, %get3A_142 : vector<16xf32>
          %mul3A_144 = arith.constant 2.000000e-01 : f32
          %mul3A_145 = vector.broadcast %mul3A_144 : f32 to vector<16xf32>
          %mul3A_146 = arith.mulf %mul3A_145, %add3A_143 : vector<16xf32>
          %max3A = arith.maximumf %add3A_143, %mul3A_146 : vector<16xf32>
          %exp3A = math.exp %max3A : vector<16xf32>
          %broadcast_in_dim3A = vector.broadcast %scan3A_135 : i32 to vector<16xi32>
          %reshape3A = vector.shape_cast %broadcast_in_dim3A : vector<16xi32> to vector<16x1xi32>
          %gather3A = vector.shape_cast %reshape3A : vector<16x1xi32> to vector<16xi32>
          %gather3A_147 = tpu.dynamic_gather %sub3A_79[%gather3A] in [0] : vector<16xi32>, vector<16xi32> -> vector<16xi32>
          %add3A_148 = arith.constant 1024 : i32
          %add3A_149 = vector.broadcast %add3A_148 : i32 to vector<16xi32>
          %add3A_150 = arith.addi %iota3A, %add3A_149 : vector<16xi32>
          tpu.vector_store_idx %arg8[%gather3A_147, %add3A_150], %exp3A {add = true} : memref<72x1152xf32, #tpu.memory_space<vmem>>[vector<16xi32>, vector<16xi32>], vector<16xf32>,
          %broadcast_in_dim3A_151 = arith.constant 0 : i32
          %broadcast_in_dim3A_152 = vector.broadcast %broadcast_in_dim3A_151 : i32 to vector<16xi32>
          %reshape3A_153 = vector.shape_cast %broadcast_in_dim3A_152 : vector<16xi32> to vector<16x1xi32>
          %gather3A_154 = vector.shape_cast %reshape3A_153 : vector<16x1xi32> to vector<16xi32>
          %gather3A_155 = tpu.dynamic_gather %exp3A[%gather3A_154] in [0] : vector<16xf32>, vector<16xi32> -> vector<16xf32>
          %add3A_156 = arith.constant 0 : i32
          %add3A_157 = vector.broadcast %add3A_156 : i32 to vector<16xi32>
          %add3A_158 = arith.addi %iota3A, %add3A_157 : vector<16xi32>
          %get3A_159 = arith.index_cast %scan3A_135 : i32 to index
          %get3A_160 = arith.constant 0 : index
          %get3A_161 = tpu.vector_load %arg15[%get3A_159, %get3A_160] {strides = array<i32>} : memref<16x1024xf32, #tpu.memory_space<vmem>>, vector<16xf32>,
          %mul3A_162 = arith.mulf %get3A_161, %gather3A_155 : vector<16xf32>
          tpu.vector_store_idx %arg8[%gather3A_147, %add3A_158], %mul3A_162 {add = true} : memref<72x1152xf32, #tpu.memory_space<vmem>>[vector<16xi32>, vector<16xi32>], vector<16xf32>,
          %add3A_163 = arith.constant 16 : i32
          %add3A_164 = vector.broadcast %add3A_163 : i32 to vector<16xi32>
          %add3A_165 = arith.addi %iota3A, %add3A_164 : vector<16xi32>
          %get3A_166 = arith.index_cast %scan3A_135 : i32 to index
          %get3A_167 = arith.constant 16 : index
          %get3A_168 = tpu.vector_load %arg15[%get3A_166, %get3A_167] {strides = array<i32>} : memref<16x1024xf32, #tpu.memory_space<vmem>>, vector<16xf32>,
          %mul3A_169 = arith.mulf %get3A_168, %gather3A_155 : vector<16xf32>
          tpu.vector_store_idx %arg8[%gather3A_147, %add3A_165], %mul3A_169 {add = true} : memref<72x1152xf32, #tpu.memory_space<vmem>>[vector<16xi32>, vector<16xi32>], vector<16xf32>,
          %add3A_170 = arith.constant 32 : i32
          %add3A_171 = vector.broadcast %add3A_170 : i32 to vector<16xi32>
          %add3A_172 = arith.addi %iota3A, %add3A_171 : vector<16xi32>
          %get3A_173 = arith.index_cast %scan3A_135 : i32 to index
          %get3A_174 = arith.constant 32 : index
          %get3A_175 = tpu.vector_load %arg15[%get3A_173, %get3A_174] {strides = array<i32>} : memref<16x1024xf32, #tpu.memory_space<vmem>>, vector<16xf32>,
          %mul3A_176 = arith.mulf %get3A_175, %gather3A_155 : vector<16xf32>
          tpu.vector_store_idx %arg8[%gather3A_147, %add3A_172], %mul3A_176 {add = true} : memref<72x1152xf32, #tpu.memory_space<vmem>>[vector<16xi32>, vector<16xi32>], vector<16xf32>,
          %add3A_177 = arith.constant 48 : i32
          %add3A_178 = vector.broadcast %add3A_177 : i32 to vector<16xi32>
          %add3A_179 = arith.addi %iota3A, %add3A_178 : vector<16xi32>
          %get3A_180 = arith.index_cast %scan3A_135 : i32 to index
          %get3A_181 = arith.constant 48 : index
          %get3A_182 = tpu.vector_load %arg15[%get3A_180, %get3A_181] {strides = array<i32>} : memref<16x1024xf32, #tpu.memory_space<vmem>>, vector<16xf32>,
          %mul3A_183 = arith.mulf %get3A_182, %gather3A_155 : vector<16xf32>
          tpu.vector_store_idx %arg8[%gather3A_147, %add3A_179], %mul3A_183 {add = true} : memref<72x1152xf32, #tpu.memory_space<vmem>>[vector<16xi32>, vector<16xi32>], vector<16xf32>,
          %add3A_184 = arith.constant 64 : i32
          %add3A_185 = vector.broadcast %add3A_184 : i32 to vector<16xi32>
          %add3A_186 = arith.addi %iota3A, %add3A_185 : vector<16xi32>
          %get3A_187 = arith.index_cast %scan3A_135 : i32 to index
          %get3A_188 = arith.constant 64 : index
          %get3A_189 = tpu.vector_load %arg15[%get3A_187, %get3A_188] {strides = array<i32>} : memref<16x1024xf32, #tpu.memory_space<vmem>>, vector<16xf32>,
          %mul3A_190 = arith.mulf %get3A_189, %gather3A_155 : vector<16xf32>
          tpu.vector_store_idx %arg8[%gather3A_147, %add3A_186], %mul3A_190 {add = true} : memref<72x1152xf32, #tpu.memory_space<vmem>>[vector<16xi32>, vector<16xi32>], vector<16xf32>,
          %add3A_191 = arith.constant 80 : i32
          %add3A_192 = vector.broadcast %add3A_191 : i32 to vector<16xi32>
          %add3A_193 = arith.addi %iota3A, %add3A_192 : vector<16xi32>
          %get3A_194 = arith.index_cast %scan3A_135 : i32 to index
          %get3A_195 = arith.constant 80 : index
          %get3A_196 = tpu.vector_load %arg15[%get3A_194, %get3A_195] {strides = array<i32>} : memref<16x1024xf32, #tpu.memory_space<vmem>>, vector<16xf32>,
          %mul3A_197 = arith.mulf %get3A_196, %gather3A_155 : vector<16xf32>
          tpu.vector_store_idx %arg8[%gather3A_147, %add3A_193], %mul3A_197 {add = true} : memref<72x1152xf32, #tpu.memory_space<vmem>>[vector<16xi32>, vector<16xi32>], vector<16xf32>,
          %add3A_198 = arith.constant 96 : i32
          %add3A_199 = vector.broadcast %add3A_198 : i32 to vector<16xi32>
          %add3A_200 = arith.addi %iota3A, %add3A_199 : vector<16xi32>
          %get3A_201 = arith.index_cast %scan3A_135 : i32 to index
          %get3A_202 = arith.constant 96 : index
          %get3A_203 = tpu.vector_load %arg15[%get3A_201, %get3A_202] {strides = array<i32>} : memref<16x1024xf32, #tpu.memory_space<vmem>>, vector<16xf32>,
          %mul3A_204 = arith.mulf %get3A_203, %gather3A_155 : vector<16xf32>
          tpu.vector_store_idx %arg8[%gather3A_147, %add3A_200], %mul3A_204 {add = true} : memref<72x1152xf32, #tpu.memory_space<vmem>>[vector<16xi32>, vector<16xi32>], vector<16xf32>,
          %add3A_205 = arith.constant 112 : i32
          %add3A_206 = vector.broadcast %add3A_205 : i32 to vector<16xi32>
          %add3A_207 = arith.addi %iota3A, %add3A_206 : vector<16xi32>
          %get3A_208 = arith.index_cast %scan3A_135 : i32 to index
          %get3A_209 = arith.constant 112 : index
          %get3A_210 = tpu.vector_load %arg15[%get3A_208, %get3A_209] {strides = array<i32>} : memref<16x1024xf32, #tpu.memory_space<vmem>>, vector<16xf32>,
          %mul3A_211 = arith.mulf %get3A_210, %gather3A_155 : vector<16xf32>
          tpu.vector_store_idx %arg8[%gather3A_147, %add3A_207], %mul3A_211 {add = true} : memref<72x1152xf32, #tpu.memory_space<vmem>>[vector<16xi32>, vector<16xi32>], vector<16xf32>,
          %add3A_212 = arith.constant 128 : i32
          %add3A_213 = vector.broadcast %add3A_212 : i32 to vector<16xi32>
          %add3A_214 = arith.addi %iota3A, %add3A_213 : vector<16xi32>
          %get3A_215 = arith.index_cast %scan3A_135 : i32 to index
          %get3A_216 = arith.constant 128 : index
          %get3A_217 = tpu.vector_load %arg15[%get3A_215, %get3A_216] {strides = array<i32>} : memref<16x1024xf32, #tpu.memory_space<vmem>>, vector<16xf32>,
          %mul3A_218 = arith.mulf %get3A_217, %gather3A_155 : vector<16xf32>
          tpu.vector_store_idx %arg8[%gather3A_147, %add3A_214], %mul3A_218 {add = true} : memref<72x1152xf32, #tpu.memory_space<vmem>>[vector<16xi32>, vector<16xi32>], vector<16xf32>,
          %add3A_219 = arith.constant 144 : i32
          %add3A_220 = vector.broadcast %add3A_219 : i32 to vector<16xi32>
          %add3A_221 = arith.addi %iota3A, %add3A_220 : vector<16xi32>
          %get3A_222 = arith.index_cast %scan3A_135 : i32 to index
          %get3A_223 = arith.constant 144 : index
          %get3A_224 = tpu.vector_load %arg15[%get3A_222, %get3A_223] {strides = array<i32>} : memref<16x1024xf32, #tpu.memory_space<vmem>>, vector<16xf32>,
          %mul3A_225 = arith.mulf %get3A_224, %gather3A_155 : vector<16xf32>
          tpu.vector_store_idx %arg8[%gather3A_147, %add3A_221], %mul3A_225 {add = true} : memref<72x1152xf32, #tpu.memory_space<vmem>>[vector<16xi32>, vector<16xi32>], vector<16xf32>,
          %add3A_226 = arith.constant 160 : i32
          %add3A_227 = vector.broadcast %add3A_226 : i32 to vector<16xi32>
          %add3A_228 = arith.addi %iota3A, %add3A_227 : vector<16xi32>
          %get3A_229 = arith.index_cast %scan3A_135 : i32 to index
          %get3A_230 = arith.constant 160 : index
          %get3A_231 = tpu.vector_load %arg15[%get3A_229, %get3A_230] {strides = array<i32>} : memref<16x1024xf32, #tpu.memory_space<vmem>>, vector<16xf32>,
          %mul3A_232 = arith.mulf %get3A_231, %gather3A_155 : vector<16xf32>
          tpu.vector_store_idx %arg8[%gather3A_147, %add3A_228], %mul3A_232 {add = true} : memref<72x1152xf32, #tpu.memory_space<vmem>>[vector<16xi32>, vector<16xi32>], vector<16xf32>,
          %add3A_233 = arith.constant 176 : i32
          %add3A_234 = vector.broadcast %add3A_233 : i32 to vector<16xi32>
          %add3A_235 = arith.addi %iota3A, %add3A_234 : vector<16xi32>
          %get3A_236 = arith.index_cast %scan3A_135 : i32 to index
          %get3A_237 = arith.constant 176 : index
          %get3A_238 = tpu.vector_load %arg15[%get3A_236, %get3A_237] {strides = array<i32>} : memref<16x1024xf32, #tpu.memory_space<vmem>>, vector<16xf32>,
          %mul3A_239 = arith.mulf %get3A_238, %gather3A_155 : vector<16xf32>
          tpu.vector_store_idx %arg8[%gather3A_147, %add3A_235], %mul3A_239 {add = true} : memref<72x1152xf32, #tpu.memory_space<vmem>>[vector<16xi32>, vector<16xi32>], vector<16xf32>,
          %add3A_240 = arith.constant 192 : i32
          %add3A_241 = vector.broadcast %add3A_240 : i32 to vector<16xi32>
          %add3A_242 = arith.addi %iota3A, %add3A_241 : vector<16xi32>
          %get3A_243 = arith.index_cast %scan3A_135 : i32 to index
          %get3A_244 = arith.constant 192 : index
          %get3A_245 = tpu.vector_load %arg15[%get3A_243, %get3A_244] {strides = array<i32>} : memref<16x1024xf32, #tpu.memory_space<vmem>>, vector<16xf32>,
          %mul3A_246 = arith.mulf %get3A_245, %gather3A_155 : vector<16xf32>
          tpu.vector_store_idx %arg8[%gather3A_147, %add3A_242], %mul3A_246 {add = true} : memref<72x1152xf32, #tpu.memory_space<vmem>>[vector<16xi32>, vector<16xi32>], vector<16xf32>,
          %add3A_247 = arith.constant 208 : i32
          %add3A_248 = vector.broadcast %add3A_247 : i32 to vector<16xi32>
          %add3A_249 = arith.addi %iota3A, %add3A_248 : vector<16xi32>
          %get3A_250 = arith.index_cast %scan3A_135 : i32 to index
          %get3A_251 = arith.constant 208 : index
          %get3A_252 = tpu.vector_load %arg15[%get3A_250, %get3A_251] {strides = array<i32>} : memref<16x1024xf32, #tpu.memory_space<vmem>>, vector<16xf32>,
          %mul3A_253 = arith.mulf %get3A_252, %gather3A_155 : vector<16xf32>
          tpu.vector_store_idx %arg8[%gather3A_147, %add3A_249], %mul3A_253 {add = true} : memref<72x1152xf32, #tpu.memory_space<vmem>>[vector<16xi32>, vector<16xi32>], vector<16xf32>,
          %add3A_254 = arith.constant 224 : i32
          %add3A_255 = vector.broadcast %add3A_254 : i32 to vector<16xi32>
          %add3A_256 = arith.addi %iota3A, %add3A_255 : vector<16xi32>
          %get3A_257 = arith.index_cast %scan3A_135 : i32 to index
          %get3A_258 = arith.constant 224 : index
          %get3A_259 = tpu.vector_load %arg15[%get3A_257, %get3A_258] {strides = array<i32>} : memref<16x1024xf32, #tpu.memory_space<vmem>>, vector<16xf32>,
          %mul3A_260 = arith.mulf %get3A_259, %gather3A_155 : vector<16xf32>
          tpu.vector_store_idx %arg8[%gather3A_147, %add3A_256], %mul3A_260 {add = true} : memref<72x1152xf32, #tpu.memory_space<vmem>>[vector<16xi32>, vector<16xi32>], vector<16xf32>,
          %add3A_261 = arith.constant 240 : i32
          %add3A_262 = vector.broadcast %add3A_261 : i32 to vector<16xi32>
          %add3A_263 = arith.addi %iota3A, %add3A_262 : vector<16xi32>
          %get3A_264 = arith.index_cast %scan3A_135 : i32 to index
          %get3A_265 = arith.constant 240 : index
          %get3A_266 = tpu.vector_load %arg15[%get3A_264, %get3A_265] {strides = array<i32>} : memref<16x1024xf32, #tpu.memory_space<vmem>>, vector<16xf32>,
          %mul3A_267 = arith.mulf %get3A_266, %gather3A_155 : vector<16xf32>
          tpu.vector_store_idx %arg8[%gather3A_147, %add3A_263], %mul3A_267 {add = true} : memref<72x1152xf32, #tpu.memory_space<vmem>>[vector<16xi32>, vector<16xi32>], vector<16xf32>,
          %broadcast_in_dim3A_268 = arith.constant 1 : i32
          %broadcast_in_dim3A_269 = vector.broadcast %broadcast_in_dim3A_268 : i32 to vector<16xi32>
          %reshape3A_270 = vector.shape_cast %broadcast_in_dim3A_269 : vector<16xi32> to vector<16x1xi32>
          %gather3A_271 = vector.shape_cast %reshape3A_270 : vector<16x1xi32> to vector<16xi32>
          %gather3A_272 = tpu.dynamic_gather %exp3A[%gather3A_271] in [0] : vector<16xf32>, vector<16xi32> -> vector<16xf32>
          %add3A_273 = arith.constant 256 : i32
          %add3A_274 = vector.broadcast %add3A_273 : i32 to vector<16xi32>
          %add3A_275 = arith.addi %iota3A, %add3A_274 : vector<16xi32>
          %get3A_276 = arith.index_cast %scan3A_135 : i32 to index
          %get3A_277 = arith.constant 256 : index
          %get3A_278 = tpu.vector_load %arg15[%get3A_276, %get3A_277] {strides = array<i32>} : memref<16x1024xf32, #tpu.memory_space<vmem>>, vector<16xf32>,
          %mul3A_279 = arith.mulf %get3A_278, %gather3A_272 : vector<16xf32>
          tpu.vector_store_idx %arg8[%gather3A_147, %add3A_275], %mul3A_279 {add = true} : memref<72x1152xf32, #tpu.memory_space<vmem>>[vector<16xi32>, vector<16xi32>], vector<16xf32>,
          %add3A_280 = arith.constant 272 : i32
          %add3A_281 = vector.broadcast %add3A_280 : i32 to vector<16xi32>
          %add3A_282 = arith.addi %iota3A, %add3A_281 : vector<16xi32>
          %get3A_283 = arith.index_cast %scan3A_135 : i32 to index
          %get3A_284 = arith.constant 272 : index
          %get3A_285 = tpu.vector_load %arg15[%get3A_283, %get3A_284] {strides = array<i32>} : memref<16x1024xf32, #tpu.memory_space<vmem>>, vector<16xf32>,
          %mul3A_286 = arith.mulf %get3A_285, %gather3A_272 : vector<16xf32>
          tpu.vector_store_idx %arg8[%gather3A_147, %add3A_282], %mul3A_286 {add = true} : memref<72x1152xf32, #tpu.memory_space<vmem>>[vector<16xi32>, vector<16xi32>], vector<16xf32>,
          %add3A_287 = arith.constant 288 : i32
          %add3A_288 = vector.broadcast %add3A_287 : i32 to vector<16xi32>
          %add3A_289 = arith.addi %iota3A, %add3A_288 : vector<16xi32>
          %get3A_290 = arith.index_cast %scan3A_135 : i32 to index
          %get3A_291 = arith.constant 288 : index
          %get3A_292 = tpu.vector_load %arg15[%get3A_290, %get3A_291] {strides = array<i32>} : memref<16x1024xf32, #tpu.memory_space<vmem>>, vector<16xf32>,
          %mul3A_293 = arith.mulf %get3A_292, %gather3A_272 : vector<16xf32>
          tpu.vector_store_idx %arg8[%gather3A_147, %add3A_289], %mul3A_293 {add = true} : memref<72x1152xf32, #tpu.memory_space<vmem>>[vector<16xi32>, vector<16xi32>], vector<16xf32>,
          %add3A_294 = arith.constant 304 : i32
          %add3A_295 = vector.broadcast %add3A_294 : i32 to vector<16xi32>
          %add3A_296 = arith.addi %iota3A, %add3A_295 : vector<16xi32>
          %get3A_297 = arith.index_cast %scan3A_135 : i32 to index
          %get3A_298 = arith.constant 304 : index
          %get3A_299 = tpu.vector_load %arg15[%get3A_297, %get3A_298] {strides = array<i32>} : memref<16x1024xf32, #tpu.memory_space<vmem>>, vector<16xf32>,
          %mul3A_300 = arith.mulf %get3A_299, %gather3A_272 : vector<16xf32>
          tpu.vector_store_idx %arg8[%gather3A_147, %add3A_296], %mul3A_300 {add = true} : memref<72x1152xf32, #tpu.memory_space<vmem>>[vector<16xi32>, vector<16xi32>], vector<16xf32>,
          %add3A_301 = arith.constant 320 : i32
          %add3A_302 = vector.broadcast %add3A_301 : i32 to vector<16xi32>
          %add3A_303 = arith.addi %iota3A, %add3A_302 : vector<16xi32>
          %get3A_304 = arith.index_cast %scan3A_135 : i32 to index
          %get3A_305 = arith.constant 320 : index
          %get3A_306 = tpu.vector_load %arg15[%get3A_304, %get3A_305] {strides = array<i32>} : memref<16x1024xf32, #tpu.memory_space<vmem>>, vector<16xf32>,
          %mul3A_307 = arith.mulf %get3A_306, %gather3A_272 : vector<16xf32>
          tpu.vector_store_idx %arg8[%gather3A_147, %add3A_303], %mul3A_307 {add = true} : memref<72x1152xf32, #tpu.memory_space<vmem>>[vector<16xi32>, vector<16xi32>], vector<16xf32>,
          %add3A_308 = arith.constant 336 : i32
          %add3A_309 = vector.broadcast %add3A_308 : i32 to vector<16xi32>
          %add3A_310 = arith.addi %iota3A, %add3A_309 : vector<16xi32>
          %get3A_311 = arith.index_cast %scan3A_135 : i32 to index
          %get3A_312 = arith.constant 336 : index
          %get3A_313 = tpu.vector_load %arg15[%get3A_311, %get3A_312] {strides = array<i32>} : memref<16x1024xf32, #tpu.memory_space<vmem>>, vector<16xf32>,
          %mul3A_314 = arith.mulf %get3A_313, %gather3A_272 : vector<16xf32>
          tpu.vector_store_idx %arg8[%gather3A_147, %add3A_310], %mul3A_314 {add = true} : memref<72x1152xf32, #tpu.memory_space<vmem>>[vector<16xi32>, vector<16xi32>], vector<16xf32>,
          %add3A_315 = arith.constant 352 : i32
          %add3A_316 = vector.broadcast %add3A_315 : i32 to vector<16xi32>
          %add3A_317 = arith.addi %iota3A, %add3A_316 : vector<16xi32>
          %get3A_318 = arith.index_cast %scan3A_135 : i32 to index
          %get3A_319 = arith.constant 352 : index
          %get3A_320 = tpu.vector_load %arg15[%get3A_318, %get3A_319] {strides = array<i32>} : memref<16x1024xf32, #tpu.memory_space<vmem>>, vector<16xf32>,
          %mul3A_321 = arith.mulf %get3A_320, %gather3A_272 : vector<16xf32>
          tpu.vector_store_idx %arg8[%gather3A_147, %add3A_317], %mul3A_321 {add = true} : memref<72x1152xf32, #tpu.memory_space<vmem>>[vector<16xi32>, vector<16xi32>], vector<16xf32>,
          %add3A_322 = arith.constant 368 : i32
          %add3A_323 = vector.broadcast %add3A_322 : i32 to vector<16xi32>
          %add3A_324 = arith.addi %iota3A, %add3A_323 : vector<16xi32>
          %get3A_325 = arith.index_cast %scan3A_135 : i32 to index
          %get3A_326 = arith.constant 368 : index
          %get3A_327 = tpu.vector_load %arg15[%get3A_325, %get3A_326] {strides = array<i32>} : memref<16x1024xf32, #tpu.memory_space<vmem>>, vector<16xf32>,
          %mul3A_328 = arith.mulf %get3A_327, %gather3A_272 : vector<16xf32>
          tpu.vector_store_idx %arg8[%gather3A_147, %add3A_324], %mul3A_328 {add = true} : memref<72x1152xf32, #tpu.memory_space<vmem>>[vector<16xi32>, vector<16xi32>], vector<16xf32>,
          %add3A_329 = arith.constant 384 : i32
          %add3A_330 = vector.broadcast %add3A_329 : i32 to vector<16xi32>
          %add3A_331 = arith.addi %iota3A, %add3A_330 : vector<16xi32>
          %get3A_332 = arith.index_cast %scan3A_135 : i32 to index
          %get3A_333 = arith.constant 384 : index
          %get3A_334 = tpu.vector_load %arg15[%get3A_332, %get3A_333] {strides = array<i32>} : memref<16x1024xf32, #tpu.memory_space<vmem>>, vector<16xf32>,
          %mul3A_335 = arith.mulf %get3A_334, %gather3A_272 : vector<16xf32>
          tpu.vector_store_idx %arg8[%gather3A_147, %add3A_331], %mul3A_335 {add = true} : memref<72x1152xf32, #tpu.memory_space<vmem>>[vector<16xi32>, vector<16xi32>], vector<16xf32>,
          %add3A_336 = arith.constant 400 : i32
          %add3A_337 = vector.broadcast %add3A_336 : i32 to vector<16xi32>
          %add3A_338 = arith.addi %iota3A, %add3A_337 : vector<16xi32>
          %get3A_339 = arith.index_cast %scan3A_135 : i32 to index
          %get3A_340 = arith.constant 400 : index
          %get3A_341 = tpu.vector_load %arg15[%get3A_339, %get3A_340] {strides = array<i32>} : memref<16x1024xf32, #tpu.memory_space<vmem>>, vector<16xf32>,
          %mul3A_342 = arith.mulf %get3A_341, %gather3A_272 : vector<16xf32>
          tpu.vector_store_idx %arg8[%gather3A_147, %add3A_338], %mul3A_342 {add = true} : memref<72x1152xf32, #tpu.memory_space<vmem>>[vector<16xi32>, vector<16xi32>], vector<16xf32>,
          %add3A_343 = arith.constant 416 : i32
          %add3A_344 = vector.broadcast %add3A_343 : i32 to vector<16xi32>
          %add3A_345 = arith.addi %iota3A, %add3A_344 : vector<16xi32>
          %get3A_346 = arith.index_cast %scan3A_135 : i32 to index
          %get3A_347 = arith.constant 416 : index
          %get3A_348 = tpu.vector_load %arg15[%get3A_346, %get3A_347] {strides = array<i32>} : memref<16x1024xf32, #tpu.memory_space<vmem>>, vector<16xf32>,
          %mul3A_349 = arith.mulf %get3A_348, %gather3A_272 : vector<16xf32>
          tpu.vector_store_idx %arg8[%gather3A_147, %add3A_345], %mul3A_349 {add = true} : memref<72x1152xf32, #tpu.memory_space<vmem>>[vector<16xi32>, vector<16xi32>], vector<16xf32>,
          %add3A_350 = arith.constant 432 : i32
          %add3A_351 = vector.broadcast %add3A_350 : i32 to vector<16xi32>
          %add3A_352 = arith.addi %iota3A, %add3A_351 : vector<16xi32>
          %get3A_353 = arith.index_cast %scan3A_135 : i32 to index
          %get3A_354 = arith.constant 432 : index
          %get3A_355 = tpu.vector_load %arg15[%get3A_353, %get3A_354] {strides = array<i32>} : memref<16x1024xf32, #tpu.memory_space<vmem>>, vector<16xf32>,
          %mul3A_356 = arith.mulf %get3A_355, %gather3A_272 : vector<16xf32>
          tpu.vector_store_idx %arg8[%gather3A_147, %add3A_352], %mul3A_356 {add = true} : memref<72x1152xf32, #tpu.memory_space<vmem>>[vector<16xi32>, vector<16xi32>], vector<16xf32>,
          %add3A_357 = arith.constant 448 : i32
          %add3A_358 = vector.broadcast %add3A_357 : i32 to vector<16xi32>
          %add3A_359 = arith.addi %iota3A, %add3A_358 : vector<16xi32>
          %get3A_360 = arith.index_cast %scan3A_135 : i32 to index
          %get3A_361 = arith.constant 448 : index
          %get3A_362 = tpu.vector_load %arg15[%get3A_360, %get3A_361] {strides = array<i32>} : memref<16x1024xf32, #tpu.memory_space<vmem>>, vector<16xf32>,
          %mul3A_363 = arith.mulf %get3A_362, %gather3A_272 : vector<16xf32>
          tpu.vector_store_idx %arg8[%gather3A_147, %add3A_359], %mul3A_363 {add = true} : memref<72x1152xf32, #tpu.memory_space<vmem>>[vector<16xi32>, vector<16xi32>], vector<16xf32>,
          %add3A_364 = arith.constant 464 : i32
          %add3A_365 = vector.broadcast %add3A_364 : i32 to vector<16xi32>
          %add3A_366 = arith.addi %iota3A, %add3A_365 : vector<16xi32>
          %get3A_367 = arith.index_cast %scan3A_135 : i32 to index
          %get3A_368 = arith.constant 464 : index
          %get3A_369 = tpu.vector_load %arg15[%get3A_367, %get3A_368] {strides = array<i32>} : memref<16x1024xf32, #tpu.memory_space<vmem>>, vector<16xf32>,
          %mul3A_370 = arith.mulf %get3A_369, %gather3A_272 : vector<16xf32>
          tpu.vector_store_idx %arg8[%gather3A_147, %add3A_366], %mul3A_370 {add = true} : memref<72x1152xf32, #tpu.memory_space<vmem>>[vector<16xi32>, vector<16xi32>], vector<16xf32>,
          %add3A_371 = arith.constant 480 : i32
          %add3A_372 = vector.broadcast %add3A_371 : i32 to vector<16xi32>
          %add3A_373 = arith.addi %iota3A, %add3A_372 : vector<16xi32>
          %get3A_374 = arith.index_cast %scan3A_135 : i32 to index
          %get3A_375 = arith.constant 480 : index
          %get3A_376 = tpu.vector_load %arg15[%get3A_374, %get3A_375] {strides = array<i32>} : memref<16x1024xf32, #tpu.memory_space<vmem>>, vector<16xf32>,
          %mul3A_377 = arith.mulf %get3A_376, %gather3A_272 : vector<16xf32>
          tpu.vector_store_idx %arg8[%gather3A_147, %add3A_373], %mul3A_377 {add = true} : memref<72x1152xf32, #tpu.memory_space<vmem>>[vector<16xi32>, vector<16xi32>], vector<16xf32>,
          %add3A_378 = arith.constant 496 : i32
          %add3A_379 = vector.broadcast %add3A_378 : i32 to vector<16xi32>
          %add3A_380 = arith.addi %iota3A, %add3A_379 : vector<16xi32>
          %get3A_381 = arith.index_cast %scan3A_135 : i32 to index
          %get3A_382 = arith.constant 496 : index
          %get3A_383 = tpu.vector_load %arg15[%get3A_381, %get3A_382] {strides = array<i32>} : memref<16x1024xf32, #tpu.memory_space<vmem>>, vector<16xf32>,
          %mul3A_384 = arith.mulf %get3A_383, %gather3A_272 : vector<16xf32>
          tpu.vector_store_idx %arg8[%gather3A_147, %add3A_380], %mul3A_384 {add = true} : memref<72x1152xf32, #tpu.memory_space<vmem>>[vector<16xi32>, vector<16xi32>], vector<16xf32>,
          %broadcast_in_dim3A_385 = arith.constant 2 : i32
          %broadcast_in_dim3A_386 = vector.broadcast %broadcast_in_dim3A_385 : i32 to vector<16xi32>
          %reshape3A_387 = vector.shape_cast %broadcast_in_dim3A_386 : vector<16xi32> to vector<16x1xi32>
          %gather3A_388 = vector.shape_cast %reshape3A_387 : vector<16x1xi32> to vector<16xi32>
          %gather3A_389 = tpu.dynamic_gather %exp3A[%gather3A_388] in [0] : vector<16xf32>, vector<16xi32> -> vector<16xf32>
          %add3A_390 = arith.constant 512 : i32
          %add3A_391 = vector.broadcast %add3A_390 : i32 to vector<16xi32>
          %add3A_392 = arith.addi %iota3A, %add3A_391 : vector<16xi32>
          %get3A_393 = arith.index_cast %scan3A_135 : i32 to index
          %get3A_394 = arith.constant 512 : index
          %get3A_395 = tpu.vector_load %arg15[%get3A_393, %get3A_394] {strides = array<i32>} : memref<16x1024xf32, #tpu.memory_space<vmem>>, vector<16xf32>,
          %mul3A_396 = arith.mulf %get3A_395, %gather3A_389 : vector<16xf32>
          tpu.vector_store_idx %arg8[%gather3A_147, %add3A_392], %mul3A_396 {add = true} : memref<72x1152xf32, #tpu.memory_space<vmem>>[vector<16xi32>, vector<16xi32>], vector<16xf32>,
          %add3A_397 = arith.constant 528 : i32
          %add3A_398 = vector.broadcast %add3A_397 : i32 to vector<16xi32>
          %add3A_399 = arith.addi %iota3A, %add3A_398 : vector<16xi32>
          %get3A_400 = arith.index_cast %scan3A_135 : i32 to index
          %get3A_401 = arith.constant 528 : index
          %get3A_402 = tpu.vector_load %arg15[%get3A_400, %get3A_401] {strides = array<i32>} : memref<16x1024xf32, #tpu.memory_space<vmem>>, vector<16xf32>,
          %mul3A_403 = arith.mulf %get3A_402, %gather3A_389 : vector<16xf32>
          tpu.vector_store_idx %arg8[%gather3A_147, %add3A_399], %mul3A_403 {add = true} : memref<72x1152xf32, #tpu.memory_space<vmem>>[vector<16xi32>, vector<16xi32>], vector<16xf32>,
          %add3A_404 = arith.constant 544 : i32
          %add3A_405 = vector.broadcast %add3A_404 : i32 to vector<16xi32>
          %add3A_406 = arith.addi %iota3A, %add3A_405 : vector<16xi32>
          %get3A_407 = arith.index_cast %scan3A_135 : i32 to index
          %get3A_408 = arith.constant 544 : index
          %get3A_409 = tpu.vector_load %arg15[%get3A_407, %get3A_408] {strides = array<i32>} : memref<16x1024xf32, #tpu.memory_space<vmem>>, vector<16xf32>,
          %mul3A_410 = arith.mulf %get3A_409, %gather3A_389 : vector<16xf32>
          tpu.vector_store_idx %arg8[%gather3A_147, %add3A_406], %mul3A_410 {add = true} : memref<72x1152xf32, #tpu.memory_space<vmem>>[vector<16xi32>, vector<16xi32>], vector<16xf32>,
          %add3A_411 = arith.constant 560 : i32
          %add3A_412 = vector.broadcast %add3A_411 : i32 to vector<16xi32>
          %add3A_413 = arith.addi %iota3A, %add3A_412 : vector<16xi32>
          %get3A_414 = arith.index_cast %scan3A_135 : i32 to index
          %get3A_415 = arith.constant 560 : index
          %get3A_416 = tpu.vector_load %arg15[%get3A_414, %get3A_415] {strides = array<i32>} : memref<16x1024xf32, #tpu.memory_space<vmem>>, vector<16xf32>,
          %mul3A_417 = arith.mulf %get3A_416, %gather3A_389 : vector<16xf32>
          tpu.vector_store_idx %arg8[%gather3A_147, %add3A_413], %mul3A_417 {add = true} : memref<72x1152xf32, #tpu.memory_space<vmem>>[vector<16xi32>, vector<16xi32>], vector<16xf32>,
          %add3A_418 = arith.constant 576 : i32
          %add3A_419 = vector.broadcast %add3A_418 : i32 to vector<16xi32>
          %add3A_420 = arith.addi %iota3A, %add3A_419 : vector<16xi32>
          %get3A_421 = arith.index_cast %scan3A_135 : i32 to index
          %get3A_422 = arith.constant 576 : index
          %get3A_423 = tpu.vector_load %arg15[%get3A_421, %get3A_422] {strides = array<i32>} : memref<16x1024xf32, #tpu.memory_space<vmem>>, vector<16xf32>,
          %mul3A_424 = arith.mulf %get3A_423, %gather3A_389 : vector<16xf32>
          tpu.vector_store_idx %arg8[%gather3A_147, %add3A_420], %mul3A_424 {add = true} : memref<72x1152xf32, #tpu.memory_space<vmem>>[vector<16xi32>, vector<16xi32>], vector<16xf32>,
          %add3A_425 = arith.constant 592 : i32
          %add3A_426 = vector.broadcast %add3A_425 : i32 to vector<16xi32>
          %add3A_427 = arith.addi %iota3A, %add3A_426 : vector<16xi32>
          %get3A_428 = arith.index_cast %scan3A_135 : i32 to index
          %get3A_429 = arith.constant 592 : index
          %get3A_430 = tpu.vector_load %arg15[%get3A_428, %get3A_429] {strides = array<i32>} : memref<16x1024xf32, #tpu.memory_space<vmem>>, vector<16xf32>,
          %mul3A_431 = arith.mulf %get3A_430, %gather3A_389 : vector<16xf32>
          tpu.vector_store_idx %arg8[%gather3A_147, %add3A_427], %mul3A_431 {add = true} : memref<72x1152xf32, #tpu.memory_space<vmem>>[vector<16xi32>, vector<16xi32>], vector<16xf32>,
          %add3A_432 = arith.constant 608 : i32
          %add3A_433 = vector.broadcast %add3A_432 : i32 to vector<16xi32>
          %add3A_434 = arith.addi %iota3A, %add3A_433 : vector<16xi32>
          %get3A_435 = arith.index_cast %scan3A_135 : i32 to index
          %get3A_436 = arith.constant 608 : index
          %get3A_437 = tpu.vector_load %arg15[%get3A_435, %get3A_436] {strides = array<i32>} : memref<16x1024xf32, #tpu.memory_space<vmem>>, vector<16xf32>,
          %mul3A_438 = arith.mulf %get3A_437, %gather3A_389 : vector<16xf32>
          tpu.vector_store_idx %arg8[%gather3A_147, %add3A_434], %mul3A_438 {add = true} : memref<72x1152xf32, #tpu.memory_space<vmem>>[vector<16xi32>, vector<16xi32>], vector<16xf32>,
          %add3A_439 = arith.constant 624 : i32
          %add3A_440 = vector.broadcast %add3A_439 : i32 to vector<16xi32>
          %add3A_441 = arith.addi %iota3A, %add3A_440 : vector<16xi32>
          %get3A_442 = arith.index_cast %scan3A_135 : i32 to index
          %get3A_443 = arith.constant 624 : index
          %get3A_444 = tpu.vector_load %arg15[%get3A_442, %get3A_443] {strides = array<i32>} : memref<16x1024xf32, #tpu.memory_space<vmem>>, vector<16xf32>,
          %mul3A_445 = arith.mulf %get3A_444, %gather3A_389 : vector<16xf32>
          tpu.vector_store_idx %arg8[%gather3A_147, %add3A_441], %mul3A_445 {add = true} : memref<72x1152xf32, #tpu.memory_space<vmem>>[vector<16xi32>, vector<16xi32>], vector<16xf32>,
          %add3A_446 = arith.constant 640 : i32
          %add3A_447 = vector.broadcast %add3A_446 : i32 to vector<16xi32>
          %add3A_448 = arith.addi %iota3A, %add3A_447 : vector<16xi32>
          %get3A_449 = arith.index_cast %scan3A_135 : i32 to index
          %get3A_450 = arith.constant 640 : index
          %get3A_451 = tpu.vector_load %arg15[%get3A_449, %get3A_450] {strides = array<i32>} : memref<16x1024xf32, #tpu.memory_space<vmem>>, vector<16xf32>,
          %mul3A_452 = arith.mulf %get3A_451, %gather3A_389 : vector<16xf32>
          tpu.vector_store_idx %arg8[%gather3A_147, %add3A_448], %mul3A_452 {add = true} : memref<72x1152xf32, #tpu.memory_space<vmem>>[vector<16xi32>, vector<16xi32>], vector<16xf32>,
          %add3A_453 = arith.constant 656 : i32
          %add3A_454 = vector.broadcast %add3A_453 : i32 to vector<16xi32>
          %add3A_455 = arith.addi %iota3A, %add3A_454 : vector<16xi32>
          %get3A_456 = arith.index_cast %scan3A_135 : i32 to index
          %get3A_457 = arith.constant 656 : index
          %get3A_458 = tpu.vector_load %arg15[%get3A_456, %get3A_457] {strides = array<i32>} : memref<16x1024xf32, #tpu.memory_space<vmem>>, vector<16xf32>,
          %mul3A_459 = arith.mulf %get3A_458, %gather3A_389 : vector<16xf32>
          tpu.vector_store_idx %arg8[%gather3A_147, %add3A_455], %mul3A_459 {add = true} : memref<72x1152xf32, #tpu.memory_space<vmem>>[vector<16xi32>, vector<16xi32>], vector<16xf32>,
          %add3A_460 = arith.constant 672 : i32
          %add3A_461 = vector.broadcast %add3A_460 : i32 to vector<16xi32>
          %add3A_462 = arith.addi %iota3A, %add3A_461 : vector<16xi32>
          %get3A_463 = arith.index_cast %scan3A_135 : i32 to index
          %get3A_464 = arith.constant 672 : index
          %get3A_465 = tpu.vector_load %arg15[%get3A_463, %get3A_464] {strides = array<i32>} : memref<16x1024xf32, #tpu.memory_space<vmem>>, vector<16xf32>,
          %mul3A_466 = arith.mulf %get3A_465, %gather3A_389 : vector<16xf32>
          tpu.vector_store_idx %arg8[%gather3A_147, %add3A_462], %mul3A_466 {add = true} : memref<72x1152xf32, #tpu.memory_space<vmem>>[vector<16xi32>, vector<16xi32>], vector<16xf32>,
          %add3A_467 = arith.constant 688 : i32
          %add3A_468 = vector.broadcast %add3A_467 : i32 to vector<16xi32>
          %add3A_469 = arith.addi %iota3A, %add3A_468 : vector<16xi32>
          %get3A_470 = arith.index_cast %scan3A_135 : i32 to index
          %get3A_471 = arith.constant 688 : index
          %get3A_472 = tpu.vector_load %arg15[%get3A_470, %get3A_471] {strides = array<i32>} : memref<16x1024xf32, #tpu.memory_space<vmem>>, vector<16xf32>,
          %mul3A_473 = arith.mulf %get3A_472, %gather3A_389 : vector<16xf32>
          tpu.vector_store_idx %arg8[%gather3A_147, %add3A_469], %mul3A_473 {add = true} : memref<72x1152xf32, #tpu.memory_space<vmem>>[vector<16xi32>, vector<16xi32>], vector<16xf32>,
          %add3A_474 = arith.constant 704 : i32
          %add3A_475 = vector.broadcast %add3A_474 : i32 to vector<16xi32>
          %add3A_476 = arith.addi %iota3A, %add3A_475 : vector<16xi32>
          %get3A_477 = arith.index_cast %scan3A_135 : i32 to index
          %get3A_478 = arith.constant 704 : index
          %get3A_479 = tpu.vector_load %arg15[%get3A_477, %get3A_478] {strides = array<i32>} : memref<16x1024xf32, #tpu.memory_space<vmem>>, vector<16xf32>,
          %mul3A_480 = arith.mulf %get3A_479, %gather3A_389 : vector<16xf32>
          tpu.vector_store_idx %arg8[%gather3A_147, %add3A_476], %mul3A_480 {add = true} : memref<72x1152xf32, #tpu.memory_space<vmem>>[vector<16xi32>, vector<16xi32>], vector<16xf32>,
          %add3A_481 = arith.constant 720 : i32
          %add3A_482 = vector.broadcast %add3A_481 : i32 to vector<16xi32>
          %add3A_483 = arith.addi %iota3A, %add3A_482 : vector<16xi32>
          %get3A_484 = arith.index_cast %scan3A_135 : i32 to index
          %get3A_485 = arith.constant 720 : index
          %get3A_486 = tpu.vector_load %arg15[%get3A_484, %get3A_485] {strides = array<i32>} : memref<16x1024xf32, #tpu.memory_space<vmem>>, vector<16xf32>,
          %mul3A_487 = arith.mulf %get3A_486, %gather3A_389 : vector<16xf32>
          tpu.vector_store_idx %arg8[%gather3A_147, %add3A_483], %mul3A_487 {add = true} : memref<72x1152xf32, #tpu.memory_space<vmem>>[vector<16xi32>, vector<16xi32>], vector<16xf32>,
          %add3A_488 = arith.constant 736 : i32
          %add3A_489 = vector.broadcast %add3A_488 : i32 to vector<16xi32>
          %add3A_490 = arith.addi %iota3A, %add3A_489 : vector<16xi32>
          %get3A_491 = arith.index_cast %scan3A_135 : i32 to index
          %get3A_492 = arith.constant 736 : index
          %get3A_493 = tpu.vector_load %arg15[%get3A_491, %get3A_492] {strides = array<i32>} : memref<16x1024xf32, #tpu.memory_space<vmem>>, vector<16xf32>,
          %mul3A_494 = arith.mulf %get3A_493, %gather3A_389 : vector<16xf32>
          tpu.vector_store_idx %arg8[%gather3A_147, %add3A_490], %mul3A_494 {add = true} : memref<72x1152xf32, #tpu.memory_space<vmem>>[vector<16xi32>, vector<16xi32>], vector<16xf32>,
          %add3A_495 = arith.constant 752 : i32
          %add3A_496 = vector.broadcast %add3A_495 : i32 to vector<16xi32>
          %add3A_497 = arith.addi %iota3A, %add3A_496 : vector<16xi32>
          %get3A_498 = arith.index_cast %scan3A_135 : i32 to index
          %get3A_499 = arith.constant 752 : index
          %get3A_500 = tpu.vector_load %arg15[%get3A_498, %get3A_499] {strides = array<i32>} : memref<16x1024xf32, #tpu.memory_space<vmem>>, vector<16xf32>,
          %mul3A_501 = arith.mulf %get3A_500, %gather3A_389 : vector<16xf32>
          tpu.vector_store_idx %arg8[%gather3A_147, %add3A_497], %mul3A_501 {add = true} : memref<72x1152xf32, #tpu.memory_space<vmem>>[vector<16xi32>, vector<16xi32>], vector<16xf32>,
          %broadcast_in_dim3A_502 = arith.constant 3 : i32
          %broadcast_in_dim3A_503 = vector.broadcast %broadcast_in_dim3A_502 : i32 to vector<16xi32>
          %reshape3A_504 = vector.shape_cast %broadcast_in_dim3A_503 : vector<16xi32> to vector<16x1xi32>
          %gather3A_505 = vector.shape_cast %reshape3A_504 : vector<16x1xi32> to vector<16xi32>
          %gather3A_506 = tpu.dynamic_gather %exp3A[%gather3A_505] in [0] : vector<16xf32>, vector<16xi32> -> vector<16xf32>
          %add3A_507 = arith.constant 768 : i32
          %add3A_508 = vector.broadcast %add3A_507 : i32 to vector<16xi32>
          %add3A_509 = arith.addi %iota3A, %add3A_508 : vector<16xi32>
          %get3A_510 = arith.index_cast %scan3A_135 : i32 to index
          %get3A_511 = arith.constant 768 : index
          %get3A_512 = tpu.vector_load %arg15[%get3A_510, %get3A_511] {strides = array<i32>} : memref<16x1024xf32, #tpu.memory_space<vmem>>, vector<16xf32>,
          %mul3A_513 = arith.mulf %get3A_512, %gather3A_506 : vector<16xf32>
          tpu.vector_store_idx %arg8[%gather3A_147, %add3A_509], %mul3A_513 {add = true} : memref<72x1152xf32, #tpu.memory_space<vmem>>[vector<16xi32>, vector<16xi32>], vector<16xf32>,
          %add3A_514 = arith.constant 784 : i32
          %add3A_515 = vector.broadcast %add3A_514 : i32 to vector<16xi32>
          %add3A_516 = arith.addi %iota3A, %add3A_515 : vector<16xi32>
          %get3A_517 = arith.index_cast %scan3A_135 : i32 to index
          %get3A_518 = arith.constant 784 : index
          %get3A_519 = tpu.vector_load %arg15[%get3A_517, %get3A_518] {strides = array<i32>} : memref<16x1024xf32, #tpu.memory_space<vmem>>, vector<16xf32>,
          %mul3A_520 = arith.mulf %get3A_519, %gather3A_506 : vector<16xf32>
          tpu.vector_store_idx %arg8[%gather3A_147, %add3A_516], %mul3A_520 {add = true} : memref<72x1152xf32, #tpu.memory_space<vmem>>[vector<16xi32>, vector<16xi32>], vector<16xf32>,
          %add3A_521 = arith.constant 800 : i32
          %add3A_522 = vector.broadcast %add3A_521 : i32 to vector<16xi32>
          %add3A_523 = arith.addi %iota3A, %add3A_522 : vector<16xi32>
          %get3A_524 = arith.index_cast %scan3A_135 : i32 to index
          %get3A_525 = arith.constant 800 : index
          %get3A_526 = tpu.vector_load %arg15[%get3A_524, %get3A_525] {strides = array<i32>} : memref<16x1024xf32, #tpu.memory_space<vmem>>, vector<16xf32>,
          %mul3A_527 = arith.mulf %get3A_526, %gather3A_506 : vector<16xf32>
          tpu.vector_store_idx %arg8[%gather3A_147, %add3A_523], %mul3A_527 {add = true} : memref<72x1152xf32, #tpu.memory_space<vmem>>[vector<16xi32>, vector<16xi32>], vector<16xf32>,
          %add3A_528 = arith.constant 816 : i32
          %add3A_529 = vector.broadcast %add3A_528 : i32 to vector<16xi32>
          %add3A_530 = arith.addi %iota3A, %add3A_529 : vector<16xi32>
          %get3A_531 = arith.index_cast %scan3A_135 : i32 to index
          %get3A_532 = arith.constant 816 : index
          %get3A_533 = tpu.vector_load %arg15[%get3A_531, %get3A_532] {strides = array<i32>} : memref<16x1024xf32, #tpu.memory_space<vmem>>, vector<16xf32>,
          %mul3A_534 = arith.mulf %get3A_533, %gather3A_506 : vector<16xf32>
          tpu.vector_store_idx %arg8[%gather3A_147, %add3A_530], %mul3A_534 {add = true} : memref<72x1152xf32, #tpu.memory_space<vmem>>[vector<16xi32>, vector<16xi32>], vector<16xf32>,
          %add3A_535 = arith.constant 832 : i32
          %add3A_536 = vector.broadcast %add3A_535 : i32 to vector<16xi32>
          %add3A_537 = arith.addi %iota3A, %add3A_536 : vector<16xi32>
          %get3A_538 = arith.index_cast %scan3A_135 : i32 to index
          %get3A_539 = arith.constant 832 : index
          %get3A_540 = tpu.vector_load %arg15[%get3A_538, %get3A_539] {strides = array<i32>} : memref<16x1024xf32, #tpu.memory_space<vmem>>, vector<16xf32>,
          %mul3A_541 = arith.mulf %get3A_540, %gather3A_506 : vector<16xf32>
          tpu.vector_store_idx %arg8[%gather3A_147, %add3A_537], %mul3A_541 {add = true} : memref<72x1152xf32, #tpu.memory_space<vmem>>[vector<16xi32>, vector<16xi32>], vector<16xf32>,
          %add3A_542 = arith.constant 848 : i32
          %add3A_543 = vector.broadcast %add3A_542 : i32 to vector<16xi32>
          %add3A_544 = arith.addi %iota3A, %add3A_543 : vector<16xi32>
          %get3A_545 = arith.index_cast %scan3A_135 : i32 to index
          %get3A_546 = arith.constant 848 : index
          %get3A_547 = tpu.vector_load %arg15[%get3A_545, %get3A_546] {strides = array<i32>} : memref<16x1024xf32, #tpu.memory_space<vmem>>, vector<16xf32>,
          %mul3A_548 = arith.mulf %get3A_547, %gather3A_506 : vector<16xf32>
          tpu.vector_store_idx %arg8[%gather3A_147, %add3A_544], %mul3A_548 {add = true} : memref<72x1152xf32, #tpu.memory_space<vmem>>[vector<16xi32>, vector<16xi32>], vector<16xf32>,
          %add3A_549 = arith.constant 864 : i32
          %add3A_550 = vector.broadcast %add3A_549 : i32 to vector<16xi32>
          %add3A_551 = arith.addi %iota3A, %add3A_550 : vector<16xi32>
          %get3A_552 = arith.index_cast %scan3A_135 : i32 to index
          %get3A_553 = arith.constant 864 : index
          %get3A_554 = tpu.vector_load %arg15[%get3A_552, %get3A_553] {strides = array<i32>} : memref<16x1024xf32, #tpu.memory_space<vmem>>, vector<16xf32>,
          %mul3A_555 = arith.mulf %get3A_554, %gather3A_506 : vector<16xf32>
          tpu.vector_store_idx %arg8[%gather3A_147, %add3A_551], %mul3A_555 {add = true} : memref<72x1152xf32, #tpu.memory_space<vmem>>[vector<16xi32>, vector<16xi32>], vector<16xf32>,
          %add3A_556 = arith.constant 880 : i32
          %add3A_557 = vector.broadcast %add3A_556 : i32 to vector<16xi32>
          %add3A_558 = arith.addi %iota3A, %add3A_557 : vector<16xi32>
          %get3A_559 = arith.index_cast %scan3A_135 : i32 to index
          %get3A_560 = arith.constant 880 : index
          %get3A_561 = tpu.vector_load %arg15[%get3A_559, %get3A_560] {strides = array<i32>} : memref<16x1024xf32, #tpu.memory_space<vmem>>, vector<16xf32>,
          %mul3A_562 = arith.mulf %get3A_561, %gather3A_506 : vector<16xf32>
          tpu.vector_store_idx %arg8[%gather3A_147, %add3A_558], %mul3A_562 {add = true} : memref<72x1152xf32, #tpu.memory_space<vmem>>[vector<16xi32>, vector<16xi32>], vector<16xf32>,
          %add3A_563 = arith.constant 896 : i32
          %add3A_564 = vector.broadcast %add3A_563 : i32 to vector<16xi32>
          %add3A_565 = arith.addi %iota3A, %add3A_564 : vector<16xi32>
          %get3A_566 = arith.index_cast %scan3A_135 : i32 to index
          %get3A_567 = arith.constant 896 : index
          %get3A_568 = tpu.vector_load %arg15[%get3A_566, %get3A_567] {strides = array<i32>} : memref<16x1024xf32, #tpu.memory_space<vmem>>, vector<16xf32>,
          %mul3A_569 = arith.mulf %get3A_568, %gather3A_506 : vector<16xf32>
          tpu.vector_store_idx %arg8[%gather3A_147, %add3A_565], %mul3A_569 {add = true} : memref<72x1152xf32, #tpu.memory_space<vmem>>[vector<16xi32>, vector<16xi32>], vector<16xf32>,
          %add3A_570 = arith.constant 912 : i32
          %add3A_571 = vector.broadcast %add3A_570 : i32 to vector<16xi32>
          %add3A_572 = arith.addi %iota3A, %add3A_571 : vector<16xi32>
          %get3A_573 = arith.index_cast %scan3A_135 : i32 to index
          %get3A_574 = arith.constant 912 : index
          %get3A_575 = tpu.vector_load %arg15[%get3A_573, %get3A_574] {strides = array<i32>} : memref<16x1024xf32, #tpu.memory_space<vmem>>, vector<16xf32>,
          %mul3A_576 = arith.mulf %get3A_575, %gather3A_506 : vector<16xf32>
          tpu.vector_store_idx %arg8[%gather3A_147, %add3A_572], %mul3A_576 {add = true} : memref<72x1152xf32, #tpu.memory_space<vmem>>[vector<16xi32>, vector<16xi32>], vector<16xf32>,
          %add3A_577 = arith.constant 928 : i32
          %add3A_578 = vector.broadcast %add3A_577 : i32 to vector<16xi32>
          %add3A_579 = arith.addi %iota3A, %add3A_578 : vector<16xi32>
          %get3A_580 = arith.index_cast %scan3A_135 : i32 to index
          %get3A_581 = arith.constant 928 : index
          %get3A_582 = tpu.vector_load %arg15[%get3A_580, %get3A_581] {strides = array<i32>} : memref<16x1024xf32, #tpu.memory_space<vmem>>, vector<16xf32>,
          %mul3A_583 = arith.mulf %get3A_582, %gather3A_506 : vector<16xf32>
          tpu.vector_store_idx %arg8[%gather3A_147, %add3A_579], %mul3A_583 {add = true} : memref<72x1152xf32, #tpu.memory_space<vmem>>[vector<16xi32>, vector<16xi32>], vector<16xf32>,
          %add3A_584 = arith.constant 944 : i32
          %add3A_585 = vector.broadcast %add3A_584 : i32 to vector<16xi32>
          %add3A_586 = arith.addi %iota3A, %add3A_585 : vector<16xi32>
          %get3A_587 = arith.index_cast %scan3A_135 : i32 to index
          %get3A_588 = arith.constant 944 : index
          %get3A_589 = tpu.vector_load %arg15[%get3A_587, %get3A_588] {strides = array<i32>} : memref<16x1024xf32, #tpu.memory_space<vmem>>, vector<16xf32>,
          %mul3A_590 = arith.mulf %get3A_589, %gather3A_506 : vector<16xf32>
          tpu.vector_store_idx %arg8[%gather3A_147, %add3A_586], %mul3A_590 {add = true} : memref<72x1152xf32, #tpu.memory_space<vmem>>[vector<16xi32>, vector<16xi32>], vector<16xf32>,
          %add3A_591 = arith.constant 960 : i32
          %add3A_592 = vector.broadcast %add3A_591 : i32 to vector<16xi32>
          %add3A_593 = arith.addi %iota3A, %add3A_592 : vector<16xi32>
          %get3A_594 = arith.index_cast %scan3A_135 : i32 to index
          %get3A_595 = arith.constant 960 : index
          %get3A_596 = tpu.vector_load %arg15[%get3A_594, %get3A_595] {strides = array<i32>} : memref<16x1024xf32, #tpu.memory_space<vmem>>, vector<16xf32>,
          %mul3A_597 = arith.mulf %get3A_596, %gather3A_506 : vector<16xf32>
          tpu.vector_store_idx %arg8[%gather3A_147, %add3A_593], %mul3A_597 {add = true} : memref<72x1152xf32, #tpu.memory_space<vmem>>[vector<16xi32>, vector<16xi32>], vector<16xf32>,
          %add3A_598 = arith.constant 976 : i32
          %add3A_599 = vector.broadcast %add3A_598 : i32 to vector<16xi32>
          %add3A_600 = arith.addi %iota3A, %add3A_599 : vector<16xi32>
          %get3A_601 = arith.index_cast %scan3A_135 : i32 to index
          %get3A_602 = arith.constant 976 : index
          %get3A_603 = tpu.vector_load %arg15[%get3A_601, %get3A_602] {strides = array<i32>} : memref<16x1024xf32, #tpu.memory_space<vmem>>, vector<16xf32>,
          %mul3A_604 = arith.mulf %get3A_603, %gather3A_506 : vector<16xf32>
          tpu.vector_store_idx %arg8[%gather3A_147, %add3A_600], %mul3A_604 {add = true} : memref<72x1152xf32, #tpu.memory_space<vmem>>[vector<16xi32>, vector<16xi32>], vector<16xf32>,
          %add3A_605 = arith.constant 992 : i32
          %add3A_606 = vector.broadcast %add3A_605 : i32 to vector<16xi32>
          %add3A_607 = arith.addi %iota3A, %add3A_606 : vector<16xi32>
          %get3A_608 = arith.index_cast %scan3A_135 : i32 to index
          %get3A_609 = arith.constant 992 : index
          %get3A_610 = tpu.vector_load %arg15[%get3A_608, %get3A_609] {strides = array<i32>} : memref<16x1024xf32, #tpu.memory_space<vmem>>, vector<16xf32>,
          %mul3A_611 = arith.mulf %get3A_610, %gather3A_506 : vector<16xf32>
          tpu.vector_store_idx %arg8[%gather3A_147, %add3A_607], %mul3A_611 {add = true} : memref<72x1152xf32, #tpu.memory_space<vmem>>[vector<16xi32>, vector<16xi32>], vector<16xf32>,
          %add3A_612 = arith.constant 1008 : i32
          %add3A_613 = vector.broadcast %add3A_612 : i32 to vector<16xi32>
          %add3A_614 = arith.addi %iota3A, %add3A_613 : vector<16xi32>
          %get3A_615 = arith.index_cast %scan3A_135 : i32 to index
          %get3A_616 = arith.constant 1008 : index
          %get3A_617 = tpu.vector_load %arg15[%get3A_615, %get3A_616] {strides = array<i32>} : memref<16x1024xf32, #tpu.memory_space<vmem>>, vector<16xf32>,
          %mul3A_618 = arith.mulf %get3A_617, %gather3A_506 : vector<16xf32>
          tpu.vector_store_idx %arg8[%gather3A_147, %add3A_614], %mul3A_618 {add = true} : memref<72x1152xf32, #tpu.memory_space<vmem>>[vector<16xi32>, vector<16xi32>], vector<16xf32>,
          %scan3A_619 = arith.constant 0 : i32
          scf.yield %scan3A_619 : i32
        }
        %scan3A_133 = arith.constant 16 : i32
        %while3A_134 = arith.constant 0 : i32
        scf.yield %while3A_134 : i32
      }
      %while3A_65 = arith.constant 1 : i32
      %while3A_66 = scf.for %while3A_68 = %while3A_62 to %while3A_58 step %while3A_65 iter_args(%while3A_69 = %while3A_64) -> (i32)  : i32 {
        %mul3A_70 = arith.constant 16 : i32
        %mul3A_71 = arith.muli %while3A_68, %mul3A_70 : i32
        %get3A = arith.index_cast %mul3A_71 : i32 to index
        %get3A_72 = tpu.vector_load %arg11[%get3A] {strides = array<i32>} : memref<2048xi32, #tpu.memory_space<vmem>>, vector<16xi32>,
        %swap3A = arith.constant 0 : i32
        %swap3A_73 = arith.index_cast %swap3A : i32 to index
        %swap3A_74 = arith.constant 0 : index
        %swap3A_75 = tpu.vector_load %arg13[%swap3A_73, %swap3A_74] {strides = array<i32>} : memref<1x16xi32, #tpu.memory_space<vmem>>, vector<16xi32>,
        tpu.vector_store %arg13[%swap3A_73, %swap3A_74], %get3A_72 {strides = array<i32>} : memref<1x16xi32, #tpu.memory_space<vmem>>, vector<16xi32>,
        %get3A_76 = arith.index_cast %mul3A_71 : i32 to index
        %get3A_77 = tpu.vector_load %arg12[%get3A_76] {strides = array<i32>} : memref<2048xi32, #tpu.memory_space<vmem>>, vector<16xi32>,
        %sub3A_78 = vector.broadcast %add3A_13 : i32 to vector<16xi32>
        %sub3A_79 = arith.subi %get3A_77, %sub3A_78 : vector<16xi32>
        %min3A_80 = arith.constant 10239 : i32
        %min3A_81 = vector.broadcast %min3A_80 : i32 to vector<16xi32>
        %min3A_82 = arith.minsi %get3A_77, %min3A_81 : vector<16xi32>
        %swap3A_83 = arith.constant 0 : i32
        %swap3A_84 = arith.index_cast %swap3A_83 : i32 to index
        %swap3A_85 = arith.constant 0 : index
        %swap3A_86 = tpu.vector_load %arg14[%swap3A_84, %swap3A_85] {strides = array<i32>} : memref<1x16xi32, #tpu.memory_space<vmem>>, vector<16xi32>,
        tpu.vector_store %arg14[%swap3A_84, %swap3A_85], %min3A_82 {strides = array<i32>} : memref<1x16xi32, #tpu.memory_space<vmem>>, vector<16xi32>,
        %dma_start3A = arith.constant 0 : i32
        %dma_start3A_87 = arith.constant 0 : i32
        %dma_start3A_88 = tpu.memref_slice %arg13[%dma_start3A, %dma_start3A_87] : memref<1x16xi32, #tpu.memory_space<vmem>> -> memref<1x16xi32, #tpu.memory_space<vmem>>
        %dma_start3A_89 = tpu.memref_squeeze %dma_start3A_88 : memref<1x16xi32, #tpu.memory_space<vmem>> -> memref<16xi32, #tpu.memory_space<vmem>>
        %dma_start3A_90 = arith.constant 0 : i32
        %dma_start3A_91 = arith.constant 0 : i32
        %dma_start3A_92 = tpu.memref_slice %arg2[%dma_start3A_90, %dma_start3A_91] : memref<10240x1024xf32, #tpu.memory_space<hbm>> -> memref<10240x1024xf32, #tpu.memory_space<hbm>>
        tpu.enqueue_indirect_dma source(%dma_start3A_92 : memref<10240x1024xf32, #tpu.memory_space<hbm>>) target(%arg15 : memref<16x1024xf32, #tpu.memory_space<vmem>>) offsets(%dma_start3A_89 : memref<16xi32, #tpu.memory_space<vmem>>) semaphore(%arg18 : memref<!tpu.dma_semaphore, #tpu.memory_space<semaphore_mem>>)
        %dma_start3A_93 = arith.constant 0 : i32
        %dma_start3A_94 = arith.constant 0 : i32
        %dma_start3A_95 = tpu.memref_slice %arg13[%dma_start3A_93, %dma_start3A_94] : memref<1x16xi32, #tpu.memory_space<vmem>> -> memref<1x16xi32, #tpu.memory_space<vmem>>
        %dma_start3A_96 = tpu.memref_squeeze %dma_start3A_95 : memref<1x16xi32, #tpu.memory_space<vmem>> -> memref<16xi32, #tpu.memory_space<vmem>>
        %dma_start3A_97 = arith.constant 0 : i32
        %dma_start3A_98 = arith.constant 0 : i32
        %dma_start3A_99 = tpu.memref_slice %arg3[%dma_start3A_97, %dma_start3A_98] : memref<10240x128xf32, #tpu.memory_space<hbm>> -> memref<10240x128xf32, #tpu.memory_space<hbm>>
        tpu.enqueue_indirect_dma source(%dma_start3A_99 : memref<10240x128xf32, #tpu.memory_space<hbm>>) target(%arg16 : memref<16x128xf32, #tpu.memory_space<vmem>>) offsets(%dma_start3A_96 : memref<16xi32, #tpu.memory_space<vmem>>) semaphore(%arg19 : memref<!tpu.dma_semaphore, #tpu.memory_space<semaphore_mem>>)
        %dma_start3A_100 = arith.constant 0 : i32
        %dma_start3A_101 = arith.constant 0 : i32
        %dma_start3A_102 = tpu.memref_slice %arg14[%dma_start3A_100, %dma_start3A_101] : memref<1x16xi32, #tpu.memory_space<vmem>> -> memref<1x16xi32, #tpu.memory_space<vmem>>
        %dma_start3A_103 = tpu.memref_squeeze %dma_start3A_102 : memref<1x16xi32, #tpu.memory_space<vmem>> -> memref<16xi32, #tpu.memory_space<vmem>>
        %dma_start3A_104 = arith.constant 0 : i32
        %dma_start3A_105 = arith.constant 0 : i32
        %dma_start3A_106 = tpu.memref_slice %arg4[%dma_start3A_104, %dma_start3A_105] : memref<10240x128xf32, #tpu.memory_space<hbm>> -> memref<10240x128xf32, #tpu.memory_space<hbm>>
        tpu.enqueue_indirect_dma source(%dma_start3A_106 : memref<10240x128xf32, #tpu.memory_space<hbm>>) target(%arg17 : memref<16x128xf32, #tpu.memory_space<vmem>>) offsets(%dma_start3A_103 : memref<16xi32, #tpu.memory_space<vmem>>) semaphore(%arg20 : memref<!tpu.dma_semaphore, #tpu.memory_space<semaphore_mem>>)
        %dma_wait3A = arith.constant 0 : i32
        %dma_wait3A_107 = arith.constant 0 : i32
        %dma_wait3A_108 = tpu.memref_slice %arg13[%dma_wait3A, %dma_wait3A_107] : memref<1x16xi32, #tpu.memory_space<vmem>> -> memref<1x16xi32, #tpu.memory_space<vmem>>
        %dma_wait3A_109 = tpu.memref_squeeze %dma_wait3A_108 : memref<1x16xi32, #tpu.memory_space<vmem>> -> memref<16xi32, #tpu.memory_space<vmem>>
        %dma_wait3A_110 = arith.constant 0 : i32
        %dma_wait3A_111 = arith.constant 0 : i32
        %dma_wait3A_112 = tpu.memref_slice %arg2[%dma_wait3A_110, %dma_wait3A_111] : memref<10240x1024xf32, #tpu.memory_space<hbm>> -> memref<10240x1024xf32, #tpu.memory_space<hbm>>
        tpu.wait_indirect_dma semaphore(%arg18 : memref<!tpu.dma_semaphore, #tpu.memory_space<semaphore_mem>>) src(%dma_wait3A_112 : memref<10240x1024xf32, #tpu.memory_space<hbm>>) dst(%arg15 : memref<16x1024xf32, #tpu.memory_space<vmem>>)
        %dma_wait3A_113 = arith.constant 0 : i32
        %dma_wait3A_114 = arith.constant 0 : i32
        %dma_wait3A_115 = tpu.memref_slice %arg13[%dma_wait3A_113, %dma_wait3A_114] : memref<1x16xi32, #tpu.memory_space<vmem>> -> memref<1x16xi32, #tpu.memory_space<vmem>>
        %dma_wait3A_116 = tpu.memref_squeeze %dma_wait3A_115 : memref<1x16xi32, #tpu.memory_space<vmem>> -> memref<16xi32, #tpu.memory_space<vmem>>
        %dma_wait3A_117 = arith.constant 0 : i32
        %dma_wait3A_118 = arith.constant 0 : i32
        %dma_wait3A_119 = tpu.memref_slice %arg3[%dma_wait3A_117, %dma_wait3A_118] : memref<10240x128xf32, #tpu.memory_space<hbm>> -> memref<10240x128xf32, #tpu.memory_space<hbm>>
        tpu.wait_indirect_dma semaphore(%arg19 : memref<!tpu.dma_semaphore, #tpu.memory_space<semaphore_mem>>) src(%dma_wait3A_119 : memref<10240x128xf32, #tpu.memory_space<hbm>>) dst(%arg16 : memref<16x128xf32, #tpu.memory_space<vmem>>)
        %dma_wait3A_120 = arith.constant 0 : i32
        %dma_wait3A_121 = arith.constant 0 : i32
        %dma_wait3A_122 = tpu.memref_slice %arg14[%dma_wait3A_120, %dma_wait3A_121] : memref<1x16xi32, #tpu.memory_space<vmem>> -> memref<1x16xi32, #tpu.memory_space<vmem>>
        %dma_wait3A_123 = tpu.memref_squeeze %dma_wait3A_122 : memref<1x16xi32, #tpu.memory_space<vmem>> -> memref<16xi32, #tpu.memory_space<vmem>>
        %dma_wait3A_124 = arith.constant 0 : i32
        %dma_wait3A_125 = arith.constant 0 : i32
        %dma_wait3A_126 = tpu.memref_slice %arg4[%dma_wait3A_124, %dma_wait3A_125] : memref<10240x128xf32, #tpu.memory_space<hbm>> -> memref<10240x128xf32, #tpu.memory_space<hbm>>
        tpu.wait_indirect_dma semaphore(%arg20 : memref<!tpu.dma_semaphore, #tpu.memory_space<semaphore_mem>>) src(%dma_wait3A_126 : memref<10240x128xf32, #tpu.memory_space<hbm>>) dst(%arg17 : memref<16x128xf32, #tpu.memory_space<vmem>>)
        %scan3A_127 = arith.constant 0 : i32
        %scan3A_128 = arith.constant 0 : i32
        %scan3A_129 = arith.constant 16 : i32
        %scan3A_130 = arith.addi %scan3A_128, %scan3A_129 : i32
        %scan3A_131 = arith.constant 1 : i32
        %scan3A_132 = scf.for %scan3A_135 = %scan3A_128 to %scan3A_130 step %scan3A_131 iter_args(%scan3A_136 = %scan3A_127) -> (i32)  : i32 {
          %get3A_137 = arith.index_cast %scan3A_135 : i32 to index
          %get3A_138 = arith.constant 0 : index
          %get3A_139 = tpu.vector_load %arg16[%get3A_137, %get3A_138] {strides = array<i32>} : memref<16x128xf32, #tpu.memory_space<vmem>>, vector<16xf32>,
          %get3A_140 = arith.index_cast %scan3A_135 : i32 to index
          %get3A_141 = arith.constant 0 : index
          %get3A_142 = tpu.vector_load %arg17[%get3A_140, %get3A_141] {strides = array<i32>} : memref<16x128xf32, #tpu.memory_space<vmem>>, vector<16xf32>,
          %add3A_143 = arith.addf %get3A_139, %get3A_142 : vector<16xf32>
          %mul3A_144 = arith.constant 2.000000e-01 : f32
          %mul3A_145 = vector.broadcast %mul3A_144 : f32 to vector<16xf32>
          %mul3A_146 = arith.mulf %mul3A_145, %add3A_143 : vector<16xf32>
          %max3A = arith.maximumf %add3A_143, %mul3A_146 : vector<16xf32>
          %exp3A = math.exp %max3A : vector<16xf32>
          %broadcast_in_dim3A = vector.broadcast %scan3A_135 : i32 to vector<16xi32>
          %reshape3A = vector.shape_cast %broadcast_in_dim3A : vector<16xi32> to vector<16x1xi32>
          %gather3A = vector.shape_cast %reshape3A : vector<16x1xi32> to vector<16xi32>
          %gather3A_147 = tpu.dynamic_gather %sub3A_79[%gather3A] in [0] : vector<16xi32>, vector<16xi32> -> vector<16xi32>
          %add3A_148 = arith.constant 1024 : i32
          %add3A_149 = vector.broadcast %add3A_148 : i32 to vector<16xi32>
          %add3A_150 = arith.addi %iota3A, %add3A_149 : vector<16xi32>
          tpu.vector_store_idx %arg8[%gather3A_147, %add3A_150], %exp3A {add = true} : memref<72x1152xf32, #tpu.memory_space<vmem>>[vector<16xi32>, vector<16xi32>], vector<16xf32>,
          %broadcast_in_dim3A_151 = arith.constant 0 : i32
          %broadcast_in_dim3A_152 = vector.broadcast %broadcast_in_dim3A_151 : i32 to vector<16xi32>
          %reshape3A_153 = vector.shape_cast %broadcast_in_dim3A_152 : vector<16xi32> to vector<16x1xi32>
          %gather3A_154 = vector.shape_cast %reshape3A_153 : vector<16x1xi32> to vector<16xi32>
          %gather3A_155 = tpu.dynamic_gather %exp3A[%gather3A_154] in [0] : vector<16xf32>, vector<16xi32> -> vector<16xf32>
          %add3A_156 = arith.constant 0 : i32
          %add3A_157 = vector.broadcast %add3A_156 : i32 to vector<16xi32>
          %add3A_158 = arith.addi %iota3A, %add3A_157 : vector<16xi32>
          %get3A_159 = arith.index_cast %scan3A_135 : i32 to index
          %get3A_160 = arith.constant 0 : index
          %get3A_161 = tpu.vector_load %arg15[%get3A_159, %get3A_160] {strides = array<i32>} : memref<16x1024xf32, #tpu.memory_space<vmem>>, vector<16xf32>,
          %mul3A_162 = arith.mulf %get3A_161, %gather3A_155 : vector<16xf32>
          tpu.vector_store_idx %arg8[%gather3A_147, %add3A_158], %mul3A_162 {add = true} : memref<72x1152xf32, #tpu.memory_space<vmem>>[vector<16xi32>, vector<16xi32>], vector<16xf32>,
          %add3A_163 = arith.constant 16 : i32
          %add3A_164 = vector.broadcast %add3A_163 : i32 to vector<16xi32>
          %add3A_165 = arith.addi %iota3A, %add3A_164 : vector<16xi32>
          %get3A_166 = arith.index_cast %scan3A_135 : i32 to index
          %get3A_167 = arith.constant 16 : index
          %get3A_168 = tpu.vector_load %arg15[%get3A_166, %get3A_167] {strides = array<i32>} : memref<16x1024xf32, #tpu.memory_space<vmem>>, vector<16xf32>,
          %mul3A_169 = arith.mulf %get3A_168, %gather3A_155 : vector<16xf32>
          tpu.vector_store_idx %arg8[%gather3A_147, %add3A_165], %mul3A_169 {add = true} : memref<72x1152xf32, #tpu.memory_space<vmem>>[vector<16xi32>, vector<16xi32>], vector<16xf32>,
          %add3A_170 = arith.constant 32 : i32
          %add3A_171 = vector.broadcast %add3A_170 : i32 to vector<16xi32>
          %add3A_172 = arith.addi %iota3A, %add3A_171 : vector<16xi32>
          %get3A_173 = arith.index_cast %scan3A_135 : i32 to index
          %get3A_174 = arith.constant 32 : index
          %get3A_175 = tpu.vector_load %arg15[%get3A_173, %get3A_174] {strides = array<i32>} : memref<16x1024xf32, #tpu.memory_space<vmem>>, vector<16xf32>,
          %mul3A_176 = arith.mulf %get3A_175, %gather3A_155 : vector<16xf32>
          tpu.vector_store_idx %arg8[%gather3A_147, %add3A_172], %mul3A_176 {add = true} : memref<72x1152xf32, #tpu.memory_space<vmem>>[vector<16xi32>, vector<16xi32>], vector<16xf32>,
          %add3A_177 = arith.constant 48 : i32
          %add3A_178 = vector.broadcast %add3A_177 : i32 to vector<16xi32>
          %add3A_179 = arith.addi %iota3A, %add3A_178 : vector<16xi32>
          %get3A_180 = arith.index_cast %scan3A_135 : i32 to index
          %get3A_181 = arith.constant 48 : index
          %get3A_182 = tpu.vector_load %arg15[%get3A_180, %get3A_181] {strides = array<i32>} : memref<16x1024xf32, #tpu.memory_space<vmem>>, vector<16xf32>,
          %mul3A_183 = arith.mulf %get3A_182, %gather3A_155 : vector<16xf32>
          tpu.vector_store_idx %arg8[%gather3A_147, %add3A_179], %mul3A_183 {add = true} : memref<72x1152xf32, #tpu.memory_space<vmem>>[vector<16xi32>, vector<16xi32>], vector<16xf32>,
          %add3A_184 = arith.constant 64 : i32
          %add3A_185 = vector.broadcast %add3A_184 : i32 to vector<16xi32>
          %add3A_186 = arith.addi %iota3A, %add3A_185 : vector<16xi32>
          %get3A_187 = arith.index_cast %scan3A_135 : i32 to index
          %get3A_188 = arith.constant 64 : index
          %get3A_189 = tpu.vector_load %arg15[%get3A_187, %get3A_188] {strides = array<i32>} : memref<16x1024xf32, #tpu.memory_space<vmem>>, vector<16xf32>,
          %mul3A_190 = arith.mulf %get3A_189, %gather3A_155 : vector<16xf32>
          tpu.vector_store_idx %arg8[%gather3A_147, %add3A_186], %mul3A_190 {add = true} : memref<72x1152xf32, #tpu.memory_space<vmem>>[vector<16xi32>, vector<16xi32>], vector<16xf32>,
          %add3A_191 = arith.constant 80 : i32
          %add3A_192 = vector.broadcast %add3A_191 : i32 to vector<16xi32>
          %add3A_193 = arith.addi %iota3A, %add3A_192 : vector<16xi32>
          %get3A_194 = arith.index_cast %scan3A_135 : i32 to index
          %get3A_195 = arith.constant 80 : index
          %get3A_196 = tpu.vector_load %arg15[%get3A_194, %get3A_195] {strides = array<i32>} : memref<16x1024xf32, #tpu.memory_space<vmem>>, vector<16xf32>,
          %mul3A_197 = arith.mulf %get3A_196, %gather3A_155 : vector<16xf32>
          tpu.vector_store_idx %arg8[%gather3A_147, %add3A_193], %mul3A_197 {add = true} : memref<72x1152xf32, #tpu.memory_space<vmem>>[vector<16xi32>, vector<16xi32>], vector<16xf32>,
          %add3A_198 = arith.constant 96 : i32
          %add3A_199 = vector.broadcast %add3A_198 : i32 to vector<16xi32>
          %add3A_200 = arith.addi %iota3A, %add3A_199 : vector<16xi32>
          %get3A_201 = arith.index_cast %scan3A_135 : i32 to index
          %get3A_202 = arith.constant 96 : index
          %get3A_203 = tpu.vector_load %arg15[%get3A_201, %get3A_202] {strides = array<i32>} : memref<16x1024xf32, #tpu.memory_space<vmem>>, vector<16xf32>,
          %mul3A_204 = arith.mulf %get3A_203, %gather3A_155 : vector<16xf32>
          tpu.vector_store_idx %arg8[%gather3A_147, %add3A_200], %mul3A_204 {add = true} : memref<72x1152xf32, #tpu.memory_space<vmem>>[vector<16xi32>, vector<16xi32>], vector<16xf32>,
          %add3A_205 = arith.constant 112 : i32
          %add3A_206 = vector.broadcast %add3A_205 : i32 to vector<16xi32>
          %add3A_207 = arith.addi %iota3A, %add3A_206 : vector<16xi32>
          %get3A_208 = arith.index_cast %scan3A_135 : i32 to index
          %get3A_209 = arith.constant 112 : index
          %get3A_210 = tpu.vector_load %arg15[%get3A_208, %get3A_209] {strides = array<i32>} : memref<16x1024xf32, #tpu.memory_space<vmem>>, vector<16xf32>,
          %mul3A_211 = arith.mulf %get3A_210, %gather3A_155 : vector<16xf32>
          tpu.vector_store_idx %arg8[%gather3A_147, %add3A_207], %mul3A_211 {add = true} : memref<72x1152xf32, #tpu.memory_space<vmem>>[vector<16xi32>, vector<16xi32>], vector<16xf32>,
          %add3A_212 = arith.constant 128 : i32
          %add3A_213 = vector.broadcast %add3A_212 : i32 to vector<16xi32>
          %add3A_214 = arith.addi %iota3A, %add3A_213 : vector<16xi32>
          %get3A_215 = arith.index_cast %scan3A_135 : i32 to index
          %get3A_216 = arith.constant 128 : index
          %get3A_217 = tpu.vector_load %arg15[%get3A_215, %get3A_216] {strides = array<i32>} : memref<16x1024xf32, #tpu.memory_space<vmem>>, vector<16xf32>,
          %mul3A_218 = arith.mulf %get3A_217, %gather3A_155 : vector<16xf32>
          tpu.vector_store_idx %arg8[%gather3A_147, %add3A_214], %mul3A_218 {add = true} : memref<72x1152xf32, #tpu.memory_space<vmem>>[vector<16xi32>, vector<16xi32>], vector<16xf32>,
          %add3A_219 = arith.constant 144 : i32
          %add3A_220 = vector.broadcast %add3A_219 : i32 to vector<16xi32>
          %add3A_221 = arith.addi %iota3A, %add3A_220 : vector<16xi32>
          %get3A_222 = arith.index_cast %scan3A_135 : i32 to index
          %get3A_223 = arith.constant 144 : index
          %get3A_224 = tpu.vector_load %arg15[%get3A_222, %get3A_223] {strides = array<i32>} : memref<16x1024xf32, #tpu.memory_space<vmem>>, vector<16xf32>,
          %mul3A_225 = arith.mulf %get3A_224, %gather3A_155 : vector<16xf32>
          tpu.vector_store_idx %arg8[%gather3A_147, %add3A_221], %mul3A_225 {add = true} : memref<72x1152xf32, #tpu.memory_space<vmem>>[vector<16xi32>, vector<16xi32>], vector<16xf32>,
          %add3A_226 = arith.constant 160 : i32
          %add3A_227 = vector.broadcast %add3A_226 : i32 to vector<16xi32>
          %add3A_228 = arith.addi %iota3A, %add3A_227 : vector<16xi32>
          %get3A_229 = arith.index_cast %scan3A_135 : i32 to index
          %get3A_230 = arith.constant 160 : index
          %get3A_231 = tpu.vector_load %arg15[%get3A_229, %get3A_230] {strides = array<i32>} : memref<16x1024xf32, #tpu.memory_space<vmem>>, vector<16xf32>,
          %mul3A_232 = arith.mulf %get3A_231, %gather3A_155 : vector<16xf32>
          tpu.vector_store_idx %arg8[%gather3A_147, %add3A_228], %mul3A_232 {add = true} : memref<72x1152xf32, #tpu.memory_space<vmem>>[vector<16xi32>, vector<16xi32>], vector<16xf32>,
          %add3A_233 = arith.constant 176 : i32
          %add3A_234 = vector.broadcast %add3A_233 : i32 to vector<16xi32>
          %add3A_235 = arith.addi %iota3A, %add3A_234 : vector<16xi32>
          %get3A_236 = arith.index_cast %scan3A_135 : i32 to index
          %get3A_237 = arith.constant 176 : index
          %get3A_238 = tpu.vector_load %arg15[%get3A_236, %get3A_237] {strides = array<i32>} : memref<16x1024xf32, #tpu.memory_space<vmem>>, vector<16xf32>,
          %mul3A_239 = arith.mulf %get3A_238, %gather3A_155 : vector<16xf32>
          tpu.vector_store_idx %arg8[%gather3A_147, %add3A_235], %mul3A_239 {add = true} : memref<72x1152xf32, #tpu.memory_space<vmem>>[vector<16xi32>, vector<16xi32>], vector<16xf32>,
          %add3A_240 = arith.constant 192 : i32
          %add3A_241 = vector.broadcast %add3A_240 : i32 to vector<16xi32>
          %add3A_242 = arith.addi %iota3A, %add3A_241 : vector<16xi32>
          %get3A_243 = arith.index_cast %scan3A_135 : i32 to index
          %get3A_244 = arith.constant 192 : index
          %get3A_245 = tpu.vector_load %arg15[%get3A_243, %get3A_244] {strides = array<i32>} : memref<16x1024xf32, #tpu.memory_space<vmem>>, vector<16xf32>,
          %mul3A_246 = arith.mulf %get3A_245, %gather3A_155 : vector<16xf32>
          tpu.vector_store_idx %arg8[%gather3A_147, %add3A_242], %mul3A_246 {add = true} : memref<72x1152xf32, #tpu.memory_space<vmem>>[vector<16xi32>, vector<16xi32>], vector<16xf32>,
          %add3A_247 = arith.constant 208 : i32
          %add3A_248 = vector.broadcast %add3A_247 : i32 to vector<16xi32>
          %add3A_249 = arith.addi %iota3A, %add3A_248 : vector<16xi32>
          %get3A_250 = arith.index_cast %scan3A_135 : i32 to index
          %get3A_251 = arith.constant 208 : index
          %get3A_252 = tpu.vector_load %arg15[%get3A_250, %get3A_251] {strides = array<i32>} : memref<16x1024xf32, #tpu.memory_space<vmem>>, vector<16xf32>,
          %mul3A_253 = arith.mulf %get3A_252, %gather3A_155 : vector<16xf32>
          tpu.vector_store_idx %arg8[%gather3A_147, %add3A_249], %mul3A_253 {add = true} : memref<72x1152xf32, #tpu.memory_space<vmem>>[vector<16xi32>, vector<16xi32>], vector<16xf32>,
          %add3A_254 = arith.constant 224 : i32
          %add3A_255 = vector.broadcast %add3A_254 : i32 to vector<16xi32>
          %add3A_256 = arith.addi %iota3A, %add3A_255 : vector<16xi32>
          %get3A_257 = arith.index_cast %scan3A_135 : i32 to index
          %get3A_258 = arith.constant 224 : index
          %get3A_259 = tpu.vector_load %arg15[%get3A_257, %get3A_258] {strides = array<i32>} : memref<16x1024xf32, #tpu.memory_space<vmem>>, vector<16xf32>,
          %mul3A_260 = arith.mulf %get3A_259, %gather3A_155 : vector<16xf32>
          tpu.vector_store_idx %arg8[%gather3A_147, %add3A_256], %mul3A_260 {add = true} : memref<72x1152xf32, #tpu.memory_space<vmem>>[vector<16xi32>, vector<16xi32>], vector<16xf32>,
          %add3A_261 = arith.constant 240 : i32
          %add3A_262 = vector.broadcast %add3A_261 : i32 to vector<16xi32>
          %add3A_263 = arith.addi %iota3A, %add3A_262 : vector<16xi32>
          %get3A_264 = arith.index_cast %scan3A_135 : i32 to index
          %get3A_265 = arith.constant 240 : index
          %get3A_266 = tpu.vector_load %arg15[%get3A_264, %get3A_265] {strides = array<i32>} : memref<16x1024xf32, #tpu.memory_space<vmem>>, vector<16xf32>,
          %mul3A_267 = arith.mulf %get3A_266, %gather3A_155 : vector<16xf32>
          tpu.vector_store_idx %arg8[%gather3A_147, %add3A_263], %mul3A_267 {add = true} : memref<72x1152xf32, #tpu.memory_space<vmem>>[vector<16xi32>, vector<16xi32>], vector<16xf32>,
          %broadcast_in_dim3A_268 = arith.constant 1 : i32
          %broadcast_in_dim3A_269 = vector.broadcast %broadcast_in_dim3A_268 : i32 to vector<16xi32>
          %reshape3A_270 = vector.shape_cast %broadcast_in_dim3A_269 : vector<16xi32> to vector<16x1xi32>
          %gather3A_271 = vector.shape_cast %reshape3A_270 : vector<16x1xi32> to vector<16xi32>
          %gather3A_272 = tpu.dynamic_gather %exp3A[%gather3A_271] in [0] : vector<16xf32>, vector<16xi32> -> vector<16xf32>
          %add3A_273 = arith.constant 256 : i32
          %add3A_274 = vector.broadcast %add3A_273 : i32 to vector<16xi32>
          %add3A_275 = arith.addi %iota3A, %add3A_274 : vector<16xi32>
          %get3A_276 = arith.index_cast %scan3A_135 : i32 to index
          %get3A_277 = arith.constant 256 : index
          %get3A_278 = tpu.vector_load %arg15[%get3A_276, %get3A_277] {strides = array<i32>} : memref<16x1024xf32, #tpu.memory_space<vmem>>, vector<16xf32>,
          %mul3A_279 = arith.mulf %get3A_278, %gather3A_272 : vector<16xf32>
          tpu.vector_store_idx %arg8[%gather3A_147, %add3A_275], %mul3A_279 {add = true} : memref<72x1152xf32, #tpu.memory_space<vmem>>[vector<16xi32>, vector<16xi32>], vector<16xf32>,
          %add3A_280 = arith.constant 272 : i32
          %add3A_281 = vector.broadcast %add3A_280 : i32 to vector<16xi32>
          %add3A_282 = arith.addi %iota3A, %add3A_281 : vector<16xi32>
          %get3A_283 = arith.index_cast %scan3A_135 : i32 to index
          %get3A_284 = arith.constant 272 : index
          %get3A_285 = tpu.vector_load %arg15[%get3A_283, %get3A_284] {strides = array<i32>} : memref<16x1024xf32, #tpu.memory_space<vmem>>, vector<16xf32>,
          %mul3A_286 = arith.mulf %get3A_285, %gather3A_272 : vector<16xf32>
          tpu.vector_store_idx %arg8[%gather3A_147, %add3A_282], %mul3A_286 {add = true} : memref<72x1152xf32, #tpu.memory_space<vmem>>[vector<16xi32>, vector<16xi32>], vector<16xf32>,
          %add3A_287 = arith.constant 288 : i32
          %add3A_288 = vector.broadcast %add3A_287 : i32 to vector<16xi32>
          %add3A_289 = arith.addi %iota3A, %add3A_288 : vector<16xi32>
          %get3A_290 = arith.index_cast %scan3A_135 : i32 to index
          %get3A_291 = arith.constant 288 : index
          %get3A_292 = tpu.vector_load %arg15[%get3A_290, %get3A_291] {strides = array<i32>} : memref<16x1024xf32, #tpu.memory_space<vmem>>, vector<16xf32>,
          %mul3A_293 = arith.mulf %get3A_292, %gather3A_272 : vector<16xf32>
          tpu.vector_store_idx %arg8[%gather3A_147, %add3A_289], %mul3A_293 {add = true} : memref<72x1152xf32, #tpu.memory_space<vmem>>[vector<16xi32>, vector<16xi32>], vector<16xf32>,
          %add3A_294 = arith.constant 304 : i32
          %add3A_295 = vector.broadcast %add3A_294 : i32 to vector<16xi32>
          %add3A_296 = arith.addi %iota3A, %add3A_295 : vector<16xi32>
          %get3A_297 = arith.index_cast %scan3A_135 : i32 to index
          %get3A_298 = arith.constant 304 : index
          %get3A_299 = tpu.vector_load %arg15[%get3A_297, %get3A_298] {strides = array<i32>} : memref<16x1024xf32, #tpu.memory_space<vmem>>, vector<16xf32>,
          %mul3A_300 = arith.mulf %get3A_299, %gather3A_272 : vector<16xf32>
          tpu.vector_store_idx %arg8[%gather3A_147, %add3A_296], %mul3A_300 {add = true} : memref<72x1152xf32, #tpu.memory_space<vmem>>[vector<16xi32>, vector<16xi32>], vector<16xf32>,
          %add3A_301 = arith.constant 320 : i32
          %add3A_302 = vector.broadcast %add3A_301 : i32 to vector<16xi32>
          %add3A_303 = arith.addi %iota3A, %add3A_302 : vector<16xi32>
          %get3A_304 = arith.index_cast %scan3A_135 : i32 to index
          %get3A_305 = arith.constant 320 : index
          %get3A_306 = tpu.vector_load %arg15[%get3A_304, %get3A_305] {strides = array<i32>} : memref<16x1024xf32, #tpu.memory_space<vmem>>, vector<16xf32>,
          %mul3A_307 = arith.mulf %get3A_306, %gather3A_272 : vector<16xf32>
          tpu.vector_store_idx %arg8[%gather3A_147, %add3A_303], %mul3A_307 {add = true} : memref<72x1152xf32, #tpu.memory_space<vmem>>[vector<16xi32>, vector<16xi32>], vector<16xf32>,
          %add3A_308 = arith.constant 336 : i32
          %add3A_309 = vector.broadcast %add3A_308 : i32 to vector<16xi32>
          %add3A_310 = arith.addi %iota3A, %add3A_309 : vector<16xi32>
          %get3A_311 = arith.index_cast %scan3A_135 : i32 to index
          %get3A_312 = arith.constant 336 : index
          %get3A_313 = tpu.vector_load %arg15[%get3A_311, %get3A_312] {strides = array<i32>} : memref<16x1024xf32, #tpu.memory_space<vmem>>, vector<16xf32>,
          %mul3A_314 = arith.mulf %get3A_313, %gather3A_272 : vector<16xf32>
          tpu.vector_store_idx %arg8[%gather3A_147, %add3A_310], %mul3A_314 {add = true} : memref<72x1152xf32, #tpu.memory_space<vmem>>[vector<16xi32>, vector<16xi32>], vector<16xf32>,
          %add3A_315 = arith.constant 352 : i32
          %add3A_316 = vector.broadcast %add3A_315 : i32 to vector<16xi32>
          %add3A_317 = arith.addi %iota3A, %add3A_316 : vector<16xi32>
          %get3A_318 = arith.index_cast %scan3A_135 : i32 to index
          %get3A_319 = arith.constant 352 : index
          %get3A_320 = tpu.vector_load %arg15[%get3A_318, %get3A_319] {strides = array<i32>} : memref<16x1024xf32, #tpu.memory_space<vmem>>, vector<16xf32>,
          %mul3A_321 = arith.mulf %get3A_320, %gather3A_272 : vector<16xf32>
          tpu.vector_store_idx %arg8[%gather3A_147, %add3A_317], %mul3A_321 {add = true} : memref<72x1152xf32, #tpu.memory_space<vmem>>[vector<16xi32>, vector<16xi32>], vector<16xf32>,
          %add3A_322 = arith.constant 368 : i32
          %add3A_323 = vector.broadcast %add3A_322 : i32 to vector<16xi32>
          %add3A_324 = arith.addi %iota3A, %add3A_323 : vector<16xi32>
          %get3A_325 = arith.index_cast %scan3A_135 : i32 to index
          %get3A_326 = arith.constant 368 : index
          %get3A_327 = tpu.vector_load %arg15[%get3A_325, %get3A_326] {strides = array<i32>} : memref<16x1024xf32, #tpu.memory_space<vmem>>, vector<16xf32>,
          %mul3A_328 = arith.mulf %get3A_327, %gather3A_272 : vector<16xf32>
          tpu.vector_store_idx %arg8[%gather3A_147, %add3A_324], %mul3A_328 {add = true} : memref<72x1152xf32, #tpu.memory_space<vmem>>[vector<16xi32>, vector<16xi32>], vector<16xf32>,
          %add3A_329 = arith.constant 384 : i32
          %add3A_330 = vector.broadcast %add3A_329 : i32 to vector<16xi32>
          %add3A_331 = arith.addi %iota3A, %add3A_330 : vector<16xi32>
          %get3A_332 = arith.index_cast %scan3A_135 : i32 to index
          %get3A_333 = arith.constant 384 : index
          %get3A_334 = tpu.vector_load %arg15[%get3A_332, %get3A_333] {strides = array<i32>} : memref<16x1024xf32, #tpu.memory_space<vmem>>, vector<16xf32>,
          %mul3A_335 = arith.mulf %get3A_334, %gather3A_272 : vector<16xf32>
          tpu.vector_store_idx %arg8[%gather3A_147, %add3A_331], %mul3A_335 {add = true} : memref<72x1152xf32, #tpu.memory_space<vmem>>[vector<16xi32>, vector<16xi32>], vector<16xf32>,
          %add3A_336 = arith.constant 400 : i32
          %add3A_337 = vector.broadcast %add3A_336 : i32 to vector<16xi32>
          %add3A_338 = arith.addi %iota3A, %add3A_337 : vector<16xi32>
          %get3A_339 = arith.index_cast %scan3A_135 : i32 to index
          %get3A_340 = arith.constant 400 : index
          %get3A_341 = tpu.vector_load %arg15[%get3A_339, %get3A_340] {strides = array<i32>} : memref<16x1024xf32, #tpu.memory_space<vmem>>, vector<16xf32>,
          %mul3A_342 = arith.mulf %get3A_341, %gather3A_272 : vector<16xf32>
          tpu.vector_store_idx %arg8[%gather3A_147, %add3A_338], %mul3A_342 {add = true} : memref<72x1152xf32, #tpu.memory_space<vmem>>[vector<16xi32>, vector<16xi32>], vector<16xf32>,
          %add3A_343 = arith.constant 416 : i32
          %add3A_344 = vector.broadcast %add3A_343 : i32 to vector<16xi32>
          %add3A_345 = arith.addi %iota3A, %add3A_344 : vector<16xi32>
          %get3A_346 = arith.index_cast %scan3A_135 : i32 to index
          %get3A_347 = arith.constant 416 : index
          %get3A_348 = tpu.vector_load %arg15[%get3A_346, %get3A_347] {strides = array<i32>} : memref<16x1024xf32, #tpu.memory_space<vmem>>, vector<16xf32>,
          %mul3A_349 = arith.mulf %get3A_348, %gather3A_272 : vector<16xf32>
          tpu.vector_store_idx %arg8[%gather3A_147, %add3A_345], %mul3A_349 {add = true} : memref<72x1152xf32, #tpu.memory_space<vmem>>[vector<16xi32>, vector<16xi32>], vector<16xf32>,
          %add3A_350 = arith.constant 432 : i32
          %add3A_351 = vector.broadcast %add3A_350 : i32 to vector<16xi32>
          %add3A_352 = arith.addi %iota3A, %add3A_351 : vector<16xi32>
          %get3A_353 = arith.index_cast %scan3A_135 : i32 to index
          %get3A_354 = arith.constant 432 : index
          %get3A_355 = tpu.vector_load %arg15[%get3A_353, %get3A_354] {strides = array<i32>} : memref<16x1024xf32, #tpu.memory_space<vmem>>, vector<16xf32>,
          %mul3A_356 = arith.mulf %get3A_355, %gather3A_272 : vector<16xf32>
          tpu.vector_store_idx %arg8[%gather3A_147, %add3A_352], %mul3A_356 {add = true} : memref<72x1152xf32, #tpu.memory_space<vmem>>[vector<16xi32>, vector<16xi32>], vector<16xf32>,
          %add3A_357 = arith.constant 448 : i32
          %add3A_358 = vector.broadcast %add3A_357 : i32 to vector<16xi32>
          %add3A_359 = arith.addi %iota3A, %add3A_358 : vector<16xi32>
          %get3A_360 = arith.index_cast %scan3A_135 : i32 to index
          %get3A_361 = arith.constant 448 : index
          %get3A_362 = tpu.vector_load %arg15[%get3A_360, %get3A_361] {strides = array<i32>} : memref<16x1024xf32, #tpu.memory_space<vmem>>, vector<16xf32>,
          %mul3A_363 = arith.mulf %get3A_362, %gather3A_272 : vector<16xf32>
          tpu.vector_store_idx %arg8[%gather3A_147, %add3A_359], %mul3A_363 {add = true} : memref<72x1152xf32, #tpu.memory_space<vmem>>[vector<16xi32>, vector<16xi32>], vector<16xf32>,
          %add3A_364 = arith.constant 464 : i32
          %add3A_365 = vector.broadcast %add3A_364 : i32 to vector<16xi32>
          %add3A_366 = arith.addi %iota3A, %add3A_365 : vector<16xi32>
          %get3A_367 = arith.index_cast %scan3A_135 : i32 to index
          %get3A_368 = arith.constant 464 : index
          %get3A_369 = tpu.vector_load %arg15[%get3A_367, %get3A_368] {strides = array<i32>} : memref<16x1024xf32, #tpu.memory_space<vmem>>, vector<16xf32>,
          %mul3A_370 = arith.mulf %get3A_369, %gather3A_272 : vector<16xf32>
          tpu.vector_store_idx %arg8[%gather3A_147, %add3A_366], %mul3A_370 {add = true} : memref<72x1152xf32, #tpu.memory_space<vmem>>[vector<16xi32>, vector<16xi32>], vector<16xf32>,
          %add3A_371 = arith.constant 480 : i32
          %add3A_372 = vector.broadcast %add3A_371 : i32 to vector<16xi32>
          %add3A_373 = arith.addi %iota3A, %add3A_372 : vector<16xi32>
          %get3A_374 = arith.index_cast %scan3A_135 : i32 to index
          %get3A_375 = arith.constant 480 : index
          %get3A_376 = tpu.vector_load %arg15[%get3A_374, %get3A_375] {strides = array<i32>} : memref<16x1024xf32, #tpu.memory_space<vmem>>, vector<16xf32>,
          %mul3A_377 = arith.mulf %get3A_376, %gather3A_272 : vector<16xf32>
          tpu.vector_store_idx %arg8[%gather3A_147, %add3A_373], %mul3A_377 {add = true} : memref<72x1152xf32, #tpu.memory_space<vmem>>[vector<16xi32>, vector<16xi32>], vector<16xf32>,
          %add3A_378 = arith.constant 496 : i32
          %add3A_379 = vector.broadcast %add3A_378 : i32 to vector<16xi32>
          %add3A_380 = arith.addi %iota3A, %add3A_379 : vector<16xi32>
          %get3A_381 = arith.index_cast %scan3A_135 : i32 to index
          %get3A_382 = arith.constant 496 : index
          %get3A_383 = tpu.vector_load %arg15[%get3A_381, %get3A_382] {strides = array<i32>} : memref<16x1024xf32, #tpu.memory_space<vmem>>, vector<16xf32>,
          %mul3A_384 = arith.mulf %get3A_383, %gather3A_272 : vector<16xf32>
          tpu.vector_store_idx %arg8[%gather3A_147, %add3A_380], %mul3A_384 {add = true} : memref<72x1152xf32, #tpu.memory_space<vmem>>[vector<16xi32>, vector<16xi32>], vector<16xf32>,
          %broadcast_in_dim3A_385 = arith.constant 2 : i32
          %broadcast_in_dim3A_386 = vector.broadcast %broadcast_in_dim3A_385 : i32 to vector<16xi32>
          %reshape3A_387 = vector.shape_cast %broadcast_in_dim3A_386 : vector<16xi32> to vector<16x1xi32>
          %gather3A_388 = vector.shape_cast %reshape3A_387 : vector<16x1xi32> to vector<16xi32>
          %gather3A_389 = tpu.dynamic_gather %exp3A[%gather3A_388] in [0] : vector<16xf32>, vector<16xi32> -> vector<16xf32>
          %add3A_390 = arith.constant 512 : i32
          %add3A_391 = vector.broadcast %add3A_390 : i32 to vector<16xi32>
          %add3A_392 = arith.addi %iota3A, %add3A_391 : vector<16xi32>
          %get3A_393 = arith.index_cast %scan3A_135 : i32 to index
          %get3A_394 = arith.constant 512 : index
          %get3A_395 = tpu.vector_load %arg15[%get3A_393, %get3A_394] {strides = array<i32>} : memref<16x1024xf32, #tpu.memory_space<vmem>>, vector<16xf32>,
          %mul3A_396 = arith.mulf %get3A_395, %gather3A_389 : vector<16xf32>
          tpu.vector_store_idx %arg8[%gather3A_147, %add3A_392], %mul3A_396 {add = true} : memref<72x1152xf32, #tpu.memory_space<vmem>>[vector<16xi32>, vector<16xi32>], vector<16xf32>,
          %add3A_397 = arith.constant 528 : i32
          %add3A_398 = vector.broadcast %add3A_397 : i32 to vector<16xi32>
          %add3A_399 = arith.addi %iota3A, %add3A_398 : vector<16xi32>
          %get3A_400 = arith.index_cast %scan3A_135 : i32 to index
          %get3A_401 = arith.constant 528 : index
          %get3A_402 = tpu.vector_load %arg15[%get3A_400, %get3A_401] {strides = array<i32>} : memref<16x1024xf32, #tpu.memory_space<vmem>>, vector<16xf32>,
          %mul3A_403 = arith.mulf %get3A_402, %gather3A_389 : vector<16xf32>
          tpu.vector_store_idx %arg8[%gather3A_147, %add3A_399], %mul3A_403 {add = true} : memref<72x1152xf32, #tpu.memory_space<vmem>>[vector<16xi32>, vector<16xi32>], vector<16xf32>,
          %add3A_404 = arith.constant 544 : i32
          %add3A_405 = vector.broadcast %add3A_404 : i32 to vector<16xi32>
          %add3A_406 = arith.addi %iota3A, %add3A_405 : vector<16xi32>
          %get3A_407 = arith.index_cast %scan3A_135 : i32 to index
          %get3A_408 = arith.constant 544 : index
          %get3A_409 = tpu.vector_load %arg15[%get3A_407, %get3A_408] {strides = array<i32>} : memref<16x1024xf32, #tpu.memory_space<vmem>>, vector<16xf32>,
          %mul3A_410 = arith.mulf %get3A_409, %gather3A_389 : vector<16xf32>
          tpu.vector_store_idx %arg8[%gather3A_147, %add3A_406], %mul3A_410 {add = true} : memref<72x1152xf32, #tpu.memory_space<vmem>>[vector<16xi32>, vector<16xi32>], vector<16xf32>,
          %add3A_411 = arith.constant 560 : i32
          %add3A_412 = vector.broadcast %add3A_411 : i32 to vector<16xi32>
          %add3A_413 = arith.addi %iota3A, %add3A_412 : vector<16xi32>
          %get3A_414 = arith.index_cast %scan3A_135 : i32 to index
          %get3A_415 = arith.constant 560 : index
          %get3A_416 = tpu.vector_load %arg15[%get3A_414, %get3A_415] {strides = array<i32>} : memref<16x1024xf32, #tpu.memory_space<vmem>>, vector<16xf32>,
          %mul3A_417 = arith.mulf %get3A_416, %gather3A_389 : vector<16xf32>
          tpu.vector_store_idx %arg8[%gather3A_147, %add3A_413], %mul3A_417 {add = true} : memref<72x1152xf32, #tpu.memory_space<vmem>>[vector<16xi32>, vector<16xi32>], vector<16xf32>,
          %add3A_418 = arith.constant 576 : i32
          %add3A_419 = vector.broadcast %add3A_418 : i32 to vector<16xi32>
          %add3A_420 = arith.addi %iota3A, %add3A_419 : vector<16xi32>
          %get3A_421 = arith.index_cast %scan3A_135 : i32 to index
          %get3A_422 = arith.constant 576 : index
          %get3A_423 = tpu.vector_load %arg15[%get3A_421, %get3A_422] {strides = array<i32>} : memref<16x1024xf32, #tpu.memory_space<vmem>>, vector<16xf32>,
          %mul3A_424 = arith.mulf %get3A_423, %gather3A_389 : vector<16xf32>
          tpu.vector_store_idx %arg8[%gather3A_147, %add3A_420], %mul3A_424 {add = true} : memref<72x1152xf32, #tpu.memory_space<vmem>>[vector<16xi32>, vector<16xi32>], vector<16xf32>,
          %add3A_425 = arith.constant 592 : i32
          %add3A_426 = vector.broadcast %add3A_425 : i32 to vector<16xi32>
          %add3A_427 = arith.addi %iota3A, %add3A_426 : vector<16xi32>
          %get3A_428 = arith.index_cast %scan3A_135 : i32 to index
          %get3A_429 = arith.constant 592 : index
          %get3A_430 = tpu.vector_load %arg15[%get3A_428, %get3A_429] {strides = array<i32>} : memref<16x1024xf32, #tpu.memory_space<vmem>>, vector<16xf32>,
          %mul3A_431 = arith.mulf %get3A_430, %gather3A_389 : vector<16xf32>
          tpu.vector_store_idx %arg8[%gather3A_147, %add3A_427], %mul3A_431 {add = true} : memref<72x1152xf32, #tpu.memory_space<vmem>>[vector<16xi32>, vector<16xi32>], vector<16xf32>,
          %add3A_432 = arith.constant 608 : i32
          %add3A_433 = vector.broadcast %add3A_432 : i32 to vector<16xi32>
          %add3A_434 = arith.addi %iota3A, %add3A_433 : vector<16xi32>
          %get3A_435 = arith.index_cast %scan3A_135 : i32 to index
          %get3A_436 = arith.constant 608 : index
          %get3A_437 = tpu.vector_load %arg15[%get3A_435, %get3A_436] {strides = array<i32>} : memref<16x1024xf32, #tpu.memory_space<vmem>>, vector<16xf32>,
          %mul3A_438 = arith.mulf %get3A_437, %gather3A_389 : vector<16xf32>
          tpu.vector_store_idx %arg8[%gather3A_147, %add3A_434], %mul3A_438 {add = true} : memref<72x1152xf32, #tpu.memory_space<vmem>>[vector<16xi32>, vector<16xi32>], vector<16xf32>,
          %add3A_439 = arith.constant 624 : i32
          %add3A_440 = vector.broadcast %add3A_439 : i32 to vector<16xi32>
          %add3A_441 = arith.addi %iota3A, %add3A_440 : vector<16xi32>
          %get3A_442 = arith.index_cast %scan3A_135 : i32 to index
          %get3A_443 = arith.constant 624 : index
          %get3A_444 = tpu.vector_load %arg15[%get3A_442, %get3A_443] {strides = array<i32>} : memref<16x1024xf32, #tpu.memory_space<vmem>>, vector<16xf32>,
          %mul3A_445 = arith.mulf %get3A_444, %gather3A_389 : vector<16xf32>
          tpu.vector_store_idx %arg8[%gather3A_147, %add3A_441], %mul3A_445 {add = true} : memref<72x1152xf32, #tpu.memory_space<vmem>>[vector<16xi32>, vector<16xi32>], vector<16xf32>,
          %add3A_446 = arith.constant 640 : i32
          %add3A_447 = vector.broadcast %add3A_446 : i32 to vector<16xi32>
          %add3A_448 = arith.addi %iota3A, %add3A_447 : vector<16xi32>
          %get3A_449 = arith.index_cast %scan3A_135 : i32 to index
          %get3A_450 = arith.constant 640 : index
          %get3A_451 = tpu.vector_load %arg15[%get3A_449, %get3A_450] {strides = array<i32>} : memref<16x1024xf32, #tpu.memory_space<vmem>>, vector<16xf32>,
          %mul3A_452 = arith.mulf %get3A_451, %gather3A_389 : vector<16xf32>
          tpu.vector_store_idx %arg8[%gather3A_147, %add3A_448], %mul3A_452 {add = true} : memref<72x1152xf32, #tpu.memory_space<vmem>>[vector<16xi32>, vector<16xi32>], vector<16xf32>,
          %add3A_453 = arith.constant 656 : i32
          %add3A_454 = vector.broadcast %add3A_453 : i32 to vector<16xi32>
          %add3A_455 = arith.addi %iota3A, %add3A_454 : vector<16xi32>
          %get3A_456 = arith.index_cast %scan3A_135 : i32 to index
          %get3A_457 = arith.constant 656 : index
          %get3A_458 = tpu.vector_load %arg15[%get3A_456, %get3A_457] {strides = array<i32>} : memref<16x1024xf32, #tpu.memory_space<vmem>>, vector<16xf32>,
          %mul3A_459 = arith.mulf %get3A_458, %gather3A_389 : vector<16xf32>
          tpu.vector_store_idx %arg8[%gather3A_147, %add3A_455], %mul3A_459 {add = true} : memref<72x1152xf32, #tpu.memory_space<vmem>>[vector<16xi32>, vector<16xi32>], vector<16xf32>,
          %add3A_460 = arith.constant 672 : i32
          %add3A_461 = vector.broadcast %add3A_460 : i32 to vector<16xi32>
          %add3A_462 = arith.addi %iota3A, %add3A_461 : vector<16xi32>
          %get3A_463 = arith.index_cast %scan3A_135 : i32 to index
          %get3A_464 = arith.constant 672 : index
          %get3A_465 = tpu.vector_load %arg15[%get3A_463, %get3A_464] {strides = array<i32>} : memref<16x1024xf32, #tpu.memory_space<vmem>>, vector<16xf32>,
          %mul3A_466 = arith.mulf %get3A_465, %gather3A_389 : vector<16xf32>
          tpu.vector_store_idx %arg8[%gather3A_147, %add3A_462], %mul3A_466 {add = true} : memref<72x1152xf32, #tpu.memory_space<vmem>>[vector<16xi32>, vector<16xi32>], vector<16xf32>,
          %add3A_467 = arith.constant 688 : i32
          %add3A_468 = vector.broadcast %add3A_467 : i32 to vector<16xi32>
          %add3A_469 = arith.addi %iota3A, %add3A_468 : vector<16xi32>
          %get3A_470 = arith.index_cast %scan3A_135 : i32 to index
          %get3A_471 = arith.constant 688 : index
          %get3A_472 = tpu.vector_load %arg15[%get3A_470, %get3A_471] {strides = array<i32>} : memref<16x1024xf32, #tpu.memory_space<vmem>>, vector<16xf32>,
          %mul3A_473 = arith.mulf %get3A_472, %gather3A_389 : vector<16xf32>
          tpu.vector_store_idx %arg8[%gather3A_147, %add3A_469], %mul3A_473 {add = true} : memref<72x1152xf32, #tpu.memory_space<vmem>>[vector<16xi32>, vector<16xi32>], vector<16xf32>,
          %add3A_474 = arith.constant 704 : i32
          %add3A_475 = vector.broadcast %add3A_474 : i32 to vector<16xi32>
          %add3A_476 = arith.addi %iota3A, %add3A_475 : vector<16xi32>
          %get3A_477 = arith.index_cast %scan3A_135 : i32 to index
          %get3A_478 = arith.constant 704 : index
          %get3A_479 = tpu.vector_load %arg15[%get3A_477, %get3A_478] {strides = array<i32>} : memref<16x1024xf32, #tpu.memory_space<vmem>>, vector<16xf32>,
          %mul3A_480 = arith.mulf %get3A_479, %gather3A_389 : vector<16xf32>
          tpu.vector_store_idx %arg8[%gather3A_147, %add3A_476], %mul3A_480 {add = true} : memref<72x1152xf32, #tpu.memory_space<vmem>>[vector<16xi32>, vector<16xi32>], vector<16xf32>,
          %add3A_481 = arith.constant 720 : i32
          %add3A_482 = vector.broadcast %add3A_481 : i32 to vector<16xi32>
          %add3A_483 = arith.addi %iota3A, %add3A_482 : vector<16xi32>
          %get3A_484 = arith.index_cast %scan3A_135 : i32 to index
          %get3A_485 = arith.constant 720 : index
          %get3A_486 = tpu.vector_load %arg15[%get3A_484, %get3A_485] {strides = array<i32>} : memref<16x1024xf32, #tpu.memory_space<vmem>>, vector<16xf32>,
          %mul3A_487 = arith.mulf %get3A_486, %gather3A_389 : vector<16xf32>
          tpu.vector_store_idx %arg8[%gather3A_147, %add3A_483], %mul3A_487 {add = true} : memref<72x1152xf32, #tpu.memory_space<vmem>>[vector<16xi32>, vector<16xi32>], vector<16xf32>,
          %add3A_488 = arith.constant 736 : i32
          %add3A_489 = vector.broadcast %add3A_488 : i32 to vector<16xi32>
          %add3A_490 = arith.addi %iota3A, %add3A_489 : vector<16xi32>
          %get3A_491 = arith.index_cast %scan3A_135 : i32 to index
          %get3A_492 = arith.constant 736 : index
          %get3A_493 = tpu.vector_load %arg15[%get3A_491, %get3A_492] {strides = array<i32>} : memref<16x1024xf32, #tpu.memory_space<vmem>>, vector<16xf32>,
          %mul3A_494 = arith.mulf %get3A_493, %gather3A_389 : vector<16xf32>
          tpu.vector_store_idx %arg8[%gather3A_147, %add3A_490], %mul3A_494 {add = true} : memref<72x1152xf32, #tpu.memory_space<vmem>>[vector<16xi32>, vector<16xi32>], vector<16xf32>,
          %add3A_495 = arith.constant 752 : i32
          %add3A_496 = vector.broadcast %add3A_495 : i32 to vector<16xi32>
          %add3A_497 = arith.addi %iota3A, %add3A_496 : vector<16xi32>
          %get3A_498 = arith.index_cast %scan3A_135 : i32 to index
          %get3A_499 = arith.constant 752 : index
          %get3A_500 = tpu.vector_load %arg15[%get3A_498, %get3A_499] {strides = array<i32>} : memref<16x1024xf32, #tpu.memory_space<vmem>>, vector<16xf32>,
          %mul3A_501 = arith.mulf %get3A_500, %gather3A_389 : vector<16xf32>
          tpu.vector_store_idx %arg8[%gather3A_147, %add3A_497], %mul3A_501 {add = true} : memref<72x1152xf32, #tpu.memory_space<vmem>>[vector<16xi32>, vector<16xi32>], vector<16xf32>,
          %broadcast_in_dim3A_502 = arith.constant 3 : i32
          %broadcast_in_dim3A_503 = vector.broadcast %broadcast_in_dim3A_502 : i32 to vector<16xi32>
          %reshape3A_504 = vector.shape_cast %broadcast_in_dim3A_503 : vector<16xi32> to vector<16x1xi32>
          %gather3A_505 = vector.shape_cast %reshape3A_504 : vector<16x1xi32> to vector<16xi32>
          %gather3A_506 = tpu.dynamic_gather %exp3A[%gather3A_505] in [0] : vector<16xf32>, vector<16xi32> -> vector<16xf32>
          %add3A_507 = arith.constant 768 : i32
          %add3A_508 = vector.broadcast %add3A_507 : i32 to vector<16xi32>
          %add3A_509 = arith.addi %iota3A, %add3A_508 : vector<16xi32>
          %get3A_510 = arith.index_cast %scan3A_135 : i32 to index
          %get3A_511 = arith.constant 768 : index
          %get3A_512 = tpu.vector_load %arg15[%get3A_510, %get3A_511] {strides = array<i32>} : memref<16x1024xf32, #tpu.memory_space<vmem>>, vector<16xf32>,
          %mul3A_513 = arith.mulf %get3A_512, %gather3A_506 : vector<16xf32>
          tpu.vector_store_idx %arg8[%gather3A_147, %add3A_509], %mul3A_513 {add = true} : memref<72x1152xf32, #tpu.memory_space<vmem>>[vector<16xi32>, vector<16xi32>], vector<16xf32>,
          %add3A_514 = arith.constant 784 : i32
          %add3A_515 = vector.broadcast %add3A_514 : i32 to vector<16xi32>
          %add3A_516 = arith.addi %iota3A, %add3A_515 : vector<16xi32>
          %get3A_517 = arith.index_cast %scan3A_135 : i32 to index
          %get3A_518 = arith.constant 784 : index
          %get3A_519 = tpu.vector_load %arg15[%get3A_517, %get3A_518] {strides = array<i32>} : memref<16x1024xf32, #tpu.memory_space<vmem>>, vector<16xf32>,
          %mul3A_520 = arith.mulf %get3A_519, %gather3A_506 : vector<16xf32>
          tpu.vector_store_idx %arg8[%gather3A_147, %add3A_516], %mul3A_520 {add = true} : memref<72x1152xf32, #tpu.memory_space<vmem>>[vector<16xi32>, vector<16xi32>], vector<16xf32>,
          %add3A_521 = arith.constant 800 : i32
          %add3A_522 = vector.broadcast %add3A_521 : i32 to vector<16xi32>
          %add3A_523 = arith.addi %iota3A, %add3A_522 : vector<16xi32>
          %get3A_524 = arith.index_cast %scan3A_135 : i32 to index
          %get3A_525 = arith.constant 800 : index
          %get3A_526 = tpu.vector_load %arg15[%get3A_524, %get3A_525] {strides = array<i32>} : memref<16x1024xf32, #tpu.memory_space<vmem>>, vector<16xf32>,
          %mul3A_527 = arith.mulf %get3A_526, %gather3A_506 : vector<16xf32>
          tpu.vector_store_idx %arg8[%gather3A_147, %add3A_523], %mul3A_527 {add = true} : memref<72x1152xf32, #tpu.memory_space<vmem>>[vector<16xi32>, vector<16xi32>], vector<16xf32>,
          %add3A_528 = arith.constant 816 : i32
          %add3A_529 = vector.broadcast %add3A_528 : i32 to vector<16xi32>
          %add3A_530 = arith.addi %iota3A, %add3A_529 : vector<16xi32>
          %get3A_531 = arith.index_cast %scan3A_135 : i32 to index
          %get3A_532 = arith.constant 816 : index
          %get3A_533 = tpu.vector_load %arg15[%get3A_531, %get3A_532] {strides = array<i32>} : memref<16x1024xf32, #tpu.memory_space<vmem>>, vector<16xf32>,
          %mul3A_534 = arith.mulf %get3A_533, %gather3A_506 : vector<16xf32>
          tpu.vector_store_idx %arg8[%gather3A_147, %add3A_530], %mul3A_534 {add = true} : memref<72x1152xf32, #tpu.memory_space<vmem>>[vector<16xi32>, vector<16xi32>], vector<16xf32>,
          %add3A_535 = arith.constant 832 : i32
          %add3A_536 = vector.broadcast %add3A_535 : i32 to vector<16xi32>
          %add3A_537 = arith.addi %iota3A, %add3A_536 : vector<16xi32>
          %get3A_538 = arith.index_cast %scan3A_135 : i32 to index
          %get3A_539 = arith.constant 832 : index
          %get3A_540 = tpu.vector_load %arg15[%get3A_538, %get3A_539] {strides = array<i32>} : memref<16x1024xf32, #tpu.memory_space<vmem>>, vector<16xf32>,
          %mul3A_541 = arith.mulf %get3A_540, %gather3A_506 : vector<16xf32>
          tpu.vector_store_idx %arg8[%gather3A_147, %add3A_537], %mul3A_541 {add = true} : memref<72x1152xf32, #tpu.memory_space<vmem>>[vector<16xi32>, vector<16xi32>], vector<16xf32>,
          %add3A_542 = arith.constant 848 : i32
          %add3A_543 = vector.broadcast %add3A_542 : i32 to vector<16xi32>
          %add3A_544 = arith.addi %iota3A, %add3A_543 : vector<16xi32>
          %get3A_545 = arith.index_cast %scan3A_135 : i32 to index
          %get3A_546 = arith.constant 848 : index
          %get3A_547 = tpu.vector_load %arg15[%get3A_545, %get3A_546] {strides = array<i32>} : memref<16x1024xf32, #tpu.memory_space<vmem>>, vector<16xf32>,
          %mul3A_548 = arith.mulf %get3A_547, %gather3A_506 : vector<16xf32>
          tpu.vector_store_idx %arg8[%gather3A_147, %add3A_544], %mul3A_548 {add = true} : memref<72x1152xf32, #tpu.memory_space<vmem>>[vector<16xi32>, vector<16xi32>], vector<16xf32>,
          %add3A_549 = arith.constant 864 : i32
          %add3A_550 = vector.broadcast %add3A_549 : i32 to vector<16xi32>
          %add3A_551 = arith.addi %iota3A, %add3A_550 : vector<16xi32>
          %get3A_552 = arith.index_cast %scan3A_135 : i32 to index
          %get3A_553 = arith.constant 864 : index
          %get3A_554 = tpu.vector_load %arg15[%get3A_552, %get3A_553] {strides = array<i32>} : memref<16x1024xf32, #tpu.memory_space<vmem>>, vector<16xf32>,
          %mul3A_555 = arith.mulf %get3A_554, %gather3A_506 : vector<16xf32>
          tpu.vector_store_idx %arg8[%gather3A_147, %add3A_551], %mul3A_555 {add = true} : memref<72x1152xf32, #tpu.memory_space<vmem>>[vector<16xi32>, vector<16xi32>], vector<16xf32>,
          %add3A_556 = arith.constant 880 : i32
          %add3A_557 = vector.broadcast %add3A_556 : i32 to vector<16xi32>
          %add3A_558 = arith.addi %iota3A, %add3A_557 : vector<16xi32>
          %get3A_559 = arith.index_cast %scan3A_135 : i32 to index
          %get3A_560 = arith.constant 880 : index
          %get3A_561 = tpu.vector_load %arg15[%get3A_559, %get3A_560] {strides = array<i32>} : memref<16x1024xf32, #tpu.memory_space<vmem>>, vector<16xf32>,
          %mul3A_562 = arith.mulf %get3A_561, %gather3A_506 : vector<16xf32>
          tpu.vector_store_idx %arg8[%gather3A_147, %add3A_558], %mul3A_562 {add = true} : memref<72x1152xf32, #tpu.memory_space<vmem>>[vector<16xi32>, vector<16xi32>], vector<16xf32>,
          %add3A_563 = arith.constant 896 : i32
          %add3A_564 = vector.broadcast %add3A_563 : i32 to vector<16xi32>
          %add3A_565 = arith.addi %iota3A, %add3A_564 : vector<16xi32>
          %get3A_566 = arith.index_cast %scan3A_135 : i32 to index
          %get3A_567 = arith.constant 896 : index
          %get3A_568 = tpu.vector_load %arg15[%get3A_566, %get3A_567] {strides = array<i32>} : memref<16x1024xf32, #tpu.memory_space<vmem>>, vector<16xf32>,
          %mul3A_569 = arith.mulf %get3A_568, %gather3A_506 : vector<16xf32>
          tpu.vector_store_idx %arg8[%gather3A_147, %add3A_565], %mul3A_569 {add = true} : memref<72x1152xf32, #tpu.memory_space<vmem>>[vector<16xi32>, vector<16xi32>], vector<16xf32>,
          %add3A_570 = arith.constant 912 : i32
          %add3A_571 = vector.broadcast %add3A_570 : i32 to vector<16xi32>
          %add3A_572 = arith.addi %iota3A, %add3A_571 : vector<16xi32>
          %get3A_573 = arith.index_cast %scan3A_135 : i32 to index
          %get3A_574 = arith.constant 912 : index
          %get3A_575 = tpu.vector_load %arg15[%get3A_573, %get3A_574] {strides = array<i32>} : memref<16x1024xf32, #tpu.memory_space<vmem>>, vector<16xf32>,
          %mul3A_576 = arith.mulf %get3A_575, %gather3A_506 : vector<16xf32>
          tpu.vector_store_idx %arg8[%gather3A_147, %add3A_572], %mul3A_576 {add = true} : memref<72x1152xf32, #tpu.memory_space<vmem>>[vector<16xi32>, vector<16xi32>], vector<16xf32>,
          %add3A_577 = arith.constant 928 : i32
          %add3A_578 = vector.broadcast %add3A_577 : i32 to vector<16xi32>
          %add3A_579 = arith.addi %iota3A, %add3A_578 : vector<16xi32>
          %get3A_580 = arith.index_cast %scan3A_135 : i32 to index
          %get3A_581 = arith.constant 928 : index
          %get3A_582 = tpu.vector_load %arg15[%get3A_580, %get3A_581] {strides = array<i32>} : memref<16x1024xf32, #tpu.memory_space<vmem>>, vector<16xf32>,
          %mul3A_583 = arith.mulf %get3A_582, %gather3A_506 : vector<16xf32>
          tpu.vector_store_idx %arg8[%gather3A_147, %add3A_579], %mul3A_583 {add = true} : memref<72x1152xf32, #tpu.memory_space<vmem>>[vector<16xi32>, vector<16xi32>], vector<16xf32>,
          %add3A_584 = arith.constant 944 : i32
          %add3A_585 = vector.broadcast %add3A_584 : i32 to vector<16xi32>
          %add3A_586 = arith.addi %iota3A, %add3A_585 : vector<16xi32>
          %get3A_587 = arith.index_cast %scan3A_135 : i32 to index
          %get3A_588 = arith.constant 944 : index
          %get3A_589 = tpu.vector_load %arg15[%get3A_587, %get3A_588] {strides = array<i32>} : memref<16x1024xf32, #tpu.memory_space<vmem>>, vector<16xf32>,
          %mul3A_590 = arith.mulf %get3A_589, %gather3A_506 : vector<16xf32>
          tpu.vector_store_idx %arg8[%gather3A_147, %add3A_586], %mul3A_590 {add = true} : memref<72x1152xf32, #tpu.memory_space<vmem>>[vector<16xi32>, vector<16xi32>], vector<16xf32>,
          %add3A_591 = arith.constant 960 : i32
          %add3A_592 = vector.broadcast %add3A_591 : i32 to vector<16xi32>
          %add3A_593 = arith.addi %iota3A, %add3A_592 : vector<16xi32>
          %get3A_594 = arith.index_cast %scan3A_135 : i32 to index
          %get3A_595 = arith.constant 960 : index
          %get3A_596 = tpu.vector_load %arg15[%get3A_594, %get3A_595] {strides = array<i32>} : memref<16x1024xf32, #tpu.memory_space<vmem>>, vector<16xf32>,
          %mul3A_597 = arith.mulf %get3A_596, %gather3A_506 : vector<16xf32>
          tpu.vector_store_idx %arg8[%gather3A_147, %add3A_593], %mul3A_597 {add = true} : memref<72x1152xf32, #tpu.memory_space<vmem>>[vector<16xi32>, vector<16xi32>], vector<16xf32>,
          %add3A_598 = arith.constant 976 : i32
          %add3A_599 = vector.broadcast %add3A_598 : i32 to vector<16xi32>
          %add3A_600 = arith.addi %iota3A, %add3A_599 : vector<16xi32>
          %get3A_601 = arith.index_cast %scan3A_135 : i32 to index
          %get3A_602 = arith.constant 976 : index
          %get3A_603 = tpu.vector_load %arg15[%get3A_601, %get3A_602] {strides = array<i32>} : memref<16x1024xf32, #tpu.memory_space<vmem>>, vector<16xf32>,
          %mul3A_604 = arith.mulf %get3A_603, %gather3A_506 : vector<16xf32>
          tpu.vector_store_idx %arg8[%gather3A_147, %add3A_600], %mul3A_604 {add = true} : memref<72x1152xf32, #tpu.memory_space<vmem>>[vector<16xi32>, vector<16xi32>], vector<16xf32>,
          %add3A_605 = arith.constant 992 : i32
          %add3A_606 = vector.broadcast %add3A_605 : i32 to vector<16xi32>
          %add3A_607 = arith.addi %iota3A, %add3A_606 : vector<16xi32>
          %get3A_608 = arith.index_cast %scan3A_135 : i32 to index
          %get3A_609 = arith.constant 992 : index
          %get3A_610 = tpu.vector_load %arg15[%get3A_608, %get3A_609] {strides = array<i32>} : memref<16x1024xf32, #tpu.memory_space<vmem>>, vector<16xf32>,
          %mul3A_611 = arith.mulf %get3A_610, %gather3A_506 : vector<16xf32>
          tpu.vector_store_idx %arg8[%gather3A_147, %add3A_607], %mul3A_611 {add = true} : memref<72x1152xf32, #tpu.memory_space<vmem>>[vector<16xi32>, vector<16xi32>], vector<16xf32>,
          %add3A_612 = arith.constant 1008 : i32
          %add3A_613 = vector.broadcast %add3A_612 : i32 to vector<16xi32>
          %add3A_614 = arith.addi %iota3A, %add3A_613 : vector<16xi32>
          %get3A_615 = arith.index_cast %scan3A_135 : i32 to index
          %get3A_616 = arith.constant 1008 : index
          %get3A_617 = tpu.vector_load %arg15[%get3A_615, %get3A_616] {strides = array<i32>} : memref<16x1024xf32, #tpu.memory_space<vmem>>, vector<16xf32>,
          %mul3A_618 = arith.mulf %get3A_617, %gather3A_506 : vector<16xf32>
          tpu.vector_store_idx %arg8[%gather3A_147, %add3A_614], %mul3A_618 {add = true} : memref<72x1152xf32, #tpu.memory_space<vmem>>[vector<16xi32>, vector<16xi32>], vector<16xf32>,
          %scan3A_619 = arith.constant 0 : i32
          scf.yield %scan3A_619 : i32
        }
        %scan3A_133 = arith.constant 16 : i32
        %while3A_134 = arith.constant 0 : i32
        scf.yield %while3A_134 : i32
      }
      "tpu.region"() ({
        %run_scoped3A = tpu.sem_alloc : memref<!tpu.dma_semaphore, #tpu.memory_space<semaphore_mem>>
        %dma_start3A = arith.constant 0 : i32
        %dma_start3A_68 = arith.constant 0 : i32
        %dma_start3A_69 = tpu.memref_slice %arg8[%dma_start3A, %dma_start3A_68] : memref<72x1152xf32, #tpu.memory_space<vmem>> -> memref<64x1152xf32, #tpu.memory_space<vmem>>
        %dma_start3A_70 = arith.constant 0 : i32
        %dma_start3A_71 = tpu.memref_slice %arg7[%add3A_13, %dma_start3A_70] : memref<10240x1152xf32, #tpu.memory_space<hbm>> -> memref<64x1152xf32, #tpu.memory_space<hbm>>
        %dma_start3A_72 = arith.constant 0 : i32
        %dma_start3A_73 = tpu.memref_slice %arg7[%add3A_13, %dma_start3A_72] : memref<10240x1152xf32, #tpu.memory_space<hbm>> -> memref<64x1152xf32, #tpu.memory_space<hbm>>
        %dma_start3A_74 = arith.constant 0 : i32
        %dma_start3A_75 = arith.constant 0 : i32
        %dma_start3A_76 = tpu.memref_slice %arg8[%dma_start3A_74, %dma_start3A_75] : memref<72x1152xf32, #tpu.memory_space<vmem>> -> memref<64x1152xf32, #tpu.memory_space<vmem>>
        tpu.enqueue_dma source(%dma_start3A_76 : memref<64x1152xf32, #tpu.memory_space<vmem>>) target(%dma_start3A_73 : memref<64x1152xf32, #tpu.memory_space<hbm>>) target_semaphore(%run_scoped3A : memref<!tpu.dma_semaphore, #tpu.memory_space<semaphore_mem>>)
        %dma_wait3A = arith.constant 0 : i32
        %dma_wait3A_77 = arith.constant 0 : i32
        %dma_wait3A_78 = tpu.memref_slice %arg8[%dma_wait3A, %dma_wait3A_77] : memref<72x1152xf32, #tpu.memory_space<vmem>> -> memref<64x1152xf32, #tpu.memory_space<vmem>>
        %dma_wait3A_79 = arith.constant 0 : i32
        %dma_wait3A_80 = tpu.memref_slice %arg7[%add3A_13, %dma_wait3A_79] : memref<10240x1152xf32, #tpu.memory_space<hbm>> -> memref<64x1152xf32, #tpu.memory_space<hbm>>
        %dma_wait3A_81 = arith.constant 0 : i32
        %dma_wait3A_82 = tpu.memref_slice %arg7[%add3A_13, %dma_wait3A_81] : memref<10240x1152xf32, #tpu.memory_space<hbm>> -> memref<64x1152xf32, #tpu.memory_space<hbm>>
        %dma_wait3A_83 = arith.constant 0 : i32
        %dma_wait3A_84 = arith.constant 0 : i32
        %dma_wait3A_85 = tpu.memref_slice %arg8[%dma_wait3A_83, %dma_wait3A_84] : memref<72x1152xf32, #tpu.memory_space<vmem>> -> memref<64x1152xf32, #tpu.memory_space<vmem>>
        tpu.wait_dma2 semaphore(%run_scoped3A : memref<!tpu.dma_semaphore, #tpu.memory_space<semaphore_mem>>) src(%dma_wait3A_85 : memref<64x1152xf32, #tpu.memory_space<vmem>>) dst(%dma_wait3A_82 : memref<64x1152xf32, #tpu.memory_space<hbm>>)
        tpu.yield
      }) : () -> ()
      %scan3A_67 = arith.constant 0 : i32
      scf.yield %scan3A_67 : i32
    }
    %scan3A_8 = arith.constant 5 : i32
    return
  }
}

#map = affine_map<(d0, d1) -> (0, 0)>
#map1 = affine_map<(d0, d1) -> (0)>
module attributes {stable_mosaic.version = 14 : i64} {
  func.func @ekernel(%arg0: i32, %arg1: i32, %arg2: memref<10240x512xf32, #tpu.memory_space<hbm>>, %arg3: memref<10240x128xf32, #tpu.memory_space<hbm>>, %arg4: memref<10240x128xf32, #tpu.memory_space<hbm>>, %arg5: memref<160000xi32, #tpu.memory_space<hbm>>, %arg6: memref<160000xi32, #tpu.memory_space<hbm>>, %arg7: memref<10240x640xf32, #tpu.memory_space<hbm>>, %arg8: memref<72x640xf32, #tpu.memory_space<vmem>>, %arg9: memref<2000xi32, #tpu.memory_space<vmem>>, %arg10: memref<2000xi32, #tpu.memory_space<vmem>>, %arg11: memref<2048xi32, #tpu.memory_space<vmem>>, %arg12: memref<2048xi32, #tpu.memory_space<vmem>>, %arg13: memref<1x16xi32, #tpu.memory_space<vmem>>, %arg14: memref<1x16xi32, #tpu.memory_space<vmem>>, %arg15: memref<16x512xf32, #tpu.memory_space<vmem>>, %arg16: memref<16x128xf32, #tpu.memory_space<vmem>>, %arg17: memref<16x128xf32, #tpu.memory_space<vmem>>, %arg18: memref<!tpu.dma_semaphore, #tpu.memory_space<semaphore_mem>>, %arg19: memref<!tpu.dma_semaphore, #tpu.memory_space<semaphore_mem>>, %arg20: memref<!tpu.dma_semaphore, #tpu.memory_space<semaphore_mem>>) attributes {dimension_semantics = [#tpu.dimension_semantics<core_parallel>, #tpu.dimension_semantics<subcore_parallel>], iteration_bounds = array<i64: 2, 16>, scalar_prefetch = 0 : i64, scratch_operands = 13 : i64, tpu.core_type = #tpu.core_type<sc_vector_subcore>, window_params = [{transform_indices = #map}, {transform_indices = #map}, {transform_indices = #map}, {transform_indices = #map1}, {transform_indices = #map1}, {transform_indices = #map}]} {
    %mul3A = arith.constant 5120 : i32
    %mul3A_0 = arith.muli %arg0, %mul3A : i32
    %mul3A_1 = arith.constant 320 : i32
    %mul3A_2 = arith.muli %arg1, %mul3A_1 : i32
    %add3A = arith.addi %mul3A_0, %mul3A_2 : i32
    %scan3A = arith.constant 0 : i32
    %scan3A_3 = arith.constant 0 : i32
    %scan3A_4 = arith.constant 5 : i32
    %scan3A_5 = arith.addi %scan3A_3, %scan3A_4 : i32
    %scan3A_6 = arith.constant 1 : i32
    %scan3A_7 = scf.for %scan3A_9 = %scan3A_3 to %scan3A_5 step %scan3A_6 iter_args(%scan3A_10 = %scan3A) -> (i32)  : i32 {
      %mul3A_11 = arith.constant 64 : i32
      %mul3A_12 = arith.muli %scan3A_9, %mul3A_11 : i32
      %add3A_13 = arith.addi %add3A, %mul3A_12 : i32
      %scan3A_14 = arith.constant 0 : i32
      %scan3A_15 = arith.constant 0 : i32
      %scan3A_16 = arith.constant 8 : i32
      %scan3A_17 = arith.addi %scan3A_15, %scan3A_16 : i32
      %scan3A_18 = arith.constant 1 : i32
      %scan3A_19 = scf.for %scan3A_68 = %scan3A_15 to %scan3A_17 step %scan3A_18 iter_args(%scan3A_69 = %scan3A_14) -> (i32)  : i32 {
        %mul3A_70 = arith.constant 8 : i32
        %mul3A_71 = arith.muli %scan3A_68, %mul3A_70 : i32
        %add3A_72 = arith.addi %add3A_13, %mul3A_71 : i32
        %lt3A = arith.constant 10000 : i32
        %lt3A_73 = arith.cmpi slt, %add3A_72, %lt3A : i32
        %convert_element_type3A = arith.extui %lt3A_73 : i1 to i32
        %cond3A = arith.constant 0 : i32
        %cond3A_74 = arith.cmpi ne, %convert_element_type3A, %cond3A : i32
        scf.if %cond3A_74 {
          "tpu.region"() ({
            %run_scoped3A = tpu.sem_alloc : memref<!tpu.dma_semaphore, #tpu.memory_space<semaphore_mem>>
            %dma_start3A = arith.constant 0 : i32
            %dma_start3A_83 = arith.constant 0 : i32
            %dma_start3A_84 = tpu.memref_slice %arg15[%dma_start3A, %dma_start3A_83] : memref<16x512xf32, #tpu.memory_space<vmem>> -> memref<8x512xf32, #tpu.memory_space<vmem>>
            %dma_start3A_85 = arith.constant 0 : i32
            %dma_start3A_86 = tpu.memref_slice %arg2[%add3A_72, %dma_start3A_85] : memref<10240x512xf32, #tpu.memory_space<hbm>> -> memref<8x512xf32, #tpu.memory_space<hbm>>
            %dma_start3A_87 = arith.constant 0 : i32
            %dma_start3A_88 = arith.constant 0 : i32
            %dma_start3A_89 = tpu.memref_slice %arg15[%dma_start3A_87, %dma_start3A_88] : memref<16x512xf32, #tpu.memory_space<vmem>> -> memref<8x512xf32, #tpu.memory_space<vmem>>
            %dma_start3A_90 = arith.constant 0 : i32
            %dma_start3A_91 = tpu.memref_slice %arg2[%add3A_72, %dma_start3A_90] : memref<10240x512xf32, #tpu.memory_space<hbm>> -> memref<8x512xf32, #tpu.memory_space<hbm>>
            tpu.enqueue_dma source(%dma_start3A_91 : memref<8x512xf32, #tpu.memory_space<hbm>>) target(%dma_start3A_89 : memref<8x512xf32, #tpu.memory_space<vmem>>) target_semaphore(%run_scoped3A : memref<!tpu.dma_semaphore, #tpu.memory_space<semaphore_mem>>)
            %dma_wait3A = arith.constant 0 : i32
            %dma_wait3A_92 = arith.constant 0 : i32
            %dma_wait3A_93 = tpu.memref_slice %arg15[%dma_wait3A, %dma_wait3A_92] : memref<16x512xf32, #tpu.memory_space<vmem>> -> memref<8x512xf32, #tpu.memory_space<vmem>>
            %dma_wait3A_94 = arith.constant 0 : i32
            %dma_wait3A_95 = tpu.memref_slice %arg2[%add3A_72, %dma_wait3A_94] : memref<10240x512xf32, #tpu.memory_space<hbm>> -> memref<8x512xf32, #tpu.memory_space<hbm>>
            %dma_wait3A_96 = arith.constant 0 : i32
            %dma_wait3A_97 = arith.constant 0 : i32
            %dma_wait3A_98 = tpu.memref_slice %arg15[%dma_wait3A_96, %dma_wait3A_97] : memref<16x512xf32, #tpu.memory_space<vmem>> -> memref<8x512xf32, #tpu.memory_space<vmem>>
            %dma_wait3A_99 = arith.constant 0 : i32
            %dma_wait3A_100 = tpu.memref_slice %arg2[%add3A_72, %dma_wait3A_99] : memref<10240x512xf32, #tpu.memory_space<hbm>> -> memref<8x512xf32, #tpu.memory_space<hbm>>
            tpu.wait_dma2 semaphore(%run_scoped3A : memref<!tpu.dma_semaphore, #tpu.memory_space<semaphore_mem>>) src(%dma_wait3A_100 : memref<8x512xf32, #tpu.memory_space<hbm>>) dst(%dma_wait3A_98 : memref<8x512xf32, #tpu.memory_space<vmem>>)
            tpu.yield
          }) : () -> ()
          "tpu.region"() ({
            %run_scoped3A = tpu.sem_alloc : memref<!tpu.dma_semaphore, #tpu.memory_space<semaphore_mem>>
            %dma_start3A = arith.constant 0 : i32
            %dma_start3A_83 = arith.constant 0 : i32
            %dma_start3A_84 = tpu.memref_slice %arg16[%dma_start3A, %dma_start3A_83] : memref<16x128xf32, #tpu.memory_space<vmem>> -> memref<8x128xf32, #tpu.memory_space<vmem>>
            %dma_start3A_85 = arith.constant 0 : i32
            %dma_start3A_86 = tpu.memref_slice %arg3[%add3A_72, %dma_start3A_85] : memref<10240x128xf32, #tpu.memory_space<hbm>> -> memref<8x128xf32, #tpu.memory_space<hbm>>
            %dma_start3A_87 = arith.constant 0 : i32
            %dma_start3A_88 = arith.constant 0 : i32
            %dma_start3A_89 = tpu.memref_slice %arg16[%dma_start3A_87, %dma_start3A_88] : memref<16x128xf32, #tpu.memory_space<vmem>> -> memref<8x128xf32, #tpu.memory_space<vmem>>
            %dma_start3A_90 = arith.constant 0 : i32
            %dma_start3A_91 = tpu.memref_slice %arg3[%add3A_72, %dma_start3A_90] : memref<10240x128xf32, #tpu.memory_space<hbm>> -> memref<8x128xf32, #tpu.memory_space<hbm>>
            tpu.enqueue_dma source(%dma_start3A_91 : memref<8x128xf32, #tpu.memory_space<hbm>>) target(%dma_start3A_89 : memref<8x128xf32, #tpu.memory_space<vmem>>) target_semaphore(%run_scoped3A : memref<!tpu.dma_semaphore, #tpu.memory_space<semaphore_mem>>)
            %dma_wait3A = arith.constant 0 : i32
            %dma_wait3A_92 = arith.constant 0 : i32
            %dma_wait3A_93 = tpu.memref_slice %arg16[%dma_wait3A, %dma_wait3A_92] : memref<16x128xf32, #tpu.memory_space<vmem>> -> memref<8x128xf32, #tpu.memory_space<vmem>>
            %dma_wait3A_94 = arith.constant 0 : i32
            %dma_wait3A_95 = tpu.memref_slice %arg3[%add3A_72, %dma_wait3A_94] : memref<10240x128xf32, #tpu.memory_space<hbm>> -> memref<8x128xf32, #tpu.memory_space<hbm>>
            %dma_wait3A_96 = arith.constant 0 : i32
            %dma_wait3A_97 = arith.constant 0 : i32
            %dma_wait3A_98 = tpu.memref_slice %arg16[%dma_wait3A_96, %dma_wait3A_97] : memref<16x128xf32, #tpu.memory_space<vmem>> -> memref<8x128xf32, #tpu.memory_space<vmem>>
            %dma_wait3A_99 = arith.constant 0 : i32
            %dma_wait3A_100 = tpu.memref_slice %arg3[%add3A_72, %dma_wait3A_99] : memref<10240x128xf32, #tpu.memory_space<hbm>> -> memref<8x128xf32, #tpu.memory_space<hbm>>
            tpu.wait_dma2 semaphore(%run_scoped3A : memref<!tpu.dma_semaphore, #tpu.memory_space<semaphore_mem>>) src(%dma_wait3A_100 : memref<8x128xf32, #tpu.memory_space<hbm>>) dst(%dma_wait3A_98 : memref<8x128xf32, #tpu.memory_space<vmem>>)
            tpu.yield
          }) : () -> ()
          "tpu.region"() ({
            %run_scoped3A = tpu.sem_alloc : memref<!tpu.dma_semaphore, #tpu.memory_space<semaphore_mem>>
            %dma_start3A = arith.constant 0 : i32
            %dma_start3A_83 = arith.constant 0 : i32
            %dma_start3A_84 = tpu.memref_slice %arg17[%dma_start3A, %dma_start3A_83] : memref<16x128xf32, #tpu.memory_space<vmem>> -> memref<8x128xf32, #tpu.memory_space<vmem>>
            %dma_start3A_85 = arith.constant 0 : i32
            %dma_start3A_86 = tpu.memref_slice %arg4[%add3A_72, %dma_start3A_85] : memref<10240x128xf32, #tpu.memory_space<hbm>> -> memref<8x128xf32, #tpu.memory_space<hbm>>
            %dma_start3A_87 = arith.constant 0 : i32
            %dma_start3A_88 = arith.constant 0 : i32
            %dma_start3A_89 = tpu.memref_slice %arg17[%dma_start3A_87, %dma_start3A_88] : memref<16x128xf32, #tpu.memory_space<vmem>> -> memref<8x128xf32, #tpu.memory_space<vmem>>
            %dma_start3A_90 = arith.constant 0 : i32
            %dma_start3A_91 = tpu.memref_slice %arg4[%add3A_72, %dma_start3A_90] : memref<10240x128xf32, #tpu.memory_space<hbm>> -> memref<8x128xf32, #tpu.memory_space<hbm>>
            tpu.enqueue_dma source(%dma_start3A_91 : memref<8x128xf32, #tpu.memory_space<hbm>>) target(%dma_start3A_89 : memref<8x128xf32, #tpu.memory_space<vmem>>) target_semaphore(%run_scoped3A : memref<!tpu.dma_semaphore, #tpu.memory_space<semaphore_mem>>)
            %dma_wait3A = arith.constant 0 : i32
            %dma_wait3A_92 = arith.constant 0 : i32
            %dma_wait3A_93 = tpu.memref_slice %arg17[%dma_wait3A, %dma_wait3A_92] : memref<16x128xf32, #tpu.memory_space<vmem>> -> memref<8x128xf32, #tpu.memory_space<vmem>>
            %dma_wait3A_94 = arith.constant 0 : i32
            %dma_wait3A_95 = tpu.memref_slice %arg4[%add3A_72, %dma_wait3A_94] : memref<10240x128xf32, #tpu.memory_space<hbm>> -> memref<8x128xf32, #tpu.memory_space<hbm>>
            %dma_wait3A_96 = arith.constant 0 : i32
            %dma_wait3A_97 = arith.constant 0 : i32
            %dma_wait3A_98 = tpu.memref_slice %arg17[%dma_wait3A_96, %dma_wait3A_97] : memref<16x128xf32, #tpu.memory_space<vmem>> -> memref<8x128xf32, #tpu.memory_space<vmem>>
            %dma_wait3A_99 = arith.constant 0 : i32
            %dma_wait3A_100 = tpu.memref_slice %arg4[%add3A_72, %dma_wait3A_99] : memref<10240x128xf32, #tpu.memory_space<hbm>> -> memref<8x128xf32, #tpu.memory_space<hbm>>
            tpu.wait_dma2 semaphore(%run_scoped3A : memref<!tpu.dma_semaphore, #tpu.memory_space<semaphore_mem>>) src(%dma_wait3A_100 : memref<8x128xf32, #tpu.memory_space<hbm>>) dst(%dma_wait3A_98 : memref<8x128xf32, #tpu.memory_space<vmem>>)
            tpu.yield
          }) : () -> ()
          %scan3A_76 = arith.constant 0 : i32
          %scan3A_77 = arith.constant 0 : i32
          %scan3A_78 = arith.constant 8 : i32
          %scan3A_79 = arith.addi %scan3A_77, %scan3A_78 : i32
          %scan3A_80 = arith.constant 1 : i32
          %scan3A_81 = scf.for %scan3A_83 = %scan3A_77 to %scan3A_79 step %scan3A_80 iter_args(%scan3A_84 = %scan3A_76) -> (i32)  : i32 {
            %get3A = arith.index_cast %scan3A_83 : i32 to index
            %get3A_85 = arith.constant 0 : index
            %get3A_86 = tpu.vector_load %arg16[%get3A, %get3A_85] {strides = array<i32>} : memref<16x128xf32, #tpu.memory_space<vmem>>, vector<16xf32>,
            %get3A_87 = arith.index_cast %scan3A_83 : i32 to index
            %get3A_88 = arith.constant 0 : index
            %get3A_89 = tpu.vector_load %arg17[%get3A_87, %get3A_88] {strides = array<i32>} : memref<16x128xf32, #tpu.memory_space<vmem>>, vector<16xf32>,
            %add3A_90 = arith.addf %get3A_86, %get3A_89 : vector<16xf32>
            %mul3A_91 = arith.constant 2.000000e-01 : f32
            %mul3A_92 = vector.broadcast %mul3A_91 : f32 to vector<16xf32>
            %mul3A_93 = arith.mulf %mul3A_92, %add3A_90 : vector<16xf32>
            %max3A = arith.maximumf %add3A_90, %mul3A_93 : vector<16xf32>
            %exp3A = math.exp %max3A : vector<16xf32>
            %add3A_94 = arith.addi %mul3A_71, %scan3A_83 : i32
            %swap3A = arith.index_cast %add3A_94 : i32 to index
            %swap3A_95 = arith.constant 512 : index
            %swap3A_96 = tpu.vector_load %arg8[%swap3A, %swap3A_95] {strides = array<i32>} : memref<72x640xf32, #tpu.memory_space<vmem>>, vector<16xf32>,
            tpu.vector_store %arg8[%swap3A, %swap3A_95], %exp3A {strides = array<i32>} : memref<72x640xf32, #tpu.memory_space<vmem>>, vector<16xf32>,
            %broadcast_in_dim3A = arith.constant 0 : i32
            %broadcast_in_dim3A_97 = vector.broadcast %broadcast_in_dim3A : i32 to vector<16xi32>
            %reshape3A = vector.shape_cast %broadcast_in_dim3A_97 : vector<16xi32> to vector<16x1xi32>
            %gather3A = vector.shape_cast %reshape3A : vector<16x1xi32> to vector<16xi32>
            %gather3A_98 = tpu.dynamic_gather %exp3A[%gather3A] in [0] : vector<16xf32>, vector<16xi32> -> vector<16xf32>
            %get3A_99 = arith.index_cast %scan3A_83 : i32 to index
            %get3A_100 = arith.constant 0 : index
            %get3A_101 = tpu.vector_load %arg15[%get3A_99, %get3A_100] {strides = array<i32>} : memref<16x512xf32, #tpu.memory_space<vmem>>, vector<16xf32>,
            %mul3A_102 = arith.mulf %get3A_101, %gather3A_98 : vector<16xf32>
            %add3A_103 = arith.addi %mul3A_71, %scan3A_83 : i32
            %swap3A_104 = arith.index_cast %add3A_103 : i32 to index
            %swap3A_105 = arith.constant 0 : index
            %swap3A_106 = tpu.vector_load %arg8[%swap3A_104, %swap3A_105] {strides = array<i32>} : memref<72x640xf32, #tpu.memory_space<vmem>>, vector<16xf32>,
            tpu.vector_store %arg8[%swap3A_104, %swap3A_105], %mul3A_102 {strides = array<i32>} : memref<72x640xf32, #tpu.memory_space<vmem>>, vector<16xf32>,
            %get3A_107 = arith.index_cast %scan3A_83 : i32 to index
            %get3A_108 = arith.constant 16 : index
            %get3A_109 = tpu.vector_load %arg15[%get3A_107, %get3A_108] {strides = array<i32>} : memref<16x512xf32, #tpu.memory_space<vmem>>, vector<16xf32>,
            %mul3A_110 = arith.mulf %get3A_109, %gather3A_98 : vector<16xf32>
            %add3A_111 = arith.addi %mul3A_71, %scan3A_83 : i32
            %swap3A_112 = arith.index_cast %add3A_111 : i32 to index
            %swap3A_113 = arith.constant 16 : index
            %swap3A_114 = tpu.vector_load %arg8[%swap3A_112, %swap3A_113] {strides = array<i32>} : memref<72x640xf32, #tpu.memory_space<vmem>>, vector<16xf32>,
            tpu.vector_store %arg8[%swap3A_112, %swap3A_113], %mul3A_110 {strides = array<i32>} : memref<72x640xf32, #tpu.memory_space<vmem>>, vector<16xf32>,
            %get3A_115 = arith.index_cast %scan3A_83 : i32 to index
            %get3A_116 = arith.constant 32 : index
            %get3A_117 = tpu.vector_load %arg15[%get3A_115, %get3A_116] {strides = array<i32>} : memref<16x512xf32, #tpu.memory_space<vmem>>, vector<16xf32>,
            %mul3A_118 = arith.mulf %get3A_117, %gather3A_98 : vector<16xf32>
            %add3A_119 = arith.addi %mul3A_71, %scan3A_83 : i32
            %swap3A_120 = arith.index_cast %add3A_119 : i32 to index
            %swap3A_121 = arith.constant 32 : index
            %swap3A_122 = tpu.vector_load %arg8[%swap3A_120, %swap3A_121] {strides = array<i32>} : memref<72x640xf32, #tpu.memory_space<vmem>>, vector<16xf32>,
            tpu.vector_store %arg8[%swap3A_120, %swap3A_121], %mul3A_118 {strides = array<i32>} : memref<72x640xf32, #tpu.memory_space<vmem>>, vector<16xf32>,
            %get3A_123 = arith.index_cast %scan3A_83 : i32 to index
            %get3A_124 = arith.constant 48 : index
            %get3A_125 = tpu.vector_load %arg15[%get3A_123, %get3A_124] {strides = array<i32>} : memref<16x512xf32, #tpu.memory_space<vmem>>, vector<16xf32>,
            %mul3A_126 = arith.mulf %get3A_125, %gather3A_98 : vector<16xf32>
            %add3A_127 = arith.addi %mul3A_71, %scan3A_83 : i32
            %swap3A_128 = arith.index_cast %add3A_127 : i32 to index
            %swap3A_129 = arith.constant 48 : index
            %swap3A_130 = tpu.vector_load %arg8[%swap3A_128, %swap3A_129] {strides = array<i32>} : memref<72x640xf32, #tpu.memory_space<vmem>>, vector<16xf32>,
            tpu.vector_store %arg8[%swap3A_128, %swap3A_129], %mul3A_126 {strides = array<i32>} : memref<72x640xf32, #tpu.memory_space<vmem>>, vector<16xf32>,
            %get3A_131 = arith.index_cast %scan3A_83 : i32 to index
            %get3A_132 = arith.constant 64 : index
            %get3A_133 = tpu.vector_load %arg15[%get3A_131, %get3A_132] {strides = array<i32>} : memref<16x512xf32, #tpu.memory_space<vmem>>, vector<16xf32>,
            %mul3A_134 = arith.mulf %get3A_133, %gather3A_98 : vector<16xf32>
            %add3A_135 = arith.addi %mul3A_71, %scan3A_83 : i32
            %swap3A_136 = arith.index_cast %add3A_135 : i32 to index
            %swap3A_137 = arith.constant 64 : index
            %swap3A_138 = tpu.vector_load %arg8[%swap3A_136, %swap3A_137] {strides = array<i32>} : memref<72x640xf32, #tpu.memory_space<vmem>>, vector<16xf32>,
            tpu.vector_store %arg8[%swap3A_136, %swap3A_137], %mul3A_134 {strides = array<i32>} : memref<72x640xf32, #tpu.memory_space<vmem>>, vector<16xf32>,
            %get3A_139 = arith.index_cast %scan3A_83 : i32 to index
            %get3A_140 = arith.constant 80 : index
            %get3A_141 = tpu.vector_load %arg15[%get3A_139, %get3A_140] {strides = array<i32>} : memref<16x512xf32, #tpu.memory_space<vmem>>, vector<16xf32>,
            %mul3A_142 = arith.mulf %get3A_141, %gather3A_98 : vector<16xf32>
            %add3A_143 = arith.addi %mul3A_71, %scan3A_83 : i32
            %swap3A_144 = arith.index_cast %add3A_143 : i32 to index
            %swap3A_145 = arith.constant 80 : index
            %swap3A_146 = tpu.vector_load %arg8[%swap3A_144, %swap3A_145] {strides = array<i32>} : memref<72x640xf32, #tpu.memory_space<vmem>>, vector<16xf32>,
            tpu.vector_store %arg8[%swap3A_144, %swap3A_145], %mul3A_142 {strides = array<i32>} : memref<72x640xf32, #tpu.memory_space<vmem>>, vector<16xf32>,
            %get3A_147 = arith.index_cast %scan3A_83 : i32 to index
            %get3A_148 = arith.constant 96 : index
            %get3A_149 = tpu.vector_load %arg15[%get3A_147, %get3A_148] {strides = array<i32>} : memref<16x512xf32, #tpu.memory_space<vmem>>, vector<16xf32>,
            %mul3A_150 = arith.mulf %get3A_149, %gather3A_98 : vector<16xf32>
            %add3A_151 = arith.addi %mul3A_71, %scan3A_83 : i32
            %swap3A_152 = arith.index_cast %add3A_151 : i32 to index
            %swap3A_153 = arith.constant 96 : index
            %swap3A_154 = tpu.vector_load %arg8[%swap3A_152, %swap3A_153] {strides = array<i32>} : memref<72x640xf32, #tpu.memory_space<vmem>>, vector<16xf32>,
            tpu.vector_store %arg8[%swap3A_152, %swap3A_153], %mul3A_150 {strides = array<i32>} : memref<72x640xf32, #tpu.memory_space<vmem>>, vector<16xf32>,
            %get3A_155 = arith.index_cast %scan3A_83 : i32 to index
            %get3A_156 = arith.constant 112 : index
            %get3A_157 = tpu.vector_load %arg15[%get3A_155, %get3A_156] {strides = array<i32>} : memref<16x512xf32, #tpu.memory_space<vmem>>, vector<16xf32>,
            %mul3A_158 = arith.mulf %get3A_157, %gather3A_98 : vector<16xf32>
            %add3A_159 = arith.addi %mul3A_71, %scan3A_83 : i32
            %swap3A_160 = arith.index_cast %add3A_159 : i32 to index
            %swap3A_161 = arith.constant 112 : index
            %swap3A_162 = tpu.vector_load %arg8[%swap3A_160, %swap3A_161] {strides = array<i32>} : memref<72x640xf32, #tpu.memory_space<vmem>>, vector<16xf32>,
            tpu.vector_store %arg8[%swap3A_160, %swap3A_161], %mul3A_158 {strides = array<i32>} : memref<72x640xf32, #tpu.memory_space<vmem>>, vector<16xf32>,
            %broadcast_in_dim3A_163 = arith.constant 1 : i32
            %broadcast_in_dim3A_164 = vector.broadcast %broadcast_in_dim3A_163 : i32 to vector<16xi32>
            %reshape3A_165 = vector.shape_cast %broadcast_in_dim3A_164 : vector<16xi32> to vector<16x1xi32>
            %gather3A_166 = vector.shape_cast %reshape3A_165 : vector<16x1xi32> to vector<16xi32>
            %gather3A_167 = tpu.dynamic_gather %exp3A[%gather3A_166] in [0] : vector<16xf32>, vector<16xi32> -> vector<16xf32>
            %get3A_168 = arith.index_cast %scan3A_83 : i32 to index
            %get3A_169 = arith.constant 128 : index
            %get3A_170 = tpu.vector_load %arg15[%get3A_168, %get3A_169] {strides = array<i32>} : memref<16x512xf32, #tpu.memory_space<vmem>>, vector<16xf32>,
            %mul3A_171 = arith.mulf %get3A_170, %gather3A_167 : vector<16xf32>
            %add3A_172 = arith.addi %mul3A_71, %scan3A_83 : i32
            %swap3A_173 = arith.index_cast %add3A_172 : i32 to index
            %swap3A_174 = arith.constant 128 : index
            %swap3A_175 = tpu.vector_load %arg8[%swap3A_173, %swap3A_174] {strides = array<i32>} : memref<72x640xf32, #tpu.memory_space<vmem>>, vector<16xf32>,
            tpu.vector_store %arg8[%swap3A_173, %swap3A_174], %mul3A_171 {strides = array<i32>} : memref<72x640xf32, #tpu.memory_space<vmem>>, vector<16xf32>,
            %get3A_176 = arith.index_cast %scan3A_83 : i32 to index
            %get3A_177 = arith.constant 144 : index
            %get3A_178 = tpu.vector_load %arg15[%get3A_176, %get3A_177] {strides = array<i32>} : memref<16x512xf32, #tpu.memory_space<vmem>>, vector<16xf32>,
            %mul3A_179 = arith.mulf %get3A_178, %gather3A_167 : vector<16xf32>
            %add3A_180 = arith.addi %mul3A_71, %scan3A_83 : i32
            %swap3A_181 = arith.index_cast %add3A_180 : i32 to index
            %swap3A_182 = arith.constant 144 : index
            %swap3A_183 = tpu.vector_load %arg8[%swap3A_181, %swap3A_182] {strides = array<i32>} : memref<72x640xf32, #tpu.memory_space<vmem>>, vector<16xf32>,
            tpu.vector_store %arg8[%swap3A_181, %swap3A_182], %mul3A_179 {strides = array<i32>} : memref<72x640xf32, #tpu.memory_space<vmem>>, vector<16xf32>,
            %get3A_184 = arith.index_cast %scan3A_83 : i32 to index
            %get3A_185 = arith.constant 160 : index
            %get3A_186 = tpu.vector_load %arg15[%get3A_184, %get3A_185] {strides = array<i32>} : memref<16x512xf32, #tpu.memory_space<vmem>>, vector<16xf32>,
            %mul3A_187 = arith.mulf %get3A_186, %gather3A_167 : vector<16xf32>
            %add3A_188 = arith.addi %mul3A_71, %scan3A_83 : i32
            %swap3A_189 = arith.index_cast %add3A_188 : i32 to index
            %swap3A_190 = arith.constant 160 : index
            %swap3A_191 = tpu.vector_load %arg8[%swap3A_189, %swap3A_190] {strides = array<i32>} : memref<72x640xf32, #tpu.memory_space<vmem>>, vector<16xf32>,
            tpu.vector_store %arg8[%swap3A_189, %swap3A_190], %mul3A_187 {strides = array<i32>} : memref<72x640xf32, #tpu.memory_space<vmem>>, vector<16xf32>,
            %get3A_192 = arith.index_cast %scan3A_83 : i32 to index
            %get3A_193 = arith.constant 176 : index
            %get3A_194 = tpu.vector_load %arg15[%get3A_192, %get3A_193] {strides = array<i32>} : memref<16x512xf32, #tpu.memory_space<vmem>>, vector<16xf32>,
            %mul3A_195 = arith.mulf %get3A_194, %gather3A_167 : vector<16xf32>
            %add3A_196 = arith.addi %mul3A_71, %scan3A_83 : i32
            %swap3A_197 = arith.index_cast %add3A_196 : i32 to index
            %swap3A_198 = arith.constant 176 : index
            %swap3A_199 = tpu.vector_load %arg8[%swap3A_197, %swap3A_198] {strides = array<i32>} : memref<72x640xf32, #tpu.memory_space<vmem>>, vector<16xf32>,
            tpu.vector_store %arg8[%swap3A_197, %swap3A_198], %mul3A_195 {strides = array<i32>} : memref<72x640xf32, #tpu.memory_space<vmem>>, vector<16xf32>,
            %get3A_200 = arith.index_cast %scan3A_83 : i32 to index
            %get3A_201 = arith.constant 192 : index
            %get3A_202 = tpu.vector_load %arg15[%get3A_200, %get3A_201] {strides = array<i32>} : memref<16x512xf32, #tpu.memory_space<vmem>>, vector<16xf32>,
            %mul3A_203 = arith.mulf %get3A_202, %gather3A_167 : vector<16xf32>
            %add3A_204 = arith.addi %mul3A_71, %scan3A_83 : i32
            %swap3A_205 = arith.index_cast %add3A_204 : i32 to index
            %swap3A_206 = arith.constant 192 : index
            %swap3A_207 = tpu.vector_load %arg8[%swap3A_205, %swap3A_206] {strides = array<i32>} : memref<72x640xf32, #tpu.memory_space<vmem>>, vector<16xf32>,
            tpu.vector_store %arg8[%swap3A_205, %swap3A_206], %mul3A_203 {strides = array<i32>} : memref<72x640xf32, #tpu.memory_space<vmem>>, vector<16xf32>,
            %get3A_208 = arith.index_cast %scan3A_83 : i32 to index
            %get3A_209 = arith.constant 208 : index
            %get3A_210 = tpu.vector_load %arg15[%get3A_208, %get3A_209] {strides = array<i32>} : memref<16x512xf32, #tpu.memory_space<vmem>>, vector<16xf32>,
            %mul3A_211 = arith.mulf %get3A_210, %gather3A_167 : vector<16xf32>
            %add3A_212 = arith.addi %mul3A_71, %scan3A_83 : i32
            %swap3A_213 = arith.index_cast %add3A_212 : i32 to index
            %swap3A_214 = arith.constant 208 : index
            %swap3A_215 = tpu.vector_load %arg8[%swap3A_213, %swap3A_214] {strides = array<i32>} : memref<72x640xf32, #tpu.memory_space<vmem>>, vector<16xf32>,
            tpu.vector_store %arg8[%swap3A_213, %swap3A_214], %mul3A_211 {strides = array<i32>} : memref<72x640xf32, #tpu.memory_space<vmem>>, vector<16xf32>,
            %get3A_216 = arith.index_cast %scan3A_83 : i32 to index
            %get3A_217 = arith.constant 224 : index
            %get3A_218 = tpu.vector_load %arg15[%get3A_216, %get3A_217] {strides = array<i32>} : memref<16x512xf32, #tpu.memory_space<vmem>>, vector<16xf32>,
            %mul3A_219 = arith.mulf %get3A_218, %gather3A_167 : vector<16xf32>
            %add3A_220 = arith.addi %mul3A_71, %scan3A_83 : i32
            %swap3A_221 = arith.index_cast %add3A_220 : i32 to index
            %swap3A_222 = arith.constant 224 : index
            %swap3A_223 = tpu.vector_load %arg8[%swap3A_221, %swap3A_222] {strides = array<i32>} : memref<72x640xf32, #tpu.memory_space<vmem>>, vector<16xf32>,
            tpu.vector_store %arg8[%swap3A_221, %swap3A_222], %mul3A_219 {strides = array<i32>} : memref<72x640xf32, #tpu.memory_space<vmem>>, vector<16xf32>,
            %get3A_224 = arith.index_cast %scan3A_83 : i32 to index
            %get3A_225 = arith.constant 240 : index
            %get3A_226 = tpu.vector_load %arg15[%get3A_224, %get3A_225] {strides = array<i32>} : memref<16x512xf32, #tpu.memory_space<vmem>>, vector<16xf32>,
            %mul3A_227 = arith.mulf %get3A_226, %gather3A_167 : vector<16xf32>
            %add3A_228 = arith.addi %mul3A_71, %scan3A_83 : i32
            %swap3A_229 = arith.index_cast %add3A_228 : i32 to index
            %swap3A_230 = arith.constant 240 : index
            %swap3A_231 = tpu.vector_load %arg8[%swap3A_229, %swap3A_230] {strides = array<i32>} : memref<72x640xf32, #tpu.memory_space<vmem>>, vector<16xf32>,
            tpu.vector_store %arg8[%swap3A_229, %swap3A_230], %mul3A_227 {strides = array<i32>} : memref<72x640xf32, #tpu.memory_space<vmem>>, vector<16xf32>,
            %broadcast_in_dim3A_232 = arith.constant 2 : i32
            %broadcast_in_dim3A_233 = vector.broadcast %broadcast_in_dim3A_232 : i32 to vector<16xi32>
            %reshape3A_234 = vector.shape_cast %broadcast_in_dim3A_233 : vector<16xi32> to vector<16x1xi32>
            %gather3A_235 = vector.shape_cast %reshape3A_234 : vector<16x1xi32> to vector<16xi32>
            %gather3A_236 = tpu.dynamic_gather %exp3A[%gather3A_235] in [0] : vector<16xf32>, vector<16xi32> -> vector<16xf32>
            %get3A_237 = arith.index_cast %scan3A_83 : i32 to index
            %get3A_238 = arith.constant 256 : index
            %get3A_239 = tpu.vector_load %arg15[%get3A_237, %get3A_238] {strides = array<i32>} : memref<16x512xf32, #tpu.memory_space<vmem>>, vector<16xf32>,
            %mul3A_240 = arith.mulf %get3A_239, %gather3A_236 : vector<16xf32>
            %add3A_241 = arith.addi %mul3A_71, %scan3A_83 : i32
            %swap3A_242 = arith.index_cast %add3A_241 : i32 to index
            %swap3A_243 = arith.constant 256 : index
            %swap3A_244 = tpu.vector_load %arg8[%swap3A_242, %swap3A_243] {strides = array<i32>} : memref<72x640xf32, #tpu.memory_space<vmem>>, vector<16xf32>,
            tpu.vector_store %arg8[%swap3A_242, %swap3A_243], %mul3A_240 {strides = array<i32>} : memref<72x640xf32, #tpu.memory_space<vmem>>, vector<16xf32>,
            %get3A_245 = arith.index_cast %scan3A_83 : i32 to index
            %get3A_246 = arith.constant 272 : index
            %get3A_247 = tpu.vector_load %arg15[%get3A_245, %get3A_246] {strides = array<i32>} : memref<16x512xf32, #tpu.memory_space<vmem>>, vector<16xf32>,
            %mul3A_248 = arith.mulf %get3A_247, %gather3A_236 : vector<16xf32>
            %add3A_249 = arith.addi %mul3A_71, %scan3A_83 : i32
            %swap3A_250 = arith.index_cast %add3A_249 : i32 to index
            %swap3A_251 = arith.constant 272 : index
            %swap3A_252 = tpu.vector_load %arg8[%swap3A_250, %swap3A_251] {strides = array<i32>} : memref<72x640xf32, #tpu.memory_space<vmem>>, vector<16xf32>,
            tpu.vector_store %arg8[%swap3A_250, %swap3A_251], %mul3A_248 {strides = array<i32>} : memref<72x640xf32, #tpu.memory_space<vmem>>, vector<16xf32>,
            %get3A_253 = arith.index_cast %scan3A_83 : i32 to index
            %get3A_254 = arith.constant 288 : index
            %get3A_255 = tpu.vector_load %arg15[%get3A_253, %get3A_254] {strides = array<i32>} : memref<16x512xf32, #tpu.memory_space<vmem>>, vector<16xf32>,
            %mul3A_256 = arith.mulf %get3A_255, %gather3A_236 : vector<16xf32>
            %add3A_257 = arith.addi %mul3A_71, %scan3A_83 : i32
            %swap3A_258 = arith.index_cast %add3A_257 : i32 to index
            %swap3A_259 = arith.constant 288 : index
            %swap3A_260 = tpu.vector_load %arg8[%swap3A_258, %swap3A_259] {strides = array<i32>} : memref<72x640xf32, #tpu.memory_space<vmem>>, vector<16xf32>,
            tpu.vector_store %arg8[%swap3A_258, %swap3A_259], %mul3A_256 {strides = array<i32>} : memref<72x640xf32, #tpu.memory_space<vmem>>, vector<16xf32>,
            %get3A_261 = arith.index_cast %scan3A_83 : i32 to index
            %get3A_262 = arith.constant 304 : index
            %get3A_263 = tpu.vector_load %arg15[%get3A_261, %get3A_262] {strides = array<i32>} : memref<16x512xf32, #tpu.memory_space<vmem>>, vector<16xf32>,
            %mul3A_264 = arith.mulf %get3A_263, %gather3A_236 : vector<16xf32>
            %add3A_265 = arith.addi %mul3A_71, %scan3A_83 : i32
            %swap3A_266 = arith.index_cast %add3A_265 : i32 to index
            %swap3A_267 = arith.constant 304 : index
            %swap3A_268 = tpu.vector_load %arg8[%swap3A_266, %swap3A_267] {strides = array<i32>} : memref<72x640xf32, #tpu.memory_space<vmem>>, vector<16xf32>,
            tpu.vector_store %arg8[%swap3A_266, %swap3A_267], %mul3A_264 {strides = array<i32>} : memref<72x640xf32, #tpu.memory_space<vmem>>, vector<16xf32>,
            %get3A_269 = arith.index_cast %scan3A_83 : i32 to index
            %get3A_270 = arith.constant 320 : index
            %get3A_271 = tpu.vector_load %arg15[%get3A_269, %get3A_270] {strides = array<i32>} : memref<16x512xf32, #tpu.memory_space<vmem>>, vector<16xf32>,
            %mul3A_272 = arith.mulf %get3A_271, %gather3A_236 : vector<16xf32>
            %add3A_273 = arith.addi %mul3A_71, %scan3A_83 : i32
            %swap3A_274 = arith.index_cast %add3A_273 : i32 to index
            %swap3A_275 = arith.constant 320 : index
            %swap3A_276 = tpu.vector_load %arg8[%swap3A_274, %swap3A_275] {strides = array<i32>} : memref<72x640xf32, #tpu.memory_space<vmem>>, vector<16xf32>,
            tpu.vector_store %arg8[%swap3A_274, %swap3A_275], %mul3A_272 {strides = array<i32>} : memref<72x640xf32, #tpu.memory_space<vmem>>, vector<16xf32>,
            %get3A_277 = arith.index_cast %scan3A_83 : i32 to index
            %get3A_278 = arith.constant 336 : index
            %get3A_279 = tpu.vector_load %arg15[%get3A_277, %get3A_278] {strides = array<i32>} : memref<16x512xf32, #tpu.memory_space<vmem>>, vector<16xf32>,
            %mul3A_280 = arith.mulf %get3A_279, %gather3A_236 : vector<16xf32>
            %add3A_281 = arith.addi %mul3A_71, %scan3A_83 : i32
            %swap3A_282 = arith.index_cast %add3A_281 : i32 to index
            %swap3A_283 = arith.constant 336 : index
            %swap3A_284 = tpu.vector_load %arg8[%swap3A_282, %swap3A_283] {strides = array<i32>} : memref<72x640xf32, #tpu.memory_space<vmem>>, vector<16xf32>,
            tpu.vector_store %arg8[%swap3A_282, %swap3A_283], %mul3A_280 {strides = array<i32>} : memref<72x640xf32, #tpu.memory_space<vmem>>, vector<16xf32>,
            %get3A_285 = arith.index_cast %scan3A_83 : i32 to index
            %get3A_286 = arith.constant 352 : index
            %get3A_287 = tpu.vector_load %arg15[%get3A_285, %get3A_286] {strides = array<i32>} : memref<16x512xf32, #tpu.memory_space<vmem>>, vector<16xf32>,
            %mul3A_288 = arith.mulf %get3A_287, %gather3A_236 : vector<16xf32>
            %add3A_289 = arith.addi %mul3A_71, %scan3A_83 : i32
            %swap3A_290 = arith.index_cast %add3A_289 : i32 to index
            %swap3A_291 = arith.constant 352 : index
            %swap3A_292 = tpu.vector_load %arg8[%swap3A_290, %swap3A_291] {strides = array<i32>} : memref<72x640xf32, #tpu.memory_space<vmem>>, vector<16xf32>,
            tpu.vector_store %arg8[%swap3A_290, %swap3A_291], %mul3A_288 {strides = array<i32>} : memref<72x640xf32, #tpu.memory_space<vmem>>, vector<16xf32>,
            %get3A_293 = arith.index_cast %scan3A_83 : i32 to index
            %get3A_294 = arith.constant 368 : index
            %get3A_295 = tpu.vector_load %arg15[%get3A_293, %get3A_294] {strides = array<i32>} : memref<16x512xf32, #tpu.memory_space<vmem>>, vector<16xf32>,
            %mul3A_296 = arith.mulf %get3A_295, %gather3A_236 : vector<16xf32>
            %add3A_297 = arith.addi %mul3A_71, %scan3A_83 : i32
            %swap3A_298 = arith.index_cast %add3A_297 : i32 to index
            %swap3A_299 = arith.constant 368 : index
            %swap3A_300 = tpu.vector_load %arg8[%swap3A_298, %swap3A_299] {strides = array<i32>} : memref<72x640xf32, #tpu.memory_space<vmem>>, vector<16xf32>,
            tpu.vector_store %arg8[%swap3A_298, %swap3A_299], %mul3A_296 {strides = array<i32>} : memref<72x640xf32, #tpu.memory_space<vmem>>, vector<16xf32>,
            %broadcast_in_dim3A_301 = arith.constant 3 : i32
            %broadcast_in_dim3A_302 = vector.broadcast %broadcast_in_dim3A_301 : i32 to vector<16xi32>
            %reshape3A_303 = vector.shape_cast %broadcast_in_dim3A_302 : vector<16xi32> to vector<16x1xi32>
            %gather3A_304 = vector.shape_cast %reshape3A_303 : vector<16x1xi32> to vector<16xi32>
            %gather3A_305 = tpu.dynamic_gather %exp3A[%gather3A_304] in [0] : vector<16xf32>, vector<16xi32> -> vector<16xf32>
            %get3A_306 = arith.index_cast %scan3A_83 : i32 to index
            %get3A_307 = arith.constant 384 : index
            %get3A_308 = tpu.vector_load %arg15[%get3A_306, %get3A_307] {strides = array<i32>} : memref<16x512xf32, #tpu.memory_space<vmem>>, vector<16xf32>,
            %mul3A_309 = arith.mulf %get3A_308, %gather3A_305 : vector<16xf32>
            %add3A_310 = arith.addi %mul3A_71, %scan3A_83 : i32
            %swap3A_311 = arith.index_cast %add3A_310 : i32 to index
            %swap3A_312 = arith.constant 384 : index
            %swap3A_313 = tpu.vector_load %arg8[%swap3A_311, %swap3A_312] {strides = array<i32>} : memref<72x640xf32, #tpu.memory_space<vmem>>, vector<16xf32>,
            tpu.vector_store %arg8[%swap3A_311, %swap3A_312], %mul3A_309 {strides = array<i32>} : memref<72x640xf32, #tpu.memory_space<vmem>>, vector<16xf32>,
            %get3A_314 = arith.index_cast %scan3A_83 : i32 to index
            %get3A_315 = arith.constant 400 : index
            %get3A_316 = tpu.vector_load %arg15[%get3A_314, %get3A_315] {strides = array<i32>} : memref<16x512xf32, #tpu.memory_space<vmem>>, vector<16xf32>,
            %mul3A_317 = arith.mulf %get3A_316, %gather3A_305 : vector<16xf32>
            %add3A_318 = arith.addi %mul3A_71, %scan3A_83 : i32
            %swap3A_319 = arith.index_cast %add3A_318 : i32 to index
            %swap3A_320 = arith.constant 400 : index
            %swap3A_321 = tpu.vector_load %arg8[%swap3A_319, %swap3A_320] {strides = array<i32>} : memref<72x640xf32, #tpu.memory_space<vmem>>, vector<16xf32>,
            tpu.vector_store %arg8[%swap3A_319, %swap3A_320], %mul3A_317 {strides = array<i32>} : memref<72x640xf32, #tpu.memory_space<vmem>>, vector<16xf32>,
            %get3A_322 = arith.index_cast %scan3A_83 : i32 to index
            %get3A_323 = arith.constant 416 : index
            %get3A_324 = tpu.vector_load %arg15[%get3A_322, %get3A_323] {strides = array<i32>} : memref<16x512xf32, #tpu.memory_space<vmem>>, vector<16xf32>,
            %mul3A_325 = arith.mulf %get3A_324, %gather3A_305 : vector<16xf32>
            %add3A_326 = arith.addi %mul3A_71, %scan3A_83 : i32
            %swap3A_327 = arith.index_cast %add3A_326 : i32 to index
            %swap3A_328 = arith.constant 416 : index
            %swap3A_329 = tpu.vector_load %arg8[%swap3A_327, %swap3A_328] {strides = array<i32>} : memref<72x640xf32, #tpu.memory_space<vmem>>, vector<16xf32>,
            tpu.vector_store %arg8[%swap3A_327, %swap3A_328], %mul3A_325 {strides = array<i32>} : memref<72x640xf32, #tpu.memory_space<vmem>>, vector<16xf32>,
            %get3A_330 = arith.index_cast %scan3A_83 : i32 to index
            %get3A_331 = arith.constant 432 : index
            %get3A_332 = tpu.vector_load %arg15[%get3A_330, %get3A_331] {strides = array<i32>} : memref<16x512xf32, #tpu.memory_space<vmem>>, vector<16xf32>,
            %mul3A_333 = arith.mulf %get3A_332, %gather3A_305 : vector<16xf32>
            %add3A_334 = arith.addi %mul3A_71, %scan3A_83 : i32
            %swap3A_335 = arith.index_cast %add3A_334 : i32 to index
            %swap3A_336 = arith.constant 432 : index
            %swap3A_337 = tpu.vector_load %arg8[%swap3A_335, %swap3A_336] {strides = array<i32>} : memref<72x640xf32, #tpu.memory_space<vmem>>, vector<16xf32>,
            tpu.vector_store %arg8[%swap3A_335, %swap3A_336], %mul3A_333 {strides = array<i32>} : memref<72x640xf32, #tpu.memory_space<vmem>>, vector<16xf32>,
            %get3A_338 = arith.index_cast %scan3A_83 : i32 to index
            %get3A_339 = arith.constant 448 : index
            %get3A_340 = tpu.vector_load %arg15[%get3A_338, %get3A_339] {strides = array<i32>} : memref<16x512xf32, #tpu.memory_space<vmem>>, vector<16xf32>,
            %mul3A_341 = arith.mulf %get3A_340, %gather3A_305 : vector<16xf32>
            %add3A_342 = arith.addi %mul3A_71, %scan3A_83 : i32
            %swap3A_343 = arith.index_cast %add3A_342 : i32 to index
            %swap3A_344 = arith.constant 448 : index
            %swap3A_345 = tpu.vector_load %arg8[%swap3A_343, %swap3A_344] {strides = array<i32>} : memref<72x640xf32, #tpu.memory_space<vmem>>, vector<16xf32>,
            tpu.vector_store %arg8[%swap3A_343, %swap3A_344], %mul3A_341 {strides = array<i32>} : memref<72x640xf32, #tpu.memory_space<vmem>>, vector<16xf32>,
            %get3A_346 = arith.index_cast %scan3A_83 : i32 to index
            %get3A_347 = arith.constant 464 : index
            %get3A_348 = tpu.vector_load %arg15[%get3A_346, %get3A_347] {strides = array<i32>} : memref<16x512xf32, #tpu.memory_space<vmem>>, vector<16xf32>,
            %mul3A_349 = arith.mulf %get3A_348, %gather3A_305 : vector<16xf32>
            %add3A_350 = arith.addi %mul3A_71, %scan3A_83 : i32
            %swap3A_351 = arith.index_cast %add3A_350 : i32 to index
            %swap3A_352 = arith.constant 464 : index
            %swap3A_353 = tpu.vector_load %arg8[%swap3A_351, %swap3A_352] {strides = array<i32>} : memref<72x640xf32, #tpu.memory_space<vmem>>, vector<16xf32>,
            tpu.vector_store %arg8[%swap3A_351, %swap3A_352], %mul3A_349 {strides = array<i32>} : memref<72x640xf32, #tpu.memory_space<vmem>>, vector<16xf32>,
            %get3A_354 = arith.index_cast %scan3A_83 : i32 to index
            %get3A_355 = arith.constant 480 : index
            %get3A_356 = tpu.vector_load %arg15[%get3A_354, %get3A_355] {strides = array<i32>} : memref<16x512xf32, #tpu.memory_space<vmem>>, vector<16xf32>,
            %mul3A_357 = arith.mulf %get3A_356, %gather3A_305 : vector<16xf32>
            %add3A_358 = arith.addi %mul3A_71, %scan3A_83 : i32
            %swap3A_359 = arith.index_cast %add3A_358 : i32 to index
            %swap3A_360 = arith.constant 480 : index
            %swap3A_361 = tpu.vector_load %arg8[%swap3A_359, %swap3A_360] {strides = array<i32>} : memref<72x640xf32, #tpu.memory_space<vmem>>, vector<16xf32>,
            tpu.vector_store %arg8[%swap3A_359, %swap3A_360], %mul3A_357 {strides = array<i32>} : memref<72x640xf32, #tpu.memory_space<vmem>>, vector<16xf32>,
            %get3A_362 = arith.index_cast %scan3A_83 : i32 to index
            %get3A_363 = arith.constant 496 : index
            %get3A_364 = tpu.vector_load %arg15[%get3A_362, %get3A_363] {strides = array<i32>} : memref<16x512xf32, #tpu.memory_space<vmem>>, vector<16xf32>,
            %mul3A_365 = arith.mulf %get3A_364, %gather3A_305 : vector<16xf32>
            %add3A_366 = arith.addi %mul3A_71, %scan3A_83 : i32
            %swap3A_367 = arith.index_cast %add3A_366 : i32 to index
            %swap3A_368 = arith.constant 496 : index
            %swap3A_369 = tpu.vector_load %arg8[%swap3A_367, %swap3A_368] {strides = array<i32>} : memref<72x640xf32, #tpu.memory_space<vmem>>, vector<16xf32>,
            tpu.vector_store %arg8[%swap3A_367, %swap3A_368], %mul3A_365 {strides = array<i32>} : memref<72x640xf32, #tpu.memory_space<vmem>>, vector<16xf32>,
            %scan3A_370 = arith.constant 0 : i32
            scf.yield %scan3A_370 : i32
          }
          %scan3A_82 = arith.constant 8 : i32
        } else {
        }
        %scan3A_75 = arith.constant 0 : i32
        scf.yield %scan3A_75 : i32
      }
      %scan3A_20 = arith.constant 8 : i32
      %scan3A_21 = arith.constant 0 : i32
      %scan3A_22 = arith.constant 0 : i32
      %scan3A_23 = arith.constant 128 : i32
      %scan3A_24 = arith.addi %scan3A_22, %scan3A_23 : i32
      %scan3A_25 = arith.constant 1 : i32
      %scan3A_26 = scf.for %scan3A_68 = %scan3A_22 to %scan3A_24 step %scan3A_25 iter_args(%scan3A_69 = %scan3A_21) -> (i32)  : i32 {
        %broadcast_in_dim3A = arith.constant 0 : i32
        %broadcast_in_dim3A_70 = vector.broadcast %broadcast_in_dim3A : i32 to vector<16xi32>
        %mul3A_71 = arith.constant 16 : i32
        %mul3A_72 = arith.muli %scan3A_68, %mul3A_71 : i32
        %swap3A = arith.index_cast %mul3A_72 : i32 to index
        %swap3A_73 = tpu.vector_load %arg11[%swap3A] {strides = array<i32>} : memref<2048xi32, #tpu.memory_space<vmem>>, vector<16xi32>,
        tpu.vector_store %arg11[%swap3A], %broadcast_in_dim3A_70 {strides = array<i32>} : memref<2048xi32, #tpu.memory_space<vmem>>, vector<16xi32>,
        %broadcast_in_dim3A_74 = arith.constant 0 : i32
        %broadcast_in_dim3A_75 = vector.broadcast %broadcast_in_dim3A_74 : i32 to vector<16xi32>
        %add3A_76 = arith.constant 64 : i32
        %add3A_77 = arith.addi %add3A_13, %add3A_76 : i32
        %add3A_78 = vector.broadcast %add3A_77 : i32 to vector<16xi32>
        %add3A_79 = arith.addi %broadcast_in_dim3A_75, %add3A_78 : vector<16xi32>
        %mul3A_80 = arith.constant 16 : i32
        %mul3A_81 = arith.muli %scan3A_68, %mul3A_80 : i32
        %swap3A_82 = arith.index_cast %mul3A_81 : i32 to index
        %swap3A_83 = tpu.vector_load %arg12[%swap3A_82] {strides = array<i32>} : memref<2048xi32, #tpu.memory_space<vmem>>, vector<16xi32>,
        tpu.vector_store %arg12[%swap3A_82], %add3A_79 {strides = array<i32>} : memref<2048xi32, #tpu.memory_space<vmem>>, vector<16xi32>,
        %scan3A_84 = arith.constant 0 : i32
        scf.yield %scan3A_84 : i32
      }
      %scan3A_27 = arith.constant 128 : i32
      %scan3A_28 = arith.constant 0 : i32
      %scan3A_29 = arith.constant 0 : i32
      %scan3A_30 = arith.constant 80 : i32
      %scan3A_31 = arith.addi %scan3A_29, %scan3A_30 : i32
      %scan3A_32 = arith.constant 1 : i32
      %scan3A_33 = scf.for %scan3A_68 = %scan3A_29 to %scan3A_31 step %scan3A_32 iter_args(%scan3A_69 = %scan3A_28) -> (i32)  : i32 {
        %mul3A_70 = arith.constant 2000 : i32
        %mul3A_71 = arith.muli %scan3A_68, %mul3A_70 : i32
        "tpu.region"() ({
          %run_scoped3A = tpu.sem_alloc : memref<!tpu.dma_semaphore, #tpu.memory_space<semaphore_mem>>
          %dma_start3A = tpu.memref_slice %arg5[%mul3A_71] : memref<160000xi32, #tpu.memory_space<hbm>> -> memref<2000xi32, #tpu.memory_space<hbm>>
          %dma_start3A_80 = tpu.memref_slice %arg5[%mul3A_71] : memref<160000xi32, #tpu.memory_space<hbm>> -> memref<2000xi32, #tpu.memory_space<hbm>>
          tpu.enqueue_dma source(%dma_start3A_80 : memref<2000xi32, #tpu.memory_space<hbm>>) target(%arg9 : memref<2000xi32, #tpu.memory_space<vmem>>) target_semaphore(%run_scoped3A : memref<!tpu.dma_semaphore, #tpu.memory_space<semaphore_mem>>)
          %dma_wait3A = tpu.memref_slice %arg5[%mul3A_71] : memref<160000xi32, #tpu.memory_space<hbm>> -> memref<2000xi32, #tpu.memory_space<hbm>>
          %dma_wait3A_81 = tpu.memref_slice %arg5[%mul3A_71] : memref<160000xi32, #tpu.memory_space<hbm>> -> memref<2000xi32, #tpu.memory_space<hbm>>
          tpu.wait_dma2 semaphore(%run_scoped3A : memref<!tpu.dma_semaphore, #tpu.memory_space<semaphore_mem>>) src(%dma_wait3A_81 : memref<2000xi32, #tpu.memory_space<hbm>>) dst(%arg9 : memref<2000xi32, #tpu.memory_space<vmem>>)
          tpu.yield
        }) : () -> ()
        %mul3A_72 = arith.constant 2000 : i32
        %mul3A_73 = arith.muli %scan3A_68, %mul3A_72 : i32
        "tpu.region"() ({
          %run_scoped3A = tpu.sem_alloc : memref<!tpu.dma_semaphore, #tpu.memory_space<semaphore_mem>>
          %dma_start3A = tpu.memref_slice %arg6[%mul3A_73] : memref<160000xi32, #tpu.memory_space<hbm>> -> memref<2000xi32, #tpu.memory_space<hbm>>
          %dma_start3A_80 = tpu.memref_slice %arg6[%mul3A_73] : memref<160000xi32, #tpu.memory_space<hbm>> -> memref<2000xi32, #tpu.memory_space<hbm>>
          tpu.enqueue_dma source(%dma_start3A_80 : memref<2000xi32, #tpu.memory_space<hbm>>) target(%arg10 : memref<2000xi32, #tpu.memory_space<vmem>>) target_semaphore(%run_scoped3A : memref<!tpu.dma_semaphore, #tpu.memory_space<semaphore_mem>>)
          %dma_wait3A = tpu.memref_slice %arg6[%mul3A_73] : memref<160000xi32, #tpu.memory_space<hbm>> -> memref<2000xi32, #tpu.memory_space<hbm>>
          %dma_wait3A_81 = tpu.memref_slice %arg6[%mul3A_73] : memref<160000xi32, #tpu.memory_space<hbm>> -> memref<2000xi32, #tpu.memory_space<hbm>>
          tpu.wait_dma2 semaphore(%run_scoped3A : memref<!tpu.dma_semaphore, #tpu.memory_space<semaphore_mem>>) src(%dma_wait3A_81 : memref<2000xi32, #tpu.memory_space<hbm>>) dst(%arg10 : memref<2000xi32, #tpu.memory_space<vmem>>)
          tpu.yield
        }) : () -> ()
        %scan3A_74 = arith.constant 0 : i32
        %scan3A_75 = arith.constant 125 : i32
        %scan3A_76 = arith.addi %scan3A_74, %scan3A_75 : i32
        %scan3A_77 = arith.constant 1 : i32
        %scan3A_78 = scf.for %scan3A_80 = %scan3A_74 to %scan3A_76 step %scan3A_77 iter_args(%scan3A_81 = %scan3A_69) -> (i32)  : i32 {
          %mul3A_82 = arith.constant 16 : i32
          %mul3A_83 = arith.muli %scan3A_80, %mul3A_82 : i32
          %get3A = arith.index_cast %mul3A_83 : i32 to index
          %get3A_84 = tpu.vector_load %arg9[%get3A] {strides = array<i32>} : memref<2000xi32, #tpu.memory_space<vmem>>, vector<16xi32>,
          %mul3A_85 = arith.constant 16 : i32
          %mul3A_86 = arith.muli %scan3A_80, %mul3A_85 : i32
          %get3A_87 = arith.index_cast %mul3A_86 : i32 to index
          %get3A_88 = tpu.vector_load %arg10[%get3A_87] {strides = array<i32>} : memref<2000xi32, #tpu.memory_space<vmem>>, vector<16xi32>,
          %ge3A = vector.broadcast %add3A_13 : i32 to vector<16xi32>
          %ge3A_89 = arith.cmpi sge, %get3A_88, %ge3A : vector<16xi32>
          %add3A_90 = arith.constant 64 : i32
          %add3A_91 = arith.addi %add3A_13, %add3A_90 : i32
          %lt3A = vector.broadcast %add3A_91 : i32 to vector<16xi32>
          %lt3A_92 = arith.cmpi slt, %get3A_88, %lt3A : vector<16xi32>
          %and3A_93 = arith.andi %ge3A_89, %lt3A_92 : vector<16xi1>
          %le3A = arith.constant 2032 : i32
          %le3A_94 = arith.cmpi sle, %scan3A_81, %le3A : i32
          %convert_element_type3A = arith.extui %le3A_94 : i1 to i32
          %cond3A = arith.constant 0 : i32
          %cond3A_95 = arith.cmpi ne, %convert_element_type3A, %cond3A : i32
          scf.if %cond3A_95 {
            %swap3A = arith.index_cast %scan3A_81 : i32 to index
            %swap3A_104 = tpu.vector_load %arg11[%swap3A] masked %and3A_93 {strides = array<i32>} : memref<2048xi32, #tpu.memory_space<vmem>>, vector<16xi32>, vector<16xi1>
            tpu.vector_store %arg11[%swap3A], %get3A_84 masked %and3A_93 {strides = array<i32>} : memref<2048xi32, #tpu.memory_space<vmem>>, vector<16xi32>, vector<16xi1>
            %swap3A_105 = arith.index_cast %scan3A_81 : i32 to index
            %swap3A_106 = tpu.vector_load %arg12[%swap3A_105] masked %and3A_93 {strides = array<i32>} : memref<2048xi32, #tpu.memory_space<vmem>>, vector<16xi32>, vector<16xi1>
            tpu.vector_store %arg12[%swap3A_105], %get3A_88 masked %and3A_93 {strides = array<i32>} : memref<2048xi32, #tpu.memory_space<vmem>>, vector<16xi32>, vector<16xi1>
          } else {
          }
          %jit3A_96 = arith.constant 1 : i32
          %jit3A_97 = arith.constant 0 : i32
          %broadcast_in_dim3A = vector.broadcast %jit3A_96 : i32 to vector<16xi32>
          %broadcast_in_dim3A_98 = vector.broadcast %jit3A_97 : i32 to vector<16xi32>
          %select_n3A_99 = arith.select %and3A_93, %broadcast_in_dim3A, %broadcast_in_dim3A_98 : vector<16xi1>, vector<16xi32>
          %reduce_sum3A = arith.constant true
          %reduce_sum3A_100 = vector.broadcast %reduce_sum3A : i1 to vector<16xi1>
          %reduce_sum3A_101 = tpu.scan <sum>, %select_n3A_99 masked %reduce_sum3A_100 : vector<16xi32>, vector<16xi1> -> vector<16xi32>
          %reduce_sum3A_102 = vector.extract %reduce_sum3A_101[15] : i32 from vector<16xi32>
          %add3A_103 = arith.addi %scan3A_81, %reduce_sum3A_102 : i32
          scf.yield %add3A_103 : i32
        }
        %scan3A_79 = arith.constant 125 : i32
        scf.yield %scan3A_78 : i32
      }
      %scan3A_34 = arith.constant 80 : i32
      %min3A = arith.constant 2048 : i32
      %min3A_35 = arith.minsi %scan3A_33, %min3A : i32
      %iota3A = tpu.iota {dimensions = array<i32: 0>} : vector<16xi32>
      %add3A_36 = arith.constant 16 : i32
      %add3A_37 = arith.addi %min3A_35, %add3A_36 : i32
      %sub3A = arith.constant 1 : i32
      %sub3A_38 = arith.subi %add3A_37, %sub3A : i32
      %jit3A = arith.constant 16 : i32
      %div3A = arith.divsi %sub3A_38, %jit3A : i32
      %sign3A = arith.constant 0 : i32
      %sign3A_39 = arith.cmpi sgt, %sub3A_38, %sign3A : i32
      %sign3A_40 = arith.extui %sign3A_39 : i1 to i32
      %sign3A_41 = arith.constant 0 : i32
      %sign3A_42 = arith.cmpi slt, %sub3A_38, %sign3A_41 : i32
      %sign3A_43 = arith.extui %sign3A_42 : i1 to i32
      %sign3A_44 = arith.subi %sign3A_40, %sign3A_43 : i32
      %sign3A_45 = arith.constant 0 : i32
      %sign3A_46 = arith.cmpi sgt, %jit3A, %sign3A_45 : i32
      %sign3A_47 = arith.extui %sign3A_46 : i1 to i32
      %sign3A_48 = arith.constant 0 : i32
      %sign3A_49 = arith.cmpi slt, %jit3A, %sign3A_48 : i32
      %sign3A_50 = arith.extui %sign3A_49 : i1 to i32
      %sign3A_51 = arith.subi %sign3A_47, %sign3A_50 : i32
      %ne3A = arith.cmpi ne, %sign3A_44, %sign3A_51 : i32
      %rem3A = arith.remsi %sub3A_38, %jit3A : i32
      %ne3A_52 = arith.constant 0 : i32
      %ne3A_53 = arith.cmpi ne, %rem3A, %ne3A_52 : i32
      %and3A = arith.andi %ne3A, %ne3A_53 : i1
      %sub3A_54 = arith.constant 1 : i32
      %sub3A_55 = arith.subi %div3A, %sub3A_54 : i32
      %select_n3A = arith.select %and3A, %sub3A_55, %div3A : i32
      %while3A = arith.constant 0 : i32
      %while3A_56 = arith.constant 0 : i32
      %while3A_57 = arith.subi %select_n3A, %while3A : i32
      %while3A_58 = arith.addi %while3A, %while3A_57 : i32
      %while3A_59 = arith.constant 1 : i32
      %while3A_60 = arith.divsi %while3A_57, %while3A_59 : i32
      %while3A_61 = arith.muli %while3A_60, %while3A_59 : i32
      %while3A_62 = arith.addi %while3A, %while3A_61 : i32
      %while3A_63 = arith.constant 1 : i32
      %while3A_64 = scf.for %while3A_68 = %while3A to %while3A_62 step %while3A_63 iter_args(%while3A_69 = %while3A_56) -> (i32)  : i32 {
        %mul3A_70 = arith.constant 16 : i32
        %mul3A_71 = arith.muli %while3A_68, %mul3A_70 : i32
        %get3A = arith.index_cast %mul3A_71 : i32 to index
        %get3A_72 = tpu.vector_load %arg11[%get3A] {strides = array<i32>} : memref<2048xi32, #tpu.memory_space<vmem>>, vector<16xi32>,
        %swap3A = arith.constant 0 : i32
        %swap3A_73 = arith.index_cast %swap3A : i32 to index
        %swap3A_74 = arith.constant 0 : index
        %swap3A_75 = tpu.vector_load %arg13[%swap3A_73, %swap3A_74] {strides = array<i32>} : memref<1x16xi32, #tpu.memory_space<vmem>>, vector<16xi32>,
        tpu.vector_store %arg13[%swap3A_73, %swap3A_74], %get3A_72 {strides = array<i32>} : memref<1x16xi32, #tpu.memory_space<vmem>>, vector<16xi32>,
        %get3A_76 = arith.index_cast %mul3A_71 : i32 to index
        %get3A_77 = tpu.vector_load %arg12[%get3A_76] {strides = array<i32>} : memref<2048xi32, #tpu.memory_space<vmem>>, vector<16xi32>,
        %sub3A_78 = vector.broadcast %add3A_13 : i32 to vector<16xi32>
        %sub3A_79 = arith.subi %get3A_77, %sub3A_78 : vector<16xi32>
        %min3A_80 = arith.constant 10239 : i32
        %min3A_81 = vector.broadcast %min3A_80 : i32 to vector<16xi32>
        %min3A_82 = arith.minsi %get3A_77, %min3A_81 : vector<16xi32>
        %swap3A_83 = arith.constant 0 : i32
        %swap3A_84 = arith.index_cast %swap3A_83 : i32 to index
        %swap3A_85 = arith.constant 0 : index
        %swap3A_86 = tpu.vector_load %arg14[%swap3A_84, %swap3A_85] {strides = array<i32>} : memref<1x16xi32, #tpu.memory_space<vmem>>, vector<16xi32>,
        tpu.vector_store %arg14[%swap3A_84, %swap3A_85], %min3A_82 {strides = array<i32>} : memref<1x16xi32, #tpu.memory_space<vmem>>, vector<16xi32>,
        %dma_start3A = arith.constant 0 : i32
        %dma_start3A_87 = arith.constant 0 : i32
        %dma_start3A_88 = tpu.memref_slice %arg13[%dma_start3A, %dma_start3A_87] : memref<1x16xi32, #tpu.memory_space<vmem>> -> memref<1x16xi32, #tpu.memory_space<vmem>>
        %dma_start3A_89 = tpu.memref_squeeze %dma_start3A_88 : memref<1x16xi32, #tpu.memory_space<vmem>> -> memref<16xi32, #tpu.memory_space<vmem>>
        %dma_start3A_90 = arith.constant 0 : i32
        %dma_start3A_91 = arith.constant 0 : i32
        %dma_start3A_92 = tpu.memref_slice %arg2[%dma_start3A_90, %dma_start3A_91] : memref<10240x512xf32, #tpu.memory_space<hbm>> -> memref<10240x512xf32, #tpu.memory_space<hbm>>
        tpu.enqueue_indirect_dma source(%dma_start3A_92 : memref<10240x512xf32, #tpu.memory_space<hbm>>) target(%arg15 : memref<16x512xf32, #tpu.memory_space<vmem>>) offsets(%dma_start3A_89 : memref<16xi32, #tpu.memory_space<vmem>>) semaphore(%arg18 : memref<!tpu.dma_semaphore, #tpu.memory_space<semaphore_mem>>)
        %dma_start3A_93 = arith.constant 0 : i32
        %dma_start3A_94 = arith.constant 0 : i32
        %dma_start3A_95 = tpu.memref_slice %arg13[%dma_start3A_93, %dma_start3A_94] : memref<1x16xi32, #tpu.memory_space<vmem>> -> memref<1x16xi32, #tpu.memory_space<vmem>>
        %dma_start3A_96 = tpu.memref_squeeze %dma_start3A_95 : memref<1x16xi32, #tpu.memory_space<vmem>> -> memref<16xi32, #tpu.memory_space<vmem>>
        %dma_start3A_97 = arith.constant 0 : i32
        %dma_start3A_98 = arith.constant 0 : i32
        %dma_start3A_99 = tpu.memref_slice %arg3[%dma_start3A_97, %dma_start3A_98] : memref<10240x128xf32, #tpu.memory_space<hbm>> -> memref<10240x128xf32, #tpu.memory_space<hbm>>
        tpu.enqueue_indirect_dma source(%dma_start3A_99 : memref<10240x128xf32, #tpu.memory_space<hbm>>) target(%arg16 : memref<16x128xf32, #tpu.memory_space<vmem>>) offsets(%dma_start3A_96 : memref<16xi32, #tpu.memory_space<vmem>>) semaphore(%arg19 : memref<!tpu.dma_semaphore, #tpu.memory_space<semaphore_mem>>)
        %dma_start3A_100 = arith.constant 0 : i32
        %dma_start3A_101 = arith.constant 0 : i32
        %dma_start3A_102 = tpu.memref_slice %arg14[%dma_start3A_100, %dma_start3A_101] : memref<1x16xi32, #tpu.memory_space<vmem>> -> memref<1x16xi32, #tpu.memory_space<vmem>>
        %dma_start3A_103 = tpu.memref_squeeze %dma_start3A_102 : memref<1x16xi32, #tpu.memory_space<vmem>> -> memref<16xi32, #tpu.memory_space<vmem>>
        %dma_start3A_104 = arith.constant 0 : i32
        %dma_start3A_105 = arith.constant 0 : i32
        %dma_start3A_106 = tpu.memref_slice %arg4[%dma_start3A_104, %dma_start3A_105] : memref<10240x128xf32, #tpu.memory_space<hbm>> -> memref<10240x128xf32, #tpu.memory_space<hbm>>
        tpu.enqueue_indirect_dma source(%dma_start3A_106 : memref<10240x128xf32, #tpu.memory_space<hbm>>) target(%arg17 : memref<16x128xf32, #tpu.memory_space<vmem>>) offsets(%dma_start3A_103 : memref<16xi32, #tpu.memory_space<vmem>>) semaphore(%arg20 : memref<!tpu.dma_semaphore, #tpu.memory_space<semaphore_mem>>)
        %dma_wait3A = arith.constant 0 : i32
        %dma_wait3A_107 = arith.constant 0 : i32
        %dma_wait3A_108 = tpu.memref_slice %arg13[%dma_wait3A, %dma_wait3A_107] : memref<1x16xi32, #tpu.memory_space<vmem>> -> memref<1x16xi32, #tpu.memory_space<vmem>>
        %dma_wait3A_109 = tpu.memref_squeeze %dma_wait3A_108 : memref<1x16xi32, #tpu.memory_space<vmem>> -> memref<16xi32, #tpu.memory_space<vmem>>
        %dma_wait3A_110 = arith.constant 0 : i32
        %dma_wait3A_111 = arith.constant 0 : i32
        %dma_wait3A_112 = tpu.memref_slice %arg2[%dma_wait3A_110, %dma_wait3A_111] : memref<10240x512xf32, #tpu.memory_space<hbm>> -> memref<10240x512xf32, #tpu.memory_space<hbm>>
        tpu.wait_indirect_dma semaphore(%arg18 : memref<!tpu.dma_semaphore, #tpu.memory_space<semaphore_mem>>) src(%dma_wait3A_112 : memref<10240x512xf32, #tpu.memory_space<hbm>>) dst(%arg15 : memref<16x512xf32, #tpu.memory_space<vmem>>)
        %dma_wait3A_113 = arith.constant 0 : i32
        %dma_wait3A_114 = arith.constant 0 : i32
        %dma_wait3A_115 = tpu.memref_slice %arg13[%dma_wait3A_113, %dma_wait3A_114] : memref<1x16xi32, #tpu.memory_space<vmem>> -> memref<1x16xi32, #tpu.memory_space<vmem>>
        %dma_wait3A_116 = tpu.memref_squeeze %dma_wait3A_115 : memref<1x16xi32, #tpu.memory_space<vmem>> -> memref<16xi32, #tpu.memory_space<vmem>>
        %dma_wait3A_117 = arith.constant 0 : i32
        %dma_wait3A_118 = arith.constant 0 : i32
        %dma_wait3A_119 = tpu.memref_slice %arg3[%dma_wait3A_117, %dma_wait3A_118] : memref<10240x128xf32, #tpu.memory_space<hbm>> -> memref<10240x128xf32, #tpu.memory_space<hbm>>
        tpu.wait_indirect_dma semaphore(%arg19 : memref<!tpu.dma_semaphore, #tpu.memory_space<semaphore_mem>>) src(%dma_wait3A_119 : memref<10240x128xf32, #tpu.memory_space<hbm>>) dst(%arg16 : memref<16x128xf32, #tpu.memory_space<vmem>>)
        %dma_wait3A_120 = arith.constant 0 : i32
        %dma_wait3A_121 = arith.constant 0 : i32
        %dma_wait3A_122 = tpu.memref_slice %arg14[%dma_wait3A_120, %dma_wait3A_121] : memref<1x16xi32, #tpu.memory_space<vmem>> -> memref<1x16xi32, #tpu.memory_space<vmem>>
        %dma_wait3A_123 = tpu.memref_squeeze %dma_wait3A_122 : memref<1x16xi32, #tpu.memory_space<vmem>> -> memref<16xi32, #tpu.memory_space<vmem>>
        %dma_wait3A_124 = arith.constant 0 : i32
        %dma_wait3A_125 = arith.constant 0 : i32
        %dma_wait3A_126 = tpu.memref_slice %arg4[%dma_wait3A_124, %dma_wait3A_125] : memref<10240x128xf32, #tpu.memory_space<hbm>> -> memref<10240x128xf32, #tpu.memory_space<hbm>>
        tpu.wait_indirect_dma semaphore(%arg20 : memref<!tpu.dma_semaphore, #tpu.memory_space<semaphore_mem>>) src(%dma_wait3A_126 : memref<10240x128xf32, #tpu.memory_space<hbm>>) dst(%arg17 : memref<16x128xf32, #tpu.memory_space<vmem>>)
        %scan3A_127 = arith.constant 0 : i32
        %scan3A_128 = arith.constant 0 : i32
        %scan3A_129 = arith.constant 16 : i32
        %scan3A_130 = arith.addi %scan3A_128, %scan3A_129 : i32
        %scan3A_131 = arith.constant 1 : i32
        %scan3A_132 = scf.for %scan3A_135 = %scan3A_128 to %scan3A_130 step %scan3A_131 iter_args(%scan3A_136 = %scan3A_127) -> (i32)  : i32 {
          %get3A_137 = arith.index_cast %scan3A_135 : i32 to index
          %get3A_138 = arith.constant 0 : index
          %get3A_139 = tpu.vector_load %arg16[%get3A_137, %get3A_138] {strides = array<i32>} : memref<16x128xf32, #tpu.memory_space<vmem>>, vector<16xf32>,
          %get3A_140 = arith.index_cast %scan3A_135 : i32 to index
          %get3A_141 = arith.constant 0 : index
          %get3A_142 = tpu.vector_load %arg17[%get3A_140, %get3A_141] {strides = array<i32>} : memref<16x128xf32, #tpu.memory_space<vmem>>, vector<16xf32>,
          %add3A_143 = arith.addf %get3A_139, %get3A_142 : vector<16xf32>
          %mul3A_144 = arith.constant 2.000000e-01 : f32
          %mul3A_145 = vector.broadcast %mul3A_144 : f32 to vector<16xf32>
          %mul3A_146 = arith.mulf %mul3A_145, %add3A_143 : vector<16xf32>
          %max3A = arith.maximumf %add3A_143, %mul3A_146 : vector<16xf32>
          %exp3A = math.exp %max3A : vector<16xf32>
          %broadcast_in_dim3A = vector.broadcast %scan3A_135 : i32 to vector<16xi32>
          %reshape3A = vector.shape_cast %broadcast_in_dim3A : vector<16xi32> to vector<16x1xi32>
          %gather3A = vector.shape_cast %reshape3A : vector<16x1xi32> to vector<16xi32>
          %gather3A_147 = tpu.dynamic_gather %sub3A_79[%gather3A] in [0] : vector<16xi32>, vector<16xi32> -> vector<16xi32>
          %add3A_148 = arith.constant 512 : i32
          %add3A_149 = vector.broadcast %add3A_148 : i32 to vector<16xi32>
          %add3A_150 = arith.addi %iota3A, %add3A_149 : vector<16xi32>
          tpu.vector_store_idx %arg8[%gather3A_147, %add3A_150], %exp3A {add = true} : memref<72x640xf32, #tpu.memory_space<vmem>>[vector<16xi32>, vector<16xi32>], vector<16xf32>,
          %broadcast_in_dim3A_151 = arith.constant 0 : i32
          %broadcast_in_dim3A_152 = vector.broadcast %broadcast_in_dim3A_151 : i32 to vector<16xi32>
          %reshape3A_153 = vector.shape_cast %broadcast_in_dim3A_152 : vector<16xi32> to vector<16x1xi32>
          %gather3A_154 = vector.shape_cast %reshape3A_153 : vector<16x1xi32> to vector<16xi32>
          %gather3A_155 = tpu.dynamic_gather %exp3A[%gather3A_154] in [0] : vector<16xf32>, vector<16xi32> -> vector<16xf32>
          %add3A_156 = arith.constant 0 : i32
          %add3A_157 = vector.broadcast %add3A_156 : i32 to vector<16xi32>
          %add3A_158 = arith.addi %iota3A, %add3A_157 : vector<16xi32>
          %get3A_159 = arith.index_cast %scan3A_135 : i32 to index
          %get3A_160 = arith.constant 0 : index
          %get3A_161 = tpu.vector_load %arg15[%get3A_159, %get3A_160] {strides = array<i32>} : memref<16x512xf32, #tpu.memory_space<vmem>>, vector<16xf32>,
          %mul3A_162 = arith.mulf %get3A_161, %gather3A_155 : vector<16xf32>
          tpu.vector_store_idx %arg8[%gather3A_147, %add3A_158], %mul3A_162 {add = true} : memref<72x640xf32, #tpu.memory_space<vmem>>[vector<16xi32>, vector<16xi32>], vector<16xf32>,
          %add3A_163 = arith.constant 16 : i32
          %add3A_164 = vector.broadcast %add3A_163 : i32 to vector<16xi32>
          %add3A_165 = arith.addi %iota3A, %add3A_164 : vector<16xi32>
          %get3A_166 = arith.index_cast %scan3A_135 : i32 to index
          %get3A_167 = arith.constant 16 : index
          %get3A_168 = tpu.vector_load %arg15[%get3A_166, %get3A_167] {strides = array<i32>} : memref<16x512xf32, #tpu.memory_space<vmem>>, vector<16xf32>,
          %mul3A_169 = arith.mulf %get3A_168, %gather3A_155 : vector<16xf32>
          tpu.vector_store_idx %arg8[%gather3A_147, %add3A_165], %mul3A_169 {add = true} : memref<72x640xf32, #tpu.memory_space<vmem>>[vector<16xi32>, vector<16xi32>], vector<16xf32>,
          %add3A_170 = arith.constant 32 : i32
          %add3A_171 = vector.broadcast %add3A_170 : i32 to vector<16xi32>
          %add3A_172 = arith.addi %iota3A, %add3A_171 : vector<16xi32>
          %get3A_173 = arith.index_cast %scan3A_135 : i32 to index
          %get3A_174 = arith.constant 32 : index
          %get3A_175 = tpu.vector_load %arg15[%get3A_173, %get3A_174] {strides = array<i32>} : memref<16x512xf32, #tpu.memory_space<vmem>>, vector<16xf32>,
          %mul3A_176 = arith.mulf %get3A_175, %gather3A_155 : vector<16xf32>
          tpu.vector_store_idx %arg8[%gather3A_147, %add3A_172], %mul3A_176 {add = true} : memref<72x640xf32, #tpu.memory_space<vmem>>[vector<16xi32>, vector<16xi32>], vector<16xf32>,
          %add3A_177 = arith.constant 48 : i32
          %add3A_178 = vector.broadcast %add3A_177 : i32 to vector<16xi32>
          %add3A_179 = arith.addi %iota3A, %add3A_178 : vector<16xi32>
          %get3A_180 = arith.index_cast %scan3A_135 : i32 to index
          %get3A_181 = arith.constant 48 : index
          %get3A_182 = tpu.vector_load %arg15[%get3A_180, %get3A_181] {strides = array<i32>} : memref<16x512xf32, #tpu.memory_space<vmem>>, vector<16xf32>,
          %mul3A_183 = arith.mulf %get3A_182, %gather3A_155 : vector<16xf32>
          tpu.vector_store_idx %arg8[%gather3A_147, %add3A_179], %mul3A_183 {add = true} : memref<72x640xf32, #tpu.memory_space<vmem>>[vector<16xi32>, vector<16xi32>], vector<16xf32>,
          %add3A_184 = arith.constant 64 : i32
          %add3A_185 = vector.broadcast %add3A_184 : i32 to vector<16xi32>
          %add3A_186 = arith.addi %iota3A, %add3A_185 : vector<16xi32>
          %get3A_187 = arith.index_cast %scan3A_135 : i32 to index
          %get3A_188 = arith.constant 64 : index
          %get3A_189 = tpu.vector_load %arg15[%get3A_187, %get3A_188] {strides = array<i32>} : memref<16x512xf32, #tpu.memory_space<vmem>>, vector<16xf32>,
          %mul3A_190 = arith.mulf %get3A_189, %gather3A_155 : vector<16xf32>
          tpu.vector_store_idx %arg8[%gather3A_147, %add3A_186], %mul3A_190 {add = true} : memref<72x640xf32, #tpu.memory_space<vmem>>[vector<16xi32>, vector<16xi32>], vector<16xf32>,
          %add3A_191 = arith.constant 80 : i32
          %add3A_192 = vector.broadcast %add3A_191 : i32 to vector<16xi32>
          %add3A_193 = arith.addi %iota3A, %add3A_192 : vector<16xi32>
          %get3A_194 = arith.index_cast %scan3A_135 : i32 to index
          %get3A_195 = arith.constant 80 : index
          %get3A_196 = tpu.vector_load %arg15[%get3A_194, %get3A_195] {strides = array<i32>} : memref<16x512xf32, #tpu.memory_space<vmem>>, vector<16xf32>,
          %mul3A_197 = arith.mulf %get3A_196, %gather3A_155 : vector<16xf32>
          tpu.vector_store_idx %arg8[%gather3A_147, %add3A_193], %mul3A_197 {add = true} : memref<72x640xf32, #tpu.memory_space<vmem>>[vector<16xi32>, vector<16xi32>], vector<16xf32>,
          %add3A_198 = arith.constant 96 : i32
          %add3A_199 = vector.broadcast %add3A_198 : i32 to vector<16xi32>
          %add3A_200 = arith.addi %iota3A, %add3A_199 : vector<16xi32>
          %get3A_201 = arith.index_cast %scan3A_135 : i32 to index
          %get3A_202 = arith.constant 96 : index
          %get3A_203 = tpu.vector_load %arg15[%get3A_201, %get3A_202] {strides = array<i32>} : memref<16x512xf32, #tpu.memory_space<vmem>>, vector<16xf32>,
          %mul3A_204 = arith.mulf %get3A_203, %gather3A_155 : vector<16xf32>
          tpu.vector_store_idx %arg8[%gather3A_147, %add3A_200], %mul3A_204 {add = true} : memref<72x640xf32, #tpu.memory_space<vmem>>[vector<16xi32>, vector<16xi32>], vector<16xf32>,
          %add3A_205 = arith.constant 112 : i32
          %add3A_206 = vector.broadcast %add3A_205 : i32 to vector<16xi32>
          %add3A_207 = arith.addi %iota3A, %add3A_206 : vector<16xi32>
          %get3A_208 = arith.index_cast %scan3A_135 : i32 to index
          %get3A_209 = arith.constant 112 : index
          %get3A_210 = tpu.vector_load %arg15[%get3A_208, %get3A_209] {strides = array<i32>} : memref<16x512xf32, #tpu.memory_space<vmem>>, vector<16xf32>,
          %mul3A_211 = arith.mulf %get3A_210, %gather3A_155 : vector<16xf32>
          tpu.vector_store_idx %arg8[%gather3A_147, %add3A_207], %mul3A_211 {add = true} : memref<72x640xf32, #tpu.memory_space<vmem>>[vector<16xi32>, vector<16xi32>], vector<16xf32>,
          %broadcast_in_dim3A_212 = arith.constant 1 : i32
          %broadcast_in_dim3A_213 = vector.broadcast %broadcast_in_dim3A_212 : i32 to vector<16xi32>
          %reshape3A_214 = vector.shape_cast %broadcast_in_dim3A_213 : vector<16xi32> to vector<16x1xi32>
          %gather3A_215 = vector.shape_cast %reshape3A_214 : vector<16x1xi32> to vector<16xi32>
          %gather3A_216 = tpu.dynamic_gather %exp3A[%gather3A_215] in [0] : vector<16xf32>, vector<16xi32> -> vector<16xf32>
          %add3A_217 = arith.constant 128 : i32
          %add3A_218 = vector.broadcast %add3A_217 : i32 to vector<16xi32>
          %add3A_219 = arith.addi %iota3A, %add3A_218 : vector<16xi32>
          %get3A_220 = arith.index_cast %scan3A_135 : i32 to index
          %get3A_221 = arith.constant 128 : index
          %get3A_222 = tpu.vector_load %arg15[%get3A_220, %get3A_221] {strides = array<i32>} : memref<16x512xf32, #tpu.memory_space<vmem>>, vector<16xf32>,
          %mul3A_223 = arith.mulf %get3A_222, %gather3A_216 : vector<16xf32>
          tpu.vector_store_idx %arg8[%gather3A_147, %add3A_219], %mul3A_223 {add = true} : memref<72x640xf32, #tpu.memory_space<vmem>>[vector<16xi32>, vector<16xi32>], vector<16xf32>,
          %add3A_224 = arith.constant 144 : i32
          %add3A_225 = vector.broadcast %add3A_224 : i32 to vector<16xi32>
          %add3A_226 = arith.addi %iota3A, %add3A_225 : vector<16xi32>
          %get3A_227 = arith.index_cast %scan3A_135 : i32 to index
          %get3A_228 = arith.constant 144 : index
          %get3A_229 = tpu.vector_load %arg15[%get3A_227, %get3A_228] {strides = array<i32>} : memref<16x512xf32, #tpu.memory_space<vmem>>, vector<16xf32>,
          %mul3A_230 = arith.mulf %get3A_229, %gather3A_216 : vector<16xf32>
          tpu.vector_store_idx %arg8[%gather3A_147, %add3A_226], %mul3A_230 {add = true} : memref<72x640xf32, #tpu.memory_space<vmem>>[vector<16xi32>, vector<16xi32>], vector<16xf32>,
          %add3A_231 = arith.constant 160 : i32
          %add3A_232 = vector.broadcast %add3A_231 : i32 to vector<16xi32>
          %add3A_233 = arith.addi %iota3A, %add3A_232 : vector<16xi32>
          %get3A_234 = arith.index_cast %scan3A_135 : i32 to index
          %get3A_235 = arith.constant 160 : index
          %get3A_236 = tpu.vector_load %arg15[%get3A_234, %get3A_235] {strides = array<i32>} : memref<16x512xf32, #tpu.memory_space<vmem>>, vector<16xf32>,
          %mul3A_237 = arith.mulf %get3A_236, %gather3A_216 : vector<16xf32>
          tpu.vector_store_idx %arg8[%gather3A_147, %add3A_233], %mul3A_237 {add = true} : memref<72x640xf32, #tpu.memory_space<vmem>>[vector<16xi32>, vector<16xi32>], vector<16xf32>,
          %add3A_238 = arith.constant 176 : i32
          %add3A_239 = vector.broadcast %add3A_238 : i32 to vector<16xi32>
          %add3A_240 = arith.addi %iota3A, %add3A_239 : vector<16xi32>
          %get3A_241 = arith.index_cast %scan3A_135 : i32 to index
          %get3A_242 = arith.constant 176 : index
          %get3A_243 = tpu.vector_load %arg15[%get3A_241, %get3A_242] {strides = array<i32>} : memref<16x512xf32, #tpu.memory_space<vmem>>, vector<16xf32>,
          %mul3A_244 = arith.mulf %get3A_243, %gather3A_216 : vector<16xf32>
          tpu.vector_store_idx %arg8[%gather3A_147, %add3A_240], %mul3A_244 {add = true} : memref<72x640xf32, #tpu.memory_space<vmem>>[vector<16xi32>, vector<16xi32>], vector<16xf32>,
          %add3A_245 = arith.constant 192 : i32
          %add3A_246 = vector.broadcast %add3A_245 : i32 to vector<16xi32>
          %add3A_247 = arith.addi %iota3A, %add3A_246 : vector<16xi32>
          %get3A_248 = arith.index_cast %scan3A_135 : i32 to index
          %get3A_249 = arith.constant 192 : index
          %get3A_250 = tpu.vector_load %arg15[%get3A_248, %get3A_249] {strides = array<i32>} : memref<16x512xf32, #tpu.memory_space<vmem>>, vector<16xf32>,
          %mul3A_251 = arith.mulf %get3A_250, %gather3A_216 : vector<16xf32>
          tpu.vector_store_idx %arg8[%gather3A_147, %add3A_247], %mul3A_251 {add = true} : memref<72x640xf32, #tpu.memory_space<vmem>>[vector<16xi32>, vector<16xi32>], vector<16xf32>,
          %add3A_252 = arith.constant 208 : i32
          %add3A_253 = vector.broadcast %add3A_252 : i32 to vector<16xi32>
          %add3A_254 = arith.addi %iota3A, %add3A_253 : vector<16xi32>
          %get3A_255 = arith.index_cast %scan3A_135 : i32 to index
          %get3A_256 = arith.constant 208 : index
          %get3A_257 = tpu.vector_load %arg15[%get3A_255, %get3A_256] {strides = array<i32>} : memref<16x512xf32, #tpu.memory_space<vmem>>, vector<16xf32>,
          %mul3A_258 = arith.mulf %get3A_257, %gather3A_216 : vector<16xf32>
          tpu.vector_store_idx %arg8[%gather3A_147, %add3A_254], %mul3A_258 {add = true} : memref<72x640xf32, #tpu.memory_space<vmem>>[vector<16xi32>, vector<16xi32>], vector<16xf32>,
          %add3A_259 = arith.constant 224 : i32
          %add3A_260 = vector.broadcast %add3A_259 : i32 to vector<16xi32>
          %add3A_261 = arith.addi %iota3A, %add3A_260 : vector<16xi32>
          %get3A_262 = arith.index_cast %scan3A_135 : i32 to index
          %get3A_263 = arith.constant 224 : index
          %get3A_264 = tpu.vector_load %arg15[%get3A_262, %get3A_263] {strides = array<i32>} : memref<16x512xf32, #tpu.memory_space<vmem>>, vector<16xf32>,
          %mul3A_265 = arith.mulf %get3A_264, %gather3A_216 : vector<16xf32>
          tpu.vector_store_idx %arg8[%gather3A_147, %add3A_261], %mul3A_265 {add = true} : memref<72x640xf32, #tpu.memory_space<vmem>>[vector<16xi32>, vector<16xi32>], vector<16xf32>,
          %add3A_266 = arith.constant 240 : i32
          %add3A_267 = vector.broadcast %add3A_266 : i32 to vector<16xi32>
          %add3A_268 = arith.addi %iota3A, %add3A_267 : vector<16xi32>
          %get3A_269 = arith.index_cast %scan3A_135 : i32 to index
          %get3A_270 = arith.constant 240 : index
          %get3A_271 = tpu.vector_load %arg15[%get3A_269, %get3A_270] {strides = array<i32>} : memref<16x512xf32, #tpu.memory_space<vmem>>, vector<16xf32>,
          %mul3A_272 = arith.mulf %get3A_271, %gather3A_216 : vector<16xf32>
          tpu.vector_store_idx %arg8[%gather3A_147, %add3A_268], %mul3A_272 {add = true} : memref<72x640xf32, #tpu.memory_space<vmem>>[vector<16xi32>, vector<16xi32>], vector<16xf32>,
          %broadcast_in_dim3A_273 = arith.constant 2 : i32
          %broadcast_in_dim3A_274 = vector.broadcast %broadcast_in_dim3A_273 : i32 to vector<16xi32>
          %reshape3A_275 = vector.shape_cast %broadcast_in_dim3A_274 : vector<16xi32> to vector<16x1xi32>
          %gather3A_276 = vector.shape_cast %reshape3A_275 : vector<16x1xi32> to vector<16xi32>
          %gather3A_277 = tpu.dynamic_gather %exp3A[%gather3A_276] in [0] : vector<16xf32>, vector<16xi32> -> vector<16xf32>
          %add3A_278 = arith.constant 256 : i32
          %add3A_279 = vector.broadcast %add3A_278 : i32 to vector<16xi32>
          %add3A_280 = arith.addi %iota3A, %add3A_279 : vector<16xi32>
          %get3A_281 = arith.index_cast %scan3A_135 : i32 to index
          %get3A_282 = arith.constant 256 : index
          %get3A_283 = tpu.vector_load %arg15[%get3A_281, %get3A_282] {strides = array<i32>} : memref<16x512xf32, #tpu.memory_space<vmem>>, vector<16xf32>,
          %mul3A_284 = arith.mulf %get3A_283, %gather3A_277 : vector<16xf32>
          tpu.vector_store_idx %arg8[%gather3A_147, %add3A_280], %mul3A_284 {add = true} : memref<72x640xf32, #tpu.memory_space<vmem>>[vector<16xi32>, vector<16xi32>], vector<16xf32>,
          %add3A_285 = arith.constant 272 : i32
          %add3A_286 = vector.broadcast %add3A_285 : i32 to vector<16xi32>
          %add3A_287 = arith.addi %iota3A, %add3A_286 : vector<16xi32>
          %get3A_288 = arith.index_cast %scan3A_135 : i32 to index
          %get3A_289 = arith.constant 272 : index
          %get3A_290 = tpu.vector_load %arg15[%get3A_288, %get3A_289] {strides = array<i32>} : memref<16x512xf32, #tpu.memory_space<vmem>>, vector<16xf32>,
          %mul3A_291 = arith.mulf %get3A_290, %gather3A_277 : vector<16xf32>
          tpu.vector_store_idx %arg8[%gather3A_147, %add3A_287], %mul3A_291 {add = true} : memref<72x640xf32, #tpu.memory_space<vmem>>[vector<16xi32>, vector<16xi32>], vector<16xf32>,
          %add3A_292 = arith.constant 288 : i32
          %add3A_293 = vector.broadcast %add3A_292 : i32 to vector<16xi32>
          %add3A_294 = arith.addi %iota3A, %add3A_293 : vector<16xi32>
          %get3A_295 = arith.index_cast %scan3A_135 : i32 to index
          %get3A_296 = arith.constant 288 : index
          %get3A_297 = tpu.vector_load %arg15[%get3A_295, %get3A_296] {strides = array<i32>} : memref<16x512xf32, #tpu.memory_space<vmem>>, vector<16xf32>,
          %mul3A_298 = arith.mulf %get3A_297, %gather3A_277 : vector<16xf32>
          tpu.vector_store_idx %arg8[%gather3A_147, %add3A_294], %mul3A_298 {add = true} : memref<72x640xf32, #tpu.memory_space<vmem>>[vector<16xi32>, vector<16xi32>], vector<16xf32>,
          %add3A_299 = arith.constant 304 : i32
          %add3A_300 = vector.broadcast %add3A_299 : i32 to vector<16xi32>
          %add3A_301 = arith.addi %iota3A, %add3A_300 : vector<16xi32>
          %get3A_302 = arith.index_cast %scan3A_135 : i32 to index
          %get3A_303 = arith.constant 304 : index
          %get3A_304 = tpu.vector_load %arg15[%get3A_302, %get3A_303] {strides = array<i32>} : memref<16x512xf32, #tpu.memory_space<vmem>>, vector<16xf32>,
          %mul3A_305 = arith.mulf %get3A_304, %gather3A_277 : vector<16xf32>
          tpu.vector_store_idx %arg8[%gather3A_147, %add3A_301], %mul3A_305 {add = true} : memref<72x640xf32, #tpu.memory_space<vmem>>[vector<16xi32>, vector<16xi32>], vector<16xf32>,
          %add3A_306 = arith.constant 320 : i32
          %add3A_307 = vector.broadcast %add3A_306 : i32 to vector<16xi32>
          %add3A_308 = arith.addi %iota3A, %add3A_307 : vector<16xi32>
          %get3A_309 = arith.index_cast %scan3A_135 : i32 to index
          %get3A_310 = arith.constant 320 : index
          %get3A_311 = tpu.vector_load %arg15[%get3A_309, %get3A_310] {strides = array<i32>} : memref<16x512xf32, #tpu.memory_space<vmem>>, vector<16xf32>,
          %mul3A_312 = arith.mulf %get3A_311, %gather3A_277 : vector<16xf32>
          tpu.vector_store_idx %arg8[%gather3A_147, %add3A_308], %mul3A_312 {add = true} : memref<72x640xf32, #tpu.memory_space<vmem>>[vector<16xi32>, vector<16xi32>], vector<16xf32>,
          %add3A_313 = arith.constant 336 : i32
          %add3A_314 = vector.broadcast %add3A_313 : i32 to vector<16xi32>
          %add3A_315 = arith.addi %iota3A, %add3A_314 : vector<16xi32>
          %get3A_316 = arith.index_cast %scan3A_135 : i32 to index
          %get3A_317 = arith.constant 336 : index
          %get3A_318 = tpu.vector_load %arg15[%get3A_316, %get3A_317] {strides = array<i32>} : memref<16x512xf32, #tpu.memory_space<vmem>>, vector<16xf32>,
          %mul3A_319 = arith.mulf %get3A_318, %gather3A_277 : vector<16xf32>
          tpu.vector_store_idx %arg8[%gather3A_147, %add3A_315], %mul3A_319 {add = true} : memref<72x640xf32, #tpu.memory_space<vmem>>[vector<16xi32>, vector<16xi32>], vector<16xf32>,
          %add3A_320 = arith.constant 352 : i32
          %add3A_321 = vector.broadcast %add3A_320 : i32 to vector<16xi32>
          %add3A_322 = arith.addi %iota3A, %add3A_321 : vector<16xi32>
          %get3A_323 = arith.index_cast %scan3A_135 : i32 to index
          %get3A_324 = arith.constant 352 : index
          %get3A_325 = tpu.vector_load %arg15[%get3A_323, %get3A_324] {strides = array<i32>} : memref<16x512xf32, #tpu.memory_space<vmem>>, vector<16xf32>,
          %mul3A_326 = arith.mulf %get3A_325, %gather3A_277 : vector<16xf32>
          tpu.vector_store_idx %arg8[%gather3A_147, %add3A_322], %mul3A_326 {add = true} : memref<72x640xf32, #tpu.memory_space<vmem>>[vector<16xi32>, vector<16xi32>], vector<16xf32>,
          %add3A_327 = arith.constant 368 : i32
          %add3A_328 = vector.broadcast %add3A_327 : i32 to vector<16xi32>
          %add3A_329 = arith.addi %iota3A, %add3A_328 : vector<16xi32>
          %get3A_330 = arith.index_cast %scan3A_135 : i32 to index
          %get3A_331 = arith.constant 368 : index
          %get3A_332 = tpu.vector_load %arg15[%get3A_330, %get3A_331] {strides = array<i32>} : memref<16x512xf32, #tpu.memory_space<vmem>>, vector<16xf32>,
          %mul3A_333 = arith.mulf %get3A_332, %gather3A_277 : vector<16xf32>
          tpu.vector_store_idx %arg8[%gather3A_147, %add3A_329], %mul3A_333 {add = true} : memref<72x640xf32, #tpu.memory_space<vmem>>[vector<16xi32>, vector<16xi32>], vector<16xf32>,
          %broadcast_in_dim3A_334 = arith.constant 3 : i32
          %broadcast_in_dim3A_335 = vector.broadcast %broadcast_in_dim3A_334 : i32 to vector<16xi32>
          %reshape3A_336 = vector.shape_cast %broadcast_in_dim3A_335 : vector<16xi32> to vector<16x1xi32>
          %gather3A_337 = vector.shape_cast %reshape3A_336 : vector<16x1xi32> to vector<16xi32>
          %gather3A_338 = tpu.dynamic_gather %exp3A[%gather3A_337] in [0] : vector<16xf32>, vector<16xi32> -> vector<16xf32>
          %add3A_339 = arith.constant 384 : i32
          %add3A_340 = vector.broadcast %add3A_339 : i32 to vector<16xi32>
          %add3A_341 = arith.addi %iota3A, %add3A_340 : vector<16xi32>
          %get3A_342 = arith.index_cast %scan3A_135 : i32 to index
          %get3A_343 = arith.constant 384 : index
          %get3A_344 = tpu.vector_load %arg15[%get3A_342, %get3A_343] {strides = array<i32>} : memref<16x512xf32, #tpu.memory_space<vmem>>, vector<16xf32>,
          %mul3A_345 = arith.mulf %get3A_344, %gather3A_338 : vector<16xf32>
          tpu.vector_store_idx %arg8[%gather3A_147, %add3A_341], %mul3A_345 {add = true} : memref<72x640xf32, #tpu.memory_space<vmem>>[vector<16xi32>, vector<16xi32>], vector<16xf32>,
          %add3A_346 = arith.constant 400 : i32
          %add3A_347 = vector.broadcast %add3A_346 : i32 to vector<16xi32>
          %add3A_348 = arith.addi %iota3A, %add3A_347 : vector<16xi32>
          %get3A_349 = arith.index_cast %scan3A_135 : i32 to index
          %get3A_350 = arith.constant 400 : index
          %get3A_351 = tpu.vector_load %arg15[%get3A_349, %get3A_350] {strides = array<i32>} : memref<16x512xf32, #tpu.memory_space<vmem>>, vector<16xf32>,
          %mul3A_352 = arith.mulf %get3A_351, %gather3A_338 : vector<16xf32>
          tpu.vector_store_idx %arg8[%gather3A_147, %add3A_348], %mul3A_352 {add = true} : memref<72x640xf32, #tpu.memory_space<vmem>>[vector<16xi32>, vector<16xi32>], vector<16xf32>,
          %add3A_353 = arith.constant 416 : i32
          %add3A_354 = vector.broadcast %add3A_353 : i32 to vector<16xi32>
          %add3A_355 = arith.addi %iota3A, %add3A_354 : vector<16xi32>
          %get3A_356 = arith.index_cast %scan3A_135 : i32 to index
          %get3A_357 = arith.constant 416 : index
          %get3A_358 = tpu.vector_load %arg15[%get3A_356, %get3A_357] {strides = array<i32>} : memref<16x512xf32, #tpu.memory_space<vmem>>, vector<16xf32>,
          %mul3A_359 = arith.mulf %get3A_358, %gather3A_338 : vector<16xf32>
          tpu.vector_store_idx %arg8[%gather3A_147, %add3A_355], %mul3A_359 {add = true} : memref<72x640xf32, #tpu.memory_space<vmem>>[vector<16xi32>, vector<16xi32>], vector<16xf32>,
          %add3A_360 = arith.constant 432 : i32
          %add3A_361 = vector.broadcast %add3A_360 : i32 to vector<16xi32>
          %add3A_362 = arith.addi %iota3A, %add3A_361 : vector<16xi32>
          %get3A_363 = arith.index_cast %scan3A_135 : i32 to index
          %get3A_364 = arith.constant 432 : index
          %get3A_365 = tpu.vector_load %arg15[%get3A_363, %get3A_364] {strides = array<i32>} : memref<16x512xf32, #tpu.memory_space<vmem>>, vector<16xf32>,
          %mul3A_366 = arith.mulf %get3A_365, %gather3A_338 : vector<16xf32>
          tpu.vector_store_idx %arg8[%gather3A_147, %add3A_362], %mul3A_366 {add = true} : memref<72x640xf32, #tpu.memory_space<vmem>>[vector<16xi32>, vector<16xi32>], vector<16xf32>,
          %add3A_367 = arith.constant 448 : i32
          %add3A_368 = vector.broadcast %add3A_367 : i32 to vector<16xi32>
          %add3A_369 = arith.addi %iota3A, %add3A_368 : vector<16xi32>
          %get3A_370 = arith.index_cast %scan3A_135 : i32 to index
          %get3A_371 = arith.constant 448 : index
          %get3A_372 = tpu.vector_load %arg15[%get3A_370, %get3A_371] {strides = array<i32>} : memref<16x512xf32, #tpu.memory_space<vmem>>, vector<16xf32>,
          %mul3A_373 = arith.mulf %get3A_372, %gather3A_338 : vector<16xf32>
          tpu.vector_store_idx %arg8[%gather3A_147, %add3A_369], %mul3A_373 {add = true} : memref<72x640xf32, #tpu.memory_space<vmem>>[vector<16xi32>, vector<16xi32>], vector<16xf32>,
          %add3A_374 = arith.constant 464 : i32
          %add3A_375 = vector.broadcast %add3A_374 : i32 to vector<16xi32>
          %add3A_376 = arith.addi %iota3A, %add3A_375 : vector<16xi32>
          %get3A_377 = arith.index_cast %scan3A_135 : i32 to index
          %get3A_378 = arith.constant 464 : index
          %get3A_379 = tpu.vector_load %arg15[%get3A_377, %get3A_378] {strides = array<i32>} : memref<16x512xf32, #tpu.memory_space<vmem>>, vector<16xf32>,
          %mul3A_380 = arith.mulf %get3A_379, %gather3A_338 : vector<16xf32>
          tpu.vector_store_idx %arg8[%gather3A_147, %add3A_376], %mul3A_380 {add = true} : memref<72x640xf32, #tpu.memory_space<vmem>>[vector<16xi32>, vector<16xi32>], vector<16xf32>,
          %add3A_381 = arith.constant 480 : i32
          %add3A_382 = vector.broadcast %add3A_381 : i32 to vector<16xi32>
          %add3A_383 = arith.addi %iota3A, %add3A_382 : vector<16xi32>
          %get3A_384 = arith.index_cast %scan3A_135 : i32 to index
          %get3A_385 = arith.constant 480 : index
          %get3A_386 = tpu.vector_load %arg15[%get3A_384, %get3A_385] {strides = array<i32>} : memref<16x512xf32, #tpu.memory_space<vmem>>, vector<16xf32>,
          %mul3A_387 = arith.mulf %get3A_386, %gather3A_338 : vector<16xf32>
          tpu.vector_store_idx %arg8[%gather3A_147, %add3A_383], %mul3A_387 {add = true} : memref<72x640xf32, #tpu.memory_space<vmem>>[vector<16xi32>, vector<16xi32>], vector<16xf32>,
          %add3A_388 = arith.constant 496 : i32
          %add3A_389 = vector.broadcast %add3A_388 : i32 to vector<16xi32>
          %add3A_390 = arith.addi %iota3A, %add3A_389 : vector<16xi32>
          %get3A_391 = arith.index_cast %scan3A_135 : i32 to index
          %get3A_392 = arith.constant 496 : index
          %get3A_393 = tpu.vector_load %arg15[%get3A_391, %get3A_392] {strides = array<i32>} : memref<16x512xf32, #tpu.memory_space<vmem>>, vector<16xf32>,
          %mul3A_394 = arith.mulf %get3A_393, %gather3A_338 : vector<16xf32>
          tpu.vector_store_idx %arg8[%gather3A_147, %add3A_390], %mul3A_394 {add = true} : memref<72x640xf32, #tpu.memory_space<vmem>>[vector<16xi32>, vector<16xi32>], vector<16xf32>,
          %scan3A_395 = arith.constant 0 : i32
          scf.yield %scan3A_395 : i32
        }
        %scan3A_133 = arith.constant 16 : i32
        %while3A_134 = arith.constant 0 : i32
        scf.yield %while3A_134 : i32
      }
      %while3A_65 = arith.constant 1 : i32
      %while3A_66 = scf.for %while3A_68 = %while3A_62 to %while3A_58 step %while3A_65 iter_args(%while3A_69 = %while3A_64) -> (i32)  : i32 {
        %mul3A_70 = arith.constant 16 : i32
        %mul3A_71 = arith.muli %while3A_68, %mul3A_70 : i32
        %get3A = arith.index_cast %mul3A_71 : i32 to index
        %get3A_72 = tpu.vector_load %arg11[%get3A] {strides = array<i32>} : memref<2048xi32, #tpu.memory_space<vmem>>, vector<16xi32>,
        %swap3A = arith.constant 0 : i32
        %swap3A_73 = arith.index_cast %swap3A : i32 to index
        %swap3A_74 = arith.constant 0 : index
        %swap3A_75 = tpu.vector_load %arg13[%swap3A_73, %swap3A_74] {strides = array<i32>} : memref<1x16xi32, #tpu.memory_space<vmem>>, vector<16xi32>,
        tpu.vector_store %arg13[%swap3A_73, %swap3A_74], %get3A_72 {strides = array<i32>} : memref<1x16xi32, #tpu.memory_space<vmem>>, vector<16xi32>,
        %get3A_76 = arith.index_cast %mul3A_71 : i32 to index
        %get3A_77 = tpu.vector_load %arg12[%get3A_76] {strides = array<i32>} : memref<2048xi32, #tpu.memory_space<vmem>>, vector<16xi32>,
        %sub3A_78 = vector.broadcast %add3A_13 : i32 to vector<16xi32>
        %sub3A_79 = arith.subi %get3A_77, %sub3A_78 : vector<16xi32>
        %min3A_80 = arith.constant 10239 : i32
        %min3A_81 = vector.broadcast %min3A_80 : i32 to vector<16xi32>
        %min3A_82 = arith.minsi %get3A_77, %min3A_81 : vector<16xi32>
        %swap3A_83 = arith.constant 0 : i32
        %swap3A_84 = arith.index_cast %swap3A_83 : i32 to index
        %swap3A_85 = arith.constant 0 : index
        %swap3A_86 = tpu.vector_load %arg14[%swap3A_84, %swap3A_85] {strides = array<i32>} : memref<1x16xi32, #tpu.memory_space<vmem>>, vector<16xi32>,
        tpu.vector_store %arg14[%swap3A_84, %swap3A_85], %min3A_82 {strides = array<i32>} : memref<1x16xi32, #tpu.memory_space<vmem>>, vector<16xi32>,
        %dma_start3A = arith.constant 0 : i32
        %dma_start3A_87 = arith.constant 0 : i32
        %dma_start3A_88 = tpu.memref_slice %arg13[%dma_start3A, %dma_start3A_87] : memref<1x16xi32, #tpu.memory_space<vmem>> -> memref<1x16xi32, #tpu.memory_space<vmem>>
        %dma_start3A_89 = tpu.memref_squeeze %dma_start3A_88 : memref<1x16xi32, #tpu.memory_space<vmem>> -> memref<16xi32, #tpu.memory_space<vmem>>
        %dma_start3A_90 = arith.constant 0 : i32
        %dma_start3A_91 = arith.constant 0 : i32
        %dma_start3A_92 = tpu.memref_slice %arg2[%dma_start3A_90, %dma_start3A_91] : memref<10240x512xf32, #tpu.memory_space<hbm>> -> memref<10240x512xf32, #tpu.memory_space<hbm>>
        tpu.enqueue_indirect_dma source(%dma_start3A_92 : memref<10240x512xf32, #tpu.memory_space<hbm>>) target(%arg15 : memref<16x512xf32, #tpu.memory_space<vmem>>) offsets(%dma_start3A_89 : memref<16xi32, #tpu.memory_space<vmem>>) semaphore(%arg18 : memref<!tpu.dma_semaphore, #tpu.memory_space<semaphore_mem>>)
        %dma_start3A_93 = arith.constant 0 : i32
        %dma_start3A_94 = arith.constant 0 : i32
        %dma_start3A_95 = tpu.memref_slice %arg13[%dma_start3A_93, %dma_start3A_94] : memref<1x16xi32, #tpu.memory_space<vmem>> -> memref<1x16xi32, #tpu.memory_space<vmem>>
        %dma_start3A_96 = tpu.memref_squeeze %dma_start3A_95 : memref<1x16xi32, #tpu.memory_space<vmem>> -> memref<16xi32, #tpu.memory_space<vmem>>
        %dma_start3A_97 = arith.constant 0 : i32
        %dma_start3A_98 = arith.constant 0 : i32
        %dma_start3A_99 = tpu.memref_slice %arg3[%dma_start3A_97, %dma_start3A_98] : memref<10240x128xf32, #tpu.memory_space<hbm>> -> memref<10240x128xf32, #tpu.memory_space<hbm>>
        tpu.enqueue_indirect_dma source(%dma_start3A_99 : memref<10240x128xf32, #tpu.memory_space<hbm>>) target(%arg16 : memref<16x128xf32, #tpu.memory_space<vmem>>) offsets(%dma_start3A_96 : memref<16xi32, #tpu.memory_space<vmem>>) semaphore(%arg19 : memref<!tpu.dma_semaphore, #tpu.memory_space<semaphore_mem>>)
        %dma_start3A_100 = arith.constant 0 : i32
        %dma_start3A_101 = arith.constant 0 : i32
        %dma_start3A_102 = tpu.memref_slice %arg14[%dma_start3A_100, %dma_start3A_101] : memref<1x16xi32, #tpu.memory_space<vmem>> -> memref<1x16xi32, #tpu.memory_space<vmem>>
        %dma_start3A_103 = tpu.memref_squeeze %dma_start3A_102 : memref<1x16xi32, #tpu.memory_space<vmem>> -> memref<16xi32, #tpu.memory_space<vmem>>
        %dma_start3A_104 = arith.constant 0 : i32
        %dma_start3A_105 = arith.constant 0 : i32
        %dma_start3A_106 = tpu.memref_slice %arg4[%dma_start3A_104, %dma_start3A_105] : memref<10240x128xf32, #tpu.memory_space<hbm>> -> memref<10240x128xf32, #tpu.memory_space<hbm>>
        tpu.enqueue_indirect_dma source(%dma_start3A_106 : memref<10240x128xf32, #tpu.memory_space<hbm>>) target(%arg17 : memref<16x128xf32, #tpu.memory_space<vmem>>) offsets(%dma_start3A_103 : memref<16xi32, #tpu.memory_space<vmem>>) semaphore(%arg20 : memref<!tpu.dma_semaphore, #tpu.memory_space<semaphore_mem>>)
        %dma_wait3A = arith.constant 0 : i32
        %dma_wait3A_107 = arith.constant 0 : i32
        %dma_wait3A_108 = tpu.memref_slice %arg13[%dma_wait3A, %dma_wait3A_107] : memref<1x16xi32, #tpu.memory_space<vmem>> -> memref<1x16xi32, #tpu.memory_space<vmem>>
        %dma_wait3A_109 = tpu.memref_squeeze %dma_wait3A_108 : memref<1x16xi32, #tpu.memory_space<vmem>> -> memref<16xi32, #tpu.memory_space<vmem>>
        %dma_wait3A_110 = arith.constant 0 : i32
        %dma_wait3A_111 = arith.constant 0 : i32
        %dma_wait3A_112 = tpu.memref_slice %arg2[%dma_wait3A_110, %dma_wait3A_111] : memref<10240x512xf32, #tpu.memory_space<hbm>> -> memref<10240x512xf32, #tpu.memory_space<hbm>>
        tpu.wait_indirect_dma semaphore(%arg18 : memref<!tpu.dma_semaphore, #tpu.memory_space<semaphore_mem>>) src(%dma_wait3A_112 : memref<10240x512xf32, #tpu.memory_space<hbm>>) dst(%arg15 : memref<16x512xf32, #tpu.memory_space<vmem>>)
        %dma_wait3A_113 = arith.constant 0 : i32
        %dma_wait3A_114 = arith.constant 0 : i32
        %dma_wait3A_115 = tpu.memref_slice %arg13[%dma_wait3A_113, %dma_wait3A_114] : memref<1x16xi32, #tpu.memory_space<vmem>> -> memref<1x16xi32, #tpu.memory_space<vmem>>
        %dma_wait3A_116 = tpu.memref_squeeze %dma_wait3A_115 : memref<1x16xi32, #tpu.memory_space<vmem>> -> memref<16xi32, #tpu.memory_space<vmem>>
        %dma_wait3A_117 = arith.constant 0 : i32
        %dma_wait3A_118 = arith.constant 0 : i32
        %dma_wait3A_119 = tpu.memref_slice %arg3[%dma_wait3A_117, %dma_wait3A_118] : memref<10240x128xf32, #tpu.memory_space<hbm>> -> memref<10240x128xf32, #tpu.memory_space<hbm>>
        tpu.wait_indirect_dma semaphore(%arg19 : memref<!tpu.dma_semaphore, #tpu.memory_space<semaphore_mem>>) src(%dma_wait3A_119 : memref<10240x128xf32, #tpu.memory_space<hbm>>) dst(%arg16 : memref<16x128xf32, #tpu.memory_space<vmem>>)
        %dma_wait3A_120 = arith.constant 0 : i32
        %dma_wait3A_121 = arith.constant 0 : i32
        %dma_wait3A_122 = tpu.memref_slice %arg14[%dma_wait3A_120, %dma_wait3A_121] : memref<1x16xi32, #tpu.memory_space<vmem>> -> memref<1x16xi32, #tpu.memory_space<vmem>>
        %dma_wait3A_123 = tpu.memref_squeeze %dma_wait3A_122 : memref<1x16xi32, #tpu.memory_space<vmem>> -> memref<16xi32, #tpu.memory_space<vmem>>
        %dma_wait3A_124 = arith.constant 0 : i32
        %dma_wait3A_125 = arith.constant 0 : i32
        %dma_wait3A_126 = tpu.memref_slice %arg4[%dma_wait3A_124, %dma_wait3A_125] : memref<10240x128xf32, #tpu.memory_space<hbm>> -> memref<10240x128xf32, #tpu.memory_space<hbm>>
        tpu.wait_indirect_dma semaphore(%arg20 : memref<!tpu.dma_semaphore, #tpu.memory_space<semaphore_mem>>) src(%dma_wait3A_126 : memref<10240x128xf32, #tpu.memory_space<hbm>>) dst(%arg17 : memref<16x128xf32, #tpu.memory_space<vmem>>)
        %scan3A_127 = arith.constant 0 : i32
        %scan3A_128 = arith.constant 0 : i32
        %scan3A_129 = arith.constant 16 : i32
        %scan3A_130 = arith.addi %scan3A_128, %scan3A_129 : i32
        %scan3A_131 = arith.constant 1 : i32
        %scan3A_132 = scf.for %scan3A_135 = %scan3A_128 to %scan3A_130 step %scan3A_131 iter_args(%scan3A_136 = %scan3A_127) -> (i32)  : i32 {
          %get3A_137 = arith.index_cast %scan3A_135 : i32 to index
          %get3A_138 = arith.constant 0 : index
          %get3A_139 = tpu.vector_load %arg16[%get3A_137, %get3A_138] {strides = array<i32>} : memref<16x128xf32, #tpu.memory_space<vmem>>, vector<16xf32>,
          %get3A_140 = arith.index_cast %scan3A_135 : i32 to index
          %get3A_141 = arith.constant 0 : index
          %get3A_142 = tpu.vector_load %arg17[%get3A_140, %get3A_141] {strides = array<i32>} : memref<16x128xf32, #tpu.memory_space<vmem>>, vector<16xf32>,
          %add3A_143 = arith.addf %get3A_139, %get3A_142 : vector<16xf32>
          %mul3A_144 = arith.constant 2.000000e-01 : f32
          %mul3A_145 = vector.broadcast %mul3A_144 : f32 to vector<16xf32>
          %mul3A_146 = arith.mulf %mul3A_145, %add3A_143 : vector<16xf32>
          %max3A = arith.maximumf %add3A_143, %mul3A_146 : vector<16xf32>
          %exp3A = math.exp %max3A : vector<16xf32>
          %broadcast_in_dim3A = vector.broadcast %scan3A_135 : i32 to vector<16xi32>
          %reshape3A = vector.shape_cast %broadcast_in_dim3A : vector<16xi32> to vector<16x1xi32>
          %gather3A = vector.shape_cast %reshape3A : vector<16x1xi32> to vector<16xi32>
          %gather3A_147 = tpu.dynamic_gather %sub3A_79[%gather3A] in [0] : vector<16xi32>, vector<16xi32> -> vector<16xi32>
          %add3A_148 = arith.constant 512 : i32
          %add3A_149 = vector.broadcast %add3A_148 : i32 to vector<16xi32>
          %add3A_150 = arith.addi %iota3A, %add3A_149 : vector<16xi32>
          tpu.vector_store_idx %arg8[%gather3A_147, %add3A_150], %exp3A {add = true} : memref<72x640xf32, #tpu.memory_space<vmem>>[vector<16xi32>, vector<16xi32>], vector<16xf32>,
          %broadcast_in_dim3A_151 = arith.constant 0 : i32
          %broadcast_in_dim3A_152 = vector.broadcast %broadcast_in_dim3A_151 : i32 to vector<16xi32>
          %reshape3A_153 = vector.shape_cast %broadcast_in_dim3A_152 : vector<16xi32> to vector<16x1xi32>
          %gather3A_154 = vector.shape_cast %reshape3A_153 : vector<16x1xi32> to vector<16xi32>
          %gather3A_155 = tpu.dynamic_gather %exp3A[%gather3A_154] in [0] : vector<16xf32>, vector<16xi32> -> vector<16xf32>
          %add3A_156 = arith.constant 0 : i32
          %add3A_157 = vector.broadcast %add3A_156 : i32 to vector<16xi32>
          %add3A_158 = arith.addi %iota3A, %add3A_157 : vector<16xi32>
          %get3A_159 = arith.index_cast %scan3A_135 : i32 to index
          %get3A_160 = arith.constant 0 : index
          %get3A_161 = tpu.vector_load %arg15[%get3A_159, %get3A_160] {strides = array<i32>} : memref<16x512xf32, #tpu.memory_space<vmem>>, vector<16xf32>,
          %mul3A_162 = arith.mulf %get3A_161, %gather3A_155 : vector<16xf32>
          tpu.vector_store_idx %arg8[%gather3A_147, %add3A_158], %mul3A_162 {add = true} : memref<72x640xf32, #tpu.memory_space<vmem>>[vector<16xi32>, vector<16xi32>], vector<16xf32>,
          %add3A_163 = arith.constant 16 : i32
          %add3A_164 = vector.broadcast %add3A_163 : i32 to vector<16xi32>
          %add3A_165 = arith.addi %iota3A, %add3A_164 : vector<16xi32>
          %get3A_166 = arith.index_cast %scan3A_135 : i32 to index
          %get3A_167 = arith.constant 16 : index
          %get3A_168 = tpu.vector_load %arg15[%get3A_166, %get3A_167] {strides = array<i32>} : memref<16x512xf32, #tpu.memory_space<vmem>>, vector<16xf32>,
          %mul3A_169 = arith.mulf %get3A_168, %gather3A_155 : vector<16xf32>
          tpu.vector_store_idx %arg8[%gather3A_147, %add3A_165], %mul3A_169 {add = true} : memref<72x640xf32, #tpu.memory_space<vmem>>[vector<16xi32>, vector<16xi32>], vector<16xf32>,
          %add3A_170 = arith.constant 32 : i32
          %add3A_171 = vector.broadcast %add3A_170 : i32 to vector<16xi32>
          %add3A_172 = arith.addi %iota3A, %add3A_171 : vector<16xi32>
          %get3A_173 = arith.index_cast %scan3A_135 : i32 to index
          %get3A_174 = arith.constant 32 : index
          %get3A_175 = tpu.vector_load %arg15[%get3A_173, %get3A_174] {strides = array<i32>} : memref<16x512xf32, #tpu.memory_space<vmem>>, vector<16xf32>,
          %mul3A_176 = arith.mulf %get3A_175, %gather3A_155 : vector<16xf32>
          tpu.vector_store_idx %arg8[%gather3A_147, %add3A_172], %mul3A_176 {add = true} : memref<72x640xf32, #tpu.memory_space<vmem>>[vector<16xi32>, vector<16xi32>], vector<16xf32>,
          %add3A_177 = arith.constant 48 : i32
          %add3A_178 = vector.broadcast %add3A_177 : i32 to vector<16xi32>
          %add3A_179 = arith.addi %iota3A, %add3A_178 : vector<16xi32>
          %get3A_180 = arith.index_cast %scan3A_135 : i32 to index
          %get3A_181 = arith.constant 48 : index
          %get3A_182 = tpu.vector_load %arg15[%get3A_180, %get3A_181] {strides = array<i32>} : memref<16x512xf32, #tpu.memory_space<vmem>>, vector<16xf32>,
          %mul3A_183 = arith.mulf %get3A_182, %gather3A_155 : vector<16xf32>
          tpu.vector_store_idx %arg8[%gather3A_147, %add3A_179], %mul3A_183 {add = true} : memref<72x640xf32, #tpu.memory_space<vmem>>[vector<16xi32>, vector<16xi32>], vector<16xf32>,
          %add3A_184 = arith.constant 64 : i32
          %add3A_185 = vector.broadcast %add3A_184 : i32 to vector<16xi32>
          %add3A_186 = arith.addi %iota3A, %add3A_185 : vector<16xi32>
          %get3A_187 = arith.index_cast %scan3A_135 : i32 to index
          %get3A_188 = arith.constant 64 : index
          %get3A_189 = tpu.vector_load %arg15[%get3A_187, %get3A_188] {strides = array<i32>} : memref<16x512xf32, #tpu.memory_space<vmem>>, vector<16xf32>,
          %mul3A_190 = arith.mulf %get3A_189, %gather3A_155 : vector<16xf32>
          tpu.vector_store_idx %arg8[%gather3A_147, %add3A_186], %mul3A_190 {add = true} : memref<72x640xf32, #tpu.memory_space<vmem>>[vector<16xi32>, vector<16xi32>], vector<16xf32>,
          %add3A_191 = arith.constant 80 : i32
          %add3A_192 = vector.broadcast %add3A_191 : i32 to vector<16xi32>
          %add3A_193 = arith.addi %iota3A, %add3A_192 : vector<16xi32>
          %get3A_194 = arith.index_cast %scan3A_135 : i32 to index
          %get3A_195 = arith.constant 80 : index
          %get3A_196 = tpu.vector_load %arg15[%get3A_194, %get3A_195] {strides = array<i32>} : memref<16x512xf32, #tpu.memory_space<vmem>>, vector<16xf32>,
          %mul3A_197 = arith.mulf %get3A_196, %gather3A_155 : vector<16xf32>
          tpu.vector_store_idx %arg8[%gather3A_147, %add3A_193], %mul3A_197 {add = true} : memref<72x640xf32, #tpu.memory_space<vmem>>[vector<16xi32>, vector<16xi32>], vector<16xf32>,
          %add3A_198 = arith.constant 96 : i32
          %add3A_199 = vector.broadcast %add3A_198 : i32 to vector<16xi32>
          %add3A_200 = arith.addi %iota3A, %add3A_199 : vector<16xi32>
          %get3A_201 = arith.index_cast %scan3A_135 : i32 to index
          %get3A_202 = arith.constant 96 : index
          %get3A_203 = tpu.vector_load %arg15[%get3A_201, %get3A_202] {strides = array<i32>} : memref<16x512xf32, #tpu.memory_space<vmem>>, vector<16xf32>,
          %mul3A_204 = arith.mulf %get3A_203, %gather3A_155 : vector<16xf32>
          tpu.vector_store_idx %arg8[%gather3A_147, %add3A_200], %mul3A_204 {add = true} : memref<72x640xf32, #tpu.memory_space<vmem>>[vector<16xi32>, vector<16xi32>], vector<16xf32>,
          %add3A_205 = arith.constant 112 : i32
          %add3A_206 = vector.broadcast %add3A_205 : i32 to vector<16xi32>
          %add3A_207 = arith.addi %iota3A, %add3A_206 : vector<16xi32>
          %get3A_208 = arith.index_cast %scan3A_135 : i32 to index
          %get3A_209 = arith.constant 112 : index
          %get3A_210 = tpu.vector_load %arg15[%get3A_208, %get3A_209] {strides = array<i32>} : memref<16x512xf32, #tpu.memory_space<vmem>>, vector<16xf32>,
          %mul3A_211 = arith.mulf %get3A_210, %gather3A_155 : vector<16xf32>
          tpu.vector_store_idx %arg8[%gather3A_147, %add3A_207], %mul3A_211 {add = true} : memref<72x640xf32, #tpu.memory_space<vmem>>[vector<16xi32>, vector<16xi32>], vector<16xf32>,
          %broadcast_in_dim3A_212 = arith.constant 1 : i32
          %broadcast_in_dim3A_213 = vector.broadcast %broadcast_in_dim3A_212 : i32 to vector<16xi32>
          %reshape3A_214 = vector.shape_cast %broadcast_in_dim3A_213 : vector<16xi32> to vector<16x1xi32>
          %gather3A_215 = vector.shape_cast %reshape3A_214 : vector<16x1xi32> to vector<16xi32>
          %gather3A_216 = tpu.dynamic_gather %exp3A[%gather3A_215] in [0] : vector<16xf32>, vector<16xi32> -> vector<16xf32>
          %add3A_217 = arith.constant 128 : i32
          %add3A_218 = vector.broadcast %add3A_217 : i32 to vector<16xi32>
          %add3A_219 = arith.addi %iota3A, %add3A_218 : vector<16xi32>
          %get3A_220 = arith.index_cast %scan3A_135 : i32 to index
          %get3A_221 = arith.constant 128 : index
          %get3A_222 = tpu.vector_load %arg15[%get3A_220, %get3A_221] {strides = array<i32>} : memref<16x512xf32, #tpu.memory_space<vmem>>, vector<16xf32>,
          %mul3A_223 = arith.mulf %get3A_222, %gather3A_216 : vector<16xf32>
          tpu.vector_store_idx %arg8[%gather3A_147, %add3A_219], %mul3A_223 {add = true} : memref<72x640xf32, #tpu.memory_space<vmem>>[vector<16xi32>, vector<16xi32>], vector<16xf32>,
          %add3A_224 = arith.constant 144 : i32
          %add3A_225 = vector.broadcast %add3A_224 : i32 to vector<16xi32>
          %add3A_226 = arith.addi %iota3A, %add3A_225 : vector<16xi32>
          %get3A_227 = arith.index_cast %scan3A_135 : i32 to index
          %get3A_228 = arith.constant 144 : index
          %get3A_229 = tpu.vector_load %arg15[%get3A_227, %get3A_228] {strides = array<i32>} : memref<16x512xf32, #tpu.memory_space<vmem>>, vector<16xf32>,
          %mul3A_230 = arith.mulf %get3A_229, %gather3A_216 : vector<16xf32>
          tpu.vector_store_idx %arg8[%gather3A_147, %add3A_226], %mul3A_230 {add = true} : memref<72x640xf32, #tpu.memory_space<vmem>>[vector<16xi32>, vector<16xi32>], vector<16xf32>,
          %add3A_231 = arith.constant 160 : i32
          %add3A_232 = vector.broadcast %add3A_231 : i32 to vector<16xi32>
          %add3A_233 = arith.addi %iota3A, %add3A_232 : vector<16xi32>
          %get3A_234 = arith.index_cast %scan3A_135 : i32 to index
          %get3A_235 = arith.constant 160 : index
          %get3A_236 = tpu.vector_load %arg15[%get3A_234, %get3A_235] {strides = array<i32>} : memref<16x512xf32, #tpu.memory_space<vmem>>, vector<16xf32>,
          %mul3A_237 = arith.mulf %get3A_236, %gather3A_216 : vector<16xf32>
          tpu.vector_store_idx %arg8[%gather3A_147, %add3A_233], %mul3A_237 {add = true} : memref<72x640xf32, #tpu.memory_space<vmem>>[vector<16xi32>, vector<16xi32>], vector<16xf32>,
          %add3A_238 = arith.constant 176 : i32
          %add3A_239 = vector.broadcast %add3A_238 : i32 to vector<16xi32>
          %add3A_240 = arith.addi %iota3A, %add3A_239 : vector<16xi32>
          %get3A_241 = arith.index_cast %scan3A_135 : i32 to index
          %get3A_242 = arith.constant 176 : index
          %get3A_243 = tpu.vector_load %arg15[%get3A_241, %get3A_242] {strides = array<i32>} : memref<16x512xf32, #tpu.memory_space<vmem>>, vector<16xf32>,
          %mul3A_244 = arith.mulf %get3A_243, %gather3A_216 : vector<16xf32>
          tpu.vector_store_idx %arg8[%gather3A_147, %add3A_240], %mul3A_244 {add = true} : memref<72x640xf32, #tpu.memory_space<vmem>>[vector<16xi32>, vector<16xi32>], vector<16xf32>,
          %add3A_245 = arith.constant 192 : i32
          %add3A_246 = vector.broadcast %add3A_245 : i32 to vector<16xi32>
          %add3A_247 = arith.addi %iota3A, %add3A_246 : vector<16xi32>
          %get3A_248 = arith.index_cast %scan3A_135 : i32 to index
          %get3A_249 = arith.constant 192 : index
          %get3A_250 = tpu.vector_load %arg15[%get3A_248, %get3A_249] {strides = array<i32>} : memref<16x512xf32, #tpu.memory_space<vmem>>, vector<16xf32>,
          %mul3A_251 = arith.mulf %get3A_250, %gather3A_216 : vector<16xf32>
          tpu.vector_store_idx %arg8[%gather3A_147, %add3A_247], %mul3A_251 {add = true} : memref<72x640xf32, #tpu.memory_space<vmem>>[vector<16xi32>, vector<16xi32>], vector<16xf32>,
          %add3A_252 = arith.constant 208 : i32
          %add3A_253 = vector.broadcast %add3A_252 : i32 to vector<16xi32>
          %add3A_254 = arith.addi %iota3A, %add3A_253 : vector<16xi32>
          %get3A_255 = arith.index_cast %scan3A_135 : i32 to index
          %get3A_256 = arith.constant 208 : index
          %get3A_257 = tpu.vector_load %arg15[%get3A_255, %get3A_256] {strides = array<i32>} : memref<16x512xf32, #tpu.memory_space<vmem>>, vector<16xf32>,
          %mul3A_258 = arith.mulf %get3A_257, %gather3A_216 : vector<16xf32>
          tpu.vector_store_idx %arg8[%gather3A_147, %add3A_254], %mul3A_258 {add = true} : memref<72x640xf32, #tpu.memory_space<vmem>>[vector<16xi32>, vector<16xi32>], vector<16xf32>,
          %add3A_259 = arith.constant 224 : i32
          %add3A_260 = vector.broadcast %add3A_259 : i32 to vector<16xi32>
          %add3A_261 = arith.addi %iota3A, %add3A_260 : vector<16xi32>
          %get3A_262 = arith.index_cast %scan3A_135 : i32 to index
          %get3A_263 = arith.constant 224 : index
          %get3A_264 = tpu.vector_load %arg15[%get3A_262, %get3A_263] {strides = array<i32>} : memref<16x512xf32, #tpu.memory_space<vmem>>, vector<16xf32>,
          %mul3A_265 = arith.mulf %get3A_264, %gather3A_216 : vector<16xf32>
          tpu.vector_store_idx %arg8[%gather3A_147, %add3A_261], %mul3A_265 {add = true} : memref<72x640xf32, #tpu.memory_space<vmem>>[vector<16xi32>, vector<16xi32>], vector<16xf32>,
          %add3A_266 = arith.constant 240 : i32
          %add3A_267 = vector.broadcast %add3A_266 : i32 to vector<16xi32>
          %add3A_268 = arith.addi %iota3A, %add3A_267 : vector<16xi32>
          %get3A_269 = arith.index_cast %scan3A_135 : i32 to index
          %get3A_270 = arith.constant 240 : index
          %get3A_271 = tpu.vector_load %arg15[%get3A_269, %get3A_270] {strides = array<i32>} : memref<16x512xf32, #tpu.memory_space<vmem>>, vector<16xf32>,
          %mul3A_272 = arith.mulf %get3A_271, %gather3A_216 : vector<16xf32>
          tpu.vector_store_idx %arg8[%gather3A_147, %add3A_268], %mul3A_272 {add = true} : memref<72x640xf32, #tpu.memory_space<vmem>>[vector<16xi32>, vector<16xi32>], vector<16xf32>,
          %broadcast_in_dim3A_273 = arith.constant 2 : i32
          %broadcast_in_dim3A_274 = vector.broadcast %broadcast_in_dim3A_273 : i32 to vector<16xi32>
          %reshape3A_275 = vector.shape_cast %broadcast_in_dim3A_274 : vector<16xi32> to vector<16x1xi32>
          %gather3A_276 = vector.shape_cast %reshape3A_275 : vector<16x1xi32> to vector<16xi32>
          %gather3A_277 = tpu.dynamic_gather %exp3A[%gather3A_276] in [0] : vector<16xf32>, vector<16xi32> -> vector<16xf32>
          %add3A_278 = arith.constant 256 : i32
          %add3A_279 = vector.broadcast %add3A_278 : i32 to vector<16xi32>
          %add3A_280 = arith.addi %iota3A, %add3A_279 : vector<16xi32>
          %get3A_281 = arith.index_cast %scan3A_135 : i32 to index
          %get3A_282 = arith.constant 256 : index
          %get3A_283 = tpu.vector_load %arg15[%get3A_281, %get3A_282] {strides = array<i32>} : memref<16x512xf32, #tpu.memory_space<vmem>>, vector<16xf32>,
          %mul3A_284 = arith.mulf %get3A_283, %gather3A_277 : vector<16xf32>
          tpu.vector_store_idx %arg8[%gather3A_147, %add3A_280], %mul3A_284 {add = true} : memref<72x640xf32, #tpu.memory_space<vmem>>[vector<16xi32>, vector<16xi32>], vector<16xf32>,
          %add3A_285 = arith.constant 272 : i32
          %add3A_286 = vector.broadcast %add3A_285 : i32 to vector<16xi32>
          %add3A_287 = arith.addi %iota3A, %add3A_286 : vector<16xi32>
          %get3A_288 = arith.index_cast %scan3A_135 : i32 to index
          %get3A_289 = arith.constant 272 : index
          %get3A_290 = tpu.vector_load %arg15[%get3A_288, %get3A_289] {strides = array<i32>} : memref<16x512xf32, #tpu.memory_space<vmem>>, vector<16xf32>,
          %mul3A_291 = arith.mulf %get3A_290, %gather3A_277 : vector<16xf32>
          tpu.vector_store_idx %arg8[%gather3A_147, %add3A_287], %mul3A_291 {add = true} : memref<72x640xf32, #tpu.memory_space<vmem>>[vector<16xi32>, vector<16xi32>], vector<16xf32>,
          %add3A_292 = arith.constant 288 : i32
          %add3A_293 = vector.broadcast %add3A_292 : i32 to vector<16xi32>
          %add3A_294 = arith.addi %iota3A, %add3A_293 : vector<16xi32>
          %get3A_295 = arith.index_cast %scan3A_135 : i32 to index
          %get3A_296 = arith.constant 288 : index
          %get3A_297 = tpu.vector_load %arg15[%get3A_295, %get3A_296] {strides = array<i32>} : memref<16x512xf32, #tpu.memory_space<vmem>>, vector<16xf32>,
          %mul3A_298 = arith.mulf %get3A_297, %gather3A_277 : vector<16xf32>
          tpu.vector_store_idx %arg8[%gather3A_147, %add3A_294], %mul3A_298 {add = true} : memref<72x640xf32, #tpu.memory_space<vmem>>[vector<16xi32>, vector<16xi32>], vector<16xf32>,
          %add3A_299 = arith.constant 304 : i32
          %add3A_300 = vector.broadcast %add3A_299 : i32 to vector<16xi32>
          %add3A_301 = arith.addi %iota3A, %add3A_300 : vector<16xi32>
          %get3A_302 = arith.index_cast %scan3A_135 : i32 to index
          %get3A_303 = arith.constant 304 : index
          %get3A_304 = tpu.vector_load %arg15[%get3A_302, %get3A_303] {strides = array<i32>} : memref<16x512xf32, #tpu.memory_space<vmem>>, vector<16xf32>,
          %mul3A_305 = arith.mulf %get3A_304, %gather3A_277 : vector<16xf32>
          tpu.vector_store_idx %arg8[%gather3A_147, %add3A_301], %mul3A_305 {add = true} : memref<72x640xf32, #tpu.memory_space<vmem>>[vector<16xi32>, vector<16xi32>], vector<16xf32>,
          %add3A_306 = arith.constant 320 : i32
          %add3A_307 = vector.broadcast %add3A_306 : i32 to vector<16xi32>
          %add3A_308 = arith.addi %iota3A, %add3A_307 : vector<16xi32>
          %get3A_309 = arith.index_cast %scan3A_135 : i32 to index
          %get3A_310 = arith.constant 320 : index
          %get3A_311 = tpu.vector_load %arg15[%get3A_309, %get3A_310] {strides = array<i32>} : memref<16x512xf32, #tpu.memory_space<vmem>>, vector<16xf32>,
          %mul3A_312 = arith.mulf %get3A_311, %gather3A_277 : vector<16xf32>
          tpu.vector_store_idx %arg8[%gather3A_147, %add3A_308], %mul3A_312 {add = true} : memref<72x640xf32, #tpu.memory_space<vmem>>[vector<16xi32>, vector<16xi32>], vector<16xf32>,
          %add3A_313 = arith.constant 336 : i32
          %add3A_314 = vector.broadcast %add3A_313 : i32 to vector<16xi32>
          %add3A_315 = arith.addi %iota3A, %add3A_314 : vector<16xi32>
          %get3A_316 = arith.index_cast %scan3A_135 : i32 to index
          %get3A_317 = arith.constant 336 : index
          %get3A_318 = tpu.vector_load %arg15[%get3A_316, %get3A_317] {strides = array<i32>} : memref<16x512xf32, #tpu.memory_space<vmem>>, vector<16xf32>,
          %mul3A_319 = arith.mulf %get3A_318, %gather3A_277 : vector<16xf32>
          tpu.vector_store_idx %arg8[%gather3A_147, %add3A_315], %mul3A_319 {add = true} : memref<72x640xf32, #tpu.memory_space<vmem>>[vector<16xi32>, vector<16xi32>], vector<16xf32>,
          %add3A_320 = arith.constant 352 : i32
          %add3A_321 = vector.broadcast %add3A_320 : i32 to vector<16xi32>
          %add3A_322 = arith.addi %iota3A, %add3A_321 : vector<16xi32>
          %get3A_323 = arith.index_cast %scan3A_135 : i32 to index
          %get3A_324 = arith.constant 352 : index
          %get3A_325 = tpu.vector_load %arg15[%get3A_323, %get3A_324] {strides = array<i32>} : memref<16x512xf32, #tpu.memory_space<vmem>>, vector<16xf32>,
          %mul3A_326 = arith.mulf %get3A_325, %gather3A_277 : vector<16xf32>
          tpu.vector_store_idx %arg8[%gather3A_147, %add3A_322], %mul3A_326 {add = true} : memref<72x640xf32, #tpu.memory_space<vmem>>[vector<16xi32>, vector<16xi32>], vector<16xf32>,
          %add3A_327 = arith.constant 368 : i32
          %add3A_328 = vector.broadcast %add3A_327 : i32 to vector<16xi32>
          %add3A_329 = arith.addi %iota3A, %add3A_328 : vector<16xi32>
          %get3A_330 = arith.index_cast %scan3A_135 : i32 to index
          %get3A_331 = arith.constant 368 : index
          %get3A_332 = tpu.vector_load %arg15[%get3A_330, %get3A_331] {strides = array<i32>} : memref<16x512xf32, #tpu.memory_space<vmem>>, vector<16xf32>,
          %mul3A_333 = arith.mulf %get3A_332, %gather3A_277 : vector<16xf32>
          tpu.vector_store_idx %arg8[%gather3A_147, %add3A_329], %mul3A_333 {add = true} : memref<72x640xf32, #tpu.memory_space<vmem>>[vector<16xi32>, vector<16xi32>], vector<16xf32>,
          %broadcast_in_dim3A_334 = arith.constant 3 : i32
          %broadcast_in_dim3A_335 = vector.broadcast %broadcast_in_dim3A_334 : i32 to vector<16xi32>
          %reshape3A_336 = vector.shape_cast %broadcast_in_dim3A_335 : vector<16xi32> to vector<16x1xi32>
          %gather3A_337 = vector.shape_cast %reshape3A_336 : vector<16x1xi32> to vector<16xi32>
          %gather3A_338 = tpu.dynamic_gather %exp3A[%gather3A_337] in [0] : vector<16xf32>, vector<16xi32> -> vector<16xf32>
          %add3A_339 = arith.constant 384 : i32
          %add3A_340 = vector.broadcast %add3A_339 : i32 to vector<16xi32>
          %add3A_341 = arith.addi %iota3A, %add3A_340 : vector<16xi32>
          %get3A_342 = arith.index_cast %scan3A_135 : i32 to index
          %get3A_343 = arith.constant 384 : index
          %get3A_344 = tpu.vector_load %arg15[%get3A_342, %get3A_343] {strides = array<i32>} : memref<16x512xf32, #tpu.memory_space<vmem>>, vector<16xf32>,
          %mul3A_345 = arith.mulf %get3A_344, %gather3A_338 : vector<16xf32>
          tpu.vector_store_idx %arg8[%gather3A_147, %add3A_341], %mul3A_345 {add = true} : memref<72x640xf32, #tpu.memory_space<vmem>>[vector<16xi32>, vector<16xi32>], vector<16xf32>,
          %add3A_346 = arith.constant 400 : i32
          %add3A_347 = vector.broadcast %add3A_346 : i32 to vector<16xi32>
          %add3A_348 = arith.addi %iota3A, %add3A_347 : vector<16xi32>
          %get3A_349 = arith.index_cast %scan3A_135 : i32 to index
          %get3A_350 = arith.constant 400 : index
          %get3A_351 = tpu.vector_load %arg15[%get3A_349, %get3A_350] {strides = array<i32>} : memref<16x512xf32, #tpu.memory_space<vmem>>, vector<16xf32>,
          %mul3A_352 = arith.mulf %get3A_351, %gather3A_338 : vector<16xf32>
          tpu.vector_store_idx %arg8[%gather3A_147, %add3A_348], %mul3A_352 {add = true} : memref<72x640xf32, #tpu.memory_space<vmem>>[vector<16xi32>, vector<16xi32>], vector<16xf32>,
          %add3A_353 = arith.constant 416 : i32
          %add3A_354 = vector.broadcast %add3A_353 : i32 to vector<16xi32>
          %add3A_355 = arith.addi %iota3A, %add3A_354 : vector<16xi32>
          %get3A_356 = arith.index_cast %scan3A_135 : i32 to index
          %get3A_357 = arith.constant 416 : index
          %get3A_358 = tpu.vector_load %arg15[%get3A_356, %get3A_357] {strides = array<i32>} : memref<16x512xf32, #tpu.memory_space<vmem>>, vector<16xf32>,
          %mul3A_359 = arith.mulf %get3A_358, %gather3A_338 : vector<16xf32>
          tpu.vector_store_idx %arg8[%gather3A_147, %add3A_355], %mul3A_359 {add = true} : memref<72x640xf32, #tpu.memory_space<vmem>>[vector<16xi32>, vector<16xi32>], vector<16xf32>,
          %add3A_360 = arith.constant 432 : i32
          %add3A_361 = vector.broadcast %add3A_360 : i32 to vector<16xi32>
          %add3A_362 = arith.addi %iota3A, %add3A_361 : vector<16xi32>
          %get3A_363 = arith.index_cast %scan3A_135 : i32 to index
          %get3A_364 = arith.constant 432 : index
          %get3A_365 = tpu.vector_load %arg15[%get3A_363, %get3A_364] {strides = array<i32>} : memref<16x512xf32, #tpu.memory_space<vmem>>, vector<16xf32>,
          %mul3A_366 = arith.mulf %get3A_365, %gather3A_338 : vector<16xf32>
          tpu.vector_store_idx %arg8[%gather3A_147, %add3A_362], %mul3A_366 {add = true} : memref<72x640xf32, #tpu.memory_space<vmem>>[vector<16xi32>, vector<16xi32>], vector<16xf32>,
          %add3A_367 = arith.constant 448 : i32
          %add3A_368 = vector.broadcast %add3A_367 : i32 to vector<16xi32>
          %add3A_369 = arith.addi %iota3A, %add3A_368 : vector<16xi32>
          %get3A_370 = arith.index_cast %scan3A_135 : i32 to index
          %get3A_371 = arith.constant 448 : index
          %get3A_372 = tpu.vector_load %arg15[%get3A_370, %get3A_371] {strides = array<i32>} : memref<16x512xf32, #tpu.memory_space<vmem>>, vector<16xf32>,
          %mul3A_373 = arith.mulf %get3A_372, %gather3A_338 : vector<16xf32>
          tpu.vector_store_idx %arg8[%gather3A_147, %add3A_369], %mul3A_373 {add = true} : memref<72x640xf32, #tpu.memory_space<vmem>>[vector<16xi32>, vector<16xi32>], vector<16xf32>,
          %add3A_374 = arith.constant 464 : i32
          %add3A_375 = vector.broadcast %add3A_374 : i32 to vector<16xi32>
          %add3A_376 = arith.addi %iota3A, %add3A_375 : vector<16xi32>
          %get3A_377 = arith.index_cast %scan3A_135 : i32 to index
          %get3A_378 = arith.constant 464 : index
          %get3A_379 = tpu.vector_load %arg15[%get3A_377, %get3A_378] {strides = array<i32>} : memref<16x512xf32, #tpu.memory_space<vmem>>, vector<16xf32>,
          %mul3A_380 = arith.mulf %get3A_379, %gather3A_338 : vector<16xf32>
          tpu.vector_store_idx %arg8[%gather3A_147, %add3A_376], %mul3A_380 {add = true} : memref<72x640xf32, #tpu.memory_space<vmem>>[vector<16xi32>, vector<16xi32>], vector<16xf32>,
          %add3A_381 = arith.constant 480 : i32
          %add3A_382 = vector.broadcast %add3A_381 : i32 to vector<16xi32>
          %add3A_383 = arith.addi %iota3A, %add3A_382 : vector<16xi32>
          %get3A_384 = arith.index_cast %scan3A_135 : i32 to index
          %get3A_385 = arith.constant 480 : index
          %get3A_386 = tpu.vector_load %arg15[%get3A_384, %get3A_385] {strides = array<i32>} : memref<16x512xf32, #tpu.memory_space<vmem>>, vector<16xf32>,
          %mul3A_387 = arith.mulf %get3A_386, %gather3A_338 : vector<16xf32>
          tpu.vector_store_idx %arg8[%gather3A_147, %add3A_383], %mul3A_387 {add = true} : memref<72x640xf32, #tpu.memory_space<vmem>>[vector<16xi32>, vector<16xi32>], vector<16xf32>,
          %add3A_388 = arith.constant 496 : i32
          %add3A_389 = vector.broadcast %add3A_388 : i32 to vector<16xi32>
          %add3A_390 = arith.addi %iota3A, %add3A_389 : vector<16xi32>
          %get3A_391 = arith.index_cast %scan3A_135 : i32 to index
          %get3A_392 = arith.constant 496 : index
          %get3A_393 = tpu.vector_load %arg15[%get3A_391, %get3A_392] {strides = array<i32>} : memref<16x512xf32, #tpu.memory_space<vmem>>, vector<16xf32>,
          %mul3A_394 = arith.mulf %get3A_393, %gather3A_338 : vector<16xf32>
          tpu.vector_store_idx %arg8[%gather3A_147, %add3A_390], %mul3A_394 {add = true} : memref<72x640xf32, #tpu.memory_space<vmem>>[vector<16xi32>, vector<16xi32>], vector<16xf32>,
          %scan3A_395 = arith.constant 0 : i32
          scf.yield %scan3A_395 : i32
        }
        %scan3A_133 = arith.constant 16 : i32
        %while3A_134 = arith.constant 0 : i32
        scf.yield %while3A_134 : i32
      }
      "tpu.region"() ({
        %run_scoped3A = tpu.sem_alloc : memref<!tpu.dma_semaphore, #tpu.memory_space<semaphore_mem>>
        %dma_start3A = arith.constant 0 : i32
        %dma_start3A_68 = arith.constant 0 : i32
        %dma_start3A_69 = tpu.memref_slice %arg8[%dma_start3A, %dma_start3A_68] : memref<72x640xf32, #tpu.memory_space<vmem>> -> memref<64x640xf32, #tpu.memory_space<vmem>>
        %dma_start3A_70 = arith.constant 0 : i32
        %dma_start3A_71 = tpu.memref_slice %arg7[%add3A_13, %dma_start3A_70] : memref<10240x640xf32, #tpu.memory_space<hbm>> -> memref<64x640xf32, #tpu.memory_space<hbm>>
        %dma_start3A_72 = arith.constant 0 : i32
        %dma_start3A_73 = tpu.memref_slice %arg7[%add3A_13, %dma_start3A_72] : memref<10240x640xf32, #tpu.memory_space<hbm>> -> memref<64x640xf32, #tpu.memory_space<hbm>>
        %dma_start3A_74 = arith.constant 0 : i32
        %dma_start3A_75 = arith.constant 0 : i32
        %dma_start3A_76 = tpu.memref_slice %arg8[%dma_start3A_74, %dma_start3A_75] : memref<72x640xf32, #tpu.memory_space<vmem>> -> memref<64x640xf32, #tpu.memory_space<vmem>>
        tpu.enqueue_dma source(%dma_start3A_76 : memref<64x640xf32, #tpu.memory_space<vmem>>) target(%dma_start3A_73 : memref<64x640xf32, #tpu.memory_space<hbm>>) target_semaphore(%run_scoped3A : memref<!tpu.dma_semaphore, #tpu.memory_space<semaphore_mem>>)
        %dma_wait3A = arith.constant 0 : i32
        %dma_wait3A_77 = arith.constant 0 : i32
        %dma_wait3A_78 = tpu.memref_slice %arg8[%dma_wait3A, %dma_wait3A_77] : memref<72x640xf32, #tpu.memory_space<vmem>> -> memref<64x640xf32, #tpu.memory_space<vmem>>
        %dma_wait3A_79 = arith.constant 0 : i32
        %dma_wait3A_80 = tpu.memref_slice %arg7[%add3A_13, %dma_wait3A_79] : memref<10240x640xf32, #tpu.memory_space<hbm>> -> memref<64x640xf32, #tpu.memory_space<hbm>>
        %dma_wait3A_81 = arith.constant 0 : i32
        %dma_wait3A_82 = tpu.memref_slice %arg7[%add3A_13, %dma_wait3A_81] : memref<10240x640xf32, #tpu.memory_space<hbm>> -> memref<64x640xf32, #tpu.memory_space<hbm>>
        %dma_wait3A_83 = arith.constant 0 : i32
        %dma_wait3A_84 = arith.constant 0 : i32
        %dma_wait3A_85 = tpu.memref_slice %arg8[%dma_wait3A_83, %dma_wait3A_84] : memref<72x640xf32, #tpu.memory_space<vmem>> -> memref<64x640xf32, #tpu.memory_space<vmem>>
        tpu.wait_dma2 semaphore(%run_scoped3A : memref<!tpu.dma_semaphore, #tpu.memory_space<semaphore_mem>>) src(%dma_wait3A_85 : memref<64x640xf32, #tpu.memory_space<vmem>>) dst(%dma_wait3A_82 : memref<64x640xf32, #tpu.memory_space<hbm>>)
        tpu.yield
      }) : () -> ()
      %scan3A_67 = arith.constant 0 : i32
      scf.yield %scan3A_67 : i32
    }
    %scan3A_8 = arith.constant 5 : i32
    return
  }
}

module attributes {stable_mosaic.version = 14 : i64} {
  func.func @_t1_body(%arg0: i32, %arg1: memref<1024x1792xf32, #tpu.memory_space<vmem>>, %arg2: memref<1792x512xf32, #tpu.memory_space<vmem>>, %arg3: memref<1x512xf32, #tpu.memory_space<vmem>>, %arg4: memref<1024x512xf32, #tpu.memory_space<vmem>>) attributes {dimension_semantics = [#tpu.dimension_semantics<arbitrary>], iteration_bounds = array<i64: 10>, scalar_prefetch = 0 : i64, scratch_operands = 0 : i64, tpu.core_type = #tpu.core_type<tc>, window_params = [{transform_indices = @transform_0, window_bounds = array<i64: 1024, 1792>}, {pipeline_mode = #tpu.pipeline_mode<synchronous>, transform_indices = @transform_1, window_bounds = array<i64: 1792, 512>}, {pipeline_mode = #tpu.pipeline_mode<synchronous>, transform_indices = @transform_2, window_bounds = array<i64: 1, 512>}, {transform_indices = @transform_3, window_bounds = array<i64: 1024, 512>}]} {
    %get3A = arith.constant 0 : index
    %get3A_0 = arith.constant 0 : index
    %get3A_1 = vector.load %arg1[%get3A, %get3A_0] : memref<1024x1792xf32, #tpu.memory_space<vmem>>, vector<1024x1792xf32>
    %get3A_2 = arith.constant 0 : index
    %get3A_3 = arith.constant 0 : index
    %get3A_4 = vector.load %arg2[%get3A_2, %get3A_3] : memref<1792x512xf32, #tpu.memory_space<vmem>>, vector<1792x512xf32>
    %dot_general3A = arith.constant dense<0.000000e+00> : vector<1024x512xf32>
    %dot_general3A_5 = tpu.matmul %get3A_1, %get3A_4, %dot_general3A {dimension_numbers = #tpu.dot_dimension_numbers<[1], [0], [0], [1], [0, 0, 1, 1], [], []>, transpose_lhs_hint = false} : vector<1024x1792xf32>, vector<1792x512xf32>, vector<1024x512xf32> -> vector<1024x512xf32>
    %get3A_6 = arith.constant 0 : index
    %get3A_7 = arith.constant 0 : index
    %get3A_8 = vector.load %arg3[%get3A_6, %get3A_7] : memref<1x512xf32, #tpu.memory_space<vmem>>, vector<1x512xf32>
    %add3A = vector.broadcast %get3A_8 : vector<1x512xf32> to vector<1024x512xf32>
    %add3A_9 = arith.addf %dot_general3A_5, %add3A : vector<1024x512xf32>
    %max3A = arith.constant 0.000000e+00 : f32
    %max3A_10 = vector.broadcast %max3A : f32 to vector<1024x512xf32>
    %max3A_11 = arith.maximumf %add3A_9, %max3A_10 : vector<1024x512xf32>
    %swap3A = arith.constant 0 : index
    %swap3A_12 = arith.constant 0 : index
    %swap3A_13 = vector.load %arg4[%swap3A, %swap3A_12] : memref<1024x512xf32, #tpu.memory_space<vmem>>, vector<1024x512xf32>
    tpu.vector_store %arg4[%swap3A, %swap3A_12], %max3A_11 {strides = array<i32>} : memref<1024x512xf32, #tpu.memory_space<vmem>>, vector<1024x512xf32>,
    return
  }
  func.func @transform_0(%arg0: i32) -> (i32, i32) {
    %c0_i32 = arith.constant 0 : i32
    %c0_i32_0 = arith.constant 0 : i32
    return %arg0, %c0_i32 : i32, i32
  }
  func.func @transform_1(%arg0: i32) -> (i32, i32) {
    %c0_i32 = arith.constant 0 : i32
    %c0_i32_0 = arith.constant 0 : i32
    %c0_i32_1 = arith.constant 0 : i32
    return %c0_i32, %c0_i32_0 : i32, i32
  }
  func.func @transform_2(%arg0: i32) -> (i32, i32) {
    %c0_i32 = arith.constant 0 : i32
    %c0_i32_0 = arith.constant 0 : i32
    %c0_i32_1 = arith.constant 0 : i32
    return %c0_i32, %c0_i32_0 : i32, i32
  }
  func.func @transform_3(%arg0: i32) -> (i32, i32) {
    %c0_i32 = arith.constant 0 : i32
    %c0_i32_0 = arith.constant 0 : i32
    return %arg0, %c0_i32 : i32, i32
  }
}

module attributes {stable_mosaic.version = 14 : i64} {
  func.func @_t2_body(%arg0: i32, %arg1: memref<1024x512xf32, #tpu.memory_space<vmem>>, %arg2: memref<512x1024xf32, #tpu.memory_space<vmem>>, %arg3: memref<1024x128xf32, #tpu.memory_space<vmem>>, %arg4: memref<1024x128xf32, #tpu.memory_space<vmem>>, %arg5: memref<1024x1024xf32, #tpu.memory_space<vmem>>, %arg6: memref<1024x128xf32, #tpu.memory_space<vmem>>, %arg7: memref<1024x128xf32, #tpu.memory_space<vmem>>) attributes {dimension_semantics = [#tpu.dimension_semantics<arbitrary>], iteration_bounds = array<i64: 10>, scalar_prefetch = 0 : i64, scratch_operands = 0 : i64, tpu.core_type = #tpu.core_type<tc>, window_params = [{transform_indices = @transform_0, window_bounds = array<i64: 1024, 512>}, {pipeline_mode = #tpu.pipeline_mode<synchronous>, transform_indices = @transform_1, window_bounds = array<i64: 512, 1024>}, {pipeline_mode = #tpu.pipeline_mode<synchronous>, transform_indices = @transform_2, window_bounds = array<i64: 1024, 128>}, {pipeline_mode = #tpu.pipeline_mode<synchronous>, transform_indices = @transform_3, window_bounds = array<i64: 1024, 128>}, {transform_indices = @transform_4, window_bounds = array<i64: 1024, 1024>}, {transform_indices = @transform_5, window_bounds = array<i64: 1024, 128>}, {transform_indices = @transform_6, window_bounds = array<i64: 1024, 128>}]} {
    %get3A = arith.constant 0 : index
    %get3A_0 = arith.constant 0 : index
    %get3A_1 = vector.load %arg1[%get3A, %get3A_0] : memref<1024x512xf32, #tpu.memory_space<vmem>>, vector<1024x512xf32>
    %get3A_2 = arith.constant 0 : index
    %get3A_3 = arith.constant 0 : index
    %get3A_4 = vector.load %arg2[%get3A_2, %get3A_3] : memref<512x1024xf32, #tpu.memory_space<vmem>>, vector<512x1024xf32>
    %dot_general3A = arith.constant dense<0.000000e+00> : vector<1024x1024xf32>
    %dot_general3A_5 = tpu.matmul %get3A_1, %get3A_4, %dot_general3A {dimension_numbers = #tpu.dot_dimension_numbers<[1], [0], [0], [1], [0, 0, 1, 1], [], []>, transpose_lhs_hint = false} : vector<1024x512xf32>, vector<512x1024xf32>, vector<1024x1024xf32> -> vector<1024x1024xf32>
    %swap3A = arith.constant 0 : index
    %swap3A_6 = arith.constant 0 : index
    %swap3A_7 = vector.load %arg5[%swap3A, %swap3A_6] : memref<1024x1024xf32, #tpu.memory_space<vmem>>, vector<1024x1024xf32>
    tpu.vector_store %arg5[%swap3A, %swap3A_6], %dot_general3A_5 {strides = array<i32>} : memref<1024x1024xf32, #tpu.memory_space<vmem>>, vector<1024x1024xf32>,
    %get3A_8 = arith.constant 0 : index
    %get3A_9 = arith.constant 0 : index
    %get3A_10 = vector.load %arg3[%get3A_8, %get3A_9] : memref<1024x128xf32, #tpu.memory_space<vmem>>, vector<1024x128xf32>
    %dot_general3A_11 = arith.constant dense<0.000000e+00> : vector<1024x128xf32>
    %dot_general3A_12 = tpu.matmul %dot_general3A_5, %get3A_10, %dot_general3A_11 {dimension_numbers = #tpu.dot_dimension_numbers<[1], [0], [0], [1], [0, 0, 1, 1], [], []>, transpose_lhs_hint = false} : vector<1024x1024xf32>, vector<1024x128xf32>, vector<1024x128xf32> -> vector<1024x128xf32>
    %swap3A_13 = arith.constant 0 : index
    %swap3A_14 = arith.constant 0 : index
    %swap3A_15 = vector.load %arg6[%swap3A_13, %swap3A_14] : memref<1024x128xf32, #tpu.memory_space<vmem>>, vector<1024x128xf32>
    tpu.vector_store %arg6[%swap3A_13, %swap3A_14], %dot_general3A_12 {strides = array<i32>} : memref<1024x128xf32, #tpu.memory_space<vmem>>, vector<1024x128xf32>,
    %get3A_16 = arith.constant 0 : index
    %get3A_17 = arith.constant 0 : index
    %get3A_18 = vector.load %arg4[%get3A_16, %get3A_17] : memref<1024x128xf32, #tpu.memory_space<vmem>>, vector<1024x128xf32>
    %dot_general3A_19 = arith.constant dense<0.000000e+00> : vector<1024x128xf32>
    %dot_general3A_20 = tpu.matmul %dot_general3A_5, %get3A_18, %dot_general3A_19 {dimension_numbers = #tpu.dot_dimension_numbers<[1], [0], [0], [1], [0, 0, 1, 1], [], []>, transpose_lhs_hint = false} : vector<1024x1024xf32>, vector<1024x128xf32>, vector<1024x128xf32> -> vector<1024x128xf32>
    %swap3A_21 = arith.constant 0 : index
    %swap3A_22 = arith.constant 0 : index
    %swap3A_23 = vector.load %arg7[%swap3A_21, %swap3A_22] : memref<1024x128xf32, #tpu.memory_space<vmem>>, vector<1024x128xf32>
    tpu.vector_store %arg7[%swap3A_21, %swap3A_22], %dot_general3A_20 {strides = array<i32>} : memref<1024x128xf32, #tpu.memory_space<vmem>>, vector<1024x128xf32>,
    return
  }
  func.func @transform_0(%arg0: i32) -> (i32, i32) {
    %c0_i32 = arith.constant 0 : i32
    %c0_i32_0 = arith.constant 0 : i32
    return %arg0, %c0_i32 : i32, i32
  }
  func.func @transform_1(%arg0: i32) -> (i32, i32) {
    %c0_i32 = arith.constant 0 : i32
    %c0_i32_0 = arith.constant 0 : i32
    %c0_i32_1 = arith.constant 0 : i32
    return %c0_i32, %c0_i32_0 : i32, i32
  }
  func.func @transform_2(%arg0: i32) -> (i32, i32) {
    %c0_i32 = arith.constant 0 : i32
    %c0_i32_0 = arith.constant 0 : i32
    %c0_i32_1 = arith.constant 0 : i32
    return %c0_i32, %c0_i32_0 : i32, i32
  }
  func.func @transform_3(%arg0: i32) -> (i32, i32) {
    %c0_i32 = arith.constant 0 : i32
    %c0_i32_0 = arith.constant 0 : i32
    %c0_i32_1 = arith.constant 0 : i32
    return %c0_i32, %c0_i32_0 : i32, i32
  }
  func.func @transform_4(%arg0: i32) -> (i32, i32) {
    %c0_i32 = arith.constant 0 : i32
    %c0_i32_0 = arith.constant 0 : i32
    return %arg0, %c0_i32 : i32, i32
  }
  func.func @transform_5(%arg0: i32) -> (i32, i32) {
    %c0_i32 = arith.constant 0 : i32
    %c0_i32_0 = arith.constant 0 : i32
    return %arg0, %c0_i32 : i32, i32
  }
  func.func @transform_6(%arg0: i32) -> (i32, i32) {
    %c0_i32 = arith.constant 0 : i32
    %c0_i32_0 = arith.constant 0 : i32
    return %arg0, %c0_i32 : i32, i32
  }
}

module attributes {stable_mosaic.version = 14 : i64} {
  func.func @_t3_body(%arg0: i32, %arg1: memref<1024x1152xf32, #tpu.memory_space<vmem>>, %arg2: memref<4x1024xf32, #tpu.memory_space<vmem>>, %arg3: memref<1x1024xf32, #tpu.memory_space<vmem>>, %arg4: memref<1024x512xf32, #tpu.memory_space<vmem>>, %arg5: memref<512x128xf32, #tpu.memory_space<vmem>>, %arg6: memref<512x128xf32, #tpu.memory_space<vmem>>, %arg7: memref<1024x512xf32, #tpu.memory_space<vmem>>, %arg8: memref<1024x128xf32, #tpu.memory_space<vmem>>, %arg9: memref<1024x128xf32, #tpu.memory_space<vmem>>) attributes {dimension_semantics = [#tpu.dimension_semantics<arbitrary>], iteration_bounds = array<i64: 10>, scalar_prefetch = 0 : i64, scratch_operands = 0 : i64, tpu.core_type = #tpu.core_type<tc>, window_params = [{transform_indices = @transform_0, window_bounds = array<i64: 1024, 1152>}, {pipeline_mode = #tpu.pipeline_mode<synchronous>, transform_indices = @transform_1, window_bounds = array<i64: 4, 1024>}, {pipeline_mode = #tpu.pipeline_mode<synchronous>, transform_indices = @transform_2, window_bounds = array<i64: 1, 1024>}, {pipeline_mode = #tpu.pipeline_mode<synchronous>, transform_indices = @transform_3, window_bounds = array<i64: 1024, 512>}, {pipeline_mode = #tpu.pipeline_mode<synchronous>, transform_indices = @transform_4, window_bounds = array<i64: 512, 128>}, {pipeline_mode = #tpu.pipeline_mode<synchronous>, transform_indices = @transform_5, window_bounds = array<i64: 512, 128>}, {transform_indices = @transform_6, window_bounds = array<i64: 1024, 512>}, {transform_indices = @transform_7, window_bounds = array<i64: 1024, 128>}, {transform_indices = @transform_8, window_bounds = array<i64: 1024, 128>}]} {
    %get3A = arith.constant 0 : index
    %get3A_0 = arith.constant 1024 : index
    %get3A_1 = vector.load %arg1[%get3A, %get3A_0] : memref<1024x1152xf32, #tpu.memory_space<vmem>>, vector<1024x4xf32>
    %add3A = arith.constant 1.000000e-16 : f32
    %add3A_2 = vector.broadcast %add3A : f32 to vector<1024x4xf32>
    %add3A_3 = arith.addf %get3A_1, %add3A_2 : vector<1024x4xf32>
    %div3A = arith.constant 1.000000e+00 : f32
    %div3A_4 = vector.broadcast %div3A : f32 to vector<1024x4xf32>
    %div3A_5 = arith.divf %div3A_4, %add3A_3 : vector<1024x4xf32>
    %get3A_6 = arith.constant 0 : index
    %get3A_7 = arith.constant 0 : index
    %get3A_8 = vector.load %arg2[%get3A_6, %get3A_7] : memref<4x1024xf32, #tpu.memory_space<vmem>>, vector<4x1024xf32>
    %dot_general3A = arith.constant dense<0.000000e+00> : vector<1024x1024xf32>
    %dot_general3A_9 = tpu.matmul %div3A_5, %get3A_8, %dot_general3A {dimension_numbers = #tpu.dot_dimension_numbers<[1], [0], [0], [1], [0, 0, 1, 1], [], []>, transpose_lhs_hint = false} : vector<1024x4xf32>, vector<4x1024xf32>, vector<1024x1024xf32> -> vector<1024x1024xf32>
    %get3A_10 = arith.constant 0 : index
    %get3A_11 = arith.constant 0 : index
    %get3A_12 = vector.load %arg1[%get3A_10, %get3A_11] : memref<1024x1152xf32, #tpu.memory_space<vmem>>, vector<1024x1024xf32>
    %mul3A = arith.mulf %get3A_12, %dot_general3A_9 : vector<1024x1024xf32>
    %get3A_13 = arith.constant 0 : index
    %get3A_14 = arith.constant 0 : index
    %get3A_15 = vector.load %arg3[%get3A_13, %get3A_14] : memref<1x1024xf32, #tpu.memory_space<vmem>>, vector<1x1024xf32>
    %add3A_16 = vector.broadcast %get3A_15 : vector<1x1024xf32> to vector<1024x1024xf32>
    %add3A_17 = arith.addf %mul3A, %add3A_16 : vector<1024x1024xf32>
    %get3A_18 = arith.constant 0 : index
    %get3A_19 = arith.constant 0 : index
    %get3A_20 = vector.load %arg4[%get3A_18, %get3A_19] : memref<1024x512xf32, #tpu.memory_space<vmem>>, vector<1024x512xf32>
    %dot_general3A_21 = arith.constant dense<0.000000e+00> : vector<1024x512xf32>
    %dot_general3A_22 = tpu.matmul %add3A_17, %get3A_20, %dot_general3A_21 {dimension_numbers = #tpu.dot_dimension_numbers<[1], [0], [0], [1], [0, 0, 1, 1], [], []>, transpose_lhs_hint = false} : vector<1024x1024xf32>, vector<1024x512xf32>, vector<1024x512xf32> -> vector<1024x512xf32>
    %swap3A = arith.constant 0 : index
    %swap3A_23 = arith.constant 0 : index
    %swap3A_24 = vector.load %arg7[%swap3A, %swap3A_23] : memref<1024x512xf32, #tpu.memory_space<vmem>>, vector<1024x512xf32>
    tpu.vector_store %arg7[%swap3A, %swap3A_23], %dot_general3A_22 {strides = array<i32>} : memref<1024x512xf32, #tpu.memory_space<vmem>>, vector<1024x512xf32>,
    %get3A_25 = arith.constant 0 : index
    %get3A_26 = arith.constant 0 : index
    %get3A_27 = vector.load %arg5[%get3A_25, %get3A_26] : memref<512x128xf32, #tpu.memory_space<vmem>>, vector<512x128xf32>
    %dot_general3A_28 = arith.constant dense<0.000000e+00> : vector<1024x128xf32>
    %dot_general3A_29 = tpu.matmul %dot_general3A_22, %get3A_27, %dot_general3A_28 {dimension_numbers = #tpu.dot_dimension_numbers<[1], [0], [0], [1], [0, 0, 1, 1], [], []>, transpose_lhs_hint = false} : vector<1024x512xf32>, vector<512x128xf32>, vector<1024x128xf32> -> vector<1024x128xf32>
    %swap3A_30 = arith.constant 0 : index
    %swap3A_31 = arith.constant 0 : index
    %swap3A_32 = vector.load %arg8[%swap3A_30, %swap3A_31] : memref<1024x128xf32, #tpu.memory_space<vmem>>, vector<1024x128xf32>
    tpu.vector_store %arg8[%swap3A_30, %swap3A_31], %dot_general3A_29 {strides = array<i32>} : memref<1024x128xf32, #tpu.memory_space<vmem>>, vector<1024x128xf32>,
    %get3A_33 = arith.constant 0 : index
    %get3A_34 = arith.constant 0 : index
    %get3A_35 = vector.load %arg6[%get3A_33, %get3A_34] : memref<512x128xf32, #tpu.memory_space<vmem>>, vector<512x128xf32>
    %dot_general3A_36 = arith.constant dense<0.000000e+00> : vector<1024x128xf32>
    %dot_general3A_37 = tpu.matmul %dot_general3A_22, %get3A_35, %dot_general3A_36 {dimension_numbers = #tpu.dot_dimension_numbers<[1], [0], [0], [1], [0, 0, 1, 1], [], []>, transpose_lhs_hint = false} : vector<1024x512xf32>, vector<512x128xf32>, vector<1024x128xf32> -> vector<1024x128xf32>
    %swap3A_38 = arith.constant 0 : index
    %swap3A_39 = arith.constant 0 : index
    %swap3A_40 = vector.load %arg9[%swap3A_38, %swap3A_39] : memref<1024x128xf32, #tpu.memory_space<vmem>>, vector<1024x128xf32>
    tpu.vector_store %arg9[%swap3A_38, %swap3A_39], %dot_general3A_37 {strides = array<i32>} : memref<1024x128xf32, #tpu.memory_space<vmem>>, vector<1024x128xf32>,
    return
  }
  func.func @transform_0(%arg0: i32) -> (i32, i32) {
    %c0_i32 = arith.constant 0 : i32
    %c0_i32_0 = arith.constant 0 : i32
    return %arg0, %c0_i32 : i32, i32
  }
  func.func @transform_1(%arg0: i32) -> (i32, i32) {
    %c0_i32 = arith.constant 0 : i32
    %c0_i32_0 = arith.constant 0 : i32
    %c0_i32_1 = arith.constant 0 : i32
    return %c0_i32, %c0_i32_0 : i32, i32
  }
  func.func @transform_2(%arg0: i32) -> (i32, i32) {
    %c0_i32 = arith.constant 0 : i32
    %c0_i32_0 = arith.constant 0 : i32
    %c0_i32_1 = arith.constant 0 : i32
    return %c0_i32, %c0_i32_0 : i32, i32
  }
  func.func @transform_3(%arg0: i32) -> (i32, i32) {
    %c0_i32 = arith.constant 0 : i32
    %c0_i32_0 = arith.constant 0 : i32
    %c0_i32_1 = arith.constant 0 : i32
    return %c0_i32, %c0_i32_0 : i32, i32
  }
  func.func @transform_4(%arg0: i32) -> (i32, i32) {
    %c0_i32 = arith.constant 0 : i32
    %c0_i32_0 = arith.constant 0 : i32
    %c0_i32_1 = arith.constant 0 : i32
    return %c0_i32, %c0_i32_0 : i32, i32
  }
  func.func @transform_5(%arg0: i32) -> (i32, i32) {
    %c0_i32 = arith.constant 0 : i32
    %c0_i32_0 = arith.constant 0 : i32
    %c0_i32_1 = arith.constant 0 : i32
    return %c0_i32, %c0_i32_0 : i32, i32
  }
  func.func @transform_6(%arg0: i32) -> (i32, i32) {
    %c0_i32 = arith.constant 0 : i32
    %c0_i32_0 = arith.constant 0 : i32
    return %arg0, %c0_i32 : i32, i32
  }
  func.func @transform_7(%arg0: i32) -> (i32, i32) {
    %c0_i32 = arith.constant 0 : i32
    %c0_i32_0 = arith.constant 0 : i32
    return %arg0, %c0_i32 : i32, i32
  }
  func.func @transform_8(%arg0: i32) -> (i32, i32) {
    %c0_i32 = arith.constant 0 : i32
    %c0_i32_0 = arith.constant 0 : i32
    return %arg0, %c0_i32 : i32, i32
  }
}

module attributes {stable_mosaic.version = 14 : i64} {
  func.func @_t4_body(%arg0: i32, %arg1: memref<1024x640xf32, #tpu.memory_space<vmem>>, %arg2: memref<4x512xf32, #tpu.memory_space<vmem>>, %arg3: memref<1x512xf32, #tpu.memory_space<vmem>>, %arg4: memref<512x128xf32, #tpu.memory_space<vmem>>, %arg5: memref<1x128xf32, #tpu.memory_space<vmem>>, %arg6: memref<1024x128xf32, #tpu.memory_space<vmem>>) attributes {dimension_semantics = [#tpu.dimension_semantics<arbitrary>], iteration_bounds = array<i64: 10>, scalar_prefetch = 0 : i64, scratch_operands = 0 : i64, tpu.core_type = #tpu.core_type<tc>, window_params = [{transform_indices = @transform_0, window_bounds = array<i64: 1024, 640>}, {pipeline_mode = #tpu.pipeline_mode<synchronous>, transform_indices = @transform_1, window_bounds = array<i64: 4, 512>}, {pipeline_mode = #tpu.pipeline_mode<synchronous>, transform_indices = @transform_2, window_bounds = array<i64: 1, 512>}, {pipeline_mode = #tpu.pipeline_mode<synchronous>, transform_indices = @transform_3, window_bounds = array<i64: 512, 128>}, {pipeline_mode = #tpu.pipeline_mode<synchronous>, transform_indices = @transform_4, window_bounds = array<i64: 1, 128>}, {transform_indices = @transform_5, window_bounds = array<i64: 1024, 128>}]} {
    %get3A = arith.constant 0 : index
    %get3A_0 = arith.constant 512 : index
    %get3A_1 = vector.load %arg1[%get3A, %get3A_0] : memref<1024x640xf32, #tpu.memory_space<vmem>>, vector<1024x4xf32>
    %add3A = arith.constant 1.000000e-16 : f32
    %add3A_2 = vector.broadcast %add3A : f32 to vector<1024x4xf32>
    %add3A_3 = arith.addf %get3A_1, %add3A_2 : vector<1024x4xf32>
    %div3A = arith.constant 1.000000e+00 : f32
    %div3A_4 = vector.broadcast %div3A : f32 to vector<1024x4xf32>
    %div3A_5 = arith.divf %div3A_4, %add3A_3 : vector<1024x4xf32>
    %get3A_6 = arith.constant 0 : index
    %get3A_7 = arith.constant 0 : index
    %get3A_8 = vector.load %arg2[%get3A_6, %get3A_7] : memref<4x512xf32, #tpu.memory_space<vmem>>, vector<4x512xf32>
    %dot_general3A = arith.constant dense<0.000000e+00> : vector<1024x512xf32>
    %dot_general3A_9 = tpu.matmul %div3A_5, %get3A_8, %dot_general3A {dimension_numbers = #tpu.dot_dimension_numbers<[1], [0], [0], [1], [0, 0, 1, 1], [], []>, transpose_lhs_hint = false} : vector<1024x4xf32>, vector<4x512xf32>, vector<1024x512xf32> -> vector<1024x512xf32>
    %get3A_10 = arith.constant 0 : index
    %get3A_11 = arith.constant 0 : index
    %get3A_12 = vector.load %arg1[%get3A_10, %get3A_11] : memref<1024x640xf32, #tpu.memory_space<vmem>>, vector<1024x512xf32>
    %mul3A = arith.mulf %get3A_12, %dot_general3A_9 : vector<1024x512xf32>
    %get3A_13 = arith.constant 0 : index
    %get3A_14 = arith.constant 0 : index
    %get3A_15 = vector.load %arg3[%get3A_13, %get3A_14] : memref<1x512xf32, #tpu.memory_space<vmem>>, vector<1x512xf32>
    %add3A_16 = vector.broadcast %get3A_15 : vector<1x512xf32> to vector<1024x512xf32>
    %add3A_17 = arith.addf %mul3A, %add3A_16 : vector<1024x512xf32>
    %get3A_18 = arith.constant 0 : index
    %get3A_19 = arith.constant 0 : index
    %get3A_20 = vector.load %arg4[%get3A_18, %get3A_19] : memref<512x128xf32, #tpu.memory_space<vmem>>, vector<512x128xf32>
    %dot_general3A_21 = arith.constant dense<0.000000e+00> : vector<1024x128xf32>
    %dot_general3A_22 = tpu.matmul %add3A_17, %get3A_20, %dot_general3A_21 {dimension_numbers = #tpu.dot_dimension_numbers<[1], [0], [0], [1], [0, 0, 1, 1], [], []>, transpose_lhs_hint = false} : vector<1024x512xf32>, vector<512x128xf32>, vector<1024x128xf32> -> vector<1024x128xf32>
    %get3A_23 = arith.constant 0 : index
    %get3A_24 = arith.constant 0 : index
    %get3A_25 = vector.load %arg5[%get3A_23, %get3A_24] : memref<1x128xf32, #tpu.memory_space<vmem>>, vector<1x128xf32>
    %add3A_26 = vector.broadcast %get3A_25 : vector<1x128xf32> to vector<1024x128xf32>
    %add3A_27 = arith.addf %dot_general3A_22, %add3A_26 : vector<1024x128xf32>
    %swap3A = arith.constant 0 : index
    %swap3A_28 = arith.constant 0 : index
    %swap3A_29 = vector.load %arg6[%swap3A, %swap3A_28] : memref<1024x128xf32, #tpu.memory_space<vmem>>, vector<1024x128xf32>
    tpu.vector_store %arg6[%swap3A, %swap3A_28], %add3A_27 {strides = array<i32>} : memref<1024x128xf32, #tpu.memory_space<vmem>>, vector<1024x128xf32>,
    return
  }
  func.func @transform_0(%arg0: i32) -> (i32, i32) {
    %c0_i32 = arith.constant 0 : i32
    %c0_i32_0 = arith.constant 0 : i32
    return %arg0, %c0_i32 : i32, i32
  }
  func.func @transform_1(%arg0: i32) -> (i32, i32) {
    %c0_i32 = arith.constant 0 : i32
    %c0_i32_0 = arith.constant 0 : i32
    %c0_i32_1 = arith.constant 0 : i32
    return %c0_i32, %c0_i32_0 : i32, i32
  }
  func.func @transform_2(%arg0: i32) -> (i32, i32) {
    %c0_i32 = arith.constant 0 : i32
    %c0_i32_0 = arith.constant 0 : i32
    %c0_i32_1 = arith.constant 0 : i32
    return %c0_i32, %c0_i32_0 : i32, i32
  }
  func.func @transform_3(%arg0: i32) -> (i32, i32) {
    %c0_i32 = arith.constant 0 : i32
    %c0_i32_0 = arith.constant 0 : i32
    %c0_i32_1 = arith.constant 0 : i32
    return %c0_i32, %c0_i32_0 : i32, i32
  }
  func.func @transform_4(%arg0: i32) -> (i32, i32) {
    %c0_i32 = arith.constant 0 : i32
    %c0_i32_0 = arith.constant 0 : i32
    %c0_i32_1 = arith.constant 0 : i32
    return %c0_i32, %c0_i32_0 : i32, i32
  }
  func.func @transform_5(%arg0: i32) -> (i32, i32) {
    %c0_i32 = arith.constant 0 : i32
    %c0_i32_0 = arith.constant 0 : i32
    return %arg0, %c0_i32 : i32, i32
  }
}

</mosaic_0001>

<sc_bundles>
// kernel: kernel.11.cloned.1.call-start
scs
__scs_entry_jumppad:
0x0: {  	(pc) =	sbr.rel $0x88, $3  }
0x1: {  	(tag) =	ssettag $0x0;
	lr =	simm.s32 $0x1  }
0x2: {  	[smem:$0x3F93] =	sst lr;
	_ =	strace $0xD0000000  }
0x3: {  	_ = 	snop  }
0x4: {  	_ = 	snop  }
0x5: {  	_ = 	snop  }
0x6: {  	_ = 	snop  }
0x7: {  	_ = 	snop  }
__scs_overlays_trampoline_lowered:
0x8: {  	[smem:$0x3FA2] =	sst s0  }
0x9: {  	[smem:$0x3FA3] =	sst s1  }
0xa: {  	[smem:$0x3FA4] =	sst s2  }
0xb: {  	[smem:$0x3FA5] =	sst s3  }
0xc: {  	[smem:$0x3FA6] =	sst s4  }
0xd: {  	[smem:$0x3FA7] =	sst s5  }
0xe: {  	[smem:$0x3FA8] =	sst s6  }
0xf: {  	[smem:$0x3FA9] =	sst s7  }
0x10: {  	[smem:$0x3FAA] =	sst s8  }
0x11: {  	[smem:$0x3FAB] =	sst s9;
	s0 =	simm.s32 @!p0 $0x0  }
0x12: {  	s1 =	sld [smem:$0x3F91];
	s0 =	simm.s32 @p0 $0x1  }
0x13: {  	[smem:$0x3FAC] =	sst s0;
	s0 =	simm.s32 @!p1 $0x0  }
0x14: {  	s2 =	sld [smem:$0x3F90];
	s0 =	simm.s32 @p1 $0x1  }
0x15: {  	[smem:$0x3FAD] =	sst s0;
	s0 =	simm.s32 @!p2 $0x0  }
0x16: {  	s3 =	sld [smem:$0x3FDB];
	s0 =	simm.s32 @p2 $0x1  }
0x17: {  	s4 =	simm.s32 $0x1BF5;
	[smem:$0x3FAF] =	sst s0  }
0x18: {  	s0 =	sld [smem:$0x3F92];
	_ =	swait.ge [sflag:s4], $0x0  }
0x19: {  	s7 =	sld [smem:$0x3F93]  }
0x1a: {  	s8 =	sadd.s32 $0xFFFFE003, lr  }
0x1b: {  	s9 =	sadd.s32 $0xFFFFFEF7, lr;
	s5 =	simm.s32 $0xFFFFFFFF;
	p2 =	slt.u32 s8, $0xFFFFF086  }
0x1c: {  	p1 =	slt.u32 s9, $0xF7A;
	s5 =	simm.s32 @!p2 $0x0  }
0x1d: {  	s5 =	simm.s32 @p1 $0x1;
	p0 =	seq.s32 s7, s2  }
0x1e: {  	s7 =	smul.u32 @!p0 $0xF7A, s2;
	p2 =	seq.s32 @!p0 s5, $0x0  }
0x1f: {  	s9 =	smul.u32 $0xF7A, s1;
	s8 =	simm.s32 @!p0 $0x1BF5;
	p2 =	por !p2, p0  }
0x20: {  	[sflag:s8] =	ssyncset.s32 @!p0 $0xFFFFF086;
	s6 =	sadd.s32 @!p0 s3, s7;
	s7 =	simm.s32 @!p0 $0x108  }
0x21: {  	s3 =	sadd.s32 s3, s9;
	s6 =	sadd.s32 @!p0 $0x88, s6;
	s7 =	simm.s32 @p2 $0x1082  }
0x22: {  	[simem:s7], [sflag:s8] =	dma.local @!p0 [hbm:s6], $0xF7A  }
0x23: {  	s9 =	sor.u32 $0xD0000000, s2;
	s6 =	simm.s32 $0x108;
	_ =	swait.ge @!p0 [sflag:s8], $0x0  }
0x24: {  	s3 =	sadd.s32 $0x88, s3;
	s6 =	simm.s32 @!p1 $0x1082;
	[sflag:s4] =	ssyncset.s32 $0xFFFFF086  }
0x25: {  	[simem:s6], [sflag:s4] =	dma.local [hbm:s3], $0xF7A  }
0x26: {  	[smem:$0x3F93] =	sst s1;
	(tag) =	ssettag s2;
	_ =	strace s9  }
0x27: {  	s1 =	sld [smem:$0x3FA3]  }
0x28: {  	s2 =	sld [smem:$0x3FA4]  }
0x29: {  	s4 =	sld [smem:$0x3FA6]  }
0x2a: {  	p0 =	seq.s32 s5, $0x0;
	s5 =	sld [smem:$0x3FA7]  }
0x2b: {  	s6 =	sld [smem:$0x3FA8]  }
0x2c: {  	s7 =	sld [smem:$0x3FA9]  }
0x2d: {  	s3 =	simm.s32 $0x108;
	s8 =	sld [smem:$0x3FAA]  }
0x2e: {  	s3 =	simm.s32 @!p0 $0x1082;
	s9 =	sld [smem:$0x3FAB]  }
0x2f: {  	lr =	sadd.s32 s0, s3;
	s0 =	sld [smem:$0x3FA2]  }
0x30: {  	s3 =	sld [smem:$0x3FA5]  }
0x31: {  	[smem:$0x3FAE] =	sst s10  }
0x32: {  	s10 =	sld [smem:$0x3FAC];
	_ =	sdelay $0x3  }
0x33: {  	p0 =	seq.s32 s10, $0x1;
	s10 =	sld [smem:$0x3FAE];
	_ =	sdelay $0x3  }
0x34: {  	[smem:$0x3FAE] =	sst s10  }
0x35: {  	s10 =	sld [smem:$0x3FAD];
	_ =	sdelay $0x3  }
0x36: {  	p1 =	seq.s32 s10, $0x1;
	s10 =	sld [smem:$0x3FAE];
	_ =	sdelay $0x3  }
0x37: {  	[smem:$0x3FAE] =	sst s10  }
0x38: {  	s10 =	sld [smem:$0x3FAF]  }
0x39: {  	_ = 	snop;
	(pc) =	sbr.ind lr, $3  }
0x3a: {  	_ = 	snop  }
0x3b: {  	_ = 	snop  }
0x3c: {  	p2 =	seq.s32 s10, $0x1;
	s10 =	sld [smem:$0x3FAE]  }
0x3d: {  	_ =	shalt  }
0x3e: {  	_ =	shalt  }
0x3f: {  	_ =	shalt  }
0x40: {  	_ =	shalt  }
0x41: {  	_ =	shalt  }
0x42: {  	_ =	shalt  }
0x43: {  	_ =	shalt  }
0x44: {  	_ =	shalt  }
0x45: {  	_ =	shalt  }
0x46: {  	_ =	shalt  }
0x47: {  	_ =	shalt  }
0x48: {  	_ =	shalt  }
0x49: {  	_ =	shalt  }
0x4a: {  	_ =	shalt  }
0x4b: {  	_ =	shalt  }
0x4c: {  	_ =	shalt  }
0x4d: {  	_ =	shalt  }
0x4e: {  	_ =	shalt  }
0x4f: {  	_ =	shalt  }
0x50: {  	_ =	shalt  }
0x51: {  	_ =	shalt  }
0x52: {  	_ =	shalt  }
0x53: {  	_ =	shalt  }
0x54: {  	_ =	shalt  }
0x55: {  	_ =	shalt  }
0x56: {  	_ =	shalt  }
0x57: {  	_ =	shalt  }
0x58: {  	_ =	shalt  }
0x59: {  	_ =	shalt  }
0x5a: {  	_ =	shalt  }
0x5b: {  	_ =	shalt  }
0x5c: {  	_ =	shalt  }
0x5d: {  	_ =	shalt  }
0x5e: {  	_ =	shalt  }
0x5f: {  	_ =	shalt  }
0x60: {  	_ =	shalt  }
0x61: {  	_ =	shalt  }
0x62: {  	_ =	shalt  }
0x63: {  	_ =	shalt  }
0x64: {  	_ =	shalt  }
0x65: {  	_ =	shalt  }
0x66: {  	_ =	shalt  }
0x67: {  	_ =	shalt  }
0x68: {  	_ =	shalt  }
0x69: {  	_ =	shalt  }
0x6a: {  	_ =	shalt  }
0x6b: {  	_ =	shalt  }
0x6c: {  	_ =	shalt  }
0x6d: {  	_ =	shalt  }
0x6e: {  	_ =	shalt  }
0x6f: {  	_ =	shalt  }
0x70: {  	_ =	shalt  }
0x71: {  	_ =	shalt  }
0x72: {  	_ =	shalt  }
0x73: {  	_ =	shalt  }
0x74: {  	_ =	shalt  }
0x75: {  	_ =	shalt  }
0x76: {  	_ =	shalt  }
0x77: {  	_ =	shalt  }
0x78: {  	_ =	shalt  }
0x79: {  	_ =	shalt  }
0x7a: {  	_ =	shalt  }
0x7b: {  	_ =	shalt  }
0x7c: {  	_ =	shalt  }
0x7d: {  	_ =	shalt  }
0x7e: {  	_ =	shalt  }
0x7f: {  	_ =	shalt  }
0x80: {  	_ =	shalt  }
0x81: {  	_ =	shalt  }
0x82: {  	_ =	shalt  }
0x83: {  	_ =	shalt  }
0x84: {  	_ =	shalt  }
0x85: {  	_ =	shalt  }
0x86: {  	_ =	shalt  }
0x87: {  	_ =	shalt  }
.Lfunc_end0:
.L_simem_size_0:
called_computation.1_lowered:
.L_overlay_start_0:
0x88: {  	s2 =	sld [smem:$0x3FD9]  }
0x89: {  	s3 =	sld [smem:$0x3FFE];
	_ =	sdelay $0x1  }
0x8a: {  	s1 =	srdreg.scid  }
0x8b: {  	s0 =	sand.u32 $0x1, s1  }
0x8c: {  	s16 =	sshll.u32 s0, $0xA;
	s2 =	sadd.s32 s3, s2  }
0x8d: {  	s2 =	sadd.s32 s2, s16  }
0x8e: {  	[smem:$0x3FBA] =	sst s2  }
0x8f: {  	_ = 	snop  }
0x90: {  	(tm) =	ssettm $0x1  }
0x91: {  	s17 =	sld [smem:$0x3FFB];
	_ =	sdelay $0x3  }
0x92: {  	_ =	strace s17  }
0x93: {  	s2 =	sld [smem:$0x3FFC];
	_ =	sdelay $0x3  }
0x94: {  	_ =	strace s2  }
0x95: {  	s2 =	sld [smem:$0x3FFD];
	_ =	sdelay $0x3  }
0x96: {  	_ =	strace s2  }
0x97: {  	_ =	strace $0x8FFFFFFF  }
0x98: {  	s18 =	sld [smem:$0x3FDB];
	_ =	sdelay $0x1  }
0x99: {  	s19 =	simm.s32 $_scs_section_size  }
0x9a: {  	s4 =	simm.s32 $_size__tile_overlayer_lowered;
	s5 =	simm.s32 $_tile_overlayer_lowered  }
0x9b: {  	s22 =	simm.s32 $0x1BFF;
	s21 =	sshll.u32 s5, $0x1;
	s2 =	sadd.s32 s19, s18  }
0x9c: {  	s6 =	simm.s32 $0x0;
	s20 =	sshll.u32 s4, $0x1;
	s4 =	sadd.s32 s21, s2  }
0x9d: {  	[timem:s6], [sflag:s22] =	dma.local [hbm:s4], s20  }
0x9e: {  	_ =	swait.ge [sflag:s22], s20  }
0x9f: {  	s3 =	ssub.s32 $0x0, s20;
	[sflag:s22] =	ssyncset.done $0x0  }
0xa0: {  	[sflag:s22] =	ssyncadd.s32 s3;
	_ =	sdelay $0x1  }
0xa1: {  	s23 =	simm.s32 $0x1B8B  }
0xa2: {  	_ =	swait.ge [sflag:s23], $0x1  }
0xa3: {  	[sflag:s23] =	ssyncset.done $0x0  }
0xa4: {  	s25 =	simm.s32 $0x1B8E;
	s24 =	sld [smem:$0x3FFE];
	[sflag:s23] =	ssyncadd.s32 $0xFFFFFFFF  }
0xa5: {  	s26 =	simm.s32 $execute0_lowered;
	[smem:$0x3FD2] =	sst s25  }
0xa6: {  	s4 =	sshll.u32 s26, $0x1;
	_ =	strace $0x80000049;
	[dreg:$0x1] =	wrdreg $0xFFFFFFFF  }
0xa7: {  	s28 =	simm.s32 $_size_execute0_lowered;
	s2 =	sadd.s32 s2, s4;
	[dreg:$0x0] =	wrdreg $0x0  }
0xa8: {  	s4 =	sshll.u32 s28, $0x1;
	[dreg:$0x2] =	wrdreg s2  }
0xa9: {  	[dreg:$0x3] =	wrdreg s4  }
0xaa: {  	[dreg:$0x4] =	wrdreg $0xC0  }
0xab: {  	_ =	task [dreg:s6], $0x5FFFF  }
0xac: {  	[dreg:$0x1] =	wrdreg $0xFFFFFFFF  }
0xad: {  	[dreg:$0x0] =	wrdreg $0x60  }
0xae: {  	[dreg:$0x2] =	wrdreg s24  }
0xaf: {  	[dreg:$0x3] =	wrdreg $0x9  }
0xb0: {  	_ =	task.clear_ibuf [dreg:s6], $0x4FFFF;
	_ =	strace $0x90000049  }
0xb1: {  	s29 =	simm.s32 $0x9;
	_ =	strace $0x8000004B  }
0xb2: {  	_ =	swait.ge [sflag:s29], $0x1  }
0xb3: {  	[sflag:s29] =	ssyncadd.s32 $0xFFFFFFFF  }
0xb4: {  	_ =	strace $0x9000004B  }
0xb5: {  	_ =	sfence  }
0xb6: {  	s30 =	sld [smem:$0x0];
	_ =	sdelay $0x2  }
0xb7: {  	s31 =	sshll.u32 s1, $0xD;
	s1 =	sshrl.u32 s1, $0x2  }
0xb8: {  	s3 =	sand.u32 $0x4000, s31;
	s1 =	sadd.s32 s1, s30  }
0xb9: {  	s0 =	sor.u32 s3, s0;
	s1 =	sshll.u32 s1, $0x11  }
0xba: {  	s0 =	sor.u32 s1, s0  }
0xbb: {  	s0 =	sadd.s32 $0x8F2B, s0  }
0xbc: {  	[sflag:s0] =	ssyncadd.remote.s32 $0x1  }
0xbd: {  	_ =	sfence.sel $0xFFFF  }
0xbe: {  	[dreg:$0x0] =	wrdreg $0xFFFFFFFF;
	(pc) =	sbr.abs _section_cstart, $3  }
0xbf: {  	[dreg:$0x1] =	wrdreg $0xFFFFFFFF  }
0xc0: {  	_ =	task.clear_ibuf [dreg:s6], $0x2FFFF;
	_ =	strace $0x9FFFFFFF  }
0xc1: {  	(tm) =	ssettm $0x7FFFFFFF  }
tec
execute0_lowered:
.L_overlay_start_1:
0x0: {  	(tag) =	ssettag $0x1  }
0x1: {  	s0 =	rddreg [dreg:$0x0];
	v0 =	vimm.s32 $0x0;
	v1 =	vlaneseq.u32;
	s1 =	simm.s32 $0x0  }
0x2: {  	v2 =	vimm.s32 $0x1;
	v3 =	vimm.s32 $0x2;
	s3 =	srdreg.scid;
	v4 =	vimm.s32 $0x3;
	s6 =	stileid.u32;
	s12 =	simm.s32 $0xD500  }
0x3: {  	vm0 =	vmmov $0xffff;
	s13 =	simm.s32 $0x4;
	s14 =	simm.s32 $0xF500;
	s15 =	simm.s32 $0xFD00;
	v6 =	vshrl.u32 v1, $0x3;
	v5 =	vand.u32 $0x7, v1  }
0x4: {  	s16 =	simm.s32 $0xB400;
	s17 =	simm.s32 $0xBC00;
	s18 =	simm.s32 $0x1;
	v7 =	vor.u32 $0x8, v1;
	v8 =	vor.u32 $0x10, v1;
	v9 =	vor.u32 $0x20, v1  }
0x5: {  	s19 =	simm.s32 $0xDD00;
	s20 =	simm.s32 $0xE500;
	s21 =	simm.s32 $0xED00;
	v10 =	vor.u32 $0x30, v1;
	v11 =	vor.u32 $0x40, v1;
	v12 =	vor.u32 $0x50, v1  }
0x6: {  	s22 =	simm.s32 $0x10;
	s23 =	simm.s32 $0xD400;
	s24 =	simm.s32 $0xD480;
	v13 =	vor.u32 $0x60, v1;
	v14 =	vor.u32 $0x70, v1;
	v15 =	vor.u32 $0x400, v1  }
0x7: {  	s25 =	simm.s32 $0x2;
	s26 =	simm.s32 $0x3;
	[smem:$0x7FF] =	sst s1;
	v16 =	vor.u32 $0x410, v1;
	v17 =	vor.u32 $0x420, v1;
	v18 =	vor.u32 $0x430, v1  }
0x8: {  	s2 =	sadd.s32 $0xC400, s0;
	s3 =	sand.u32 $0x1, s3;
	s9 =	smul.u32 $0x140, s6;
	v19 =	vor.u32 $0x440, v1;
	v20 =	vor.u32 $0x450, v1;
	v21 =	vor.u32 $0x460, v1  }
0x9: {  	s4 =	sadd.s32 $0xAC400, s0;
	s5 =	sadd.s32 $0xD4400, s0;
	v22 =	vor.u32 $0x470, v1;
	v23 =	vor.u32 $0x800, v1;
	v24 =	vor.u32 $0x810, v1;
	s8 =	smul.u32 $0x1400, s3  }
.Ltmp0:
0xa: {  	s6 =	sadd.s32 $0x7400, s0;
	v25 =	vor.u32 $0x820, v1;
	v26 =	vor.u32 $0x830, v1;
	v27 =	vor.u32 $0x840, v1;
	s3 =	ssub.s32 $0x2, s3;
	(pc) =	sbr.rel .LBB2_1-.Ltmp0, $4  }
0xb: {  	s11 =	sadd.s32 $0xFC400, s0;
	v28 =	vor.u32 $0x850, v1;
	v29 =	vor.u32 $0x860, v1;
	v30 =	vor.u32 $0x870, v1;
	_ =	strace $0x8000004A;
	s10 =	sshrl.u32 s3, $0x1  }
0xc: {  	v31 =	vor.u32 $0xC00, v1;
	v32 =	vor.u32 $0xC10, v1;
	v33 =	vor.u32 $0xC20, v1;
	[dreg:$0x2] =	wrdreg s11;
	s3 =	ssub.s32 s3, s10;
	s8 =	sadd.s32 s9, s8  }
0xd: {  	s7 =	sadd.s32 $0x2400, s0;
	v34 =	vor.u32 $0xC30, v1;
	v35 =	vor.u32 $0xC40, v1;
	v36 =	vor.u32 $0xC50, v1;
	[dreg:$0x3] =	wrdreg s8;
	s31 =	smax.u32 s3, $0x1  }
0xe: {  	v37 =	vor.u32 $0xC60, v1;
	v38 =	vor.u32 $0xC70, v1;
	v6 =	vmul.u32 $0x8, v6;
	s10 =	sadd.s32 $0xC500, s0;
	s3 =	simm.s32 $0x0;
	[dreg:$0x4] =	wrdreg s31  }
.LBB2_19:
0xf: {  	s3 =	rddreg [dreg:$0x5]  }
0x10: {  	s0 =	rddreg [dreg:$0x4];
	s3 =	sadd.s32 $0x1, s3  }
0x11: {  	p0 =	sne.s32 s3, s0  }
.Ltmp1:
0x12: {  	_ = 	snop;
	(pc) =	sbr.rel @!p0 .LBB2_20-.Ltmp1, $1  }
0x13: {  	_ =	sdelay $0x3  }
.LBB2_1:
.Ltmp2:
0x14: {  	(pc) =	sbr.rel .LBB2_2-.Ltmp2, $2  }
0x15: {  	_ =	sdelay $0x2  }
0x16: {  	[dreg:$0x5] =	wrdreg s3;
	s0 =	simm.s32 $0x0  }
.LBB2_18:
0x17: {  	s0 =	sshrl.u32 s30, $0x3  }
0x18: {  	s0 =	smul.u32 $0x280, s0  }
0x19: {  	s3 =	rddreg [dreg:$0x2]  }
0x1a: {  	s0 =	sadd.s32 s3, s0  }
0x1b: {  	[hbm4b:s0+s1] =	stream.linear.scatter [tilespmem:s1], [sflag:$0x4], $0xA000, $0x38;
	[tilespmem:$0x10500] =	vst v63  }
0x1c: {  	_ =	swait.ge [sflag:s13], $0xA000  }
0x1d: {  	s31 =	rddreg [dreg:$0x6]  }
0x1e: {  	s0 =	sadd.s32 $0x1, s31  }
0x1f: {  	p0 =	sne.s32 s0, $0x5  }
.Ltmp3:
0x20: {  	_ = 	snop;
	(pc) =	sbr.rel @!p0 .LBB2_19-.Ltmp3, $3  }
0x21: {  	_ =	sdelay $0x1  }
0x22: {  	[sflag:s13] =	ssyncset.done $0x0  }
0x23: {  	[sflag:s13] =	ssyncadd.s32 $0xFFFF6000  }
.LBB2_2:
.Ltmp4:
0x24: {  	(pc) =	sbr.rel .LBB2_3-.Ltmp4, $4  }
0x25: {  	_ = 	snop  }
0x26: {  	[dreg:$0x6] =	wrdreg s0  }
0x27: {  	s31 =	sshll.u32 s0, $0x6;
	s3 =	rddreg [dreg:$0x3]  }
0x28: {  	s0 =	simm.s32 $0x0;
	s30 =	sadd.s32 s31, s3;
	s3 =	simm.s32 $0x800  }
.LBB2_6:
0x29: {  	_ =	sdelay $0x3  }
0x2a: {  	[tilespmem:v39+s31+$0x470 ss:$0x1] =	vst.idx.msk $0xffff, v40  }
.LBB2_7:
0x2b: {  	s0 =	sadd.s32 $0x1, s0  }
0x2c: {  	p0 =	seq.s32 s0, $0x8  }
.Ltmp5:
0x2d: {  	_ = 	snop;
	(pc) =	sbr.rel @p0 .LBB2_8-.Ltmp5, $2  }
0x2e: {  	_ =	sdelay $0x2  }
0x2f: {  	s3 =	sadd.s32 $0x1400, s3  }
.LBB2_3:
0x30: {  	s8 =	sshll.u32 s0, $0x3  }
0x31: {  	s8 =	sadd.s32 s30, s8  }
0x32: {  	p0 =	sgt.u32 s8, $0x270F  }
.Ltmp6:
0x33: {  	_ = 	snop;
	(pc) =	sbr.rel @p0 .LBB2_7-.Ltmp6, $1  }
0x34: {  	_ =	sdelay $0x3  }
0x35: {  	s9 =	sshll.u32 s8, $0x6  }
0x36: {  	s11 =	simm.s32 $0x0;
	s9 =	sadd.s32 s2, s9  }
0x37: {  	[tilespmem:s12], [sflag:$0x4] =	stream.linear.gather [hbm4b:s9+s11], $0x1000, $0x38;
	[tilespmem:$0x10500] =	vst v63  }
0x38: {  	_ =	swait.ge [sflag:s13], $0x1000  }
0x39: {  	s28 =	sshll.u32 s8, $0x4;
	[sflag:s13] =	ssyncset.done $0x0  }
0x3a: {  	s29 =	sadd.s32 s4, s28;
	[sflag:s13] =	ssyncadd.s32 $0xFFFFF000  }
0x3b: {  	[tilespmem:s14], [sflag:$0x4] =	stream.linear.gather [hbm4b:s29+s11], $0x400, $0x38;
	[tilespmem:$0x10500] =	vst v63  }
0x3c: {  	_ =	swait.ge [sflag:s13], $0x400  }
0x3d: {  	[sflag:s13] =	ssyncset.done $0x0  }
0x3e: {  	s8 =	sadd.s32 s5, s28;
	[sflag:s13] =	ssyncadd.s32 $0xFFFFFC00  }
0x3f: {  	[tilespmem:s15], [sflag:$0x4] =	stream.linear.gather [hbm4b:s8+s11], $0x400, $0x38;
	[tilespmem:$0x10500] =	vst v63  }
0x40: {  	_ =	swait.ge [sflag:s13], $0x400  }
0x41: {  	[sflag:s13] =	ssyncset.done $0x0  }
0x42: {  	s31 =	simm.s32 $0x0;
	[sflag:s13] =	ssyncadd.s32 $0xFFFFFC00  }
0x43: {  	v39 =	vld [tilespmem:s31+$0xF500]  }
0x44: {  	v40 =	vld [tilespmem:s31+$0xFD00];
	_ =	sdelay $0x4  }
0x45: {  	v39 =	vadd.f32 v40, v39;
	_ =	sdelay $0x1  }
0x46: {  	v40 =	vmul.f32 $2.000000030e-01, v39;
	_ =	sdelay $0x1  }
0x47: {  	v39 =	vmax.f32 v39, v40  }
0x48: {  	v39 =	vmul.f32 $1.442695020e+00, v39;
	_ =	sdelay $0x1  }
0x49: {  	(erf) = vpow2.f32 v39;
	_ =	sdelay $0x4  }
0x4a: {  	v39 =	vmov s3;
	_ =	sdelay $0x3  }
0x4b: {  	v61 =	vpop (erf)  }
0x4c: {  	[tilespmem:v39+s31+$0x800 ss:$0x1] =	vst.idx.msk $0xffff, v61  }
0x4d: {  	v41 =	vld [tilespmem:s31+$0xD500];
	_ =	sdelay $0x2  }
0x4e: {  	v42 =	vperm.xlane v61, v0;
	_ =	sdelay $0x1  }
0x4f: {  	v41 =	vmul.f32 v41, v42;
	_ =	sdelay $0x1  }
0x50: {  	[tilespmem:v39+s31+$0xFFFFF800 ss:$0x1] =	vst.idx.msk $0xffff, v41  }
0x51: {  	v41 =	vld [tilespmem:s31+$0xD510];
	_ =	sdelay $0x4  }
0x52: {  	v41 =	vmul.f32 v41, v42;
	_ =	sdelay $0x1  }
0x53: {  	[tilespmem:v39+s31+$0xFFFFF810 ss:$0x1] =	vst.idx.msk $0xffff, v41  }
0x54: {  	v41 =	vld [tilespmem:s31+$0xD520];
	_ =	sdelay $0x4  }
0x55: {  	v41 =	vmul.f32 v41, v42;
	_ =	sdelay $0x1  }
0x56: {  	[tilespmem:v39+s31+$0xFFFFF820 ss:$0x1] =	vst.idx.msk $0xffff, v41  }
0x57: {  	v41 =	vld [tilespmem:s31+$0xD530];
	_ =	sdelay $0x4  }
0x58: {  	v41 =	vmul.f32 v41, v42;
	_ =	sdelay $0x1  }
0x59: {  	[tilespmem:v39+s31+$0xFFFFF830 ss:$0x1] =	vst.idx.msk $0xffff, v41  }
0x5a: {  	v41 =	vld [tilespmem:s31+$0xD540];
	_ =	sdelay $0x4  }
0x5b: {  	v41 =	vmul.f32 v41, v42;
	_ =	sdelay $0x1  }
0x5c: {  	[tilespmem:v39+s31+$0xFFFFF840 ss:$0x1] =	vst.idx.msk $0xffff, v41  }
0x5d: {  	v41 =	vld [tilespmem:s31+$0xD550];
	_ =	sdelay $0x4  }
0x5e: {  	v41 =	vmul.f32 v41, v42;
	_ =	sdelay $0x1  }
0x5f: {  	[tilespmem:v39+s31+$0xFFFFF850 ss:$0x1] =	vst.idx.msk $0xffff, v41  }
0x60: {  	v41 =	vld [tilespmem:s31+$0xD560];
	_ =	sdelay $0x4  }
0x61: {  	v41 =	vmul.f32 v41, v42;
	_ =	sdelay $0x1  }
0x62: {  	[tilespmem:v39+s31+$0xFFFFF860 ss:$0x1] =	vst.idx.msk $0xffff, v41  }
0x63: {  	v41 =	vld [tilespmem:s31+$0xD570];
	_ =	sdelay $0x4  }
0x64: {  	v41 =	vmul.f32 v41, v42;
	_ =	sdelay $0x1  }
0x65: {  	[tilespmem:v39+s31+$0xFFFFF870 ss:$0x1] =	vst.idx.msk $0xffff, v41  }
0x66: {  	v41 =	vld [tilespmem:s31+$0xD900];
	_ =	sdelay $0x2  }
0x67: {  	v62 =	vperm.xlane v61, v2;
	_ =	sdelay $0x1  }
0x68: {  	v41 =	vmul.f32 v41, v62;
	_ =	sdelay $0x1  }
0x69: {  	[tilespmem:v39+s31+$0xFFFFFC00 ss:$0x1] =	vst.idx.msk $0xffff, v41  }
0x6a: {  	v41 =	vld [tilespmem:s31+$0xD910];
	_ =	sdelay $0x4  }
0x6b: {  	v41 =	vmul.f32 v41, v62;
	_ =	sdelay $0x1  }
0x6c: {  	[tilespmem:v39+s31+$0xFFFFFC10 ss:$0x1] =	vst.idx.msk $0xffff, v41  }
0x6d: {  	v41 =	vld [tilespmem:s31+$0xD920];
	_ =	sdelay $0x4  }
0x6e: {  	v41 =	vmul.f32 v41, v62;
	_ =	sdelay $0x1  }
0x6f: {  	[tilespmem:v39+s31+$0xFFFFFC20 ss:$0x1] =	vst.idx.msk $0xffff, v41  }
0x70: {  	v41 =	vld [tilespmem:s31+$0xD930];
	_ =	sdelay $0x4  }
0x71: {  	v41 =	vmul.f32 v41, v62;
	_ =	sdelay $0x1  }
0x72: {  	[tilespmem:v39+s31+$0xFFFFFC30 ss:$0x1] =	vst.idx.msk $0xffff, v41  }
0x73: {  	v41 =	vld [tilespmem:s31+$0xD940];
	_ =	sdelay $0x4  }
0x74: {  	v41 =	vmul.f32 v41, v62;
	_ =	sdelay $0x1  }
0x75: {  	[tilespmem:v39+s31+$0xFFFFFC40 ss:$0x1] =	vst.idx.msk $0xffff, v41  }
0x76: {  	v41 =	vld [tilespmem:s31+$0xD950];
	_ =	sdelay $0x4  }
0x77: {  	v41 =	vmul.f32 v41, v62;
	_ =	sdelay $0x1  }
0x78: {  	[tilespmem:v39+s31+$0xFFFFFC50 ss:$0x1] =	vst.idx.msk $0xffff, v41  }
0x79: {  	v41 =	vld [tilespmem:s31+$0xD960];
	_ =	sdelay $0x4  }
0x7a: {  	v41 =	vmul.f32 v41, v62;
	_ =	sdelay $0x1  }
0x7b: {  	[tilespmem:v39+s31+$0xFFFFFC60 ss:$0x1] =	vst.idx.msk $0xffff, v41  }
0x7c: {  	v41 =	vld [tilespmem:s31+$0xD970];
	_ =	sdelay $0x4  }
0x7d: {  	v41 =	vmul.f32 v41, v62;
	_ =	sdelay $0x1  }
0x7e: {  	[tilespmem:v39+s31+$0xFFFFFC70 ss:$0x1] =	vst.idx.msk $0xffff, v41  }
0x7f: {  	v41 =	vld [tilespmem:s31+$0xDD00];
	_ =	sdelay $0x2  }
0x80: {  	v63 =	vperm.xlane v61, v3;
	_ =	sdelay $0x1  }
0x81: {  	v41 =	vmul.f32 v41, v63;
	_ =	sdelay $0x1  }
0x82: {  	[tilespmem:v39+s31+$0x0 ss:$0x1] =	vst.idx.msk $0xffff, v41  }
0x83: {  	v41 =	vld [tilespmem:s31+$0xDD10];
	_ =	sdelay $0x4  }
0x84: {  	v41 =	vmul.f32 v41, v63;
	_ =	sdelay $0x1  }
0x85: {  	[tilespmem:v39+s31+$0x10 ss:$0x1] =	vst.idx.msk $0xffff, v41  }
0x86: {  	v41 =	vld [tilespmem:s31+$0xDD20];
	_ =	sdelay $0x4  }
0x87: {  	v41 =	vmul.f32 v41, v63;
	_ =	sdelay $0x1  }
0x88: {  	[tilespmem:v39+s31+$0x20 ss:$0x1] =	vst.idx.msk $0xffff, v41  }
0x89: {  	v41 =	vld [tilespmem:s31+$0xDD30];
	_ =	sdelay $0x4  }
0x8a: {  	v41 =	vmul.f32 v41, v63;
	_ =	sdelay $0x1  }
0x8b: {  	[tilespmem:v39+s31+$0x30 ss:$0x1] =	vst.idx.msk $0xffff, v41  }
0x8c: {  	v41 =	vld [tilespmem:s31+$0xDD40];
	_ =	sdelay $0x4  }
0x8d: {  	v41 =	vmul.f32 v41, v63;
	_ =	sdelay $0x1  }
0x8e: {  	[tilespmem:v39+s31+$0x40 ss:$0x1] =	vst.idx.msk $0xffff, v41  }
0x8f: {  	v41 =	vld [tilespmem:s31+$0xDD50];
	_ =	sdelay $0x4  }
0x90: {  	v41 =	vmul.f32 v41, v63;
	_ =	sdelay $0x1  }
0x91: {  	[tilespmem:v39+s31+$0x50 ss:$0x1] =	vst.idx.msk $0xffff, v41  }
0x92: {  	v41 =	vld [tilespmem:s31+$0xDD60];
	_ =	sdelay $0x4  }
0x93: {  	v41 =	vmul.f32 v41, v63;
	_ =	sdelay $0x1  }
0x94: {  	[tilespmem:v39+s31+$0x60 ss:$0x1] =	vst.idx.msk $0xffff, v41  }
0x95: {  	v41 =	vld [tilespmem:s31+$0xDD70];
	_ =	sdelay $0x4  }
0x96: {  	v41 =	vmul.f32 v41, v63;
	_ =	sdelay $0x1  }
0x97: {  	[tilespmem:v39+s31+$0x70 ss:$0x1] =	vst.idx.msk $0xffff, v41  }
0x98: {  	v41 =	vld [tilespmem:s31+$0xE100];
	_ =	sdelay $0x2  }
0x99: {  	v40 =	vperm.xlane v61, v4;
	_ =	sdelay $0x1  }
0x9a: {  	v41 =	vmul.f32 v41, v40;
	_ =	sdelay $0x1  }
0x9b: {  	[tilespmem:v39+s31+$0x400 ss:$0x1] =	vst.idx.msk $0xffff, v41  }
0x9c: {  	v41 =	vld [tilespmem:s31+$0xE110];
	_ =	sdelay $0x4  }
0x9d: {  	v41 =	vmul.f32 v41, v40;
	_ =	sdelay $0x1  }
0x9e: {  	[tilespmem:v39+s31+$0x410 ss:$0x1] =	vst.idx.msk $0xffff, v41  }
0x9f: {  	v41 =	vld [tilespmem:s31+$0xE120];
	_ =	sdelay $0x4  }
0xa0: {  	v41 =	vmul.f32 v41, v40;
	_ =	sdelay $0x1  }
0xa1: {  	[tilespmem:v39+s31+$0x420 ss:$0x1] =	vst.idx.msk $0xffff, v41  }
0xa2: {  	v41 =	vld [tilespmem:s31+$0xE130];
	_ =	sdelay $0x4  }
0xa3: {  	v41 =	vmul.f32 v41, v40;
	_ =	sdelay $0x1  }
0xa4: {  	[tilespmem:v39+s31+$0x430 ss:$0x1] =	vst.idx.msk $0xffff, v41  }
0xa5: {  	v41 =	vld [tilespmem:s31+$0xE140];
	_ =	sdelay $0x4  }
0xa6: {  	v41 =	vmul.f32 v41, v40;
	_ =	sdelay $0x1  }
0xa7: {  	[tilespmem:v39+s31+$0x440 ss:$0x1] =	vst.idx.msk $0xffff, v41  }
0xa8: {  	v41 =	vld [tilespmem:s31+$0xE150];
	_ =	sdelay $0x4  }
0xa9: {  	v41 =	vmul.f32 v41, v40;
	_ =	sdelay $0x1  }
0xaa: {  	[tilespmem:v39+s31+$0x450 ss:$0x1] =	vst.idx.msk $0xffff, v41  }
0xab: {  	v41 =	vld [tilespmem:s31+$0xE160];
	_ =	sdelay $0x4  }
0xac: {  	v41 =	vmul.f32 v41, v40;
	_ =	sdelay $0x1  }
0xad: {  	[tilespmem:v39+s31+$0x460 ss:$0x1] =	vst.idx.msk $0xffff, v41  }
0xae: {  	v41 =	vld [tilespmem:s31+$0xE170];
	_ =	sdelay $0x4  }
0xaf: {  	s8 =	simm.s32 $0x200;
	v40 =	vmul.f32 v41, v40  }
.LBB2_5:
0xb0: {  	p0 =	sne.s32 s8, $0xE00;
	s9 =	smov.u32 s8;
	s8 =	sadd.s32 $0x200, s8  }
0xb1: {  	[tilespmem:v39+s31+$0x470 ss:$0x1] =	vst.idx.msk $0xffff, v40;
	s31 =	sshra.s32 s9, $0x2  }
0xb2: {  	v40 =	vld [tilespmem:s31+$0xF500]  }
0xb3: {  	v41 =	vld [tilespmem:s31+$0xFD00];
	_ =	sdelay $0x4  }
0xb4: {  	v40 =	vadd.f32 v41, v40;
	_ =	sdelay $0x1  }
0xb5: {  	v41 =	vmul.f32 $2.000000030e-01, v40;
	_ =	sdelay $0x1  }
0xb6: {  	v40 =	vmax.f32 v40, v41  }
0xb7: {  	v40 =	vmul.f32 $1.442695020e+00, v40;
	_ =	sdelay $0x1  }
0xb8: {  	(erf) = vpow2.f32 v40;
	_ =	sdelay $0x8  }
0xb9: {  	v40 =	vpop (erf)  }
0xba: {  	[tilespmem:v39+s31+$0x800 ss:$0x1] =	vst.idx.msk $0xffff, v40  }
0xbb: {  	v41 =	vld [tilespmem:s31+$0xD500];
	_ =	sdelay $0x1  }
0xbc: {  	v42 =	vperm.xlane v40, v0;
	_ =	sdelay $0x2  }
0xbd: {  	v41 =	vmul.f32 v41, v42;
	_ =	sdelay $0x1  }
0xbe: {  	[tilespmem:v39+s31+$0xFFFFF800 ss:$0x1] =	vst.idx.msk $0xffff, v41  }
0xbf: {  	v41 =	vld [tilespmem:s31+$0xD510];
	_ =	sdelay $0x4  }
0xc0: {  	v41 =	vmul.f32 v41, v42;
	_ =	sdelay $0x1  }
0xc1: {  	[tilespmem:v39+s31+$0xFFFFF810 ss:$0x1] =	vst.idx.msk $0xffff, v41  }
0xc2: {  	v41 =	vld [tilespmem:s31+$0xD520];
	_ =	sdelay $0x4  }
0xc3: {  	v41 =	vmul.f32 v41, v42;
	_ =	sdelay $0x1  }
0xc4: {  	[tilespmem:v39+s31+$0xFFFFF820 ss:$0x1] =	vst.idx.msk $0xffff, v41  }
0xc5: {  	v41 =	vld [tilespmem:s31+$0xD530];
	_ =	sdelay $0x4  }
0xc6: {  	v41 =	vmul.f32 v41, v42;
	_ =	sdelay $0x1  }
0xc7: {  	[tilespmem:v39+s31+$0xFFFFF830 ss:$0x1] =	vst.idx.msk $0xffff, v41  }
0xc8: {  	v41 =	vld [tilespmem:s31+$0xD540];
	_ =	sdelay $0x4  }
0xc9: {  	v41 =	vmul.f32 v41, v42;
	_ =	sdelay $0x1  }
0xca: {  	[tilespmem:v39+s31+$0xFFFFF840 ss:$0x1] =	vst.idx.msk $0xffff, v41  }
0xcb: {  	v41 =	vld [tilespmem:s31+$0xD550];
	_ =	sdelay $0x4  }
0xcc: {  	v41 =	vmul.f32 v41, v42;
	_ =	sdelay $0x1  }
0xcd: {  	[tilespmem:v39+s31+$0xFFFFF850 ss:$0x1] =	vst.idx.msk $0xffff, v41  }
0xce: {  	v41 =	vld [tilespmem:s31+$0xD560];
	_ =	sdelay $0x4  }
0xcf: {  	v41 =	vmul.f32 v41, v42;
	_ =	sdelay $0x1  }
0xd0: {  	[tilespmem:v39+s31+$0xFFFFF860 ss:$0x1] =	vst.idx.msk $0xffff, v41  }
0xd1: {  	v41 =	vld [tilespmem:s31+$0xD570];
	_ =	sdelay $0x4  }
0xd2: {  	v41 =	vmul.f32 v41, v42;
	_ =	sdelay $0x1  }
0xd3: {  	[tilespmem:v39+s31+$0xFFFFF870 ss:$0x1] =	vst.idx.msk $0xffff, v41  }
0xd4: {  	v41 =	vld [tilespmem:s31+$0xD900];
	_ =	sdelay $0x1  }
0xd5: {  	v42 =	vperm.xlane v40, v2;
	_ =	sdelay $0x2  }
0xd6: {  	v41 =	vmul.f32 v41, v42;
	_ =	sdelay $0x1  }
0xd7: {  	[tilespmem:v39+s31+$0xFFFFFC00 ss:$0x1] =	vst.idx.msk $0xffff, v41  }
0xd8: {  	v41 =	vld [tilespmem:s31+$0xD910];
	_ =	sdelay $0x4  }
0xd9: {  	v41 =	vmul.f32 v41, v42;
	_ =	sdelay $0x1  }
0xda: {  	[tilespmem:v39+s31+$0xFFFFFC10 ss:$0x1] =	vst.idx.msk $0xffff, v41  }
0xdb: {  	v41 =	vld [tilespmem:s31+$0xD920];
	_ =	sdelay $0x4  }
0xdc: {  	v41 =	vmul.f32 v41, v42;
	_ =	sdelay $0x1  }
0xdd: {  	[tilespmem:v39+s31+$0xFFFFFC20 ss:$0x1] =	vst.idx.msk $0xffff, v41  }
0xde: {  	v41 =	vld [tilespmem:s31+$0xD930];
	_ =	sdelay $0x4  }
0xdf: {  	v41 =	vmul.f32 v41, v42;
	_ =	sdelay $0x1  }
0xe0: {  	[tilespmem:v39+s31+$0xFFFFFC30 ss:$0x1] =	vst.idx.msk $0xffff, v41  }
0xe1: {  	v41 =	vld [tilespmem:s31+$0xD940];
	_ =	sdelay $0x4  }
0xe2: {  	v41 =	vmul.f32 v41, v42;
	_ =	sdelay $0x1  }
0xe3: {  	[tilespmem:v39+s31+$0xFFFFFC40 ss:$0x1] =	vst.idx.msk $0xffff, v41  }
0xe4: {  	v41 =	vld [tilespmem:s31+$0xD950];
	_ =	sdelay $0x4  }
0xe5: {  	v41 =	vmul.f32 v41, v42;
	_ =	sdelay $0x1  }
0xe6: {  	[tilespmem:v39+s31+$0xFFFFFC50 ss:$0x1] =	vst.idx.msk $0xffff, v41  }
0xe7: {  	v41 =	vld [tilespmem:s31+$0xD960];
	_ =	sdelay $0x4  }
0xe8: {  	v41 =	vmul.f32 v41, v42;
	_ =	sdelay $0x1  }
0xe9: {  	[tilespmem:v39+s31+$0xFFFFFC60 ss:$0x1] =	vst.idx.msk $0xffff, v41  }
0xea: {  	v41 =	vld [tilespmem:s31+$0xD970];
	_ =	sdelay $0x4  }
0xeb: {  	v41 =	vmul.f32 v41, v42;
	_ =	sdelay $0x1  }
0xec: {  	[tilespmem:v39+s31+$0xFFFFFC70 ss:$0x1] =	vst.idx.msk $0xffff, v41  }
0xed: {  	v41 =	vld [tilespmem:s31+$0xDD00];
	_ =	sdelay $0x1  }
0xee: {  	v42 =	vperm.xlane v40, v3;
	_ =	sdelay $0x2  }
0xef: {  	v41 =	vmul.f32 v41, v42;
	_ =	sdelay $0x1  }
0xf0: {  	[tilespmem:v39+s31+$0x0 ss:$0x1] =	vst.idx.msk $0xffff, v41  }
0xf1: {  	v41 =	vld [tilespmem:s31+$0xDD10];
	_ =	sdelay $0x4  }
0xf2: {  	v41 =	vmul.f32 v41, v42;
	_ =	sdelay $0x1  }
0xf3: {  	[tilespmem:v39+s31+$0x10 ss:$0x1] =	vst.idx.msk $0xffff, v41  }
0xf4: {  	v41 =	vld [tilespmem:s31+$0xDD20];
	_ =	sdelay $0x4  }
0xf5: {  	v41 =	vmul.f32 v41, v42;
	_ =	sdelay $0x1  }
0xf6: {  	[tilespmem:v39+s31+$0x20 ss:$0x1] =	vst.idx.msk $0xffff, v41  }
0xf7: {  	v41 =	vld [tilespmem:s31+$0xDD30];
	_ =	sdelay $0x4  }
0xf8: {  	v41 =	vmul.f32 v41, v42;
	_ =	sdelay $0x1  }
0xf9: {  	[tilespmem:v39+s31+$0x30 ss:$0x1] =	vst.idx.msk $0xffff, v41  }
0xfa: {  	v41 =	vld [tilespmem:s31+$0xDD40];
	_ =	sdelay $0x4  }
0xfb: {  	v41 =	vmul.f32 v41, v42;
	_ =	sdelay $0x1  }
0xfc: {  	[tilespmem:v39+s31+$0x40 ss:$0x1] =	vst.idx.msk $0xffff, v41  }
0xfd: {  	v41 =	vld [tilespmem:s31+$0xDD50];
	_ =	sdelay $0x4  }
0xfe: {  	v41 =	vmul.f32 v41, v42;
	_ =	sdelay $0x1  }
0xff: {  	[tilespmem:v39+s31+$0x50 ss:$0x1] =	vst.idx.msk $0xffff, v41  }
0x100: {  	v41 =	vld [tilespmem:s31+$0xDD60];
	_ =	sdelay $0x4  }
0x101: {  	v41 =	vmul.f32 v41, v42;
	_ =	sdelay $0x1  }
0x102: {  	[tilespmem:v39+s31+$0x60 ss:$0x1] =	vst.idx.msk $0xffff, v41  }
0x103: {  	v41 =	vld [tilespmem:s31+$0xDD70];
	_ =	sdelay $0x4  }
0x104: {  	v41 =	vmul.f32 v41, v42;
	_ =	sdelay $0x1  }
0x105: {  	[tilespmem:v39+s31+$0x70 ss:$0x1] =	vst.idx.msk $0xffff, v41  }
0x106: {  	v41 =	vld [tilespmem:s31+$0xE100];
	_ =	sdelay $0x1  }
0x107: {  	v40 =	vperm.xlane v40, v4;
	_ =	sdelay $0x2  }
0x108: {  	v41 =	vmul.f32 v41, v40;
	_ =	sdelay $0x1  }
0x109: {  	[tilespmem:v39+s31+$0x400 ss:$0x1] =	vst.idx.msk $0xffff, v41  }
0x10a: {  	v41 =	vld [tilespmem:s31+$0xE110];
	_ =	sdelay $0x4  }
0x10b: {  	v41 =	vmul.f32 v41, v40;
	_ =	sdelay $0x1  }
0x10c: {  	[tilespmem:v39+s31+$0x410 ss:$0x1] =	vst.idx.msk $0xffff, v41  }
0x10d: {  	v41 =	vld [tilespmem:s31+$0xE120];
	_ =	sdelay $0x4  }
0x10e: {  	v41 =	vmul.f32 v41, v40;
	_ =	sdelay $0x1  }
0x10f: {  	[tilespmem:v39+s31+$0x420 ss:$0x1] =	vst.idx.msk $0xffff, v41  }
0x110: {  	v41 =	vld [tilespmem:s31+$0xE130];
	_ =	sdelay $0x4  }
0x111: {  	v41 =	vmul.f32 v41, v40;
	_ =	sdelay $0x1  }
0x112: {  	[tilespmem:v39+s31+$0x430 ss:$0x1] =	vst.idx.msk $0xffff, v41  }
0x113: {  	v41 =	vld [tilespmem:s31+$0xE140];
	_ =	sdelay $0x4  }
0x114: {  	v41 =	vmul.f32 v41, v40;
	_ =	sdelay $0x1  }
0x115: {  	[tilespmem:v39+s31+$0x440 ss:$0x1] =	vst.idx.msk $0xffff, v41  }
0x116: {  	v41 =	vld [tilespmem:s31+$0xE150];
	_ =	sdelay $0x4  }
0x117: {  	v41 =	vmul.f32 v41, v40;
	_ =	sdelay $0x1  }
0x118: {  	[tilespmem:v39+s31+$0x450 ss:$0x1] =	vst.idx.msk $0xffff, v41  }
0x119: {  	v41 =	vld [tilespmem:s31+$0xE160];
	_ =	sdelay $0x4  }
0x11a: {  	v41 =	vmul.f32 v41, v40;
	_ =	sdelay $0x1  }
0x11b: {  	[tilespmem:v39+s31+$0x460 ss:$0x1] =	vst.idx.msk $0xffff, v41  }
0x11c: {  	v41 =	vld [tilespmem:s31+$0xE170]  }
.Ltmp7:
0x11d: {  	(pc) =	sbr.rel @p0 .LBB2_5-.Ltmp7, $2  }
0x11e: {  	_ =	sdelay $0x2  }
0x11f: {  	v40 =	vmul.f32 v41, v40  }
.Ltmp8:
0x120: {  	_ = 	snop;
	(pc) =	sbr.rel .LBB2_6-.Ltmp8, $1  }
0x121: {  	_ =	sdelay $0x3  }
.LBB2_8:
0x122: {  	s0 =	sadd.s32 $0x40, s30  }
0x123: {  	s3 =	simm.s32 $0x0;
	v40 =	vmov s0;
	s0 =	simm.s32 $0x40  }
.LBB2_9:
0x124: {  	p0 =	seq.s32 s0, $0x1FC0;
	[tilespmem:s3+$0xC400] =	vst v0;
	s8 =	smov.u32 s0;
	s0 =	sadd.s32 $0x40, s0  }
.Ltmp9:
0x125: {  	[tilespmem:s3+$0xCC00] =	vst v40;
	(pc) =	sbr.rel @!p0 .LBB2_9-.Ltmp9, $2  }
0x126: {  	_ =	sdelay $0x2  }
0x127: {  	s3 =	sshra.s32 s8, $0x2  }
0x128: {  	[tilespmem:s3+$0xC400] =	vst v0  }
0x129: {  	[tilespmem:s3+$0xCC00] =	vst v40;
	v39 =	vmov s30;
	s3 =	simm.s32 $0x0;
	s0 =	simm.s32 $0x0;
	s8 =	simm.s32 $0x0  }
.LBB2_11:
0x12a: {  	s9 =	smul.u32 $0xFA, s8;
	_ =	sdelay $0x1  }
0x12b: {  	s11 =	sadd.s32 s6, s9  }
0x12c: {  	[tilespmem:s16], [sflag:$0x4] =	stream.linear.gather [hbm4b:s11+s3], $0x7D0, $0x38;
	[tilespmem:$0x10500] =	vst v63  }
0x12d: {  	_ =	swait.ge [sflag:s13], $0x7D0  }
0x12e: {  	[sflag:s13] =	ssyncset.done $0x0  }
0x12f: {  	s9 =	sadd.s32 s7, s9;
	[sflag:s13] =	ssyncadd.s32 $0xFFFFF830  }
0x130: {  	[tilespmem:s17], [sflag:$0x4] =	stream.linear.gather [hbm4b:s9+s3], $0x7D0, $0x38;
	[tilespmem:$0x10500] =	vst v63  }
0x131: {  	_ =	swait.ge [sflag:s13], $0x7D0  }
0x132: {  	[sflag:s13] =	ssyncset.done $0x0  }
0x133: {  	s31 =	simm.s32 $0x0;
	[sflag:s13] =	ssyncadd.s32 $0xFFFFF830  }
0x134: {  	v41 =	vld [tilespmem:s31+$0xBC00];
	_ =	sdelay $0x4  }
0x135: {  	vm1 =	vge.s32 v41, v39;
	vm2 =	vlt.s32 v41, v40  }
0x136: {  	vm1 =	vmand vm1, vm2  }
0x137: {  	v42 =	vsel vm1, $0x1, v0  }
0x138: {  	(xrf0) =	vadd.scan.msk.s32 $0xffff, v42;
	_ =	sdelay $0x2  }
0x139: {  	p0 =	sgt.s32 s0, $0x7F0  }
0x13a: {  	s9 =	simm.s32 @!p0 $0x0  }
0x13b: {  	v42 =	vld @!p0 [tilespmem:s9+$0xB400]  }
0x13c: {  	v43, _, _ =	vpop (xrf0)  }
0x13d: {  	(v2sf) =	vpush v43, $0xF;
	_ =	sdelay $0x2  }
0x13e: {  	[tilespmem:s0+$0xC400] =	vst.msk @!p0 vm1, v42  }
0x13f: {  	s9 =	simm.s32 $0x40;
	[tilespmem:s0+$0xCC00] =	vst.msk @!p0 vm1, v41  }
.LBB2_12:
0x140: {  	s11 =	sshra.s32 s9, $0x2;
	s28 =	smov.u32 s9;
	s9 =	sadd.s32 $0x40, s9  }
0x141: {  	v41 =	vld [tilespmem:s11+$0xBC00];
	p0 =	sne.s32 s9, $0x1F40;
	_ =	sdelay $0x4  }
0x142: {  	vm1 =	vge.s32 v41, v39;
	vm2 =	vlt.s32 v41, v40  }
0x143: {  	vm1 =	vmand vm1, vm2  }
0x144: {  	v42 =	vsel vm1, $0x1, v0  }
0x145: {  	(xrf0) =	vadd.scan.msk.s32 $0xffff, v42  }
0x146: {  	s11 =	spop (v2sf)  }
0x147: {  	s0 =	sadd.s32 s0, s11  }
0x148: {  	p1 =	sgt.s32 s0, $0x7F0  }
0x149: {  	s11 =	sshra.s32 @!p1 s28, $0x2  }
0x14a: {  	v42 =	vld @!p1 [tilespmem:s11+$0xB400]  }
0x14b: {  	v43, _, _ =	vpop (xrf0)  }
.Ltmp10:
0x14c: {  	(v2sf) =	vpush v43, $0xF;
	(pc) =	sbr.rel @p0 .LBB2_12-.Ltmp10, $3  }
0x14d: {  	_ =	sdelay $0x1  }
0x14e: {  	[tilespmem:s0+$0xC400] =	vst.msk @!p1 vm1, v42  }
0x14f: {  	[tilespmem:s0+$0xCC00] =	vst.msk @!p1 vm1, v41  }
0x150: {  	_ =	sdelay $0x4  }
0x151: {  	s8 =	sadd.s32 $0x1, s8  }
0x152: {  	p0 =	sne.s32 s8, $0x50  }
.Ltmp11:
0x153: {  	_ = 	snop;
	(pc) =	sbr.rel @p0 .LBB2_11-.Ltmp11, $3  }
0x154: {  	_ =	sdelay $0x1  }
0x155: {  	s9 =	spop (v2sf)  }
0x156: {  	s0 =	sadd.s32 s0, s9  }
0x157: {  	p0 =	slt.s32 s0, $0x800  }
0x158: {  	p1 =	slt.s32 s0, $0xFFFFFFF2;
	s0 =	simm.s32 @!p0 $0x800  }
0x159: {  	s0 =	sadd.s32 $0xF, s0  }
0x15a: {  	s3 =	sand.u32 $0xF, s0  }
0x15b: {  	s8 =	sshra.s32 s0, $0x1F;
	p6 =	sne.s32 s3, $0x0  }
0x15c: {  	s29 =	sshrl.u32 s8, $0x1C;
	p0 =	por !p1, !p6  }
0x15d: {  	s3 =	simm.s32 $0x1;
	s0 =	sadd.s32 s29, s0;
	p0 =	por !p0, !p0  }
0x15e: {  	s0 =	sshra.s32 s0, $0x4;
	s3 =	simm.s32 @!p0 $0x0  }
0x15f: {  	s31 =	ssub.s32 s0, s3  }
0x160: {  	p0 =	slt.s32 s31, $0x1  }
.Ltmp12:
0x161: {  	_ = 	snop;
	(pc) =	sbr.rel @p0 .LBB2_18-.Ltmp12, $2  }
0x162: {  	_ =	sdelay $0x2  }
0x163: {  	s0 =	simm.s32 $0x0;
	s3 =	simm.s32 $0x0  }
.LBB2_15:
0x164: {  	s8 =	sshll.u32 s3, $0x4  }
0x165: {  	v40 =	vld [tilespmem:s8+$0xC400];
	_ =	sdelay $0x4  }
0x166: {  	[tilespmem:$0xD400] =	vst v40  }
0x167: {  	v40 =	vld [tilespmem:$0xD400];
	_ =	sdelay $0x4  }
0x168: {  	v41 =	vshll.u32 v40, $0x2  }
0x169: {  	v40 =	vand.u32 $0x7, v40;
	v41 =	vand.u32 $0xFFFFFFE0, v41  }
0x16a: {  	v42 =	vld [tilespmem:s8+$0xCC00];
	v40 =	vor.u32 v40, v41  }
0x16b: {  	v41 =	vperm.xlane v40, v5;
	_ =	sdelay $0x1  }
0x16c: {  	v41 =	vadd.s32 v6, v41;
	_ =	sdelay $0x1  }
0x16d: {  	vm1 =	vlt.s32 v42, $0x27FF;
	v40 =	vperm.xlane v40, v7  }
0x16e: {  	v43 =	vnsel vm1, $0x27FF, v42  }
0x16f: {  	[tilespmem:$0xD480] =	vst v43;
	v40 =	vadd.s32 v6, v40  }
0x170: {  	[tilespmem:s12], [sflag:$0x1] =	stream.indirect_vreg.gather [hbm4b:s2+s0], $0x80, v41, vm0, $0xb8;
	[tilespmem:$0x10500] =	vst v63  }
0x171: {  	_ = 	snop  }
0x172: {  	[tilespmem:s19], [sflag:$0x1] =	stream.indirect_vreg.gather [hbm4b:s10+s0], $0x80, v41, vm0, $0xb8;
	[tilespmem:$0x10500] =	vst v63  }
0x173: {  	_ = 	snop  }
0x174: {  	[tilespmem:s20], [sflag:$0x1] =	stream.indirect_vreg.gather [hbm4b:s2+s0], $0x80, v40, vm0, $0xb8;
	[tilespmem:$0x10500] =	vst v63  }
0x175: {  	_ = 	snop  }
0x176: {  	[tilespmem:s21], [sflag:$0x1] =	stream.indirect_vreg.gather [hbm4b:s10+s0], $0x80, v40, vm0, $0xb8;
	[tilespmem:$0x10500] =	vst v63  }
0x177: {  	_ = 	snop  }
0x178: {  	[tilespmem:s14], [sflag:$0x2] =	stream.indirect.gather [hbm4b:s4+s22], $0x80, s23, s22, $0xb8;
	[tilespmem:$0x10500] =	vst v63  }
0x179: {  	_ = 	snop  }
0x17a: {  	[tilespmem:s15], [sflag:$0x3] =	stream.indirect.gather [hbm4b:s5+s22], $0x80, s24, s22, $0xb8;
	[tilespmem:$0x10500] =	vst v63  }
0x17b: {  	_ =	swait.ge [sflag:s18], $0x2000  }
0x17c: {  	[sflag:s18] =	ssyncset.done $0x0  }
0x17d: {  	[sflag:s18] =	ssyncadd.s32 $0xFFFFE000  }
0x17e: {  	_ =	swait.ge [sflag:s25], $0x800  }
0x17f: {  	[sflag:s25] =	ssyncset.done $0x0  }
0x180: {  	[sflag:s25] =	ssyncadd.s32 $0xFFFFF800  }
0x181: {  	_ =	swait.ge [sflag:s26], $0x800  }
0x182: {  	[sflag:s26] =	ssyncset.done $0x0  }
0x183: {  	s11 =	simm.s32 $0x0;
	[sflag:s26] =	ssyncadd.s32 $0xFFFFF800  }
0x184: {  	v61 =	vld [tilespmem:s11+$0xF500]  }
0x185: {  	v62 =	vld [tilespmem:s11+$0xFD00];
	_ =	sdelay $0x4  }
0x186: {  	v41 =	vadd.f32 v62, v61;
	_ =	sdelay $0x1  }
0x187: {  	v63 =	vmul.f32 $2.000000030e-01, v41;
	_ =	sdelay $0x1  }
0x188: {  	v45 =	vmov s0;
	v40 =	vsub.s32 v42, v39;
	v41 =	vmax.f32 v41, v63  }
0x189: {  	v42 =	vperm.xlane v40, v45;
	v41 =	vmul.f32 $1.442695020e+00, v41;
	_ =	sdelay $0x1  }
0x18a: {  	v46 =	vshrl.u32 v42, $0x3;
	(erf) = vpow2.f32 v41  }
0x18b: {  	v47 =	vshll.u32 v42, $0x7;
	v48 =	vmul.u32 $0x1400, v46  }
0x18c: {  	v41 =	vand.u32 $0x380, v47  }
0x18d: {  	v41 =	vor.u32 v41, v48  }
0x18e: {  	v42 =	vor.u32 v1, v41  }
0x18f: {  	v49 =	vadd.s32 $0x1000, v42;
	_ =	sdelay $0x3  }
0x190: {  	s29 =	sand.u32 $0x1000, s0;
	s9 =	sand.u32 $0x380, s0;
	v44 =	vpop (erf)  }
0x191: {  	s8 =	sor.u32 s9, s29;
	[tilespmem:v49+s1+$0x0] =	vst.idx.add.f32.msk $0xffff, v44  }
0x192: {  	v43 =	vld [tilespmem:s8+$0xD500];
	_ =	sdelay $0x2  }
0x193: {  	v45 =	vperm.xlane v44, v0;
	_ =	sdelay $0x1  }
0x194: {  	v43 =	vmul.f32 v43, v45;
	_ =	sdelay $0x1  }
0x195: {  	[tilespmem:v42+s1+$0x0] =	vst.idx.add.f32.msk $0xffff, v43  }
0x196: {  	v42 =	vld [tilespmem:s8+$0xD510];
	_ =	sdelay $0x1  }
0x197: {  	v50 =	vor.u32 v8, v41;
	_ =	sdelay $0x2  }
0x198: {  	v42 =	vmul.f32 v42, v45;
	_ =	sdelay $0x1  }
0x199: {  	[tilespmem:v50+s1+$0x0] =	vst.idx.add.f32.msk $0xffff, v42  }
0x19a: {  	v42 =	vld [tilespmem:s8+$0xD520];
	_ =	sdelay $0x1  }
0x19b: {  	v51 =	vor.u32 v9, v41;
	_ =	sdelay $0x2  }
0x19c: {  	v42 =	vmul.f32 v42, v45;
	_ =	sdelay $0x1  }
0x19d: {  	[tilespmem:v51+s1+$0x0] =	vst.idx.add.f32.msk $0xffff, v42  }
0x19e: {  	v42 =	vld [tilespmem:s8+$0xD530];
	_ =	sdelay $0x1  }
0x19f: {  	v52 =	vor.u32 v10, v41;
	_ =	sdelay $0x2  }
0x1a0: {  	v42 =	vmul.f32 v42, v45;
	_ =	sdelay $0x1  }
0x1a1: {  	[tilespmem:v52+s1+$0x0] =	vst.idx.add.f32.msk $0xffff, v42  }
0x1a2: {  	v42 =	vld [tilespmem:s8+$0xD540];
	_ =	sdelay $0x1  }
0x1a3: {  	v53 =	vor.u32 v11, v41;
	_ =	sdelay $0x2  }
0x1a4: {  	v42 =	vmul.f32 v42, v45;
	_ =	sdelay $0x1  }
0x1a5: {  	[tilespmem:v53+s1+$0x0] =	vst.idx.add.f32.msk $0xffff, v42  }
0x1a6: {  	v42 =	vld [tilespmem:s8+$0xD550];
	_ =	sdelay $0x1  }
0x1a7: {  	v54 =	vor.u32 v12, v41;
	_ =	sdelay $0x2  }
0x1a8: {  	v42 =	vmul.f32 v42, v45;
	_ =	sdelay $0x1  }
0x1a9: {  	[tilespmem:v54+s1+$0x0] =	vst.idx.add.f32.msk $0xffff, v42  }
0x1aa: {  	v42 =	vld [tilespmem:s8+$0xD560];
	_ =	sdelay $0x1  }
0x1ab: {  	v55 =	vor.u32 v13, v41;
	_ =	sdelay $0x2  }
0x1ac: {  	v42 =	vmul.f32 v42, v45;
	_ =	sdelay $0x1  }
0x1ad: {  	[tilespmem:v55+s1+$0x0] =	vst.idx.add.f32.msk $0xffff, v42  }
0x1ae: {  	v42 =	vld [tilespmem:s8+$0xD570];
	_ =	sdelay $0x1  }
0x1af: {  	v56 =	vor.u32 v14, v41;
	_ =	sdelay $0x2  }
0x1b0: {  	v42 =	vmul.f32 v42, v45;
	_ =	sdelay $0x1  }
0x1b1: {  	[tilespmem:v56+s1+$0x0] =	vst.idx.add.f32.msk $0xffff, v42  }
0x1b2: {  	v42 =	vld [tilespmem:s8+$0xD900];
	_ =	sdelay $0x1  }
0x1b3: {  	v57 =	vadd.s32 v15, v41  }
0x1b4: {  	v58 =	vperm.xlane v44, v2;
	_ =	sdelay $0x1  }
0x1b5: {  	v42 =	vmul.f32 v42, v58;
	_ =	sdelay $0x1  }
0x1b6: {  	[tilespmem:v57+s1+$0x0] =	vst.idx.add.f32.msk $0xffff, v42  }
0x1b7: {  	v42 =	vld [tilespmem:s8+$0xD910];
	_ =	sdelay $0x1  }
0x1b8: {  	v59 =	vadd.s32 v16, v41;
	_ =	sdelay $0x2  }
0x1b9: {  	v42 =	vmul.f32 v42, v58;
	_ =	sdelay $0x1  }
0x1ba: {  	[tilespmem:v59+s1+$0x0] =	vst.idx.add.f32.msk $0xffff, v42  }
0x1bb: {  	v42 =	vld [tilespmem:s8+$0xD920];
	_ =	sdelay $0x1  }
0x1bc: {  	v60 =	vadd.s32 v17, v41;
	_ =	sdelay $0x2  }
0x1bd: {  	v42 =	vmul.f32 v42, v58;
	_ =	sdelay $0x1  }
0x1be: {  	[tilespmem:v60+s1+$0x0] =	vst.idx.add.f32.msk $0xffff, v42  }
0x1bf: {  	v42 =	vld [tilespmem:s8+$0xD930];
	_ =	sdelay $0x1  }
0x1c0: {  	v61 =	vadd.s32 v18, v41;
	_ =	sdelay $0x2  }
0x1c1: {  	v42 =	vmul.f32 v42, v58;
	_ =	sdelay $0x1  }
0x1c2: {  	[tilespmem:v61+s1+$0x0] =	vst.idx.add.f32.msk $0xffff, v42  }
0x1c3: {  	v42 =	vld [tilespmem:s8+$0xD940];
	_ =	sdelay $0x1  }
0x1c4: {  	v62 =	vadd.s32 v19, v41;
	_ =	sdelay $0x2  }
0x1c5: {  	v42 =	vmul.f32 v42, v58;
	_ =	sdelay $0x1  }
0x1c6: {  	[tilespmem:v62+s1+$0x0] =	vst.idx.add.f32.msk $0xffff, v42  }
0x1c7: {  	v42 =	vld [tilespmem:s8+$0xD950];
	_ =	sdelay $0x1  }
0x1c8: {  	v63 =	vadd.s32 v20, v41;
	_ =	sdelay $0x2  }
0x1c9: {  	v42 =	vmul.f32 v42, v58;
	_ =	sdelay $0x1  }
0x1ca: {  	[tilespmem:v63+s1+$0x0] =	vst.idx.add.f32.msk $0xffff, v42  }
0x1cb: {  	v42 =	vld [tilespmem:s8+$0xD960];
	_ =	sdelay $0x1  }
0x1cc: {  	v46 =	vadd.s32 v21, v41;
	_ =	sdelay $0x2  }
0x1cd: {  	v42 =	vmul.f32 v42, v58;
	_ =	sdelay $0x1  }
0x1ce: {  	[tilespmem:v46+s1+$0x0] =	vst.idx.add.f32.msk $0xffff, v42  }
0x1cf: {  	v42 =	vld [tilespmem:s8+$0xD970];
	_ =	sdelay $0x1  }
0x1d0: {  	v47 =	vadd.s32 v22, v41;
	_ =	sdelay $0x2  }
0x1d1: {  	v42 =	vmul.f32 v42, v58;
	_ =	sdelay $0x1  }
0x1d2: {  	[tilespmem:v47+s1+$0x0] =	vst.idx.add.f32.msk $0xffff, v42  }
0x1d3: {  	v42 =	vld [tilespmem:s8+$0xDD00];
	_ =	sdelay $0x1  }
0x1d4: {  	v48 =	vadd.s32 v23, v41  }
0x1d5: {  	v49 =	vperm.xlane v44, v3;
	_ =	sdelay $0x1  }
0x1d6: {  	v42 =	vmul.f32 v42, v49;
	_ =	sdelay $0x1  }
0x1d7: {  	[tilespmem:v48+s1+$0x0] =	vst.idx.add.f32.msk $0xffff, v42  }
0x1d8: {  	v42 =	vld [tilespmem:s8+$0xDD10];
	_ =	sdelay $0x1  }
0x1d9: {  	v50 =	vadd.s32 v24, v41;
	_ =	sdelay $0x2  }
0x1da: {  	v42 =	vmul.f32 v42, v49;
	_ =	sdelay $0x1  }
0x1db: {  	[tilespmem:v50+s1+$0x0] =	vst.idx.add.f32.msk $0xffff, v42  }
0x1dc: {  	v42 =	vld [tilespmem:s8+$0xDD20];
	_ =	sdelay $0x1  }
0x1dd: {  	v51 =	vadd.s32 v25, v41;
	_ =	sdelay $0x2  }
0x1de: {  	v42 =	vmul.f32 v42, v49;
	_ =	sdelay $0x1  }
0x1df: {  	[tilespmem:v51+s1+$0x0] =	vst.idx.add.f32.msk $0xffff, v42  }
0x1e0: {  	v42 =	vld [tilespmem:s8+$0xDD30];
	_ =	sdelay $0x1  }
0x1e1: {  	v52 =	vadd.s32 v26, v41;
	_ =	sdelay $0x2  }
0x1e2: {  	v42 =	vmul.f32 v42, v49;
	_ =	sdelay $0x1  }
0x1e3: {  	[tilespmem:v52+s1+$0x0] =	vst.idx.add.f32.msk $0xffff, v42  }
0x1e4: {  	v42 =	vld [tilespmem:s8+$0xDD40];
	_ =	sdelay $0x1  }
0x1e5: {  	v53 =	vadd.s32 v27, v41;
	_ =	sdelay $0x2  }
0x1e6: {  	v42 =	vmul.f32 v42, v49;
	_ =	sdelay $0x1  }
0x1e7: {  	[tilespmem:v53+s1+$0x0] =	vst.idx.add.f32.msk $0xffff, v42  }
0x1e8: {  	v42 =	vld [tilespmem:s8+$0xDD50];
	_ =	sdelay $0x1  }
0x1e9: {  	v54 =	vadd.s32 v28, v41;
	_ =	sdelay $0x2  }
0x1ea: {  	v42 =	vmul.f32 v42, v49;
	_ =	sdelay $0x1  }
0x1eb: {  	[tilespmem:v54+s1+$0x0] =	vst.idx.add.f32.msk $0xffff, v42  }
0x1ec: {  	v42 =	vld [tilespmem:s8+$0xDD60];
	_ =	sdelay $0x1  }
0x1ed: {  	v55 =	vadd.s32 v29, v41;
	_ =	sdelay $0x2  }
0x1ee: {  	v42 =	vmul.f32 v42, v49;
	_ =	sdelay $0x1  }
0x1ef: {  	[tilespmem:v55+s1+$0x0] =	vst.idx.add.f32.msk $0xffff, v42  }
0x1f0: {  	v42 =	vld [tilespmem:s8+$0xDD70];
	_ =	sdelay $0x1  }
0x1f1: {  	v56 =	vadd.s32 v30, v41;
	_ =	sdelay $0x2  }
0x1f2: {  	v42 =	vmul.f32 v42, v49;
	_ =	sdelay $0x1  }
0x1f3: {  	[tilespmem:v56+s1+$0x0] =	vst.idx.add.f32.msk $0xffff, v42  }
0x1f4: {  	v42 =	vld [tilespmem:s8+$0xE100];
	_ =	sdelay $0x1  }
0x1f5: {  	v57 =	vadd.s32 v31, v41  }
0x1f6: {  	v44 =	vperm.xlane v44, v4;
	_ =	sdelay $0x1  }
0x1f7: {  	v42 =	vmul.f32 v42, v44;
	_ =	sdelay $0x1  }
0x1f8: {  	[tilespmem:v57+s1+$0x0] =	vst.idx.add.f32.msk $0xffff, v42  }
0x1f9: {  	v42 =	vld [tilespmem:s8+$0xE110];
	_ =	sdelay $0x1  }
0x1fa: {  	v58 =	vadd.s32 v32, v41;
	_ =	sdelay $0x2  }
0x1fb: {  	v42 =	vmul.f32 v42, v44;
	_ =	sdelay $0x1  }
0x1fc: {  	[tilespmem:v58+s1+$0x0] =	vst.idx.add.f32.msk $0xffff, v42  }
0x1fd: {  	v42 =	vld [tilespmem:s8+$0xE120];
	_ =	sdelay $0x1  }
0x1fe: {  	v59 =	vadd.s32 v33, v41;
	_ =	sdelay $0x2  }
0x1ff: {  	v42 =	vmul.f32 v42, v44;
	_ =	sdelay $0x1  }
0x200: {  	[tilespmem:v59+s1+$0x0] =	vst.idx.add.f32.msk $0xffff, v42  }
0x201: {  	v42 =	vld [tilespmem:s8+$0xE130];
	_ =	sdelay $0x1  }
0x202: {  	v60 =	vadd.s32 v34, v41;
	_ =	sdelay $0x2  }
0x203: {  	v42 =	vmul.f32 v42, v44;
	_ =	sdelay $0x1  }
0x204: {  	[tilespmem:v60+s1+$0x0] =	vst.idx.add.f32.msk $0xffff, v42  }
0x205: {  	v42 =	vld [tilespmem:s8+$0xE140];
	_ =	sdelay $0x1  }
0x206: {  	v61 =	vadd.s32 v35, v41;
	_ =	sdelay $0x2  }
0x207: {  	v42 =	vmul.f32 v42, v44;
	_ =	sdelay $0x1  }
0x208: {  	[tilespmem:v61+s1+$0x0] =	vst.idx.add.f32.msk $0xffff, v42  }
0x209: {  	v42 =	vld [tilespmem:s8+$0xE150];
	_ =	sdelay $0x1  }
0x20a: {  	v62 =	vadd.s32 v36, v41;
	_ =	sdelay $0x2  }
0x20b: {  	v42 =	vmul.f32 v42, v44;
	_ =	sdelay $0x1  }
0x20c: {  	[tilespmem:v62+s1+$0x0] =	vst.idx.add.f32.msk $0xffff, v42  }
0x20d: {  	v42 =	vld [tilespmem:s8+$0xE160];
	_ =	sdelay $0x1  }
0x20e: {  	v63 =	vadd.s32 v37, v41;
	_ =	sdelay $0x2  }
0x20f: {  	v42 =	vmul.f32 v42, v44;
	_ =	sdelay $0x1  }
0x210: {  	[tilespmem:v63+s1+$0x0] =	vst.idx.add.f32.msk $0xffff, v42  }
0x211: {  	v42 =	vld [tilespmem:s8+$0xE170];
	_ =	sdelay $0x1  }
0x212: {  	v41 =	vadd.s32 v38, v41;
	_ =	sdelay $0x2  }
0x213: {  	s28 =	simm.s32 $0x0;
	s11 =	simm.s32 $0x1;
	s8 =	simm.s32 $0x0;
	v42 =	vmul.f32 v42, v44  }
.LBB2_16:
0x214: {  	p0 =	sne.s32 s11, $0xF;
	s28 =	sadd.s32 $0x200, s28;
	s8 =	sadd.s32 $0x80, s8  }
0x215: {  	s29 =	smov.u32 s11;
	s11 =	sadd.s32 $0x1, s11;
	s9 =	sshra.s32 s28, $0x2;
	[tilespmem:v41+s1+$0x0] =	vst.idx.add.f32.msk $0xffff, v42  }
0x216: {  	v41 =	vld [tilespmem:s9+$0xF500]  }
0x217: {  	v42 =	vld [tilespmem:s9+$0xFD00];
	_ =	sdelay $0x4  }
0x218: {  	v41 =	vadd.f32 v42, v41;
	_ =	sdelay $0x1  }
0x219: {  	v42 =	vmul.f32 $2.000000030e-01, v41  }
0x21a: {  	v43 =	vmov s29  }
0x21b: {  	v41 =	vmax.f32 v41, v42;
	v42 =	vperm.xlane v40, v43  }
0x21c: {  	v41 =	vmul.f32 $1.442695020e+00, v41  }
0x21d: {  	v43 =	vshrl.u32 v42, $0x3;
	v42 =	vshll.u32 v42, $0x7  }
0x21e: {  	v43 =	vmul.u32 $0x1400, v43;
	(erf) = vpow2.f32 v41  }
0x21f: {  	v41 =	vand.u32 $0x380, v42  }
0x220: {  	v41 =	vor.u32 v41, v43  }
0x221: {  	v43 =	vor.u32 v1, v41  }
0x222: {  	v44 =	vadd.s32 $0x1000, v43;
	_ =	sdelay $0x3  }
0x223: {  	s29 =	sand.u32 $0x380, s8;
	s9 =	sand.u32 $0x1000, s28  }
0x224: {  	s9 =	sor.u32 s29, s9;
	v42 =	vpop (erf)  }
0x225: {  	[tilespmem:v44+s1+$0x0] =	vst.idx.add.f32.msk $0xffff, v42  }
0x226: {  	v44 =	vld [tilespmem:s9+$0xD500];
	_ =	sdelay $0x1  }
0x227: {  	v45 =	vperm.xlane v42, v0;
	_ =	sdelay $0x2  }
0x228: {  	v44 =	vmul.f32 v44, v45;
	_ =	sdelay $0x1  }
0x229: {  	[tilespmem:v43+s1+$0x0] =	vst.idx.add.f32.msk $0xffff, v44  }
0x22a: {  	v43 =	vld [tilespmem:s9+$0xD510]  }
0x22b: {  	v44 =	vor.u32 v8, v41;
	_ =	sdelay $0x3  }
0x22c: {  	v43 =	vmul.f32 v43, v45;
	_ =	sdelay $0x1  }
0x22d: {  	[tilespmem:v44+s1+$0x0] =	vst.idx.add.f32.msk $0xffff, v43  }
0x22e: {  	v43 =	vld [tilespmem:s9+$0xD520]  }
0x22f: {  	v44 =	vor.u32 v9, v41;
	_ =	sdelay $0x3  }
0x230: {  	v43 =	vmul.f32 v43, v45;
	_ =	sdelay $0x1  }
0x231: {  	[tilespmem:v44+s1+$0x0] =	vst.idx.add.f32.msk $0xffff, v43  }
0x232: {  	v43 =	vld [tilespmem:s9+$0xD530]  }
0x233: {  	v44 =	vor.u32 v10, v41;
	_ =	sdelay $0x3  }
0x234: {  	v43 =	vmul.f32 v43, v45;
	_ =	sdelay $0x1  }
0x235: {  	[tilespmem:v44+s1+$0x0] =	vst.idx.add.f32.msk $0xffff, v43  }
0x236: {  	v43 =	vld [tilespmem:s9+$0xD540]  }
0x237: {  	v44 =	vor.u32 v11, v41;
	_ =	sdelay $0x3  }
0x238: {  	v43 =	vmul.f32 v43, v45;
	_ =	sdelay $0x1  }
0x239: {  	[tilespmem:v44+s1+$0x0] =	vst.idx.add.f32.msk $0xffff, v43  }
0x23a: {  	v43 =	vld [tilespmem:s9+$0xD550]  }
0x23b: {  	v44 =	vor.u32 v12, v41;
	_ =	sdelay $0x3  }
0x23c: {  	v43 =	vmul.f32 v43, v45;
	_ =	sdelay $0x1  }
0x23d: {  	[tilespmem:v44+s1+$0x0] =	vst.idx.add.f32.msk $0xffff, v43  }
0x23e: {  	v43 =	vld [tilespmem:s9+$0xD560]  }
0x23f: {  	v44 =	vor.u32 v13, v41;
	_ =	sdelay $0x3  }
0x240: {  	v43 =	vmul.f32 v43, v45;
	_ =	sdelay $0x1  }
0x241: {  	[tilespmem:v44+s1+$0x0] =	vst.idx.add.f32.msk $0xffff, v43  }
0x242: {  	v43 =	vld [tilespmem:s9+$0xD570]  }
0x243: {  	v44 =	vor.u32 v14, v41;
	_ =	sdelay $0x3  }
0x244: {  	v43 =	vmul.f32 v43, v45;
	_ =	sdelay $0x1  }
0x245: {  	[tilespmem:v44+s1+$0x0] =	vst.idx.add.f32.msk $0xffff, v43  }
0x246: {  	v43 =	vld [tilespmem:s9+$0xD900]  }
0x247: {  	v44 =	vadd.s32 v15, v41  }
0x248: {  	v45 =	vperm.xlane v42, v2;
	_ =	sdelay $0x2  }
0x249: {  	v43 =	vmul.f32 v43, v45;
	_ =	sdelay $0x1  }
0x24a: {  	[tilespmem:v44+s1+$0x0] =	vst.idx.add.f32.msk $0xffff, v43  }
0x24b: {  	v43 =	vld [tilespmem:s9+$0xD910]  }
0x24c: {  	v44 =	vadd.s32 v16, v41;
	_ =	sdelay $0x3  }
0x24d: {  	v43 =	vmul.f32 v43, v45;
	_ =	sdelay $0x1  }
0x24e: {  	[tilespmem:v44+s1+$0x0] =	vst.idx.add.f32.msk $0xffff, v43  }
0x24f: {  	v43 =	vld [tilespmem:s9+$0xD920]  }
0x250: {  	v44 =	vadd.s32 v17, v41;
	_ =	sdelay $0x3  }
0x251: {  	v43 =	vmul.f32 v43, v45;
	_ =	sdelay $0x1  }
0x252: {  	[tilespmem:v44+s1+$0x0] =	vst.idx.add.f32.msk $0xffff, v43  }
0x253: {  	v43 =	vld [tilespmem:s9+$0xD930]  }
0x254: {  	v44 =	vadd.s32 v18, v41;
	_ =	sdelay $0x3  }
0x255: {  	v43 =	vmul.f32 v43, v45;
	_ =	sdelay $0x1  }
0x256: {  	[tilespmem:v44+s1+$0x0] =	vst.idx.add.f32.msk $0xffff, v43  }
0x257: {  	v43 =	vld [tilespmem:s9+$0xD940]  }
0x258: {  	v44 =	vadd.s32 v19, v41;
	_ =	sdelay $0x3  }
0x259: {  	v43 =	vmul.f32 v43, v45;
	_ =	sdelay $0x1  }
0x25a: {  	[tilespmem:v44+s1+$0x0] =	vst.idx.add.f32.msk $0xffff, v43  }
0x25b: {  	v43 =	vld [tilespmem:s9+$0xD950]  }
0x25c: {  	v44 =	vadd.s32 v20, v41;
	_ =	sdelay $0x3  }
0x25d: {  	v43 =	vmul.f32 v43, v45;
	_ =	sdelay $0x1  }
0x25e: {  	[tilespmem:v44+s1+$0x0] =	vst.idx.add.f32.msk $0xffff, v43  }
0x25f: {  	v43 =	vld [tilespmem:s9+$0xD960]  }
0x260: {  	v44 =	vadd.s32 v21, v41;
	_ =	sdelay $0x3  }
0x261: {  	v43 =	vmul.f32 v43, v45;
	_ =	sdelay $0x1  }
0x262: {  	[tilespmem:v44+s1+$0x0] =	vst.idx.add.f32.msk $0xffff, v43  }
0x263: {  	v43 =	vld [tilespmem:s9+$0xD970]  }
0x264: {  	v44 =	vadd.s32 v22, v41;
	_ =	sdelay $0x3  }
0x265: {  	v43 =	vmul.f32 v43, v45;
	_ =	sdelay $0x1  }
0x266: {  	[tilespmem:v44+s1+$0x0] =	vst.idx.add.f32.msk $0xffff, v43  }
0x267: {  	v43 =	vld [tilespmem:s9+$0xDD00]  }
0x268: {  	v44 =	vadd.s32 v23, v41  }
0x269: {  	v45 =	vperm.xlane v42, v3;
	_ =	sdelay $0x2  }
0x26a: {  	v43 =	vmul.f32 v43, v45;
	_ =	sdelay $0x1  }
0x26b: {  	[tilespmem:v44+s1+$0x0] =	vst.idx.add.f32.msk $0xffff, v43  }
0x26c: {  	v43 =	vld [tilespmem:s9+$0xDD10]  }
0x26d: {  	v44 =	vadd.s32 v24, v41;
	_ =	sdelay $0x3  }
0x26e: {  	v43 =	vmul.f32 v43, v45;
	_ =	sdelay $0x1  }
0x26f: {  	[tilespmem:v44+s1+$0x0] =	vst.idx.add.f32.msk $0xffff, v43  }
0x270: {  	v43 =	vld [tilespmem:s9+$0xDD20]  }
0x271: {  	v44 =	vadd.s32 v25, v41;
	_ =	sdelay $0x3  }
0x272: {  	v43 =	vmul.f32 v43, v45;
	_ =	sdelay $0x1  }
0x273: {  	[tilespmem:v44+s1+$0x0] =	vst.idx.add.f32.msk $0xffff, v43  }
0x274: {  	v43 =	vld [tilespmem:s9+$0xDD30]  }
0x275: {  	v44 =	vadd.s32 v26, v41;
	_ =	sdelay $0x3  }
0x276: {  	v43 =	vmul.f32 v43, v45;
	_ =	sdelay $0x1  }
0x277: {  	[tilespmem:v44+s1+$0x0] =	vst.idx.add.f32.msk $0xffff, v43  }
0x278: {  	v43 =	vld [tilespmem:s9+$0xDD40]  }
0x279: {  	v44 =	vadd.s32 v27, v41;
	_ =	sdelay $0x3  }
0x27a: {  	v43 =	vmul.f32 v43, v45;
	_ =	sdelay $0x1  }
0x27b: {  	[tilespmem:v44+s1+$0x0] =	vst.idx.add.f32.msk $0xffff, v43  }
0x27c: {  	v43 =	vld [tilespmem:s9+$0xDD50]  }
0x27d: {  	v44 =	vadd.s32 v28, v41;
	_ =	sdelay $0x3  }
0x27e: {  	v43 =	vmul.f32 v43, v45;
	_ =	sdelay $0x1  }
0x27f: {  	[tilespmem:v44+s1+$0x0] =	vst.idx.add.f32.msk $0xffff, v43  }
0x280: {  	v43 =	vld [tilespmem:s9+$0xDD60]  }
0x281: {  	v44 =	vadd.s32 v29, v41;
	_ =	sdelay $0x3  }
0x282: {  	v43 =	vmul.f32 v43, v45;
	_ =	sdelay $0x1  }
0x283: {  	[tilespmem:v44+s1+$0x0] =	vst.idx.add.f32.msk $0xffff, v43  }
0x284: {  	v43 =	vld [tilespmem:s9+$0xDD70]  }
0x285: {  	v44 =	vadd.s32 v30, v41;
	_ =	sdelay $0x3  }
0x286: {  	v43 =	vmul.f32 v43, v45;
	_ =	sdelay $0x1  }
0x287: {  	[tilespmem:v44+s1+$0x0] =	vst.idx.add.f32.msk $0xffff, v43  }
0x288: {  	v43 =	vld [tilespmem:s9+$0xE100]  }
0x289: {  	v44 =	vadd.s32 v31, v41  }
0x28a: {  	v42 =	vperm.xlane v42, v4;
	_ =	sdelay $0x2  }
0x28b: {  	v43 =	vmul.f32 v43, v42;
	_ =	sdelay $0x1  }
0x28c: {  	[tilespmem:v44+s1+$0x0] =	vst.idx.add.f32.msk $0xffff, v43  }
0x28d: {  	v43 =	vld [tilespmem:s9+$0xE110]  }
0x28e: {  	v44 =	vadd.s32 v32, v41;
	_ =	sdelay $0x3  }
0x28f: {  	v43 =	vmul.f32 v43, v42;
	_ =	sdelay $0x1  }
0x290: {  	[tilespmem:v44+s1+$0x0] =	vst.idx.add.f32.msk $0xffff, v43  }
0x291: {  	v43 =	vld [tilespmem:s9+$0xE120]  }
0x292: {  	v44 =	vadd.s32 v33, v41;
	_ =	sdelay $0x3  }
0x293: {  	v43 =	vmul.f32 v43, v42;
	_ =	sdelay $0x1  }
0x294: {  	[tilespmem:v44+s1+$0x0] =	vst.idx.add.f32.msk $0xffff, v43  }
0x295: {  	v43 =	vld [tilespmem:s9+$0xE130]  }
0x296: {  	v44 =	vadd.s32 v34, v41;
	_ =	sdelay $0x3  }
0x297: {  	v43 =	vmul.f32 v43, v42;
	_ =	sdelay $0x1  }
0x298: {  	[tilespmem:v44+s1+$0x0] =	vst.idx.add.f32.msk $0xffff, v43  }
0x299: {  	v43 =	vld [tilespmem:s9+$0xE140]  }
0x29a: {  	v44 =	vadd.s32 v35, v41;
	_ =	sdelay $0x3  }
0x29b: {  	v43 =	vmul.f32 v43, v42;
	_ =	sdelay $0x1  }
0x29c: {  	[tilespmem:v44+s1+$0x0] =	vst.idx.add.f32.msk $0xffff, v43  }
0x29d: {  	v43 =	vld [tilespmem:s9+$0xE150]  }
0x29e: {  	v44 =	vadd.s32 v36, v41;
	_ =	sdelay $0x3  }
0x29f: {  	v43 =	vmul.f32 v43, v42;
	_ =	sdelay $0x1  }
0x2a0: {  	[tilespmem:v44+s1+$0x0] =	vst.idx.add.f32.msk $0xffff, v43  }
0x2a1: {  	v43 =	vld [tilespmem:s9+$0xE160]  }
0x2a2: {  	v44 =	vadd.s32 v37, v41;
	_ =	sdelay $0x3  }
0x2a3: {  	v43 =	vmul.f32 v43, v42;
	_ =	sdelay $0x1  }
0x2a4: {  	[tilespmem:v44+s1+$0x0] =	vst.idx.add.f32.msk $0xffff, v43  }
0x2a5: {  	v43 =	vld [tilespmem:s9+$0xE170]  }
.Ltmp13:
0x2a6: {  	v41 =	vadd.s32 v38, v41;
	(pc) =	sbr.rel @p0 .LBB2_16-.Ltmp13, $2  }
0x2a7: {  	_ =	sdelay $0x2  }
0x2a8: {  	v42 =	vmul.f32 v43, v42  }
0x2a9: {  	s3 =	sadd.s32 $0x1, s3  }
0x2aa: {  	p0 =	sne.s32 s3, s31  }
.Ltmp14:
0x2ab: {  	_ = 	snop;
	(pc) =	sbr.rel @p0 .LBB2_15-.Ltmp14, $4  }
.Ltmp15:
0x2ac: {  	_ = 	snop;
	(pc) =	sbr.rel @!p0 .LBB2_18-.Ltmp15, $4  }
0x2ad: {  	_ = 	snop  }
0x2ae: {  	_ = 	snop  }
0x2af: {  	[tilespmem:v41+s1+$0x0] =	vst.idx.add.f32.msk $0xffff, v42  }
0x2b0: {  	_ = 	snop  }
.LBB2_20:
0x2b1: {  	_ =	sfence.sel $0x180000  }
0x2b2: {  	[bflag:$0x0] =	sbarrier.arrive $0xFFFF  }
0x2b3: {  	_ =	strace $0x9000004A  }
0x2b4: {  	s0 =	stileid.u32;
	[bflag:$0x2] =	sbarrier.arrive $0xFFFF  }
0x2b5: {  	p0 =	sne.s32 s0, $0x0;
	s0 =	rddreg [dreg:$0x1]  }
0x2b6: {  	s0 =	sadd.s32 @!p0 $0x100000, s0  }
0x2b7: {  	[sflag:s0] =	ssyncadd.tile.s32 @!p0 $0x1;
	_ =	shalt  }
.Lfunc_end2:
_tile_overlayer_lowered:
.L_overlay_start_2:
0x2b8: {  	(tag) =	ssettag $0x2  }
0x2b9: {  	s0 =	rddreg [dreg:$0x0];
	s2 =	stileid.u32  }
0x2ba: {  	s1 =	rddreg [dreg:$0x1];
	p0 =	sne.s32 s2, $0x0  }
0x2bb: {  	s3 =	rddreg [dreg:$0x2];
	[bflag:$0x3] =	sbarrier.arrive $0xFFFF;
	s2 =	simm.s32 @!p0 $0x1C04  }
0x2bc: {  	[timem:s3], [sflag:s2] =	dma.local @!p0 [hbm:s0], s1  }
0x2bd: {  	s0 =	simm.s32 @!p0 $0x4  }
0x2be: {  	_ =	swait.ge @!p0 [sflag:s0], s1  }
0x2bf: {  	s1 =	ssub.s32 @!p0 $0x0, s1;
	[sflag:s0] =	ssyncset.done @!p0 $0x0  }
0x2c0: {  	[sflag:s0] =	ssyncadd.s32 @!p0 s1  }
0x2c1: {  	[bflag:$0x3] =	sbarrier.arrive $0xFFFF  }
0x2c2: {  	_ =	shalt  }

// kernel: kernel.8.cloned.1.call-start
scs
__scs_entry_jumppad:
0x0: {  	(pc) =	sbr.rel $0x88, $3  }
0x1: {  	(tag) =	ssettag $0x0;
	lr =	simm.s32 $0x1  }
0x2: {  	[smem:$0x3F93] =	sst lr;
	_ =	strace $0xD0000000  }
0x3: {  	_ = 	snop  }
0x4: {  	_ = 	snop  }
0x5: {  	_ = 	snop  }
0x6: {  	_ = 	snop  }
0x7: {  	_ = 	snop  }
__scs_overlays_trampoline_lowered:
0x8: {  	[smem:$0x3FA2] =	sst s0  }
0x9: {  	[smem:$0x3FA3] =	sst s1  }
0xa: {  	[smem:$0x3FA4] =	sst s2  }
0xb: {  	[smem:$0x3FA5] =	sst s3  }
0xc: {  	[smem:$0x3FA6] =	sst s4  }
0xd: {  	[smem:$0x3FA7] =	sst s5  }
0xe: {  	[smem:$0x3FA8] =	sst s6  }
0xf: {  	[smem:$0x3FA9] =	sst s7  }
0x10: {  	[smem:$0x3FAA] =	sst s8  }
0x11: {  	[smem:$0x3FAB] =	sst s9;
	s0 =	simm.s32 @!p0 $0x0  }
0x12: {  	s1 =	sld [smem:$0x3F91];
	s0 =	simm.s32 @p0 $0x1  }
0x13: {  	[smem:$0x3FAC] =	sst s0;
	s0 =	simm.s32 @!p1 $0x0  }
0x14: {  	s2 =	sld [smem:$0x3F90];
	s0 =	simm.s32 @p1 $0x1  }
0x15: {  	[smem:$0x3FAD] =	sst s0;
	s0 =	simm.s32 @!p2 $0x0  }
0x16: {  	s3 =	sld [smem:$0x3FDB];
	s0 =	simm.s32 @p2 $0x1  }
0x17: {  	s4 =	simm.s32 $0x1BF5;
	[smem:$0x3FAF] =	sst s0  }
0x18: {  	s0 =	sld [smem:$0x3F92];
	_ =	swait.ge [sflag:s4], $0x0  }
0x19: {  	s7 =	sld [smem:$0x3F93]  }
0x1a: {  	s8 =	sadd.s32 $0xFFFFE003, lr  }
0x1b: {  	s9 =	sadd.s32 $0xFFFFFEF7, lr;
	s5 =	simm.s32 $0xFFFFFFFF;
	p2 =	slt.u32 s8, $0xFFFFF086  }
0x1c: {  	p1 =	slt.u32 s9, $0xF7A;
	s5 =	simm.s32 @!p2 $0x0  }
0x1d: {  	s5 =	simm.s32 @p1 $0x1;
	p0 =	seq.s32 s7, s2  }
0x1e: {  	s7 =	smul.u32 @!p0 $0xF7A, s2;
	p2 =	seq.s32 @!p0 s5, $0x0  }
0x1f: {  	s9 =	smul.u32 $0xF7A, s1;
	s8 =	simm.s32 @!p0 $0x1BF5;
	p2 =	por !p2, p0  }
0x20: {  	[sflag:s8] =	ssyncset.s32 @!p0 $0xFFFFF086;
	s6 =	sadd.s32 @!p0 s3, s7;
	s7 =	simm.s32 @!p0 $0x108  }
0x21: {  	s3 =	sadd.s32 s3, s9;
	s6 =	sadd.s32 @!p0 $0x88, s6;
	s7 =	simm.s32 @p2 $0x1082  }
0x22: {  	[simem:s7], [sflag:s8] =	dma.local @!p0 [hbm:s6], $0xF7A  }
0x23: {  	s9 =	sor.u32 $0xD0000000, s2;
	s6 =	simm.s32 $0x108;
	_ =	swait.ge @!p0 [sflag:s8], $0x0  }
0x24: {  	s3 =	sadd.s32 $0x88, s3;
	s6 =	simm.s32 @!p1 $0x1082;
	[sflag:s4] =	ssyncset.s32 $0xFFFFF086  }
0x25: {  	[simem:s6], [sflag:s4] =	dma.local [hbm:s3], $0xF7A  }
0x26: {  	[smem:$0x3F93] =	sst s1;
	(tag) =	ssettag s2;
	_ =	strace s9  }
0x27: {  	s1 =	sld [smem:$0x3FA3]  }
0x28: {  	s2 =	sld [smem:$0x3FA4]  }
0x29: {  	s4 =	sld [smem:$0x3FA6]  }
0x2a: {  	p0 =	seq.s32 s5, $0x0;
	s5 =	sld [smem:$0x3FA7]  }
0x2b: {  	s6 =	sld [smem:$0x3FA8]  }
0x2c: {  	s7 =	sld [smem:$0x3FA9]  }
0x2d: {  	s3 =	simm.s32 $0x108;
	s8 =	sld [smem:$0x3FAA]  }
0x2e: {  	s3 =	simm.s32 @!p0 $0x1082;
	s9 =	sld [smem:$0x3FAB]  }
0x2f: {  	lr =	sadd.s32 s0, s3;
	s0 =	sld [smem:$0x3FA2]  }
0x30: {  	s3 =	sld [smem:$0x3FA5]  }
0x31: {  	[smem:$0x3FAE] =	sst s10  }
0x32: {  	s10 =	sld [smem:$0x3FAC];
	_ =	sdelay $0x3  }
0x33: {  	p0 =	seq.s32 s10, $0x1;
	s10 =	sld [smem:$0x3FAE];
	_ =	sdelay $0x3  }
0x34: {  	[smem:$0x3FAE] =	sst s10  }
0x35: {  	s10 =	sld [smem:$0x3FAD];
	_ =	sdelay $0x3  }
0x36: {  	p1 =	seq.s32 s10, $0x1;
	s10 =	sld [smem:$0x3FAE];
	_ =	sdelay $0x3  }
0x37: {  	[smem:$0x3FAE] =	sst s10  }
0x38: {  	s10 =	sld [smem:$0x3FAF]  }
0x39: {  	_ = 	snop;
	(pc) =	sbr.ind lr, $3  }
0x3a: {  	_ = 	snop  }
0x3b: {  	_ = 	snop  }
0x3c: {  	p2 =	seq.s32 s10, $0x1;
	s10 =	sld [smem:$0x3FAE]  }
0x3d: {  	_ =	shalt  }
0x3e: {  	_ =	shalt  }
0x3f: {  	_ =	shalt  }
0x40: {  	_ =	shalt  }
0x41: {  	_ =	shalt  }
0x42: {  	_ =	shalt  }
0x43: {  	_ =	shalt  }
0x44: {  	_ =	shalt  }
0x45: {  	_ =	shalt  }
0x46: {  	_ =	shalt  }
0x47: {  	_ =	shalt  }
0x48: {  	_ =	shalt  }
0x49: {  	_ =	shalt  }
0x4a: {  	_ =	shalt  }
0x4b: {  	_ =	shalt  }
0x4c: {  	_ =	shalt  }
0x4d: {  	_ =	shalt  }
0x4e: {  	_ =	shalt  }
0x4f: {  	_ =	shalt  }
0x50: {  	_ =	shalt  }
0x51: {  	_ =	shalt  }
0x52: {  	_ =	shalt  }
0x53: {  	_ =	shalt  }
0x54: {  	_ =	shalt  }
0x55: {  	_ =	shalt  }
0x56: {  	_ =	shalt  }
0x57: {  	_ =	shalt  }
0x58: {  	_ =	shalt  }
0x59: {  	_ =	shalt  }
0x5a: {  	_ =	shalt  }
0x5b: {  	_ =	shalt  }
0x5c: {  	_ =	shalt  }
0x5d: {  	_ =	shalt  }
0x5e: {  	_ =	shalt  }
0x5f: {  	_ =	shalt  }
0x60: {  	_ =	shalt  }
0x61: {  	_ =	shalt  }
0x62: {  	_ =	shalt  }
0x63: {  	_ =	shalt  }
0x64: {  	_ =	shalt  }
0x65: {  	_ =	shalt  }
0x66: {  	_ =	shalt  }
0x67: {  	_ =	shalt  }
0x68: {  	_ =	shalt  }
0x69: {  	_ =	shalt  }
0x6a: {  	_ =	shalt  }
0x6b: {  	_ =	shalt  }
0x6c: {  	_ =	shalt  }
0x6d: {  	_ =	shalt  }
0x6e: {  	_ =	shalt  }
0x6f: {  	_ =	shalt  }
0x70: {  	_ =	shalt  }
0x71: {  	_ =	shalt  }
0x72: {  	_ =	shalt  }
0x73: {  	_ =	shalt  }
0x74: {  	_ =	shalt  }
0x75: {  	_ =	shalt  }
0x76: {  	_ =	shalt  }
0x77: {  	_ =	shalt  }
0x78: {  	_ =	shalt  }
0x79: {  	_ =	shalt  }
0x7a: {  	_ =	shalt  }
0x7b: {  	_ =	shalt  }
0x7c: {  	_ =	shalt  }
0x7d: {  	_ =	shalt  }
0x7e: {  	_ =	shalt  }
0x7f: {  	_ =	shalt  }
0x80: {  	_ =	shalt  }
0x81: {  	_ =	shalt  }
0x82: {  	_ =	shalt  }
0x83: {  	_ =	shalt  }
0x84: {  	_ =	shalt  }
0x85: {  	_ =	shalt  }
0x86: {  	_ =	shalt  }
0x87: {  	_ =	shalt  }
.Lfunc_end0:
.L_simem_size_0:
called_computation_lowered:
.L_overlay_start_0:
0x88: {  	s2 =	sld [smem:$0x3FD9]  }
0x89: {  	s3 =	sld [smem:$0x3FFE];
	_ =	sdelay $0x1  }
0x8a: {  	s1 =	srdreg.scid  }
0x8b: {  	s0 =	sand.u32 $0x1, s1  }
0x8c: {  	s16 =	sshll.u32 s0, $0xA;
	s2 =	sadd.s32 s3, s2  }
0x8d: {  	s2 =	sadd.s32 s2, s16  }
0x8e: {  	[smem:$0x3FBA] =	sst s2  }
0x8f: {  	_ = 	snop  }
0x90: {  	(tm) =	ssettm $0x1  }
0x91: {  	s17 =	sld [smem:$0x3FFB];
	_ =	sdelay $0x3  }
0x92: {  	_ =	strace s17  }
0x93: {  	s2 =	sld [smem:$0x3FFC];
	_ =	sdelay $0x3  }
0x94: {  	_ =	strace s2  }
0x95: {  	s2 =	sld [smem:$0x3FFD];
	_ =	sdelay $0x3  }
0x96: {  	_ =	strace s2  }
0x97: {  	_ =	strace $0x8FFFFFFF  }
0x98: {  	s18 =	sld [smem:$0x3FDB];
	_ =	sdelay $0x1  }
0x99: {  	s19 =	simm.s32 $_scs_section_size  }
0x9a: {  	s4 =	simm.s32 $_size__tile_overlayer_lowered;
	s5 =	simm.s32 $_tile_overlayer_lowered  }
0x9b: {  	s22 =	simm.s32 $0x1BFF;
	s21 =	sshll.u32 s5, $0x1;
	s2 =	sadd.s32 s19, s18  }
0x9c: {  	s6 =	simm.s32 $0x0;
	s20 =	sshll.u32 s4, $0x1;
	s4 =	sadd.s32 s21, s2  }
0x9d: {  	[timem:s6], [sflag:s22] =	dma.local [hbm:s4], s20  }
0x9e: {  	_ =	swait.ge [sflag:s22], s20  }
0x9f: {  	s3 =	ssub.s32 $0x0, s20;
	[sflag:s22] =	ssyncset.done $0x0  }
0xa0: {  	[sflag:s22] =	ssyncadd.s32 s3;
	_ =	sdelay $0x1  }
0xa1: {  	s23 =	simm.s32 $0x1B8B  }
0xa2: {  	_ =	swait.ge [sflag:s23], $0x1  }
0xa3: {  	[sflag:s23] =	ssyncset.done $0x0  }
0xa4: {  	s25 =	simm.s32 $0x1B8E;
	s24 =	sld [smem:$0x3FFE];
	[sflag:s23] =	ssyncadd.s32 $0xFFFFFFFF  }
0xa5: {  	s26 =	simm.s32 $execute0_lowered;
	[smem:$0x3FD2] =	sst s25  }
0xa6: {  	s4 =	sshll.u32 s26, $0x1;
	_ =	strace $0x80000046;
	[dreg:$0x1] =	wrdreg $0xFFFFFFFF  }
0xa7: {  	s28 =	simm.s32 $_size_execute0_lowered;
	s2 =	sadd.s32 s2, s4;
	[dreg:$0x0] =	wrdreg $0x0  }
0xa8: {  	s4 =	sshll.u32 s28, $0x1;
	[dreg:$0x2] =	wrdreg s2  }
0xa9: {  	[dreg:$0x3] =	wrdreg s4  }
0xaa: {  	[dreg:$0x4] =	wrdreg $0xC0  }
0xab: {  	_ =	task [dreg:s6], $0x5FFFF  }
0xac: {  	[dreg:$0x1] =	wrdreg $0xFFFFFFFF  }
0xad: {  	[dreg:$0x0] =	wrdreg $0x60  }
0xae: {  	[dreg:$0x2] =	wrdreg s24  }
0xaf: {  	[dreg:$0x3] =	wrdreg $0x9  }
0xb0: {  	_ =	task.clear_ibuf [dreg:s6], $0x4FFFF;
	_ =	strace $0x90000046  }
0xb1: {  	s29 =	simm.s32 $0x9;
	_ =	strace $0x80000048  }
0xb2: {  	_ =	swait.ge [sflag:s29], $0x1  }
0xb3: {  	[sflag:s29] =	ssyncadd.s32 $0xFFFFFFFF  }
0xb4: {  	_ =	strace $0x90000048  }
0xb5: {  	_ =	sfence  }
0xb6: {  	s30 =	sld [smem:$0x0];
	_ =	sdelay $0x2  }
0xb7: {  	s31 =	sshll.u32 s1, $0xD;
	s1 =	sshrl.u32 s1, $0x2  }
0xb8: {  	s3 =	sand.u32 $0x4000, s31;
	s1 =	sadd.s32 s1, s30  }
0xb9: {  	s0 =	sor.u32 s3, s0;
	s1 =	sshll.u32 s1, $0x11  }
0xba: {  	s0 =	sor.u32 s1, s0  }
0xbb: {  	s0 =	sadd.s32 $0x8F2B, s0  }
0xbc: {  	[sflag:s0] =	ssyncadd.remote.s32 $0x1  }
0xbd: {  	_ =	sfence.sel $0xFFFF  }
0xbe: {  	[dreg:$0x0] =	wrdreg $0xFFFFFFFF;
	(pc) =	sbr.abs _section_cstart, $3  }
0xbf: {  	[dreg:$0x1] =	wrdreg $0xFFFFFFFF  }
0xc0: {  	_ =	task.clear_ibuf [dreg:s6], $0x2FFFF;
	_ =	strace $0x9FFFFFFF  }
0xc1: {  	(tm) =	ssettm $0x7FFFFFFF  }
tec
execute0_lowered:
.L_overlay_start_1:
0x0: {  	(tag) =	ssettag $0x1  }
0x1: {  	v0 =	vimm.s32 $0x0;
	v1 =	vlaneseq.u32  }
0x2: {  	v2 =	vimm.s32 $0x1;
	v3 =	vimm.s32 $0x2;
	v4 =	vimm.s32 $0x3  }
0x3: {  	vm0 =	vmmov $0xffff;
	v6 =	vshrl.u32 v1, $0x3;
	v5 =	vand.u32 $0x7, v1  }
0x4: {  	v7 =	vor.u32 $0x8, v1;
	v8 =	vor.u32 $0x10, v1;
	v9 =	vor.u32 $0x20, v1  }
0x5: {  	v10 =	vor.u32 $0x30, v1;
	v11 =	vor.u32 $0x40, v1;
	v12 =	vor.u32 $0x50, v1  }
0x6: {  	s0 =	rddreg [dreg:$0x0];
	v13 =	vor.u32 $0x60, v1;
	v14 =	vor.u32 $0x70, v1;
	v15 =	vor.u32 $0x400, v1  }
0x7: {  	s1 =	simm.s32 $0x0;
	s3 =	srdreg.scid;
	s6 =	stileid.u32;
	v16 =	vor.u32 $0x410, v1;
	v17 =	vor.u32 $0x420, v1;
	v18 =	vor.u32 $0x430, v1  }
0x8: {  	s14 =	simm.s32 $0x16500;
	s15 =	simm.s32 $0x4;
	s22 =	simm.s32 $0x1A500;
	v19 =	vor.u32 $0x440, v1;
	v20 =	vor.u32 $0x450, v1;
	v21 =	vor.u32 $0x460, v1  }
0x9: {  	s23 =	simm.s32 $0x1AD00;
	s18 =	simm.s32 $0x14400;
	s19 =	simm.s32 $0x14C00;
	v22 =	vor.u32 $0x470, v1;
	v23 =	vor.u32 $0x800, v1;
	v24 =	vor.u32 $0x810, v1  }
0xa: {  	s20 =	simm.s32 $0x1;
	s30 =	simm.s32 $0x16400;
	s31 =	simm.s32 $0x16480;
	v25 =	vor.u32 $0x820, v1;
	v26 =	vor.u32 $0x830, v1;
	v27 =	vor.u32 $0x840, v1  }
0xb: {  	[smem:$0x7FF] =	sst s1;
	s2 =	sadd.s32 $0xC400, s0;
	s4 =	sadd.s32 $0x14C400, s0;
	v28 =	vor.u32 $0x850, v1;
	v29 =	vor.u32 $0x860, v1;
	v30 =	vor.u32 $0x870, v1  }
0xc: {  	s29 =	simm.s32 $0x10;
	s5 =	sadd.s32 $0x174400, s0;
	s9 =	smul.u32 $0x140, s6;
	v31 =	vor.u32 $0xC00, v1;
	v32 =	vor.u32 $0xC10, v1;
	v33 =	vor.u32 $0xC20, v1  }
0xd: {  	s3 =	sand.u32 $0x1, s3;
	s6 =	sadd.s32 $0x7400, s0;
	s11 =	sadd.s32 $0x19C400, s0;
	v34 =	vor.u32 $0xC30, v1;
	v35 =	vor.u32 $0xC40, v1;
	v36 =	vor.u32 $0xC50, v1  }
0xe: {  	s7 =	sadd.s32 $0x2400, s0;
	s12 =	sadd.s32 $0xC700, s0;
	v37 =	vor.u32 $0xC60, v1;
	v38 =	vor.u32 $0xC70, v1;
	v39 =	vor.u32 $0x1000, v1;
	s8 =	smul.u32 $0x1400, s3  }
.Ltmp0:
0xf: {  	v40 =	vor.u32 $0x1010, v1;
	v41 =	vor.u32 $0x1020, v1;
	v42 =	vor.u32 $0x1030, v1;
	_ =	strace $0x80000047;
	s3 =	ssub.s32 $0x2, s3;
	(pc) =	sbr.rel .LBB2_1-.Ltmp0, $4  }
0x10: {  	v43 =	vor.u32 $0x1040, v1;
	v44 =	vor.u32 $0x1050, v1;
	v45 =	vor.u32 $0x1060, v1;
	[dreg:$0x2] =	wrdreg s11;
	s11 =	sadd.s32 $0xC600, s0;
	s10 =	sshrl.u32 s3, $0x1  }
0x11: {  	v46 =	vor.u32 $0x1070, v1;
	v47 =	vor.u32 $0x1400, v1;
	v48 =	vor.u32 $0x1410, v1;
	s3 =	ssub.s32 s3, s10;
	s8 =	sadd.s32 s9, s8;
	s10 =	sadd.s32 $0xC500, s0  }
0x12: {  	v49 =	vor.u32 $0x1420, v1;
	v50 =	vor.u32 $0x1430, v1;
	v51 =	vor.u32 $0x1440, v1;
	s0 =	simm.s32 $0x2;
	[dreg:$0x3] =	wrdreg s8;
	s28 =	smax.u32 s3, $0x1  }
0x13: {  	v52 =	vor.u32 $0x1450, v1;
	v53 =	vor.u32 $0x1460, v1;
	v6 =	vmul.u32 $0x8, v6;
	s9 =	simm.s32 $0x0;
	s3 =	simm.s32 $0x3;
	[dreg:$0x4] =	wrdreg s28  }
.LBB2_18:
0x14: {  	s9 =	rddreg [dreg:$0x5]  }
0x15: {  	s8 =	rddreg [dreg:$0x4];
	s9 =	sadd.s32 $0x1, s9  }
0x16: {  	p0 =	sne.s32 s9, s8  }
.Ltmp1:
0x17: {  	_ = 	snop;
	(pc) =	sbr.rel @!p0 .LBB2_19-.Ltmp1, $1  }
0x18: {  	_ =	sdelay $0x3  }
.LBB2_1:
.Ltmp2:
0x19: {  	(pc) =	sbr.rel .LBB2_2-.Ltmp2, $2  }
0x1a: {  	_ =	sdelay $0x2  }
0x1b: {  	[dreg:$0x5] =	wrdreg s9;
	s8 =	simm.s32 $0x0  }
.LBB2_17:
0x1c: {  	s8 =	sshrl.u32 s8, $0x3  }
0x1d: {  	s8 =	smul.u32 $0x480, s8  }
0x1e: {  	s9 =	rddreg [dreg:$0x2]  }
0x1f: {  	s8 =	sadd.s32 s9, s8  }
0x20: {  	[hbm4b:s8+s1] =	stream.linear.scatter [tilespmem:s1], [sflag:$0x4], $0x12000, $0x38;
	[tilespmem:$0x1B500] =	vst v63  }
0x21: {  	_ =	swait.ge [sflag:s15], $0x12000  }
0x22: {  	s28 =	rddreg [dreg:$0x6]  }
0x23: {  	s8 =	sadd.s32 $0x1, s28  }
0x24: {  	p0 =	sne.s32 s8, $0x5  }
.Ltmp3:
0x25: {  	_ = 	snop;
	(pc) =	sbr.rel @!p0 .LBB2_18-.Ltmp3, $3  }
0x26: {  	_ =	sdelay $0x1  }
0x27: {  	[sflag:s15] =	ssyncset.done $0x0  }
0x28: {  	s22 =	simm.s32 $0x1A500;
	s23 =	simm.s32 $0x1AD00;
	[sflag:s15] =	ssyncadd.s32 $0xFFFEE000  }
.LBB2_2:
.Ltmp4:
0x29: {  	(pc) =	sbr.rel .LBB2_3-.Ltmp4, $4  }
0x2a: {  	_ = 	snop  }
0x2b: {  	[dreg:$0x6] =	wrdreg s8  }
0x2c: {  	s28 =	sshll.u32 s8, $0x6;
	s9 =	rddreg [dreg:$0x3]  }
0x2d: {  	s13 =	simm.s32 $0x1000;
	s8 =	sadd.s32 s28, s9;
	s9 =	simm.s32 $0x0  }
.LBB2_6:
0x2e: {  	s9 =	sadd.s32 $0x1, s9  }
0x2f: {  	p0 =	seq.s32 s9, $0x8  }
.Ltmp5:
0x30: {  	_ = 	snop;
	(pc) =	sbr.rel @p0 .LBB2_7-.Ltmp5, $2  }
0x31: {  	_ =	sdelay $0x2  }
0x32: {  	s13 =	sadd.s32 $0x2400, s13  }
.LBB2_3:
0x33: {  	s16 =	sshll.u32 s9, $0x3  }
0x34: {  	s17 =	sadd.s32 s8, s16  }
0x35: {  	p0 =	sgt.u32 s17, $0x270F  }
.Ltmp6:
0x36: {  	_ = 	snop;
	(pc) =	sbr.rel @p0 .LBB2_6-.Ltmp6, $1  }
0x37: {  	_ =	sdelay $0x3  }
0x38: {  	s16 =	sshll.u32 s17, $0x7  }
0x39: {  	s21 =	sadd.s32 s2, s16;
	s16 =	simm.s32 $0x0  }
0x3a: {  	[tilespmem:s14], [sflag:$0x4] =	stream.linear.gather [hbm4b:s21+s16], $0x2000, $0x38;
	[tilespmem:$0x1B500] =	vst v63  }
0x3b: {  	_ =	swait.ge [sflag:s15], $0x2000  }
0x3c: {  	s26 =	sshll.u32 s17, $0x4;
	[sflag:s15] =	ssyncset.done $0x0  }
0x3d: {  	s28 =	sadd.s32 s4, s26;
	[sflag:s15] =	ssyncadd.s32 $0xFFFFE000  }
0x3e: {  	[tilespmem:s22], [sflag:$0x4] =	stream.linear.gather [hbm4b:s28+s16], $0x400, $0x38;
	[tilespmem:$0x1B500] =	vst v63  }
0x3f: {  	_ =	swait.ge [sflag:s15], $0x400  }
0x40: {  	[sflag:s15] =	ssyncset.done $0x0  }
0x41: {  	s17 =	sadd.s32 s5, s26;
	[sflag:s15] =	ssyncadd.s32 $0xFFFFFC00  }
0x42: {  	[tilespmem:s23], [sflag:$0x4] =	stream.linear.gather [hbm4b:s17+s16], $0x400, $0x38;
	[tilespmem:$0x1B500] =	vst v63  }
0x43: {  	_ =	swait.ge [sflag:s15], $0x400  }
0x44: {  	[sflag:s15] =	ssyncset.done $0x0  }
0x45: {  	v54 =	vmov s13;
	[sflag:s15] =	ssyncadd.s32 $0xFFFFFC00  }
.LBB2_5:
0x46: {  	s17 =	sshra.s32 s16, $0x2  }
0x47: {  	v55 =	vld [tilespmem:s17+$0x1A500]  }
0x48: {  	v56 =	vld [tilespmem:s17+$0x1AD00];
	_ =	sdelay $0x4  }
0x49: {  	v55 =	vadd.f32 v56, v55;
	_ =	sdelay $0x1  }
0x4a: {  	v56 =	vmul.f32 $2.000000030e-01, v55;
	_ =	sdelay $0x1  }
0x4b: {  	v55 =	vmax.f32 v55, v56  }
0x4c: {  	v55 =	vmul.f32 $1.442695020e+00, v55;
	_ =	sdelay $0x1  }
0x4d: {  	(erf) = vpow2.f32 v55;
	_ =	sdelay $0x8  }
0x4e: {  	v55 =	vpop (erf)  }
0x4f: {  	[tilespmem:v54+s17+$0x1000 ss:$0x1] =	vst.idx.msk $0xffff, v55  }
0x50: {  	v61 =	vld [tilespmem:s17+$0x16500];
	_ =	sdelay $0x2  }
0x51: {  	v57 =	vperm.xlane v55, v0;
	_ =	sdelay $0x1  }
0x52: {  	v56 =	vmul.f32 v61, v57;
	_ =	sdelay $0x1  }
0x53: {  	[tilespmem:v54+s17+$0xFFFFF000 ss:$0x1] =	vst.idx.msk $0xffff, v56  }
0x54: {  	v56 =	vld [tilespmem:s17+$0x16510];
	_ =	sdelay $0x4  }
0x55: {  	v56 =	vmul.f32 v56, v57;
	_ =	sdelay $0x1  }
0x56: {  	[tilespmem:v54+s17+$0xFFFFF010 ss:$0x1] =	vst.idx.msk $0xffff, v56  }
0x57: {  	v56 =	vld [tilespmem:s17+$0x16520];
	_ =	sdelay $0x4  }
0x58: {  	v56 =	vmul.f32 v56, v57;
	_ =	sdelay $0x1  }
0x59: {  	[tilespmem:v54+s17+$0xFFFFF020 ss:$0x1] =	vst.idx.msk $0xffff, v56  }
0x5a: {  	v56 =	vld [tilespmem:s17+$0x16530];
	_ =	sdelay $0x4  }
0x5b: {  	v56 =	vmul.f32 v56, v57;
	_ =	sdelay $0x1  }
0x5c: {  	[tilespmem:v54+s17+$0xFFFFF030 ss:$0x1] =	vst.idx.msk $0xffff, v56  }
0x5d: {  	v56 =	vld [tilespmem:s17+$0x16540];
	_ =	sdelay $0x4  }
0x5e: {  	v56 =	vmul.f32 v56, v57;
	_ =	sdelay $0x1  }
0x5f: {  	[tilespmem:v54+s17+$0xFFFFF040 ss:$0x1] =	vst.idx.msk $0xffff, v56  }
0x60: {  	v56 =	vld [tilespmem:s17+$0x16550];
	_ =	sdelay $0x4  }
0x61: {  	v56 =	vmul.f32 v56, v57;
	_ =	sdelay $0x1  }
0x62: {  	[tilespmem:v54+s17+$0xFFFFF050 ss:$0x1] =	vst.idx.msk $0xffff, v56  }
0x63: {  	v56 =	vld [tilespmem:s17+$0x16560];
	_ =	sdelay $0x4  }
0x64: {  	v56 =	vmul.f32 v56, v57;
	_ =	sdelay $0x1  }
0x65: {  	[tilespmem:v54+s17+$0xFFFFF060 ss:$0x1] =	vst.idx.msk $0xffff, v56  }
0x66: {  	v56 =	vld [tilespmem:s17+$0x16570];
	_ =	sdelay $0x4  }
0x67: {  	v56 =	vmul.f32 v56, v57;
	_ =	sdelay $0x1  }
0x68: {  	[tilespmem:v54+s17+$0xFFFFF070 ss:$0x1] =	vst.idx.msk $0xffff, v56  }
0x69: {  	v56 =	vld [tilespmem:s17+$0x16900];
	_ =	sdelay $0x4  }
0x6a: {  	v56 =	vmul.f32 v56, v57;
	_ =	sdelay $0x1  }
0x6b: {  	[tilespmem:v54+s17+$0xFFFFF400 ss:$0x1] =	vst.idx.msk $0xffff, v56  }
0x6c: {  	v56 =	vld [tilespmem:s17+$0x16910];
	_ =	sdelay $0x4  }
0x6d: {  	v56 =	vmul.f32 v56, v57;
	_ =	sdelay $0x1  }
0x6e: {  	[tilespmem:v54+s17+$0xFFFFF410 ss:$0x1] =	vst.idx.msk $0xffff, v56  }
0x6f: {  	v56 =	vld [tilespmem:s17+$0x16920];
	_ =	sdelay $0x4  }
0x70: {  	v56 =	vmul.f32 v56, v57;
	_ =	sdelay $0x1  }
0x71: {  	[tilespmem:v54+s17+$0xFFFFF420 ss:$0x1] =	vst.idx.msk $0xffff, v56  }
0x72: {  	v56 =	vld [tilespmem:s17+$0x16930];
	_ =	sdelay $0x4  }
0x73: {  	v56 =	vmul.f32 v56, v57;
	_ =	sdelay $0x1  }
0x74: {  	[tilespmem:v54+s17+$0xFFFFF430 ss:$0x1] =	vst.idx.msk $0xffff, v56  }
0x75: {  	v56 =	vld [tilespmem:s17+$0x16940];
	_ =	sdelay $0x4  }
0x76: {  	v56 =	vmul.f32 v56, v57;
	_ =	sdelay $0x1  }
0x77: {  	[tilespmem:v54+s17+$0xFFFFF440 ss:$0x1] =	vst.idx.msk $0xffff, v56  }
0x78: {  	v56 =	vld [tilespmem:s17+$0x16950];
	_ =	sdelay $0x4  }
0x79: {  	v56 =	vmul.f32 v56, v57;
	_ =	sdelay $0x1  }
0x7a: {  	[tilespmem:v54+s17+$0xFFFFF450 ss:$0x1] =	vst.idx.msk $0xffff, v56  }
0x7b: {  	v56 =	vld [tilespmem:s17+$0x16960];
	_ =	sdelay $0x4  }
0x7c: {  	v56 =	vmul.f32 v56, v57;
	_ =	sdelay $0x1  }
0x7d: {  	[tilespmem:v54+s17+$0xFFFFF460 ss:$0x1] =	vst.idx.msk $0xffff, v56  }
0x7e: {  	v56 =	vld [tilespmem:s17+$0x16970];
	_ =	sdelay $0x4  }
0x7f: {  	v56 =	vmul.f32 v56, v57;
	_ =	sdelay $0x1  }
0x80: {  	[tilespmem:v54+s17+$0xFFFFF470 ss:$0x1] =	vst.idx.msk $0xffff, v56  }
0x81: {  	v56 =	vld [tilespmem:s17+$0x16D00];
	_ =	sdelay $0x2  }
0x82: {  	v62 =	vperm.xlane v55, v2;
	_ =	sdelay $0x1  }
0x83: {  	v56 =	vmul.f32 v56, v62;
	_ =	sdelay $0x1  }
0x84: {  	[tilespmem:v54+s17+$0xFFFFF800 ss:$0x1] =	vst.idx.msk $0xffff, v56  }
0x85: {  	v56 =	vld [tilespmem:s17+$0x16D10];
	_ =	sdelay $0x4  }
0x86: {  	v56 =	vmul.f32 v56, v62;
	_ =	sdelay $0x1  }
0x87: {  	[tilespmem:v54+s17+$0xFFFFF810 ss:$0x1] =	vst.idx.msk $0xffff, v56  }
0x88: {  	v56 =	vld [tilespmem:s17+$0x16D20];
	_ =	sdelay $0x4  }
0x89: {  	v56 =	vmul.f32 v56, v62;
	_ =	sdelay $0x1  }
0x8a: {  	[tilespmem:v54+s17+$0xFFFFF820 ss:$0x1] =	vst.idx.msk $0xffff, v56  }
0x8b: {  	v56 =	vld [tilespmem:s17+$0x16D30];
	_ =	sdelay $0x4  }
0x8c: {  	v56 =	vmul.f32 v56, v62;
	_ =	sdelay $0x1  }
0x8d: {  	[tilespmem:v54+s17+$0xFFFFF830 ss:$0x1] =	vst.idx.msk $0xffff, v56  }
0x8e: {  	v56 =	vld [tilespmem:s17+$0x16D40];
	_ =	sdelay $0x4  }
0x8f: {  	v56 =	vmul.f32 v56, v62;
	_ =	sdelay $0x1  }
0x90: {  	[tilespmem:v54+s17+$0xFFFFF840 ss:$0x1] =	vst.idx.msk $0xffff, v56  }
0x91: {  	v56 =	vld [tilespmem:s17+$0x16D50];
	_ =	sdelay $0x4  }
0x92: {  	v56 =	vmul.f32 v56, v62;
	_ =	sdelay $0x1  }
0x93: {  	[tilespmem:v54+s17+$0xFFFFF850 ss:$0x1] =	vst.idx.msk $0xffff, v56  }
0x94: {  	v56 =	vld [tilespmem:s17+$0x16D60];
	_ =	sdelay $0x4  }
0x95: {  	v56 =	vmul.f32 v56, v62;
	_ =	sdelay $0x1  }
0x96: {  	[tilespmem:v54+s17+$0xFFFFF860 ss:$0x1] =	vst.idx.msk $0xffff, v56  }
0x97: {  	v56 =	vld [tilespmem:s17+$0x16D70];
	_ =	sdelay $0x4  }
0x98: {  	v56 =	vmul.f32 v56, v62;
	_ =	sdelay $0x1  }
0x99: {  	[tilespmem:v54+s17+$0xFFFFF870 ss:$0x1] =	vst.idx.msk $0xffff, v56  }
0x9a: {  	v56 =	vld [tilespmem:s17+$0x17100];
	_ =	sdelay $0x4  }
0x9b: {  	v56 =	vmul.f32 v56, v62;
	_ =	sdelay $0x1  }
0x9c: {  	[tilespmem:v54+s17+$0xFFFFFC00 ss:$0x1] =	vst.idx.msk $0xffff, v56  }
0x9d: {  	v56 =	vld [tilespmem:s17+$0x17110];
	_ =	sdelay $0x4  }
0x9e: {  	v56 =	vmul.f32 v56, v62;
	_ =	sdelay $0x1  }
0x9f: {  	[tilespmem:v54+s17+$0xFFFFFC10 ss:$0x1] =	vst.idx.msk $0xffff, v56  }
0xa0: {  	v56 =	vld [tilespmem:s17+$0x17120];
	_ =	sdelay $0x4  }
0xa1: {  	v56 =	vmul.f32 v56, v62;
	_ =	sdelay $0x1  }
0xa2: {  	[tilespmem:v54+s17+$0xFFFFFC20 ss:$0x1] =	vst.idx.msk $0xffff, v56  }
0xa3: {  	v56 =	vld [tilespmem:s17+$0x17130];
	_ =	sdelay $0x4  }
0xa4: {  	v56 =	vmul.f32 v56, v62;
	_ =	sdelay $0x1  }
0xa5: {  	[tilespmem:v54+s17+$0xFFFFFC30 ss:$0x1] =	vst.idx.msk $0xffff, v56  }
0xa6: {  	v56 =	vld [tilespmem:s17+$0x17140];
	_ =	sdelay $0x4  }
0xa7: {  	v56 =	vmul.f32 v56, v62;
	_ =	sdelay $0x1  }
0xa8: {  	[tilespmem:v54+s17+$0xFFFFFC40 ss:$0x1] =	vst.idx.msk $0xffff, v56  }
0xa9: {  	v56 =	vld [tilespmem:s17+$0x17150];
	_ =	sdelay $0x4  }
0xaa: {  	v56 =	vmul.f32 v56, v62;
	_ =	sdelay $0x1  }
0xab: {  	[tilespmem:v54+s17+$0xFFFFFC50 ss:$0x1] =	vst.idx.msk $0xffff, v56  }
0xac: {  	v56 =	vld [tilespmem:s17+$0x17160];
	_ =	sdelay $0x4  }
0xad: {  	v56 =	vmul.f32 v56, v62;
	_ =	sdelay $0x1  }
0xae: {  	[tilespmem:v54+s17+$0xFFFFFC60 ss:$0x1] =	vst.idx.msk $0xffff, v56  }
0xaf: {  	v56 =	vld [tilespmem:s17+$0x17170];
	_ =	sdelay $0x4  }
0xb0: {  	v56 =	vmul.f32 v56, v62;
	_ =	sdelay $0x1  }
0xb1: {  	[tilespmem:v54+s17+$0xFFFFFC70 ss:$0x1] =	vst.idx.msk $0xffff, v56  }
0xb2: {  	v56 =	vld [tilespmem:s17+$0x17500];
	_ =	sdelay $0x2  }
0xb3: {  	v63 =	vperm.xlane v55, v3;
	_ =	sdelay $0x1  }
0xb4: {  	v56 =	vmul.f32 v56, v63;
	_ =	sdelay $0x1  }
0xb5: {  	[tilespmem:v54+s17+$0x0 ss:$0x1] =	vst.idx.msk $0xffff, v56  }
0xb6: {  	v56 =	vld [tilespmem:s17+$0x17510];
	_ =	sdelay $0x4  }
0xb7: {  	v56 =	vmul.f32 v56, v63;
	_ =	sdelay $0x1  }
0xb8: {  	[tilespmem:v54+s17+$0x10 ss:$0x1] =	vst.idx.msk $0xffff, v56  }
0xb9: {  	v56 =	vld [tilespmem:s17+$0x17520];
	_ =	sdelay $0x4  }
0xba: {  	v56 =	vmul.f32 v56, v63;
	_ =	sdelay $0x1  }
0xbb: {  	[tilespmem:v54+s17+$0x20 ss:$0x1] =	vst.idx.msk $0xffff, v56  }
0xbc: {  	v56 =	vld [tilespmem:s17+$0x17530];
	_ =	sdelay $0x4  }
0xbd: {  	v56 =	vmul.f32 v56, v63;
	_ =	sdelay $0x1  }
0xbe: {  	[tilespmem:v54+s17+$0x30 ss:$0x1] =	vst.idx.msk $0xffff, v56  }
0xbf: {  	v56 =	vld [tilespmem:s17+$0x17540];
	_ =	sdelay $0x4  }
0xc0: {  	v56 =	vmul.f32 v56, v63;
	_ =	sdelay $0x1  }
0xc1: {  	[tilespmem:v54+s17+$0x40 ss:$0x1] =	vst.idx.msk $0xffff, v56  }
0xc2: {  	v56 =	vld [tilespmem:s17+$0x17550];
	_ =	sdelay $0x4  }
0xc3: {  	v56 =	vmul.f32 v56, v63;
	_ =	sdelay $0x1  }
0xc4: {  	[tilespmem:v54+s17+$0x50 ss:$0x1] =	vst.idx.msk $0xffff, v56  }
0xc5: {  	v56 =	vld [tilespmem:s17+$0x17560];
	_ =	sdelay $0x4  }
0xc6: {  	v56 =	vmul.f32 v56, v63;
	_ =	sdelay $0x1  }
0xc7: {  	[tilespmem:v54+s17+$0x60 ss:$0x1] =	vst.idx.msk $0xffff, v56  }
0xc8: {  	v56 =	vld [tilespmem:s17+$0x17570];
	_ =	sdelay $0x4  }
0xc9: {  	v56 =	vmul.f32 v56, v63;
	_ =	sdelay $0x1  }
0xca: {  	[tilespmem:v54+s17+$0x70 ss:$0x1] =	vst.idx.msk $0xffff, v56  }
0xcb: {  	v56 =	vld [tilespmem:s17+$0x17900];
	_ =	sdelay $0x4  }
0xcc: {  	v56 =	vmul.f32 v56, v63;
	_ =	sdelay $0x1  }
0xcd: {  	[tilespmem:v54+s17+$0x400 ss:$0x1] =	vst.idx.msk $0xffff, v56  }
0xce: {  	v56 =	vld [tilespmem:s17+$0x17910];
	_ =	sdelay $0x4  }
0xcf: {  	v56 =	vmul.f32 v56, v63;
	_ =	sdelay $0x1  }
0xd0: {  	[tilespmem:v54+s17+$0x410 ss:$0x1] =	vst.idx.msk $0xffff, v56  }
0xd1: {  	v56 =	vld [tilespmem:s17+$0x17920];
	_ =	sdelay $0x4  }
0xd2: {  	v56 =	vmul.f32 v56, v63;
	_ =	sdelay $0x1  }
0xd3: {  	[tilespmem:v54+s17+$0x420 ss:$0x1] =	vst.idx.msk $0xffff, v56  }
0xd4: {  	v56 =	vld [tilespmem:s17+$0x17930];
	_ =	sdelay $0x4  }
0xd5: {  	v56 =	vmul.f32 v56, v63;
	_ =	sdelay $0x1  }
0xd6: {  	[tilespmem:v54+s17+$0x430 ss:$0x1] =	vst.idx.msk $0xffff, v56  }
0xd7: {  	v56 =	vld [tilespmem:s17+$0x17940];
	_ =	sdelay $0x4  }
0xd8: {  	v56 =	vmul.f32 v56, v63;
	_ =	sdelay $0x1  }
0xd9: {  	[tilespmem:v54+s17+$0x440 ss:$0x1] =	vst.idx.msk $0xffff, v56  }
0xda: {  	v56 =	vld [tilespmem:s17+$0x17950];
	_ =	sdelay $0x4  }
0xdb: {  	v56 =	vmul.f32 v56, v63;
	_ =	sdelay $0x1  }
0xdc: {  	[tilespmem:v54+s17+$0x450 ss:$0x1] =	vst.idx.msk $0xffff, v56  }
0xdd: {  	v56 =	vld [tilespmem:s17+$0x17960];
	_ =	sdelay $0x4  }
0xde: {  	v56 =	vmul.f32 v56, v63;
	_ =	sdelay $0x1  }
0xdf: {  	[tilespmem:v54+s17+$0x460 ss:$0x1] =	vst.idx.msk $0xffff, v56  }
0xe0: {  	v56 =	vld [tilespmem:s17+$0x17970];
	_ =	sdelay $0x4  }
0xe1: {  	v56 =	vmul.f32 v56, v63;
	_ =	sdelay $0x1  }
0xe2: {  	[tilespmem:v54+s17+$0x470 ss:$0x1] =	vst.idx.msk $0xffff, v56  }
0xe3: {  	v56 =	vld [tilespmem:s17+$0x17D00];
	_ =	sdelay $0x2  }
0xe4: {  	v55 =	vperm.xlane v55, v4;
	_ =	sdelay $0x1  }
0xe5: {  	v56 =	vmul.f32 v56, v55;
	_ =	sdelay $0x1  }
0xe6: {  	[tilespmem:v54+s17+$0x800 ss:$0x1] =	vst.idx.msk $0xffff, v56  }
0xe7: {  	v56 =	vld [tilespmem:s17+$0x17D10];
	_ =	sdelay $0x4  }
0xe8: {  	v56 =	vmul.f32 v56, v55;
	_ =	sdelay $0x1  }
0xe9: {  	[tilespmem:v54+s17+$0x810 ss:$0x1] =	vst.idx.msk $0xffff, v56  }
0xea: {  	v56 =	vld [tilespmem:s17+$0x17D20];
	_ =	sdelay $0x4  }
0xeb: {  	v56 =	vmul.f32 v56, v55;
	_ =	sdelay $0x1  }
0xec: {  	[tilespmem:v54+s17+$0x820 ss:$0x1] =	vst.idx.msk $0xffff, v56  }
0xed: {  	v56 =	vld [tilespmem:s17+$0x17D30];
	_ =	sdelay $0x4  }
0xee: {  	v56 =	vmul.f32 v56, v55;
	_ =	sdelay $0x1  }
0xef: {  	[tilespmem:v54+s17+$0x830 ss:$0x1] =	vst.idx.msk $0xffff, v56  }
0xf0: {  	v56 =	vld [tilespmem:s17+$0x17D40];
	_ =	sdelay $0x4  }
0xf1: {  	v56 =	vmul.f32 v56, v55;
	_ =	sdelay $0x1  }
0xf2: {  	[tilespmem:v54+s17+$0x840 ss:$0x1] =	vst.idx.msk $0xffff, v56  }
0xf3: {  	v56 =	vld [tilespmem:s17+$0x17D50];
	_ =	sdelay $0x4  }
0xf4: {  	v56 =	vmul.f32 v56, v55;
	_ =	sdelay $0x1  }
0xf5: {  	[tilespmem:v54+s17+$0x850 ss:$0x1] =	vst.idx.msk $0xffff, v56  }
0xf6: {  	v56 =	vld [tilespmem:s17+$0x17D60];
	_ =	sdelay $0x4  }
0xf7: {  	v56 =	vmul.f32 v56, v55;
	_ =	sdelay $0x1  }
0xf8: {  	[tilespmem:v54+s17+$0x860 ss:$0x1] =	vst.idx.msk $0xffff, v56  }
0xf9: {  	v56 =	vld [tilespmem:s17+$0x17D70];
	_ =	sdelay $0x4  }
0xfa: {  	v56 =	vmul.f32 v56, v55;
	_ =	sdelay $0x1  }
0xfb: {  	[tilespmem:v54+s17+$0x870 ss:$0x1] =	vst.idx.msk $0xffff, v56  }
0xfc: {  	v56 =	vld [tilespmem:s17+$0x18100];
	_ =	sdelay $0x4  }
0xfd: {  	v56 =	vmul.f32 v56, v55;
	_ =	sdelay $0x1  }
0xfe: {  	[tilespmem:v54+s17+$0xC00 ss:$0x1] =	vst.idx.msk $0xffff, v56  }
0xff: {  	v56 =	vld [tilespmem:s17+$0x18110];
	_ =	sdelay $0x4  }
0x100: {  	v56 =	vmul.f32 v56, v55;
	_ =	sdelay $0x1  }
0x101: {  	[tilespmem:v54+s17+$0xC10 ss:$0x1] =	vst.idx.msk $0xffff, v56  }
0x102: {  	v56 =	vld [tilespmem:s17+$0x18120];
	_ =	sdelay $0x4  }
0x103: {  	v56 =	vmul.f32 v56, v55;
	_ =	sdelay $0x1  }
0x104: {  	[tilespmem:v54+s17+$0xC20 ss:$0x1] =	vst.idx.msk $0xffff, v56  }
0x105: {  	v56 =	vld [tilespmem:s17+$0x18130];
	_ =	sdelay $0x4  }
0x106: {  	v56 =	vmul.f32 v56, v55;
	_ =	sdelay $0x1  }
0x107: {  	[tilespmem:v54+s17+$0xC30 ss:$0x1] =	vst.idx.msk $0xffff, v56  }
0x108: {  	v56 =	vld [tilespmem:s17+$0x18140];
	_ =	sdelay $0x4  }
0x109: {  	v56 =	vmul.f32 v56, v55;
	_ =	sdelay $0x1  }
0x10a: {  	[tilespmem:v54+s17+$0xC40 ss:$0x1] =	vst.idx.msk $0xffff, v56  }
0x10b: {  	v56 =	vld [tilespmem:s17+$0x18150];
	_ =	sdelay $0x4  }
0x10c: {  	v56 =	vmul.f32 v56, v55;
	_ =	sdelay $0x1  }
0x10d: {  	[tilespmem:v54+s17+$0xC50 ss:$0x1] =	vst.idx.msk $0xffff, v56  }
0x10e: {  	v56 =	vld [tilespmem:s17+$0x18160];
	_ =	sdelay $0x4  }
0x10f: {  	v56 =	vmul.f32 v56, v55;
	_ =	sdelay $0x1  }
0x110: {  	[tilespmem:v54+s17+$0xC60 ss:$0x1] =	vst.idx.msk $0xffff, v56  }
0x111: {  	v56 =	vld [tilespmem:s17+$0x18170];
	_ =	sdelay $0x1  }
0x112: {  	p0 =	sne.s32 s16, $0xE00  }
.Ltmp7:
0x113: {  	_ = 	snop;
	(pc) =	sbr.rel @p0 .LBB2_5-.Ltmp7, $3  }
0x114: {  	_ = 	snop  }
0x115: {  	v55 =	vmul.f32 v56, v55;
	_ =	sdelay $0x1  }
0x116: {  	s16 =	sadd.s32 $0x200, s16;
	[tilespmem:v54+s17+$0xC70 ss:$0x1] =	vst.idx.msk $0xffff, v55  }
.Ltmp8:
0x117: {  	_ = 	snop;
	(pc) =	sbr.rel .LBB2_6-.Ltmp8, $1  }
0x118: {  	_ =	sdelay $0x3  }
.LBB2_7:
0x119: {  	s9 =	sadd.s32 $0x40, s8  }
0x11a: {  	s13 =	simm.s32 $0x0;
	v55 =	vmov s9;
	s9 =	simm.s32 $0x40  }
.LBB2_8:
0x11b: {  	p0 =	seq.s32 s9, $0x1FC0;
	[tilespmem:s13+$0x15400] =	vst v0;
	s16 =	smov.u32 s9;
	s9 =	sadd.s32 $0x40, s9  }
.Ltmp9:
0x11c: {  	[tilespmem:s13+$0x15C00] =	vst v55;
	(pc) =	sbr.rel @!p0 .LBB2_8-.Ltmp9, $2  }
0x11d: {  	_ =	sdelay $0x2  }
0x11e: {  	s13 =	sshra.s32 s16, $0x2  }
0x11f: {  	[tilespmem:s13+$0x15400] =	vst v0  }
0x120: {  	[tilespmem:s13+$0x15C00] =	vst v55;
	v54 =	vmov s8;
	s13 =	simm.s32 $0x0;
	s9 =	simm.s32 $0x0;
	s16 =	simm.s32 $0x0  }
.LBB2_10:
0x121: {  	s17 =	smul.u32 $0xFA, s16;
	_ =	sdelay $0x1  }
0x122: {  	s21 =	sadd.s32 s6, s17  }
0x123: {  	[tilespmem:s18], [sflag:$0x4] =	stream.linear.gather [hbm4b:s21+s13], $0x7D0, $0x38;
	[tilespmem:$0x1B500] =	vst v63  }
0x124: {  	_ =	swait.ge [sflag:s15], $0x7D0  }
0x125: {  	[sflag:s15] =	ssyncset.done $0x0  }
0x126: {  	s17 =	sadd.s32 s7, s17;
	[sflag:s15] =	ssyncadd.s32 $0xFFFFF830  }
0x127: {  	[tilespmem:s19], [sflag:$0x4] =	stream.linear.gather [hbm4b:s17+s13], $0x7D0, $0x38;
	[tilespmem:$0x1B500] =	vst v63  }
0x128: {  	_ =	swait.ge [sflag:s15], $0x7D0  }
0x129: {  	[sflag:s15] =	ssyncset.done $0x0  }
0x12a: {  	s28 =	simm.s32 $0x0;
	[sflag:s15] =	ssyncadd.s32 $0xFFFFF830  }
0x12b: {  	v56 =	vld [tilespmem:s28+$0x14C00];
	_ =	sdelay $0x4  }
0x12c: {  	vm1 =	vge.s32 v56, v54;
	vm2 =	vlt.s32 v56, v55  }
0x12d: {  	vm1 =	vmand vm1, vm2  }
0x12e: {  	v57 =	vsel vm1, $0x1, v0  }
0x12f: {  	(xrf0) =	vadd.scan.msk.s32 $0xffff, v57;
	_ =	sdelay $0x2  }
0x130: {  	p0 =	sgt.s32 s9, $0x7F0  }
0x131: {  	s17 =	simm.s32 @!p0 $0x0  }
0x132: {  	v57 =	vld @!p0 [tilespmem:s17+$0x14400]  }
0x133: {  	v58, _, _ =	vpop (xrf0)  }
0x134: {  	(v2sf) =	vpush v58, $0xF;
	_ =	sdelay $0x2  }
0x135: {  	[tilespmem:s9+$0x15400] =	vst.msk @!p0 vm1, v57  }
0x136: {  	s17 =	simm.s32 $0x40;
	[tilespmem:s9+$0x15C00] =	vst.msk @!p0 vm1, v56  }
.LBB2_11:
0x137: {  	s21 =	sshra.s32 s17, $0x2;
	s22 =	smov.u32 s17;
	s17 =	sadd.s32 $0x40, s17  }
0x138: {  	v56 =	vld [tilespmem:s21+$0x14C00];
	p0 =	sne.s32 s17, $0x1F40;
	_ =	sdelay $0x4  }
0x139: {  	vm1 =	vge.s32 v56, v54;
	vm2 =	vlt.s32 v56, v55  }
0x13a: {  	vm1 =	vmand vm1, vm2  }
0x13b: {  	v57 =	vsel vm1, $0x1, v0  }
0x13c: {  	(xrf0) =	vadd.scan.msk.s32 $0xffff, v57  }
0x13d: {  	s21 =	spop (v2sf)  }
0x13e: {  	s9 =	sadd.s32 s9, s21  }
0x13f: {  	p1 =	sgt.s32 s9, $0x7F0  }
0x140: {  	s21 =	sshra.s32 @!p1 s22, $0x2  }
0x141: {  	v57 =	vld @!p1 [tilespmem:s21+$0x14400]  }
0x142: {  	v58, _, _ =	vpop (xrf0)  }
.Ltmp10:
0x143: {  	(v2sf) =	vpush v58, $0xF;
	(pc) =	sbr.rel @p0 .LBB2_11-.Ltmp10, $3  }
0x144: {  	_ =	sdelay $0x1  }
0x145: {  	[tilespmem:s9+$0x15400] =	vst.msk @!p1 vm1, v57  }
0x146: {  	[tilespmem:s9+$0x15C00] =	vst.msk @!p1 vm1, v56  }
0x147: {  	_ =	sdelay $0x4  }
0x148: {  	s16 =	sadd.s32 $0x1, s16  }
0x149: {  	p0 =	sne.s32 s16, $0x50  }
.Ltmp11:
0x14a: {  	_ = 	snop;
	(pc) =	sbr.rel @p0 .LBB2_10-.Ltmp11, $3  }
0x14b: {  	_ =	sdelay $0x1  }
0x14c: {  	s17 =	spop (v2sf)  }
0x14d: {  	s9 =	sadd.s32 s9, s17  }
0x14e: {  	p0 =	slt.s32 s9, $0x800  }
0x14f: {  	p1 =	slt.s32 s9, $0xFFFFFFF2;
	s9 =	simm.s32 @!p0 $0x800  }
0x150: {  	s9 =	sadd.s32 $0xF, s9  }
0x151: {  	s13 =	sand.u32 $0xF, s9  }
0x152: {  	s16 =	sshra.s32 s9, $0x1F;
	p6 =	sne.s32 s13, $0x0  }
0x153: {  	s28 =	sshrl.u32 s16, $0x1C;
	p0 =	por !p1, !p6  }
0x154: {  	s13 =	simm.s32 $0x1;
	s9 =	sadd.s32 s28, s9;
	p0 =	por !p0, !p0  }
0x155: {  	s9 =	sshra.s32 s9, $0x4;
	s13 =	simm.s32 @!p0 $0x0  }
0x156: {  	s9 =	ssub.s32 s9, s13  }
0x157: {  	p0 =	slt.s32 s9, $0x1  }
.Ltmp12:
0x158: {  	_ = 	snop;
	(pc) =	sbr.rel @p0 .LBB2_17-.Ltmp12, $2  }
0x159: {  	_ =	sdelay $0x2  }
0x15a: {  	s17 =	simm.s32 $0x0;
	s16 =	simm.s32 $0x0  }
.LBB2_14:
0x15b: {  	s13 =	sshll.u32 s17, $0x4  }
0x15c: {  	v55 =	vld [tilespmem:s13+$0x15400];
	_ =	sdelay $0x4  }
0x15d: {  	[tilespmem:$0x16400] =	vst v55  }
0x15e: {  	v55 =	vld [tilespmem:$0x16400];
	_ =	sdelay $0x4  }
0x15f: {  	v56 =	vshll.u32 v55, $0x3  }
0x160: {  	v55 =	vand.u32 $0x7, v55;
	v56 =	vand.u32 $0xFFFFFFC0, v56  }
0x161: {  	v57 =	vld [tilespmem:s13+$0x15C00];
	v55 =	vor.u32 v55, v56  }
0x162: {  	v56 =	vperm.xlane v55, v5;
	_ =	sdelay $0x1  }
0x163: {  	v56 =	vadd.s32 v6, v56;
	_ =	sdelay $0x1  }
0x164: {  	vm1 =	vlt.s32 v57, $0x27FF  }
0x165: {  	v58 =	vnsel vm1, $0x27FF, v57  }
0x166: {  	[tilespmem:$0x16480] =	vst v58  }
0x167: {  	[tilespmem:s14], [sflag:$0x1] =	stream.indirect_vreg.gather [hbm4b:s2+s16], $0x80, v56, vm0, $0xb8;
	[tilespmem:$0x1B500] =	vst v63  }
0x168: {  	s21 =	simm.s32 $0x16D00;
	v55 =	vperm.xlane v55, v7  }
0x169: {  	[tilespmem:s21], [sflag:$0x1] =	stream.indirect_vreg.gather [hbm4b:s10+s16], $0x80, v56, vm0, $0xb8;
	[tilespmem:$0x1B500] =	vst v63  }
0x16a: {  	s22 =	simm.s32 $0x17500;
	v55 =	vadd.s32 v6, v55  }
0x16b: {  	[tilespmem:s22], [sflag:$0x1] =	stream.indirect_vreg.gather [hbm4b:s11+s16], $0x80, v56, vm0, $0xb8;
	[tilespmem:$0x1B500] =	vst v63  }
0x16c: {  	s23 =	simm.s32 $0x17D00  }
0x16d: {  	[tilespmem:s23], [sflag:$0x1] =	stream.indirect_vreg.gather [hbm4b:s12+s16], $0x80, v56, vm0, $0xb8;
	[tilespmem:$0x1B500] =	vst v63  }
0x16e: {  	s24 =	simm.s32 $0x18500  }
0x16f: {  	[tilespmem:s24], [sflag:$0x1] =	stream.indirect_vreg.gather [hbm4b:s2+s16], $0x80, v55, vm0, $0xb8;
	[tilespmem:$0x1B500] =	vst v63  }
0x170: {  	s25 =	simm.s32 $0x18D00  }
0x171: {  	[tilespmem:s25], [sflag:$0x1] =	stream.indirect_vreg.gather [hbm4b:s10+s16], $0x80, v55, vm0, $0xb8;
	[tilespmem:$0x1B500] =	vst v63  }
0x172: {  	s26 =	simm.s32 $0x19500  }
0x173: {  	[tilespmem:s26], [sflag:$0x1] =	stream.indirect_vreg.gather [hbm4b:s11+s16], $0x80, v55, vm0, $0xb8;
	[tilespmem:$0x1B500] =	vst v63  }
0x174: {  	s28 =	simm.s32 $0x19D00  }
0x175: {  	[tilespmem:s28], [sflag:$0x1] =	stream.indirect_vreg.gather [hbm4b:s12+s16], $0x80, v55, vm0, $0xb8;
	[tilespmem:$0x1B500] =	vst v63  }
0x176: {  	s13 =	simm.s32 $0x1A500  }
0x177: {  	[tilespmem:s13], [sflag:$0x2] =	stream.indirect.gather [hbm4b:s4+s29], $0x80, s30, s29, $0xb8;
	[tilespmem:$0x1B500] =	vst v63  }
0x178: {  	s21 =	simm.s32 $0x1AD00  }
0x179: {  	[tilespmem:s21], [sflag:$0x3] =	stream.indirect.gather [hbm4b:s5+s29], $0x80, s31, s29, $0xb8;
	[tilespmem:$0x1B500] =	vst v63  }
0x17a: {  	_ =	swait.ge [sflag:s20], $0x4000  }
0x17b: {  	[sflag:s20] =	ssyncset.done $0x0  }
0x17c: {  	[sflag:s20] =	ssyncadd.s32 $0xFFFFC000  }
0x17d: {  	_ =	swait.ge [sflag:s0], $0x800  }
0x17e: {  	[sflag:s0] =	ssyncset.done $0x0  }
0x17f: {  	[sflag:s0] =	ssyncadd.s32 $0xFFFFF800  }
0x180: {  	_ =	swait.ge [sflag:s3], $0x800  }
0x181: {  	s22 =	simm.s32 $0x0;
	s23 =	simm.s32 $0x0;
	[sflag:s3] =	ssyncset.done $0x0  }
0x182: {  	s24 =	simm.s32 $0x0;
	s25 =	simm.s32 $0x0;
	v55 =	vsub.s32 v57, v54;
	[sflag:s3] =	ssyncadd.s32 $0xFFFFF800  }
.LBB2_15:
0x183: {  	v56 =	vld [tilespmem:s13+$0x0]  }
0x184: {  	v57 =	vld [tilespmem:s21+$0x0];
	_ =	sdelay $0x4  }
0x185: {  	v56 =	vadd.f32 v57, v56;
	_ =	sdelay $0x1  }
0x186: {  	v57 =	vmul.f32 $2.000000030e-01, v56;
	_ =	sdelay $0x1  }
0x187: {  	v63 =	vmov s25;
	v56 =	vmax.f32 v56, v57  }
0x188: {  	v57 =	vperm.xlane v55, v63;
	v56 =	vmul.f32 $1.442695020e+00, v56;
	_ =	sdelay $0x1  }
0x189: {  	v60 =	vshrl.u32 v57, $0x3;
	(erf) = vpow2.f32 v56  }
0x18a: {  	v57 =	vshll.u32 v57, $0x7;
	v56 =	vmul.u32 $0x2400, v60  }
0x18b: {  	v57 =	vand.u32 $0x380, v57  }
0x18c: {  	v56 =	vor.u32 v57, v56  }
0x18d: {  	v58 =	vor.u32 v1, v56  }
0x18e: {  	v59 =	vadd.s32 $0x2000, v58;
	_ =	sdelay $0x3  }
0x18f: {  	s26 =	sand.u32 $0x2000, s24;
	s28 =	sand.u32 $0x380, s22;
	v57 =	vpop (erf)  }
0x190: {  	s26 =	sor.u32 s28, s26;
	[tilespmem:v59+s1+$0x0] =	vst.idx.add.f32.msk $0xffff, v57  }
0x191: {  	v59 =	vld [tilespmem:s26+$0x16500];
	_ =	sdelay $0x2  }
0x192: {  	v60 =	vperm.xlane v57, v0;
	_ =	sdelay $0x1  }
0x193: {  	v59 =	vmul.f32 v59, v60;
	_ =	sdelay $0x1  }
0x194: {  	s26 =	sadd.s32 $0x16500, s26;
	[tilespmem:v58+s1+$0x0] =	vst.idx.add.f32.msk $0xffff, v59  }
0x195: {  	v58 =	vld [tilespmem:s26+$0x10];
	_ =	sdelay $0x1  }
0x196: {  	v61 =	vor.u32 v8, v56;
	_ =	sdelay $0x2  }
0x197: {  	v58 =	vmul.f32 v58, v60;
	_ =	sdelay $0x1  }
0x198: {  	[tilespmem:v61+s1+$0x0] =	vst.idx.add.f32.msk $0xffff, v58  }
0x199: {  	v58 =	vld [tilespmem:s26+$0x20];
	_ =	sdelay $0x1  }
0x19a: {  	v62 =	vor.u32 v9, v56;
	_ =	sdelay $0x2  }
0x19b: {  	v58 =	vmul.f32 v58, v60;
	_ =	sdelay $0x1  }
0x19c: {  	[tilespmem:v62+s1+$0x0] =	vst.idx.add.f32.msk $0xffff, v58  }
0x19d: {  	v58 =	vld [tilespmem:s26+$0x30];
	_ =	sdelay $0x1  }
0x19e: {  	v63 =	vor.u32 v10, v56;
	_ =	sdelay $0x2  }
0x19f: {  	v58 =	vmul.f32 v58, v60;
	_ =	sdelay $0x1  }
0x1a0: {  	[tilespmem:v63+s1+$0x0] =	vst.idx.add.f32.msk $0xffff, v58  }
0x1a1: {  	v58 =	vld [tilespmem:s26+$0x40];
	_ =	sdelay $0x1  }
0x1a2: {  	v61 =	vor.u32 v11, v56;
	_ =	sdelay $0x2  }
0x1a3: {  	v58 =	vmul.f32 v58, v60;
	_ =	sdelay $0x1  }
0x1a4: {  	[tilespmem:v61+s1+$0x0] =	vst.idx.add.f32.msk $0xffff, v58  }
0x1a5: {  	v58 =	vld [tilespmem:s26+$0x50];
	_ =	sdelay $0x1  }
0x1a6: {  	v62 =	vor.u32 v12, v56;
	_ =	sdelay $0x2  }
0x1a7: {  	v58 =	vmul.f32 v58, v60;
	_ =	sdelay $0x1  }
0x1a8: {  	[tilespmem:v62+s1+$0x0] =	vst.idx.add.f32.msk $0xffff, v58  }
0x1a9: {  	v58 =	vld [tilespmem:s26+$0x60];
	_ =	sdelay $0x1  }
0x1aa: {  	v63 =	vor.u32 v13, v56;
	_ =	sdelay $0x2  }
0x1ab: {  	v58 =	vmul.f32 v58, v60;
	_ =	sdelay $0x1  }
0x1ac: {  	[tilespmem:v63+s1+$0x0] =	vst.idx.add.f32.msk $0xffff, v58  }
0x1ad: {  	v58 =	vld [tilespmem:s26+$0x70];
	_ =	sdelay $0x1  }
0x1ae: {  	v61 =	vor.u32 v14, v56;
	_ =	sdelay $0x2  }
0x1af: {  	v58 =	vmul.f32 v58, v60;
	_ =	sdelay $0x1  }
0x1b0: {  	[tilespmem:v61+s1+$0x0] =	vst.idx.add.f32.msk $0xffff, v58  }
0x1b1: {  	v58 =	vld [tilespmem:s26+$0x400];
	_ =	sdelay $0x1  }
0x1b2: {  	v62 =	vadd.s32 v15, v56;
	_ =	sdelay $0x2  }
0x1b3: {  	v58 =	vmul.f32 v58, v60;
	_ =	sdelay $0x1  }
0x1b4: {  	[tilespmem:v62+s1+$0x0] =	vst.idx.add.f32.msk $0xffff, v58  }
0x1b5: {  	v58 =	vld [tilespmem:s26+$0x410];
	_ =	sdelay $0x1  }
0x1b6: {  	v63 =	vadd.s32 v16, v56;
	_ =	sdelay $0x2  }
0x1b7: {  	v58 =	vmul.f32 v58, v60;
	_ =	sdelay $0x1  }
0x1b8: {  	[tilespmem:v63+s1+$0x0] =	vst.idx.add.f32.msk $0xffff, v58  }
0x1b9: {  	v58 =	vld [tilespmem:s26+$0x420];
	_ =	sdelay $0x1  }
0x1ba: {  	v61 =	vadd.s32 v17, v56;
	_ =	sdelay $0x2  }
0x1bb: {  	v58 =	vmul.f32 v58, v60;
	_ =	sdelay $0x1  }
0x1bc: {  	[tilespmem:v61+s1+$0x0] =	vst.idx.add.f32.msk $0xffff, v58  }
0x1bd: {  	v58 =	vld [tilespmem:s26+$0x430];
	_ =	sdelay $0x1  }
0x1be: {  	v62 =	vadd.s32 v18, v56;
	_ =	sdelay $0x2  }
0x1bf: {  	v58 =	vmul.f32 v58, v60;
	_ =	sdelay $0x1  }
0x1c0: {  	[tilespmem:v62+s1+$0x0] =	vst.idx.add.f32.msk $0xffff, v58  }
0x1c1: {  	v58 =	vld [tilespmem:s26+$0x440];
	_ =	sdelay $0x1  }
0x1c2: {  	v63 =	vadd.s32 v19, v56;
	_ =	sdelay $0x2  }
0x1c3: {  	v58 =	vmul.f32 v58, v60;
	_ =	sdelay $0x1  }
0x1c4: {  	[tilespmem:v63+s1+$0x0] =	vst.idx.add.f32.msk $0xffff, v58  }
0x1c5: {  	v58 =	vld [tilespmem:s26+$0x450];
	_ =	sdelay $0x1  }
0x1c6: {  	v61 =	vadd.s32 v20, v56;
	_ =	sdelay $0x2  }
0x1c7: {  	v58 =	vmul.f32 v58, v60;
	_ =	sdelay $0x1  }
0x1c8: {  	[tilespmem:v61+s1+$0x0] =	vst.idx.add.f32.msk $0xffff, v58  }
0x1c9: {  	v58 =	vld [tilespmem:s26+$0x460];
	_ =	sdelay $0x1  }
0x1ca: {  	v62 =	vadd.s32 v21, v56;
	_ =	sdelay $0x2  }
0x1cb: {  	v58 =	vmul.f32 v58, v60;
	_ =	sdelay $0x1  }
0x1cc: {  	[tilespmem:v62+s1+$0x0] =	vst.idx.add.f32.msk $0xffff, v58  }
0x1cd: {  	v58 =	vld [tilespmem:s26+$0x470];
	_ =	sdelay $0x1  }
0x1ce: {  	v63 =	vadd.s32 v22, v56;
	_ =	sdelay $0x2  }
0x1cf: {  	v58 =	vmul.f32 v58, v60;
	_ =	sdelay $0x1  }
0x1d0: {  	[tilespmem:v63+s1+$0x0] =	vst.idx.add.f32.msk $0xffff, v58  }
0x1d1: {  	v58 =	vld [tilespmem:s26+$0x800];
	_ =	sdelay $0x1  }
0x1d2: {  	v59 =	vadd.s32 v23, v56  }
0x1d3: {  	v60 =	vperm.xlane v57, v2;
	_ =	sdelay $0x1  }
0x1d4: {  	v58 =	vmul.f32 v58, v60;
	_ =	sdelay $0x1  }
0x1d5: {  	[tilespmem:v59+s1+$0x0] =	vst.idx.add.f32.msk $0xffff, v58  }
0x1d6: {  	v58 =	vld [tilespmem:s26+$0x810];
	_ =	sdelay $0x1  }
0x1d7: {  	v61 =	vadd.s32 v24, v56;
	_ =	sdelay $0x2  }
0x1d8: {  	v58 =	vmul.f32 v58, v60;
	_ =	sdelay $0x1  }
0x1d9: {  	[tilespmem:v61+s1+$0x0] =	vst.idx.add.f32.msk $0xffff, v58  }
0x1da: {  	v58 =	vld [tilespmem:s26+$0x820];
	_ =	sdelay $0x1  }
0x1db: {  	v62 =	vadd.s32 v25, v56;
	_ =	sdelay $0x2  }
0x1dc: {  	v58 =	vmul.f32 v58, v60;
	_ =	sdelay $0x1  }
0x1dd: {  	[tilespmem:v62+s1+$0x0] =	vst.idx.add.f32.msk $0xffff, v58  }
0x1de: {  	v58 =	vld [tilespmem:s26+$0x830];
	_ =	sdelay $0x1  }
0x1df: {  	v63 =	vadd.s32 v26, v56;
	_ =	sdelay $0x2  }
0x1e0: {  	v58 =	vmul.f32 v58, v60;
	_ =	sdelay $0x1  }
0x1e1: {  	[tilespmem:v63+s1+$0x0] =	vst.idx.add.f32.msk $0xffff, v58  }
0x1e2: {  	v58 =	vld [tilespmem:s26+$0x840];
	_ =	sdelay $0x1  }
0x1e3: {  	v61 =	vadd.s32 v27, v56;
	_ =	sdelay $0x2  }
0x1e4: {  	v58 =	vmul.f32 v58, v60;
	_ =	sdelay $0x1  }
0x1e5: {  	[tilespmem:v61+s1+$0x0] =	vst.idx.add.f32.msk $0xffff, v58  }
0x1e6: {  	v58 =	vld [tilespmem:s26+$0x850];
	_ =	sdelay $0x1  }
0x1e7: {  	v62 =	vadd.s32 v28, v56;
	_ =	sdelay $0x2  }
0x1e8: {  	v58 =	vmul.f32 v58, v60;
	_ =	sdelay $0x1  }
0x1e9: {  	[tilespmem:v62+s1+$0x0] =	vst.idx.add.f32.msk $0xffff, v58  }
0x1ea: {  	v58 =	vld [tilespmem:s26+$0x860];
	_ =	sdelay $0x1  }
0x1eb: {  	v63 =	vadd.s32 v29, v56;
	_ =	sdelay $0x2  }
0x1ec: {  	v58 =	vmul.f32 v58, v60;
	_ =	sdelay $0x1  }
0x1ed: {  	[tilespmem:v63+s1+$0x0] =	vst.idx.add.f32.msk $0xffff, v58  }
0x1ee: {  	v58 =	vld [tilespmem:s26+$0x870];
	_ =	sdelay $0x1  }
0x1ef: {  	v61 =	vadd.s32 v30, v56;
	_ =	sdelay $0x2  }
0x1f0: {  	v58 =	vmul.f32 v58, v60;
	_ =	sdelay $0x1  }
0x1f1: {  	[tilespmem:v61+s1+$0x0] =	vst.idx.add.f32.msk $0xffff, v58  }
0x1f2: {  	v58 =	vld [tilespmem:s26+$0xC00];
	_ =	sdelay $0x1  }
0x1f3: {  	v62 =	vadd.s32 v31, v56;
	_ =	sdelay $0x2  }
0x1f4: {  	v58 =	vmul.f32 v58, v60;
	_ =	sdelay $0x1  }
0x1f5: {  	[tilespmem:v62+s1+$0x0] =	vst.idx.add.f32.msk $0xffff, v58  }
0x1f6: {  	v58 =	vld [tilespmem:s26+$0xC10];
	_ =	sdelay $0x1  }
0x1f7: {  	v63 =	vadd.s32 v32, v56;
	_ =	sdelay $0x2  }
0x1f8: {  	v58 =	vmul.f32 v58, v60;
	_ =	sdelay $0x1  }
0x1f9: {  	[tilespmem:v63+s1+$0x0] =	vst.idx.add.f32.msk $0xffff, v58  }
0x1fa: {  	v58 =	vld [tilespmem:s26+$0xC20];
	_ =	sdelay $0x1  }
0x1fb: {  	v61 =	vadd.s32 v33, v56;
	_ =	sdelay $0x2  }
0x1fc: {  	v58 =	vmul.f32 v58, v60;
	_ =	sdelay $0x1  }
0x1fd: {  	[tilespmem:v61+s1+$0x0] =	vst.idx.add.f32.msk $0xffff, v58  }
0x1fe: {  	v58 =	vld [tilespmem:s26+$0xC30];
	_ =	sdelay $0x1  }
0x1ff: {  	v62 =	vadd.s32 v34, v56;
	_ =	sdelay $0x2  }
0x200: {  	v58 =	vmul.f32 v58, v60;
	_ =	sdelay $0x1  }
0x201: {  	[tilespmem:v62+s1+$0x0] =	vst.idx.add.f32.msk $0xffff, v58  }
0x202: {  	v58 =	vld [tilespmem:s26+$0xC40];
	_ =	sdelay $0x1  }
0x203: {  	v63 =	vadd.s32 v35, v56;
	_ =	sdelay $0x2  }
0x204: {  	v58 =	vmul.f32 v58, v60;
	_ =	sdelay $0x1  }
0x205: {  	[tilespmem:v63+s1+$0x0] =	vst.idx.add.f32.msk $0xffff, v58  }
0x206: {  	v58 =	vld [tilespmem:s26+$0xC50];
	_ =	sdelay $0x1  }
0x207: {  	v61 =	vadd.s32 v36, v56;
	_ =	sdelay $0x2  }
0x208: {  	v58 =	vmul.f32 v58, v60;
	_ =	sdelay $0x1  }
0x209: {  	[tilespmem:v61+s1+$0x0] =	vst.idx.add.f32.msk $0xffff, v58  }
0x20a: {  	v58 =	vld [tilespmem:s26+$0xC60];
	_ =	sdelay $0x1  }
0x20b: {  	v62 =	vadd.s32 v37, v56;
	_ =	sdelay $0x2  }
0x20c: {  	v58 =	vmul.f32 v58, v60;
	_ =	sdelay $0x1  }
0x20d: {  	[tilespmem:v62+s1+$0x0] =	vst.idx.add.f32.msk $0xffff, v58  }
0x20e: {  	v58 =	vld [tilespmem:s26+$0xC70];
	_ =	sdelay $0x1  }
0x20f: {  	v63 =	vadd.s32 v38, v56;
	_ =	sdelay $0x2  }
0x210: {  	v58 =	vmul.f32 v58, v60;
	_ =	sdelay $0x1  }
0x211: {  	[tilespmem:v63+s1+$0x0] =	vst.idx.add.f32.msk $0xffff, v58  }
0x212: {  	v58 =	vld [tilespmem:s26+$0x1000];
	_ =	sdelay $0x1  }
0x213: {  	v59 =	vadd.s32 v39, v56  }
0x214: {  	v60 =	vperm.xlane v57, v3;
	_ =	sdelay $0x1  }
0x215: {  	v58 =	vmul.f32 v58, v60;
	_ =	sdelay $0x1  }
0x216: {  	[tilespmem:v59+s1+$0x0] =	vst.idx.add.f32.msk $0xffff, v58  }
0x217: {  	v58 =	vld [tilespmem:s26+$0x1010];
	_ =	sdelay $0x1  }
0x218: {  	v61 =	vadd.s32 v40, v56;
	_ =	sdelay $0x2  }
0x219: {  	v58 =	vmul.f32 v58, v60;
	_ =	sdelay $0x1  }
0x21a: {  	[tilespmem:v61+s1+$0x0] =	vst.idx.add.f32.msk $0xffff, v58  }
0x21b: {  	v58 =	vld [tilespmem:s26+$0x1020];
	_ =	sdelay $0x1  }
0x21c: {  	v62 =	vadd.s32 v41, v56;
	_ =	sdelay $0x2  }
0x21d: {  	v58 =	vmul.f32 v58, v60;
	_ =	sdelay $0x1  }
0x21e: {  	[tilespmem:v62+s1+$0x0] =	vst.idx.add.f32.msk $0xffff, v58  }
0x21f: {  	v58 =	vld [tilespmem:s26+$0x1030];
	_ =	sdelay $0x1  }
0x220: {  	v63 =	vadd.s32 v42, v56;
	_ =	sdelay $0x2  }
0x221: {  	v58 =	vmul.f32 v58, v60;
	_ =	sdelay $0x1  }
0x222: {  	[tilespmem:v63+s1+$0x0] =	vst.idx.add.f32.msk $0xffff, v58  }
0x223: {  	v58 =	vld [tilespmem:s26+$0x1040];
	_ =	sdelay $0x1  }
0x224: {  	v61 =	vadd.s32 v43, v56;
	_ =	sdelay $0x2  }
0x225: {  	v58 =	vmul.f32 v58, v60;
	_ =	sdelay $0x1  }
0x226: {  	[tilespmem:v61+s1+$0x0] =	vst.idx.add.f32.msk $0xffff, v58  }
0x227: {  	v58 =	vld [tilespmem:s26+$0x1050];
	_ =	sdelay $0x1  }
0x228: {  	v62 =	vadd.s32 v44, v56;
	_ =	sdelay $0x2  }
0x229: {  	v58 =	vmul.f32 v58, v60;
	_ =	sdelay $0x1  }
0x22a: {  	[tilespmem:v62+s1+$0x0] =	vst.idx.add.f32.msk $0xffff, v58  }
0x22b: {  	v58 =	vld [tilespmem:s26+$0x1060];
	_ =	sdelay $0x1  }
0x22c: {  	v63 =	vadd.s32 v45, v56;
	_ =	sdelay $0x2  }
0x22d: {  	v58 =	vmul.f32 v58, v60;
	_ =	sdelay $0x1  }
0x22e: {  	[tilespmem:v63+s1+$0x0] =	vst.idx.add.f32.msk $0xffff, v58  }
0x22f: {  	v58 =	vld [tilespmem:s26+$0x1070];
	_ =	sdelay $0x1  }
0x230: {  	v61 =	vadd.s32 v46, v56;
	_ =	sdelay $0x2  }
0x231: {  	v58 =	vmul.f32 v58, v60;
	_ =	sdelay $0x1  }
0x232: {  	[tilespmem:v61+s1+$0x0] =	vst.idx.add.f32.msk $0xffff, v58  }
0x233: {  	v58 =	vld [tilespmem:s26+$0x1400];
	_ =	sdelay $0x1  }
0x234: {  	v62 =	vadd.s32 v47, v56;
	_ =	sdelay $0x2  }
0x235: {  	v58 =	vmul.f32 v58, v60;
	_ =	sdelay $0x1  }
0x236: {  	[tilespmem:v62+s1+$0x0] =	vst.idx.add.f32.msk $0xffff, v58  }
0x237: {  	v58 =	vld [tilespmem:s26+$0x1410];
	_ =	sdelay $0x1  }
0x238: {  	v63 =	vadd.s32 v48, v56;
	_ =	sdelay $0x2  }
0x239: {  	v58 =	vmul.f32 v58, v60;
	_ =	sdelay $0x1  }
0x23a: {  	[tilespmem:v63+s1+$0x0] =	vst.idx.add.f32.msk $0xffff, v58  }
0x23b: {  	v58 =	vld [tilespmem:s26+$0x1420];
	_ =	sdelay $0x1  }
0x23c: {  	v61 =	vadd.s32 v49, v56;
	_ =	sdelay $0x2  }
0x23d: {  	v58 =	vmul.f32 v58, v60;
	_ =	sdelay $0x1  }
0x23e: {  	[tilespmem:v61+s1+$0x0] =	vst.idx.add.f32.msk $0xffff, v58  }
0x23f: {  	v58 =	vld [tilespmem:s26+$0x1430];
	_ =	sdelay $0x1  }
0x240: {  	v62 =	vadd.s32 v50, v56;
	_ =	sdelay $0x2  }
0x241: {  	v58 =	vmul.f32 v58, v60;
	_ =	sdelay $0x1  }
0x242: {  	[tilespmem:v62+s1+$0x0] =	vst.idx.add.f32.msk $0xffff, v58  }
0x243: {  	v58 =	vld [tilespmem:s26+$0x1440];
	_ =	sdelay $0x1  }
0x244: {  	v63 =	vadd.s32 v51, v56;
	_ =	sdelay $0x2  }
0x245: {  	v58 =	vmul.f32 v58, v60;
	_ =	sdelay $0x1  }
0x246: {  	[tilespmem:v63+s1+$0x0] =	vst.idx.add.f32.msk $0xffff, v58  }
0x247: {  	v58 =	vld [tilespmem:s26+$0x1450];
	_ =	sdelay $0x1  }
0x248: {  	v61 =	vadd.s32 v52, v56;
	_ =	sdelay $0x2  }
0x249: {  	v58 =	vmul.f32 v58, v60;
	_ =	sdelay $0x1  }
0x24a: {  	[tilespmem:v61+s1+$0x0] =	vst.idx.add.f32.msk $0xffff, v58  }
0x24b: {  	v58 =	vld [tilespmem:s26+$0x1460];
	_ =	sdelay $0x1  }
0x24c: {  	v62 =	vadd.s32 v53, v56;
	_ =	sdelay $0x2  }
0x24d: {  	v58 =	vmul.f32 v58, v60;
	_ =	sdelay $0x1  }
0x24e: {  	[tilespmem:v62+s1+$0x0] =	vst.idx.add.f32.msk $0xffff, v58  }
0x24f: {  	v58 =	vld [tilespmem:s26+$0x1470]  }
0x250: {  	v63 =	vor.u32 $0x1470, v1  }
0x251: {  	v59 =	vadd.s32 v63, v56;
	_ =	sdelay $0x2  }
0x252: {  	v58 =	vmul.f32 v58, v60;
	_ =	sdelay $0x1  }
0x253: {  	[tilespmem:v59+s1+$0x0] =	vst.idx.add.f32.msk $0xffff, v58  }
0x254: {  	v58 =	vld [tilespmem:s26+$0x1800]  }
0x255: {  	v60 =	vor.u32 $0x1800, v1  }
0x256: {  	v59 =	vadd.s32 v60, v56  }
0x257: {  	v57 =	vperm.xlane v57, v4;
	_ =	sdelay $0x1  }
0x258: {  	v58 =	vmul.f32 v58, v57;
	_ =	sdelay $0x1  }
0x259: {  	[tilespmem:v59+s1+$0x0] =	vst.idx.add.f32.msk $0xffff, v58  }
0x25a: {  	v58 =	vld [tilespmem:s26+$0x1810]  }
0x25b: {  	v61 =	vor.u32 $0x1810, v1  }
0x25c: {  	v59 =	vadd.s32 v61, v56;
	_ =	sdelay $0x2  }
0x25d: {  	v58 =	vmul.f32 v58, v57;
	_ =	sdelay $0x1  }
0x25e: {  	[tilespmem:v59+s1+$0x0] =	vst.idx.add.f32.msk $0xffff, v58  }
0x25f: {  	v58 =	vld [tilespmem:s26+$0x1820]  }
0x260: {  	v62 =	vor.u32 $0x1820, v1  }
0x261: {  	v59 =	vadd.s32 v62, v56;
	_ =	sdelay $0x2  }
0x262: {  	v58 =	vmul.f32 v58, v57;
	_ =	sdelay $0x1  }
0x263: {  	[tilespmem:v59+s1+$0x0] =	vst.idx.add.f32.msk $0xffff, v58  }
0x264: {  	v58 =	vld [tilespmem:s26+$0x1830]  }
0x265: {  	v63 =	vor.u32 $0x1830, v1  }
0x266: {  	v59 =	vadd.s32 v63, v56;
	_ =	sdelay $0x2  }
0x267: {  	v58 =	vmul.f32 v58, v57;
	_ =	sdelay $0x1  }
0x268: {  	[tilespmem:v59+s1+$0x0] =	vst.idx.add.f32.msk $0xffff, v58  }
0x269: {  	v58 =	vld [tilespmem:s26+$0x1840]  }
0x26a: {  	v60 =	vor.u32 $0x1840, v1  }
0x26b: {  	v59 =	vadd.s32 v60, v56;
	_ =	sdelay $0x2  }
0x26c: {  	v58 =	vmul.f32 v58, v57;
	_ =	sdelay $0x1  }
0x26d: {  	[tilespmem:v59+s1+$0x0] =	vst.idx.add.f32.msk $0xffff, v58  }
0x26e: {  	v58 =	vld [tilespmem:s26+$0x1850]  }
0x26f: {  	v61 =	vor.u32 $0x1850, v1  }
0x270: {  	v59 =	vadd.s32 v61, v56;
	_ =	sdelay $0x2  }
0x271: {  	v58 =	vmul.f32 v58, v57;
	_ =	sdelay $0x1  }
0x272: {  	[tilespmem:v59+s1+$0x0] =	vst.idx.add.f32.msk $0xffff, v58  }
0x273: {  	v58 =	vld [tilespmem:s26+$0x1860]  }
0x274: {  	v62 =	vor.u32 $0x1860, v1  }
0x275: {  	v59 =	vadd.s32 v62, v56;
	_ =	sdelay $0x2  }
0x276: {  	v58 =	vmul.f32 v58, v57;
	_ =	sdelay $0x1  }
0x277: {  	[tilespmem:v59+s1+$0x0] =	vst.idx.add.f32.msk $0xffff, v58  }
0x278: {  	v58 =	vld [tilespmem:s26+$0x1870]  }
0x279: {  	v63 =	vor.u32 $0x1870, v1  }
0x27a: {  	v59 =	vadd.s32 v63, v56;
	_ =	sdelay $0x1  }
0x27b: {  	s28 =	sand.u32 $0x7, s23  }
0x27c: {  	s26 =	sshll.u32 s28, $0x7;
	v58 =	vmul.f32 v58, v57  }
0x27d: {  	s26 =	sadd.s32 s26, s24  }
0x27e: {  	s28 =	sor.u32 $0x1C00, s26;
	[tilespmem:v59+s1+$0x0] =	vst.idx.add.f32.msk $0xffff, v58  }
0x27f: {  	v58 =	vld [tilespmem:s28+$0x16500]  }
0x280: {  	v60 =	vor.u32 $0x1C00, v1  }
0x281: {  	v59 =	vadd.s32 v60, v56;
	_ =	sdelay $0x2  }
0x282: {  	v58 =	vmul.f32 v58, v57;
	_ =	sdelay $0x1  }
0x283: {  	s28 =	sor.u32 $0x1C10, s26;
	[tilespmem:v59+s1+$0x0] =	vst.idx.add.f32.msk $0xffff, v58  }
0x284: {  	v58 =	vld [tilespmem:s28+$0x16500]  }
0x285: {  	v61 =	vor.u32 $0x1C10, v1  }
0x286: {  	v59 =	vadd.s32 v61, v56;
	_ =	sdelay $0x2  }
0x287: {  	v58 =	vmul.f32 v58, v57;
	_ =	sdelay $0x1  }
0x288: {  	s28 =	sor.u32 $0x1C20, s26;
	[tilespmem:v59+s1+$0x0] =	vst.idx.add.f32.msk $0xffff, v58  }
0x289: {  	v58 =	vld [tilespmem:s28+$0x16500]  }
0x28a: {  	v62 =	vor.u32 $0x1C20, v1  }
0x28b: {  	v59 =	vadd.s32 v62, v56;
	_ =	sdelay $0x2  }
0x28c: {  	v58 =	vmul.f32 v58, v57;
	_ =	sdelay $0x1  }
0x28d: {  	s28 =	sor.u32 $0x1C30, s26;
	[tilespmem:v59+s1+$0x0] =	vst.idx.add.f32.msk $0xffff, v58  }
0x28e: {  	v58 =	vld [tilespmem:s28+$0x16500]  }
0x28f: {  	v63 =	vor.u32 $0x1C30, v1  }
0x290: {  	v59 =	vadd.s32 v63, v56;
	_ =	sdelay $0x2  }
0x291: {  	v58 =	vmul.f32 v58, v57;
	_ =	sdelay $0x1  }
0x292: {  	s28 =	sor.u32 $0x1C40, s26;
	[tilespmem:v59+s1+$0x0] =	vst.idx.add.f32.msk $0xffff, v58  }
0x293: {  	v58 =	vld [tilespmem:s28+$0x16500]  }
0x294: {  	v60 =	vor.u32 $0x1C40, v1  }
0x295: {  	v59 =	vadd.s32 v60, v56;
	_ =	sdelay $0x2  }
0x296: {  	v58 =	vmul.f32 v58, v57;
	_ =	sdelay $0x1  }
0x297: {  	s28 =	sor.u32 $0x1C50, s26;
	[tilespmem:v59+s1+$0x0] =	vst.idx.add.f32.msk $0xffff, v58  }
0x298: {  	v58 =	vld [tilespmem:s28+$0x16500]  }
0x299: {  	v61 =	vor.u32 $0x1C50, v1  }
0x29a: {  	v59 =	vadd.s32 v61, v56;
	_ =	sdelay $0x2  }
0x29b: {  	v58 =	vmul.f32 v58, v57;
	_ =	sdelay $0x1  }
0x29c: {  	s28 =	sor.u32 $0x1C60, s26;
	[tilespmem:v59+s1+$0x0] =	vst.idx.add.f32.msk $0xffff, v58  }
0x29d: {  	v58 =	vld [tilespmem:s28+$0x16500]  }
0x29e: {  	v62 =	vor.u32 $0x1C60, v1  }
0x29f: {  	v59 =	vadd.s32 v62, v56;
	_ =	sdelay $0x2  }
0x2a0: {  	v58 =	vmul.f32 v58, v57;
	_ =	sdelay $0x1  }
0x2a1: {  	s26 =	sor.u32 $0x1C70, s26;
	[tilespmem:v59+s1+$0x0] =	vst.idx.add.f32.msk $0xffff, v58  }
0x2a2: {  	v58 =	vld [tilespmem:s26+$0x16500]  }
0x2a3: {  	v63 =	vor.u32 $0x1C70, v1  }
0x2a4: {  	p0 =	sne.s32 s25, $0xF;
	v56 =	vadd.s32 v63, v56  }
.Ltmp13:
0x2a5: {  	_ = 	snop;
	(pc) =	sbr.rel @p0 .LBB2_15-.Ltmp13, $4  }
0x2a6: {  	_ = 	snop  }
0x2a7: {  	v57 =	vmul.f32 v58, v57  }
0x2a8: {  	s22 =	sadd.s32 $0x80, s22;
	s13 =	sadd.s32 $0x80, s13;
	s21 =	sadd.s32 $0x80, s21  }
0x2a9: {  	s25 =	sadd.s32 $0x1, s25;
	s23 =	sadd.s32 $0x1, s23;
	s24 =	sadd.s32 $0x400, s24;
	[tilespmem:v56+s1+$0x0] =	vst.idx.add.f32.msk $0xffff, v57  }
0x2aa: {  	s17 =	sadd.s32 $0x1, s17  }
0x2ab: {  	p0 =	sne.s32 s17, s9  }
.Ltmp14:
0x2ac: {  	_ = 	snop;
	(pc) =	sbr.rel @p0 .LBB2_14-.Ltmp14, $4  }
.Ltmp15:
0x2ad: {  	_ = 	snop;
	(pc) =	sbr.rel @!p0 .LBB2_17-.Ltmp15, $4  }
0x2ae: {  	_ = 	snop  }
0x2af: {  	_ = 	snop  }
0x2b0: {  	_ = 	snop  }
0x2b1: {  	_ = 	snop  }
.LBB2_19:
0x2b2: {  	_ =	sfence.sel $0x180000  }
0x2b3: {  	[bflag:$0x0] =	sbarrier.arrive $0xFFFF  }
0x2b4: {  	_ =	strace $0x90000047  }
0x2b5: {  	s0 =	stileid.u32;
	[bflag:$0x2] =	sbarrier.arrive $0xFFFF  }
0x2b6: {  	p0 =	sne.s32 s0, $0x0;
	s0 =	rddreg [dreg:$0x1]  }
0x2b7: {  	s0 =	sadd.s32 @!p0 $0x100000, s0  }
0x2b8: {  	[sflag:s0] =	ssyncadd.tile.s32 @!p0 $0x1;
	_ =	shalt  }
.Lfunc_end2:
_tile_overlayer_lowered:
.L_overlay_start_2:
0x2b9: {  	(tag) =	ssettag $0x2  }
0x2ba: {  	s0 =	rddreg [dreg:$0x0];
	s2 =	stileid.u32  }
0x2bb: {  	s1 =	rddreg [dreg:$0x1];
	p0 =	sne.s32 s2, $0x0  }
0x2bc: {  	s3 =	rddreg [dreg:$0x2];
	[bflag:$0x3] =	sbarrier.arrive $0xFFFF;
	s2 =	simm.s32 @!p0 $0x1C04  }
0x2bd: {  	[timem:s3], [sflag:s2] =	dma.local @!p0 [hbm:s0], s1  }
0x2be: {  	s0 =	simm.s32 @!p0 $0x4  }
0x2bf: {  	_ =	swait.ge @!p0 [sflag:s0], s1  }
0x2c0: {  	s1 =	ssub.s32 @!p0 $0x0, s1;
	[sflag:s0] =	ssyncset.done @!p0 $0x0  }
0x2c1: {  	[sflag:s0] =	ssyncadd.s32 @!p0 s1  }
0x2c2: {  	[bflag:$0x3] =	sbarrier.arrive $0xFFFF  }
0x2c3: {  	_ =	shalt  }

</sc_bundles>
